<compile_context>
chip_gen: v7x
topology: tpu7x:2x2x1
jax: 0.10.2.dev20260603
libtpu: 0.0.44.dev20260713+nightly
codegen_flags: <defaults>
</compile_context>

<pallas_src>
import functools

import jax
import jax.numpy as jnp
from jax import lax
from jax.experimental import pallas as pl
from jax.experimental.pallas import tpu as pltpu
from jax.experimental.pallas import tpu_sc as plsc

VOCAB = 1000000
D = 64
N_TOK = 20
B = 1024
S = 200
OUT_S = N_TOK + S

NC = 2
NS = 16
NW = NC * NS
BPW = B // NW
CH = 100
NCH = S // CH
G = 4
NG = BPW // G


def _body(tokens_hbm, wte_hbm, learned_hbm, out_hbm,
          idx_v, buf_a, buf_b, gsem_a, gsem_b, wsem_a, wsem_b):
    wid = lax.axis_index("s") * NC + lax.axis_index("c")
    base = wid * BPW

    pltpu.sync_copy(tokens_hbm.at[pl.ds(base, BPW)], idx_v)

    for buf in (buf_a, buf_b):
        for k in range(G):
            pltpu.sync_copy(learned_hbm, buf.at[k, pl.ds(0, N_TOK)])

    bufs = ((buf_a, gsem_a, wsem_a), (buf_b, gsem_b, wsem_b))

    def issue_gathers(g, buf, gsem):
        descs = []
        for k in range(G):
            i = g * G + k
            for j in range(NCH):
                descs.append(pltpu.async_copy(
                    wte_hbm.at[idx_v.at[i, j]],
                    buf.at[k, pl.ds(N_TOK + j * CH, CH)],
                    gsem,
                ))
        return descs

    pending_g = {0: issue_gathers(0, buf_a, gsem_a), 1: None}
    pending_w = {0: None, 1: None}

    for g in range(NG):
        p = g % 2
        buf, gsem, wsem = bufs[p]
        for dsc in pending_g[p]:
            dsc.wait()
        pending_w[p] = pltpu.async_copy(
            buf, out_hbm.at[pl.ds(base + g * G, G)], wsem)
        if g + 1 < NG:
            q = 1 - p
            if pending_w[q] is not None:
                pending_w[q].wait()
                pending_w[q] = None
            pending_g[q] = issue_gathers(g + 1, bufs[q][0], bufs[q][1])

    for p in (0, 1):
        if pending_w[p] is not None:
            pending_w[p].wait()


@functools.partial(jax.jit)
def kernel(tokens, wte_weight, learned_embedding):
    tokens3 = tokens.reshape(B, NCH, CH).astype(jnp.int32)
    mesh = plsc.VectorSubcoreMesh(core_axis_name="c", subcore_axis_name="s")
    k = pl.kernel(
        _body,
        mesh=mesh,
        out_type=jax.ShapeDtypeStruct((B, OUT_S, D), jnp.float32),
        scratch_types=[
            pltpu.VMEM((BPW, NCH, CH), jnp.int32),
            pltpu.VMEM((G, OUT_S, D), jnp.float32),
            pltpu.VMEM((G, OUT_S, D), jnp.float32),
            pltpu.SemaphoreType.DMA,
            pltpu.SemaphoreType.DMA,
            pltpu.SemaphoreType.DMA,
            pltpu.SemaphoreType.DMA,
        ],
        compiler_params=pltpu.CompilerParams(use_tc_tiling_on_sc=False),
    )
    return k(tokens3, wte_weight, learned_embedding)

# --- scband reference (transcript-rebuilt; emitter-appended) ---
"""Pipeline reference for scband-soft-prompt-embedding-1967095021814 (READ-ONLY COPY).

The authoritative reference and input builder live on the scoring server;
editing this copy changes nothing except your own understanding.
"""

import jax, jax.numpy as jnp
import numpy as np

VOCAB = 1000000
EMBED_DIM = 64
N_TOKENS = 20
BATCH = 1024
SEQ = 200
RANDOM_RANGE = 0.5


def setup_inputs(seed: int = 0) -> dict:
    key = jax.random.key(seed)
    k_tok, k_wte, k_noise = jax.random.split(key, 3)
    tokens = jax.random.randint(k_tok, (BATCH, SEQ), 0, VOCAB, dtype=jnp.int64 if jax.config.jax_enable_x64 else jnp.int32)
    wte_weight = jax.random.normal(k_wte, (VOCAB, EMBED_DIM), dtype=jnp.float32)
    # learned_embedding initialized as wte[:n_tokens] + uniform(-r, r), then treated as a learned parameter
    noise = jax.random.uniform(k_noise, (N_TOKENS, EMBED_DIM), dtype=jnp.float32, minval=-RANDOM_RANGE, maxval=RANDOM_RANGE)
    learned_embedding = wte_weight[:N_TOKENS] + noise
    return {"tokens": tokens, "wte_weight": wte_weight, "learned_embedding": learned_embedding}


def reference(tokens, wte_weight, learned_embedding):
    # input_embedding = self.wte(tokens)
    input_embedding = jnp.take(wte_weight, tokens, axis=0)  # [B, S, D]
    batch_size = tokens.shape[0]
    # learned_embedding.repeat(batch_size, 1, 1)
    learned = jnp.broadcast_to(learned_embedding[None, :, :], (batch_size, learned_embedding.shape[0], learned_embedding.shape[1]))
    return jnp.concatenate([learned, input_embedding], axis=1)  # [B, n_tokens + S, D]

if __name__ == "__main__":
    import jax
    _d = setup_inputs()
    print(jax.jit(kernel)(*tuple(_d.values())))

</pallas_src>

<mosaic_0001>
#map = affine_map<(d0, d1) -> (0, 0, 0)>
#map1 = affine_map<(d0, d1) -> (0, 0)>
module attributes {stable_mosaic.version = 14 : i64} {
  func.func @_body(%arg0: i32, %arg1: i32, %arg2: memref<1024x2x100xi32, #tpu.memory_space<hbm>>, %arg3: memref<1000000x64xf32, #tpu.memory_space<hbm>>, %arg4: memref<20x64xf32, #tpu.memory_space<hbm>>, %arg5: memref<1024x220x64xf32, #tpu.memory_space<hbm>>, %arg6: memref<32x2x100xi32, #tpu.memory_space<vmem>>, %arg7: memref<4x220x64xf32, #tpu.memory_space<vmem>>, %arg8: memref<4x220x64xf32, #tpu.memory_space<vmem>>, %arg9: memref<!tpu.dma_semaphore, #tpu.memory_space<semaphore_mem>>, %arg10: memref<!tpu.dma_semaphore, #tpu.memory_space<semaphore_mem>>, %arg11: memref<!tpu.dma_semaphore, #tpu.memory_space<semaphore_mem>>, %arg12: memref<!tpu.dma_semaphore, #tpu.memory_space<semaphore_mem>>) attributes {dimension_semantics = [#tpu.dimension_semantics<core_parallel>, #tpu.dimension_semantics<subcore_parallel>], iteration_bounds = array<i64: 2, 16>, scalar_prefetch = 0 : i64, scratch_operands = 7 : i64, tpu.core_type = #tpu.core_type<sc_vector_subcore>, window_params = [{transform_indices = #map}, {transform_indices = #map1}, {transform_indices = #map1}, {transform_indices = #map}]} {
    %mul3A = arith.constant 2 : i32
    %mul3A_0 = arith.muli %arg1, %mul3A : i32
    %add3A = arith.addi %mul3A_0, %arg0 : i32
    %mul3A_1 = arith.constant 32 : i32
    %mul3A_2 = arith.muli %add3A, %mul3A_1 : i32
    "tpu.region"() ({
      %run_scoped3A_1784 = tpu.sem_alloc : memref<!tpu.dma_semaphore, #tpu.memory_space<semaphore_mem>>
      %dma_start3A_1785 = arith.constant 0 : i32
      %dma_start3A_1786 = arith.constant 0 : i32
      %dma_start3A_1787 = tpu.memref_slice %arg2[%mul3A_2, %dma_start3A_1785, %dma_start3A_1786] : memref<1024x2x100xi32, #tpu.memory_space<hbm>> -> memref<32x2x100xi32, #tpu.memory_space<hbm>>
      %dma_start3A_1788 = arith.constant 0 : i32
      %dma_start3A_1789 = arith.constant 0 : i32
      %dma_start3A_1790 = tpu.memref_slice %arg2[%mul3A_2, %dma_start3A_1788, %dma_start3A_1789] : memref<1024x2x100xi32, #tpu.memory_space<hbm>> -> memref<32x2x100xi32, #tpu.memory_space<hbm>>
      tpu.enqueue_dma source(%dma_start3A_1790 : memref<32x2x100xi32, #tpu.memory_space<hbm>>) target(%arg6 : memref<32x2x100xi32, #tpu.memory_space<vmem>>) target_semaphore(%run_scoped3A_1784 : memref<!tpu.dma_semaphore, #tpu.memory_space<semaphore_mem>>)
      %dma_wait3A_1791 = arith.constant 0 : i32
      %dma_wait3A_1792 = arith.constant 0 : i32
      %dma_wait3A_1793 = tpu.memref_slice %arg2[%mul3A_2, %dma_wait3A_1791, %dma_wait3A_1792] : memref<1024x2x100xi32, #tpu.memory_space<hbm>> -> memref<32x2x100xi32, #tpu.memory_space<hbm>>
      %dma_wait3A_1794 = arith.constant 0 : i32
      %dma_wait3A_1795 = arith.constant 0 : i32
      %dma_wait3A_1796 = tpu.memref_slice %arg2[%mul3A_2, %dma_wait3A_1794, %dma_wait3A_1795] : memref<1024x2x100xi32, #tpu.memory_space<hbm>> -> memref<32x2x100xi32, #tpu.memory_space<hbm>>
      tpu.wait_dma2 semaphore(%run_scoped3A_1784 : memref<!tpu.dma_semaphore, #tpu.memory_space<semaphore_mem>>) src(%dma_wait3A_1796 : memref<32x2x100xi32, #tpu.memory_space<hbm>>) dst(%arg6 : memref<32x2x100xi32, #tpu.memory_space<vmem>>)
      tpu.yield
    }) : () -> ()
    %run_scoped3A = arith.constant 0 : i32
    "tpu.region"() ({
      %run_scoped3A_1784 = tpu.sem_alloc : memref<!tpu.dma_semaphore, #tpu.memory_space<semaphore_mem>>
      %dma_start3A_1785 = arith.constant 0 : i32
      %dma_start3A_1786 = arith.constant 0 : i32
      %dma_start3A_1787 = tpu.memref_slice %arg7[%run_scoped3A, %dma_start3A_1785, %dma_start3A_1786] : memref<4x220x64xf32, #tpu.memory_space<vmem>> -> memref<1x20x64xf32, #tpu.memory_space<vmem>>
      %dma_start3A_1788 = tpu.memref_squeeze %dma_start3A_1787 : memref<1x20x64xf32, #tpu.memory_space<vmem>> -> memref<20x64xf32, #tpu.memory_space<vmem>>
      %dma_start3A_1789 = arith.constant 0 : i32
      %dma_start3A_1790 = arith.constant 0 : i32
      %dma_start3A_1791 = tpu.memref_slice %arg7[%run_scoped3A, %dma_start3A_1789, %dma_start3A_1790] : memref<4x220x64xf32, #tpu.memory_space<vmem>> -> memref<1x20x64xf32, #tpu.memory_space<vmem>>
      %dma_start3A_1792 = tpu.memref_squeeze %dma_start3A_1791 : memref<1x20x64xf32, #tpu.memory_space<vmem>> -> memref<20x64xf32, #tpu.memory_space<vmem>>
      tpu.enqueue_dma source(%arg4 : memref<20x64xf32, #tpu.memory_space<hbm>>) target(%dma_start3A_1792 : memref<20x64xf32, #tpu.memory_space<vmem>>) target_semaphore(%run_scoped3A_1784 : memref<!tpu.dma_semaphore, #tpu.memory_space<semaphore_mem>>)
      %dma_wait3A_1793 = arith.constant 0 : i32
      %dma_wait3A_1794 = arith.constant 0 : i32
      %dma_wait3A_1795 = tpu.memref_slice %arg7[%run_scoped3A, %dma_wait3A_1793, %dma_wait3A_1794] : memref<4x220x64xf32, #tpu.memory_space<vmem>> -> memref<1x20x64xf32, #tpu.memory_space<vmem>>
      %dma_wait3A_1796 = tpu.memref_squeeze %dma_wait3A_1795 : memref<1x20x64xf32, #tpu.memory_space<vmem>> -> memref<20x64xf32, #tpu.memory_space<vmem>>
      %dma_wait3A_1797 = arith.constant 0 : i32
      %dma_wait3A_1798 = arith.constant 0 : i32
      %dma_wait3A_1799 = tpu.memref_slice %arg7[%run_scoped3A, %dma_wait3A_1797, %dma_wait3A_1798] : memref<4x220x64xf32, #tpu.memory_space<vmem>> -> memref<1x20x64xf32, #tpu.memory_space<vmem>>
      %dma_wait3A_1800 = tpu.memref_squeeze %dma_wait3A_1799 : memref<1x20x64xf32, #tpu.memory_space<vmem>> -> memref<20x64xf32, #tpu.memory_space<vmem>>
      tpu.wait_dma2 semaphore(%run_scoped3A_1784 : memref<!tpu.dma_semaphore, #tpu.memory_space<semaphore_mem>>) src(%arg4 : memref<20x64xf32, #tpu.memory_space<hbm>>) dst(%dma_wait3A_1800 : memref<20x64xf32, #tpu.memory_space<vmem>>)
      tpu.yield
    }) : () -> ()
    %run_scoped3A_3 = arith.constant 1 : i32
    "tpu.region"() ({
      %run_scoped3A_1784 = tpu.sem_alloc : memref<!tpu.dma_semaphore, #tpu.memory_space<semaphore_mem>>
      %dma_start3A_1785 = arith.constant 0 : i32
      %dma_start3A_1786 = arith.constant 0 : i32
      %dma_start3A_1787 = tpu.memref_slice %arg7[%run_scoped3A_3, %dma_start3A_1785, %dma_start3A_1786] : memref<4x220x64xf32, #tpu.memory_space<vmem>> -> memref<1x20x64xf32, #tpu.memory_space<vmem>>
      %dma_start3A_1788 = tpu.memref_squeeze %dma_start3A_1787 : memref<1x20x64xf32, #tpu.memory_space<vmem>> -> memref<20x64xf32, #tpu.memory_space<vmem>>
      %dma_start3A_1789 = arith.constant 0 : i32
      %dma_start3A_1790 = arith.constant 0 : i32
      %dma_start3A_1791 = tpu.memref_slice %arg7[%run_scoped3A_3, %dma_start3A_1789, %dma_start3A_1790] : memref<4x220x64xf32, #tpu.memory_space<vmem>> -> memref<1x20x64xf32, #tpu.memory_space<vmem>>
      %dma_start3A_1792 = tpu.memref_squeeze %dma_start3A_1791 : memref<1x20x64xf32, #tpu.memory_space<vmem>> -> memref<20x64xf32, #tpu.memory_space<vmem>>
      tpu.enqueue_dma source(%arg4 : memref<20x64xf32, #tpu.memory_space<hbm>>) target(%dma_start3A_1792 : memref<20x64xf32, #tpu.memory_space<vmem>>) target_semaphore(%run_scoped3A_1784 : memref<!tpu.dma_semaphore, #tpu.memory_space<semaphore_mem>>)
      %dma_wait3A_1793 = arith.constant 0 : i32
      %dma_wait3A_1794 = arith.constant 0 : i32
      %dma_wait3A_1795 = tpu.memref_slice %arg7[%run_scoped3A_3, %dma_wait3A_1793, %dma_wait3A_1794] : memref<4x220x64xf32, #tpu.memory_space<vmem>> -> memref<1x20x64xf32, #tpu.memory_space<vmem>>
      %dma_wait3A_1796 = tpu.memref_squeeze %dma_wait3A_1795 : memref<1x20x64xf32, #tpu.memory_space<vmem>> -> memref<20x64xf32, #tpu.memory_space<vmem>>
      %dma_wait3A_1797 = arith.constant 0 : i32
      %dma_wait3A_1798 = arith.constant 0 : i32
      %dma_wait3A_1799 = tpu.memref_slice %arg7[%run_scoped3A_3, %dma_wait3A_1797, %dma_wait3A_1798] : memref<4x220x64xf32, #tpu.memory_space<vmem>> -> memref<1x20x64xf32, #tpu.memory_space<vmem>>
      %dma_wait3A_1800 = tpu.memref_squeeze %dma_wait3A_1799 : memref<1x20x64xf32, #tpu.memory_space<vmem>> -> memref<20x64xf32, #tpu.memory_space<vmem>>
      tpu.wait_dma2 semaphore(%run_scoped3A_1784 : memref<!tpu.dma_semaphore, #tpu.memory_space<semaphore_mem>>) src(%arg4 : memref<20x64xf32, #tpu.memory_space<hbm>>) dst(%dma_wait3A_1800 : memref<20x64xf32, #tpu.memory_space<vmem>>)
      tpu.yield
    }) : () -> ()
    %run_scoped3A_4 = arith.constant 2 : i32
    "tpu.region"() ({
      %run_scoped3A_1784 = tpu.sem_alloc : memref<!tpu.dma_semaphore, #tpu.memory_space<semaphore_mem>>
      %dma_start3A_1785 = arith.constant 0 : i32
      %dma_start3A_1786 = arith.constant 0 : i32
      %dma_start3A_1787 = tpu.memref_slice %arg7[%run_scoped3A_4, %dma_start3A_1785, %dma_start3A_1786] : memref<4x220x64xf32, #tpu.memory_space<vmem>> -> memref<1x20x64xf32, #tpu.memory_space<vmem>>
      %dma_start3A_1788 = tpu.memref_squeeze %dma_start3A_1787 : memref<1x20x64xf32, #tpu.memory_space<vmem>> -> memref<20x64xf32, #tpu.memory_space<vmem>>
      %dma_start3A_1789 = arith.constant 0 : i32
      %dma_start3A_1790 = arith.constant 0 : i32
      %dma_start3A_1791 = tpu.memref_slice %arg7[%run_scoped3A_4, %dma_start3A_1789, %dma_start3A_1790] : memref<4x220x64xf32, #tpu.memory_space<vmem>> -> memref<1x20x64xf32, #tpu.memory_space<vmem>>
      %dma_start3A_1792 = tpu.memref_squeeze %dma_start3A_1791 : memref<1x20x64xf32, #tpu.memory_space<vmem>> -> memref<20x64xf32, #tpu.memory_space<vmem>>
      tpu.enqueue_dma source(%arg4 : memref<20x64xf32, #tpu.memory_space<hbm>>) target(%dma_start3A_1792 : memref<20x64xf32, #tpu.memory_space<vmem>>) target_semaphore(%run_scoped3A_1784 : memref<!tpu.dma_semaphore, #tpu.memory_space<semaphore_mem>>)
      %dma_wait3A_1793 = arith.constant 0 : i32
      %dma_wait3A_1794 = arith.constant 0 : i32
      %dma_wait3A_1795 = tpu.memref_slice %arg7[%run_scoped3A_4, %dma_wait3A_1793, %dma_wait3A_1794] : memref<4x220x64xf32, #tpu.memory_space<vmem>> -> memref<1x20x64xf32, #tpu.memory_space<vmem>>
      %dma_wait3A_1796 = tpu.memref_squeeze %dma_wait3A_1795 : memref<1x20x64xf32, #tpu.memory_space<vmem>> -> memref<20x64xf32, #tpu.memory_space<vmem>>
      %dma_wait3A_1797 = arith.constant 0 : i32
      %dma_wait3A_1798 = arith.constant 0 : i32
      %dma_wait3A_1799 = tpu.memref_slice %arg7[%run_scoped3A_4, %dma_wait3A_1797, %dma_wait3A_1798] : memref<4x220x64xf32, #tpu.memory_space<vmem>> -> memref<1x20x64xf32, #tpu.memory_space<vmem>>
      %dma_wait3A_1800 = tpu.memref_squeeze %dma_wait3A_1799 : memref<1x20x64xf32, #tpu.memory_space<vmem>> -> memref<20x64xf32, #tpu.memory_space<vmem>>
      tpu.wait_dma2 semaphore(%run_scoped3A_1784 : memref<!tpu.dma_semaphore, #tpu.memory_space<semaphore_mem>>) src(%arg4 : memref<20x64xf32, #tpu.memory_space<hbm>>) dst(%dma_wait3A_1800 : memref<20x64xf32, #tpu.memory_space<vmem>>)
      tpu.yield
    }) : () -> ()
    %run_scoped3A_5 = arith.constant 3 : i32
    "tpu.region"() ({
      %run_scoped3A_1784 = tpu.sem_alloc : memref<!tpu.dma_semaphore, #tpu.memory_space<semaphore_mem>>
      %dma_start3A_1785 = arith.constant 0 : i32
      %dma_start3A_1786 = arith.constant 0 : i32
      %dma_start3A_1787 = tpu.memref_slice %arg7[%run_scoped3A_5, %dma_start3A_1785, %dma_start3A_1786] : memref<4x220x64xf32, #tpu.memory_space<vmem>> -> memref<1x20x64xf32, #tpu.memory_space<vmem>>
      %dma_start3A_1788 = tpu.memref_squeeze %dma_start3A_1787 : memref<1x20x64xf32, #tpu.memory_space<vmem>> -> memref<20x64xf32, #tpu.memory_space<vmem>>
      %dma_start3A_1789 = arith.constant 0 : i32
      %dma_start3A_1790 = arith.constant 0 : i32
      %dma_start3A_1791 = tpu.memref_slice %arg7[%run_scoped3A_5, %dma_start3A_1789, %dma_start3A_1790] : memref<4x220x64xf32, #tpu.memory_space<vmem>> -> memref<1x20x64xf32, #tpu.memory_space<vmem>>
      %dma_start3A_1792 = tpu.memref_squeeze %dma_start3A_1791 : memref<1x20x64xf32, #tpu.memory_space<vmem>> -> memref<20x64xf32, #tpu.memory_space<vmem>>
      tpu.enqueue_dma source(%arg4 : memref<20x64xf32, #tpu.memory_space<hbm>>) target(%dma_start3A_1792 : memref<20x64xf32, #tpu.memory_space<vmem>>) target_semaphore(%run_scoped3A_1784 : memref<!tpu.dma_semaphore, #tpu.memory_space<semaphore_mem>>)
      %dma_wait3A_1793 = arith.constant 0 : i32
      %dma_wait3A_1794 = arith.constant 0 : i32
      %dma_wait3A_1795 = tpu.memref_slice %arg7[%run_scoped3A_5, %dma_wait3A_1793, %dma_wait3A_1794] : memref<4x220x64xf32, #tpu.memory_space<vmem>> -> memref<1x20x64xf32, #tpu.memory_space<vmem>>
      %dma_wait3A_1796 = tpu.memref_squeeze %dma_wait3A_1795 : memref<1x20x64xf32, #tpu.memory_space<vmem>> -> memref<20x64xf32, #tpu.memory_space<vmem>>
      %dma_wait3A_1797 = arith.constant 0 : i32
      %dma_wait3A_1798 = arith.constant 0 : i32
      %dma_wait3A_1799 = tpu.memref_slice %arg7[%run_scoped3A_5, %dma_wait3A_1797, %dma_wait3A_1798] : memref<4x220x64xf32, #tpu.memory_space<vmem>> -> memref<1x20x64xf32, #tpu.memory_space<vmem>>
      %dma_wait3A_1800 = tpu.memref_squeeze %dma_wait3A_1799 : memref<1x20x64xf32, #tpu.memory_space<vmem>> -> memref<20x64xf32, #tpu.memory_space<vmem>>
      tpu.wait_dma2 semaphore(%run_scoped3A_1784 : memref<!tpu.dma_semaphore, #tpu.memory_space<semaphore_mem>>) src(%arg4 : memref<20x64xf32, #tpu.memory_space<hbm>>) dst(%dma_wait3A_1800 : memref<20x64xf32, #tpu.memory_space<vmem>>)
      tpu.yield
    }) : () -> ()
    %run_scoped3A_6 = arith.constant 0 : i32
    "tpu.region"() ({
      %run_scoped3A_1784 = tpu.sem_alloc : memref<!tpu.dma_semaphore, #tpu.memory_space<semaphore_mem>>
      %dma_start3A_1785 = arith.constant 0 : i32
      %dma_start3A_1786 = arith.constant 0 : i32
      %dma_start3A_1787 = tpu.memref_slice %arg8[%run_scoped3A_6, %dma_start3A_1785, %dma_start3A_1786] : memref<4x220x64xf32, #tpu.memory_space<vmem>> -> memref<1x20x64xf32, #tpu.memory_space<vmem>>
      %dma_start3A_1788 = tpu.memref_squeeze %dma_start3A_1787 : memref<1x20x64xf32, #tpu.memory_space<vmem>> -> memref<20x64xf32, #tpu.memory_space<vmem>>
      %dma_start3A_1789 = arith.constant 0 : i32
      %dma_start3A_1790 = arith.constant 0 : i32
      %dma_start3A_1791 = tpu.memref_slice %arg8[%run_scoped3A_6, %dma_start3A_1789, %dma_start3A_1790] : memref<4x220x64xf32, #tpu.memory_space<vmem>> -> memref<1x20x64xf32, #tpu.memory_space<vmem>>
      %dma_start3A_1792 = tpu.memref_squeeze %dma_start3A_1791 : memref<1x20x64xf32, #tpu.memory_space<vmem>> -> memref<20x64xf32, #tpu.memory_space<vmem>>
      tpu.enqueue_dma source(%arg4 : memref<20x64xf32, #tpu.memory_space<hbm>>) target(%dma_start3A_1792 : memref<20x64xf32, #tpu.memory_space<vmem>>) target_semaphore(%run_scoped3A_1784 : memref<!tpu.dma_semaphore, #tpu.memory_space<semaphore_mem>>)
      %dma_wait3A_1793 = arith.constant 0 : i32
      %dma_wait3A_1794 = arith.constant 0 : i32
      %dma_wait3A_1795 = tpu.memref_slice %arg8[%run_scoped3A_6, %dma_wait3A_1793, %dma_wait3A_1794] : memref<4x220x64xf32, #tpu.memory_space<vmem>> -> memref<1x20x64xf32, #tpu.memory_space<vmem>>
      %dma_wait3A_1796 = tpu.memref_squeeze %dma_wait3A_1795 : memref<1x20x64xf32, #tpu.memory_space<vmem>> -> memref<20x64xf32, #tpu.memory_space<vmem>>
      %dma_wait3A_1797 = arith.constant 0 : i32
      %dma_wait3A_1798 = arith.constant 0 : i32
      %dma_wait3A_1799 = tpu.memref_slice %arg8[%run_scoped3A_6, %dma_wait3A_1797, %dma_wait3A_1798] : memref<4x220x64xf32, #tpu.memory_space<vmem>> -> memref<1x20x64xf32, #tpu.memory_space<vmem>>
      %dma_wait3A_1800 = tpu.memref_squeeze %dma_wait3A_1799 : memref<1x20x64xf32, #tpu.memory_space<vmem>> -> memref<20x64xf32, #tpu.memory_space<vmem>>
      tpu.wait_dma2 semaphore(%run_scoped3A_1784 : memref<!tpu.dma_semaphore, #tpu.memory_space<semaphore_mem>>) src(%arg4 : memref<20x64xf32, #tpu.memory_space<hbm>>) dst(%dma_wait3A_1800 : memref<20x64xf32, #tpu.memory_space<vmem>>)
      tpu.yield
    }) : () -> ()
    %run_scoped3A_7 = arith.constant 1 : i32
    "tpu.region"() ({
      %run_scoped3A_1784 = tpu.sem_alloc : memref<!tpu.dma_semaphore, #tpu.memory_space<semaphore_mem>>
      %dma_start3A_1785 = arith.constant 0 : i32
      %dma_start3A_1786 = arith.constant 0 : i32
      %dma_start3A_1787 = tpu.memref_slice %arg8[%run_scoped3A_7, %dma_start3A_1785, %dma_start3A_1786] : memref<4x220x64xf32, #tpu.memory_space<vmem>> -> memref<1x20x64xf32, #tpu.memory_space<vmem>>
      %dma_start3A_1788 = tpu.memref_squeeze %dma_start3A_1787 : memref<1x20x64xf32, #tpu.memory_space<vmem>> -> memref<20x64xf32, #tpu.memory_space<vmem>>
      %dma_start3A_1789 = arith.constant 0 : i32
      %dma_start3A_1790 = arith.constant 0 : i32
      %dma_start3A_1791 = tpu.memref_slice %arg8[%run_scoped3A_7, %dma_start3A_1789, %dma_start3A_1790] : memref<4x220x64xf32, #tpu.memory_space<vmem>> -> memref<1x20x64xf32, #tpu.memory_space<vmem>>
      %dma_start3A_1792 = tpu.memref_squeeze %dma_start3A_1791 : memref<1x20x64xf32, #tpu.memory_space<vmem>> -> memref<20x64xf32, #tpu.memory_space<vmem>>
      tpu.enqueue_dma source(%arg4 : memref<20x64xf32, #tpu.memory_space<hbm>>) target(%dma_start3A_1792 : memref<20x64xf32, #tpu.memory_space<vmem>>) target_semaphore(%run_scoped3A_1784 : memref<!tpu.dma_semaphore, #tpu.memory_space<semaphore_mem>>)
      %dma_wait3A_1793 = arith.constant 0 : i32
      %dma_wait3A_1794 = arith.constant 0 : i32
      %dma_wait3A_1795 = tpu.memref_slice %arg8[%run_scoped3A_7, %dma_wait3A_1793, %dma_wait3A_1794] : memref<4x220x64xf32, #tpu.memory_space<vmem>> -> memref<1x20x64xf32, #tpu.memory_space<vmem>>
      %dma_wait3A_1796 = tpu.memref_squeeze %dma_wait3A_1795 : memref<1x20x64xf32, #tpu.memory_space<vmem>> -> memref<20x64xf32, #tpu.memory_space<vmem>>
      %dma_wait3A_1797 = arith.constant 0 : i32
      %dma_wait3A_1798 = arith.constant 0 : i32
      %dma_wait3A_1799 = tpu.memref_slice %arg8[%run_scoped3A_7, %dma_wait3A_1797, %dma_wait3A_1798] : memref<4x220x64xf32, #tpu.memory_space<vmem>> -> memref<1x20x64xf32, #tpu.memory_space<vmem>>
      %dma_wait3A_1800 = tpu.memref_squeeze %dma_wait3A_1799 : memref<1x20x64xf32, #tpu.memory_space<vmem>> -> memref<20x64xf32, #tpu.memory_space<vmem>>
      tpu.wait_dma2 semaphore(%run_scoped3A_1784 : memref<!tpu.dma_semaphore, #tpu.memory_space<semaphore_mem>>) src(%arg4 : memref<20x64xf32, #tpu.memory_space<hbm>>) dst(%dma_wait3A_1800 : memref<20x64xf32, #tpu.memory_space<vmem>>)
      tpu.yield
    }) : () -> ()
    %run_scoped3A_8 = arith.constant 2 : i32
    "tpu.region"() ({
      %run_scoped3A_1784 = tpu.sem_alloc : memref<!tpu.dma_semaphore, #tpu.memory_space<semaphore_mem>>
      %dma_start3A_1785 = arith.constant 0 : i32
      %dma_start3A_1786 = arith.constant 0 : i32
      %dma_start3A_1787 = tpu.memref_slice %arg8[%run_scoped3A_8, %dma_start3A_1785, %dma_start3A_1786] : memref<4x220x64xf32, #tpu.memory_space<vmem>> -> memref<1x20x64xf32, #tpu.memory_space<vmem>>
      %dma_start3A_1788 = tpu.memref_squeeze %dma_start3A_1787 : memref<1x20x64xf32, #tpu.memory_space<vmem>> -> memref<20x64xf32, #tpu.memory_space<vmem>>
      %dma_start3A_1789 = arith.constant 0 : i32
      %dma_start3A_1790 = arith.constant 0 : i32
      %dma_start3A_1791 = tpu.memref_slice %arg8[%run_scoped3A_8, %dma_start3A_1789, %dma_start3A_1790] : memref<4x220x64xf32, #tpu.memory_space<vmem>> -> memref<1x20x64xf32, #tpu.memory_space<vmem>>
      %dma_start3A_1792 = tpu.memref_squeeze %dma_start3A_1791 : memref<1x20x64xf32, #tpu.memory_space<vmem>> -> memref<20x64xf32, #tpu.memory_space<vmem>>
      tpu.enqueue_dma source(%arg4 : memref<20x64xf32, #tpu.memory_space<hbm>>) target(%dma_start3A_1792 : memref<20x64xf32, #tpu.memory_space<vmem>>) target_semaphore(%run_scoped3A_1784 : memref<!tpu.dma_semaphore, #tpu.memory_space<semaphore_mem>>)
      %dma_wait3A_1793 = arith.constant 0 : i32
      %dma_wait3A_1794 = arith.constant 0 : i32
      %dma_wait3A_1795 = tpu.memref_slice %arg8[%run_scoped3A_8, %dma_wait3A_1793, %dma_wait3A_1794] : memref<4x220x64xf32, #tpu.memory_space<vmem>> -> memref<1x20x64xf32, #tpu.memory_space<vmem>>
      %dma_wait3A_1796 = tpu.memref_squeeze %dma_wait3A_1795 : memref<1x20x64xf32, #tpu.memory_space<vmem>> -> memref<20x64xf32, #tpu.memory_space<vmem>>
      %dma_wait3A_1797 = arith.constant 0 : i32
      %dma_wait3A_1798 = arith.constant 0 : i32
      %dma_wait3A_1799 = tpu.memref_slice %arg8[%run_scoped3A_8, %dma_wait3A_1797, %dma_wait3A_1798] : memref<4x220x64xf32, #tpu.memory_space<vmem>> -> memref<1x20x64xf32, #tpu.memory_space<vmem>>
      %dma_wait3A_1800 = tpu.memref_squeeze %dma_wait3A_1799 : memref<1x20x64xf32, #tpu.memory_space<vmem>> -> memref<20x64xf32, #tpu.memory_space<vmem>>
      tpu.wait_dma2 semaphore(%run_scoped3A_1784 : memref<!tpu.dma_semaphore, #tpu.memory_space<semaphore_mem>>) src(%arg4 : memref<20x64xf32, #tpu.memory_space<hbm>>) dst(%dma_wait3A_1800 : memref<20x64xf32, #tpu.memory_space<vmem>>)
      tpu.yield
    }) : () -> ()
    %run_scoped3A_9 = arith.constant 3 : i32
    "tpu.region"() ({
      %run_scoped3A_1784 = tpu.sem_alloc : memref<!tpu.dma_semaphore, #tpu.memory_space<semaphore_mem>>
      %dma_start3A_1785 = arith.constant 0 : i32
      %dma_start3A_1786 = arith.constant 0 : i32
      %dma_start3A_1787 = tpu.memref_slice %arg8[%run_scoped3A_9, %dma_start3A_1785, %dma_start3A_1786] : memref<4x220x64xf32, #tpu.memory_space<vmem>> -> memref<1x20x64xf32, #tpu.memory_space<vmem>>
      %dma_start3A_1788 = tpu.memref_squeeze %dma_start3A_1787 : memref<1x20x64xf32, #tpu.memory_space<vmem>> -> memref<20x64xf32, #tpu.memory_space<vmem>>
      %dma_start3A_1789 = arith.constant 0 : i32
      %dma_start3A_1790 = arith.constant 0 : i32
      %dma_start3A_1791 = tpu.memref_slice %arg8[%run_scoped3A_9, %dma_start3A_1789, %dma_start3A_1790] : memref<4x220x64xf32, #tpu.memory_space<vmem>> -> memref<1x20x64xf32, #tpu.memory_space<vmem>>
      %dma_start3A_1792 = tpu.memref_squeeze %dma_start3A_1791 : memref<1x20x64xf32, #tpu.memory_space<vmem>> -> memref<20x64xf32, #tpu.memory_space<vmem>>
      tpu.enqueue_dma source(%arg4 : memref<20x64xf32, #tpu.memory_space<hbm>>) target(%dma_start3A_1792 : memref<20x64xf32, #tpu.memory_space<vmem>>) target_semaphore(%run_scoped3A_1784 : memref<!tpu.dma_semaphore, #tpu.memory_space<semaphore_mem>>)
      %dma_wait3A_1793 = arith.constant 0 : i32
      %dma_wait3A_1794 = arith.constant 0 : i32
      %dma_wait3A_1795 = tpu.memref_slice %arg8[%run_scoped3A_9, %dma_wait3A_1793, %dma_wait3A_1794] : memref<4x220x64xf32, #tpu.memory_space<vmem>> -> memref<1x20x64xf32, #tpu.memory_space<vmem>>
      %dma_wait3A_1796 = tpu.memref_squeeze %dma_wait3A_1795 : memref<1x20x64xf32, #tpu.memory_space<vmem>> -> memref<20x64xf32, #tpu.memory_space<vmem>>
      %dma_wait3A_1797 = arith.constant 0 : i32
      %dma_wait3A_1798 = arith.constant 0 : i32
      %dma_wait3A_1799 = tpu.memref_slice %arg8[%run_scoped3A_9, %dma_wait3A_1797, %dma_wait3A_1798] : memref<4x220x64xf32, #tpu.memory_space<vmem>> -> memref<1x20x64xf32, #tpu.memory_space<vmem>>
      %dma_wait3A_1800 = tpu.memref_squeeze %dma_wait3A_1799 : memref<1x20x64xf32, #tpu.memory_space<vmem>> -> memref<20x64xf32, #tpu.memory_space<vmem>>
      tpu.wait_dma2 semaphore(%run_scoped3A_1784 : memref<!tpu.dma_semaphore, #tpu.memory_space<semaphore_mem>>) src(%arg4 : memref<20x64xf32, #tpu.memory_space<hbm>>) dst(%dma_wait3A_1800 : memref<20x64xf32, #tpu.memory_space<vmem>>)
      tpu.yield
    }) : () -> ()
    %dma_start3A = arith.constant 0 : i32
    %dma_start3A_10 = arith.constant 0 : i32
    %dma_start3A_11 = arith.constant 0 : i32
    %dma_start3A_12 = arith.constant 20 : i32
    %dma_start3A_13 = arith.constant 0 : i32
    %dma_start3A_14 = tpu.memref_slice %arg7[%dma_start3A_11, %dma_start3A_12, %dma_start3A_13] : memref<4x220x64xf32, #tpu.memory_space<vmem>> -> memref<1x100x64xf32, #tpu.memory_space<vmem>>
    %dma_start3A_15 = tpu.memref_squeeze %dma_start3A_14 : memref<1x100x64xf32, #tpu.memory_space<vmem>> -> memref<100x64xf32, #tpu.memory_space<vmem>>
    %dma_start3A_16 = arith.constant 0 : i32
    %dma_start3A_17 = tpu.memref_slice %arg6[%dma_start3A, %dma_start3A_10, %dma_start3A_16] : memref<32x2x100xi32, #tpu.memory_space<vmem>> -> memref<1x1x100xi32, #tpu.memory_space<vmem>>
    %dma_start3A_18 = tpu.memref_squeeze %dma_start3A_17 : memref<1x1x100xi32, #tpu.memory_space<vmem>> -> memref<100xi32, #tpu.memory_space<vmem>>
    %dma_start3A_19 = arith.constant 0 : i32
    %dma_start3A_20 = arith.constant 0 : i32
    %dma_start3A_21 = tpu.memref_slice %arg3[%dma_start3A_19, %dma_start3A_20] : memref<1000000x64xf32, #tpu.memory_space<hbm>> -> memref<1000000x64xf32, #tpu.memory_space<hbm>>
    tpu.enqueue_indirect_dma source(%dma_start3A_21 : memref<1000000x64xf32, #tpu.memory_space<hbm>>) target(%dma_start3A_15 : memref<100x64xf32, #tpu.memory_space<vmem>>) offsets(%dma_start3A_18 : memref<100xi32, #tpu.memory_space<vmem>>) semaphore(%arg9 : memref<!tpu.dma_semaphore, #tpu.memory_space<semaphore_mem>>)
    %dma_start3A_22 = arith.constant 0 : i32
    %dma_start3A_23 = arith.constant 1 : i32
    %dma_start3A_24 = arith.constant 0 : i32
    %dma_start3A_25 = arith.constant 120 : i32
    %dma_start3A_26 = arith.constant 0 : i32
    %dma_start3A_27 = tpu.memref_slice %arg7[%dma_start3A_24, %dma_start3A_25, %dma_start3A_26] : memref<4x220x64xf32, #tpu.memory_space<vmem>> -> memref<1x100x64xf32, #tpu.memory_space<vmem>>
    %dma_start3A_28 = tpu.memref_squeeze %dma_start3A_27 : memref<1x100x64xf32, #tpu.memory_space<vmem>> -> memref<100x64xf32, #tpu.memory_space<vmem>>
    %dma_start3A_29 = arith.constant 0 : i32
    %dma_start3A_30 = tpu.memref_slice %arg6[%dma_start3A_22, %dma_start3A_23, %dma_start3A_29] : memref<32x2x100xi32, #tpu.memory_space<vmem>> -> memref<1x1x100xi32, #tpu.memory_space<vmem>>
    %dma_start3A_31 = tpu.memref_squeeze %dma_start3A_30 : memref<1x1x100xi32, #tpu.memory_space<vmem>> -> memref<100xi32, #tpu.memory_space<vmem>>
    %dma_start3A_32 = arith.constant 0 : i32
    %dma_start3A_33 = arith.constant 0 : i32
    %dma_start3A_34 = tpu.memref_slice %arg3[%dma_start3A_32, %dma_start3A_33] : memref<1000000x64xf32, #tpu.memory_space<hbm>> -> memref<1000000x64xf32, #tpu.memory_space<hbm>>
    tpu.enqueue_indirect_dma source(%dma_start3A_34 : memref<1000000x64xf32, #tpu.memory_space<hbm>>) target(%dma_start3A_28 : memref<100x64xf32, #tpu.memory_space<vmem>>) offsets(%dma_start3A_31 : memref<100xi32, #tpu.memory_space<vmem>>) semaphore(%arg9 : memref<!tpu.dma_semaphore, #tpu.memory_space<semaphore_mem>>)
    %dma_start3A_35 = arith.constant 1 : i32
    %dma_start3A_36 = arith.constant 0 : i32
    %dma_start3A_37 = arith.constant 1 : i32
    %dma_start3A_38 = arith.constant 20 : i32
    %dma_start3A_39 = arith.constant 0 : i32
    %dma_start3A_40 = tpu.memref_slice %arg7[%dma_start3A_37, %dma_start3A_38, %dma_start3A_39] : memref<4x220x64xf32, #tpu.memory_space<vmem>> -> memref<1x100x64xf32, #tpu.memory_space<vmem>>
    %dma_start3A_41 = tpu.memref_squeeze %dma_start3A_40 : memref<1x100x64xf32, #tpu.memory_space<vmem>> -> memref<100x64xf32, #tpu.memory_space<vmem>>
    %dma_start3A_42 = arith.constant 0 : i32
    %dma_start3A_43 = tpu.memref_slice %arg6[%dma_start3A_35, %dma_start3A_36, %dma_start3A_42] : memref<32x2x100xi32, #tpu.memory_space<vmem>> -> memref<1x1x100xi32, #tpu.memory_space<vmem>>
    %dma_start3A_44 = tpu.memref_squeeze %dma_start3A_43 : memref<1x1x100xi32, #tpu.memory_space<vmem>> -> memref<100xi32, #tpu.memory_space<vmem>>
    %dma_start3A_45 = arith.constant 0 : i32
    %dma_start3A_46 = arith.constant 0 : i32
    %dma_start3A_47 = tpu.memref_slice %arg3[%dma_start3A_45, %dma_start3A_46] : memref<1000000x64xf32, #tpu.memory_space<hbm>> -> memref<1000000x64xf32, #tpu.memory_space<hbm>>
    tpu.enqueue_indirect_dma source(%dma_start3A_47 : memref<1000000x64xf32, #tpu.memory_space<hbm>>) target(%dma_start3A_41 : memref<100x64xf32, #tpu.memory_space<vmem>>) offsets(%dma_start3A_44 : memref<100xi32, #tpu.memory_space<vmem>>) semaphore(%arg9 : memref<!tpu.dma_semaphore, #tpu.memory_space<semaphore_mem>>)
    %dma_start3A_48 = arith.constant 1 : i32
    %dma_start3A_49 = arith.constant 1 : i32
    %dma_start3A_50 = arith.constant 1 : i32
    %dma_start3A_51 = arith.constant 120 : i32
    %dma_start3A_52 = arith.constant 0 : i32
    %dma_start3A_53 = tpu.memref_slice %arg7[%dma_start3A_50, %dma_start3A_51, %dma_start3A_52] : memref<4x220x64xf32, #tpu.memory_space<vmem>> -> memref<1x100x64xf32, #tpu.memory_space<vmem>>
    %dma_start3A_54 = tpu.memref_squeeze %dma_start3A_53 : memref<1x100x64xf32, #tpu.memory_space<vmem>> -> memref<100x64xf32, #tpu.memory_space<vmem>>
    %dma_start3A_55 = arith.constant 0 : i32
    %dma_start3A_56 = tpu.memref_slice %arg6[%dma_start3A_48, %dma_start3A_49, %dma_start3A_55] : memref<32x2x100xi32, #tpu.memory_space<vmem>> -> memref<1x1x100xi32, #tpu.memory_space<vmem>>
    %dma_start3A_57 = tpu.memref_squeeze %dma_start3A_56 : memref<1x1x100xi32, #tpu.memory_space<vmem>> -> memref<100xi32, #tpu.memory_space<vmem>>
    %dma_start3A_58 = arith.constant 0 : i32
    %dma_start3A_59 = arith.constant 0 : i32
    %dma_start3A_60 = tpu.memref_slice %arg3[%dma_start3A_58, %dma_start3A_59] : memref<1000000x64xf32, #tpu.memory_space<hbm>> -> memref<1000000x64xf32, #tpu.memory_space<hbm>>
    tpu.enqueue_indirect_dma source(%dma_start3A_60 : memref<1000000x64xf32, #tpu.memory_space<hbm>>) target(%dma_start3A_54 : memref<100x64xf32, #tpu.memory_space<vmem>>) offsets(%dma_start3A_57 : memref<100xi32, #tpu.memory_space<vmem>>) semaphore(%arg9 : memref<!tpu.dma_semaphore, #tpu.memory_space<semaphore_mem>>)
    %dma_start3A_61 = arith.constant 2 : i32
    %dma_start3A_62 = arith.constant 0 : i32
    %dma_start3A_63 = arith.constant 2 : i32
    %dma_start3A_64 = arith.constant 20 : i32
    %dma_start3A_65 = arith.constant 0 : i32
    %dma_start3A_66 = tpu.memref_slice %arg7[%dma_start3A_63, %dma_start3A_64, %dma_start3A_65] : memref<4x220x64xf32, #tpu.memory_space<vmem>> -> memref<1x100x64xf32, #tpu.memory_space<vmem>>
    %dma_start3A_67 = tpu.memref_squeeze %dma_start3A_66 : memref<1x100x64xf32, #tpu.memory_space<vmem>> -> memref<100x64xf32, #tpu.memory_space<vmem>>
    %dma_start3A_68 = arith.constant 0 : i32
    %dma_start3A_69 = tpu.memref_slice %arg6[%dma_start3A_61, %dma_start3A_62, %dma_start3A_68] : memref<32x2x100xi32, #tpu.memory_space<vmem>> -> memref<1x1x100xi32, #tpu.memory_space<vmem>>
    %dma_start3A_70 = tpu.memref_squeeze %dma_start3A_69 : memref<1x1x100xi32, #tpu.memory_space<vmem>> -> memref<100xi32, #tpu.memory_space<vmem>>
    %dma_start3A_71 = arith.constant 0 : i32
    %dma_start3A_72 = arith.constant 0 : i32
    %dma_start3A_73 = tpu.memref_slice %arg3[%dma_start3A_71, %dma_start3A_72] : memref<1000000x64xf32, #tpu.memory_space<hbm>> -> memref<1000000x64xf32, #tpu.memory_space<hbm>>
    tpu.enqueue_indirect_dma source(%dma_start3A_73 : memref<1000000x64xf32, #tpu.memory_space<hbm>>) target(%dma_start3A_67 : memref<100x64xf32, #tpu.memory_space<vmem>>) offsets(%dma_start3A_70 : memref<100xi32, #tpu.memory_space<vmem>>) semaphore(%arg9 : memref<!tpu.dma_semaphore, #tpu.memory_space<semaphore_mem>>)
    %dma_start3A_74 = arith.constant 2 : i32
    %dma_start3A_75 = arith.constant 1 : i32
    %dma_start3A_76 = arith.constant 2 : i32
    %dma_start3A_77 = arith.constant 120 : i32
    %dma_start3A_78 = arith.constant 0 : i32
    %dma_start3A_79 = tpu.memref_slice %arg7[%dma_start3A_76, %dma_start3A_77, %dma_start3A_78] : memref<4x220x64xf32, #tpu.memory_space<vmem>> -> memref<1x100x64xf32, #tpu.memory_space<vmem>>
    %dma_start3A_80 = tpu.memref_squeeze %dma_start3A_79 : memref<1x100x64xf32, #tpu.memory_space<vmem>> -> memref<100x64xf32, #tpu.memory_space<vmem>>
    %dma_start3A_81 = arith.constant 0 : i32
    %dma_start3A_82 = tpu.memref_slice %arg6[%dma_start3A_74, %dma_start3A_75, %dma_start3A_81] : memref<32x2x100xi32, #tpu.memory_space<vmem>> -> memref<1x1x100xi32, #tpu.memory_space<vmem>>
    %dma_start3A_83 = tpu.memref_squeeze %dma_start3A_82 : memref<1x1x100xi32, #tpu.memory_space<vmem>> -> memref<100xi32, #tpu.memory_space<vmem>>
    %dma_start3A_84 = arith.constant 0 : i32
    %dma_start3A_85 = arith.constant 0 : i32
    %dma_start3A_86 = tpu.memref_slice %arg3[%dma_start3A_84, %dma_start3A_85] : memref<1000000x64xf32, #tpu.memory_space<hbm>> -> memref<1000000x64xf32, #tpu.memory_space<hbm>>
    tpu.enqueue_indirect_dma source(%dma_start3A_86 : memref<1000000x64xf32, #tpu.memory_space<hbm>>) target(%dma_start3A_80 : memref<100x64xf32, #tpu.memory_space<vmem>>) offsets(%dma_start3A_83 : memref<100xi32, #tpu.memory_space<vmem>>) semaphore(%arg9 : memref<!tpu.dma_semaphore, #tpu.memory_space<semaphore_mem>>)
    %dma_start3A_87 = arith.constant 3 : i32
    %dma_start3A_88 = arith.constant 0 : i32
    %dma_start3A_89 = arith.constant 3 : i32
    %dma_start3A_90 = arith.constant 20 : i32
    %dma_start3A_91 = arith.constant 0 : i32
    %dma_start3A_92 = tpu.memref_slice %arg7[%dma_start3A_89, %dma_start3A_90, %dma_start3A_91] : memref<4x220x64xf32, #tpu.memory_space<vmem>> -> memref<1x100x64xf32, #tpu.memory_space<vmem>>
    %dma_start3A_93 = tpu.memref_squeeze %dma_start3A_92 : memref<1x100x64xf32, #tpu.memory_space<vmem>> -> memref<100x64xf32, #tpu.memory_space<vmem>>
    %dma_start3A_94 = arith.constant 0 : i32
    %dma_start3A_95 = tpu.memref_slice %arg6[%dma_start3A_87, %dma_start3A_88, %dma_start3A_94] : memref<32x2x100xi32, #tpu.memory_space<vmem>> -> memref<1x1x100xi32, #tpu.memory_space<vmem>>
    %dma_start3A_96 = tpu.memref_squeeze %dma_start3A_95 : memref<1x1x100xi32, #tpu.memory_space<vmem>> -> memref<100xi32, #tpu.memory_space<vmem>>
    %dma_start3A_97 = arith.constant 0 : i32
    %dma_start3A_98 = arith.constant 0 : i32
    %dma_start3A_99 = tpu.memref_slice %arg3[%dma_start3A_97, %dma_start3A_98] : memref<1000000x64xf32, #tpu.memory_space<hbm>> -> memref<1000000x64xf32, #tpu.memory_space<hbm>>
    tpu.enqueue_indirect_dma source(%dma_start3A_99 : memref<1000000x64xf32, #tpu.memory_space<hbm>>) target(%dma_start3A_93 : memref<100x64xf32, #tpu.memory_space<vmem>>) offsets(%dma_start3A_96 : memref<100xi32, #tpu.memory_space<vmem>>) semaphore(%arg9 : memref<!tpu.dma_semaphore, #tpu.memory_space<semaphore_mem>>)
    %dma_start3A_100 = arith.constant 3 : i32
    %dma_start3A_101 = arith.constant 1 : i32
    %dma_start3A_102 = arith.constant 3 : i32
    %dma_start3A_103 = arith.constant 120 : i32
    %dma_start3A_104 = arith.constant 0 : i32
    %dma_start3A_105 = tpu.memref_slice %arg7[%dma_start3A_102, %dma_start3A_103, %dma_start3A_104] : memref<4x220x64xf32, #tpu.memory_space<vmem>> -> memref<1x100x64xf32, #tpu.memory_space<vmem>>
    %dma_start3A_106 = tpu.memref_squeeze %dma_start3A_105 : memref<1x100x64xf32, #tpu.memory_space<vmem>> -> memref<100x64xf32, #tpu.memory_space<vmem>>
    %dma_start3A_107 = arith.constant 0 : i32
    %dma_start3A_108 = tpu.memref_slice %arg6[%dma_start3A_100, %dma_start3A_101, %dma_start3A_107] : memref<32x2x100xi32, #tpu.memory_space<vmem>> -> memref<1x1x100xi32, #tpu.memory_space<vmem>>
    %dma_start3A_109 = tpu.memref_squeeze %dma_start3A_108 : memref<1x1x100xi32, #tpu.memory_space<vmem>> -> memref<100xi32, #tpu.memory_space<vmem>>
    %dma_start3A_110 = arith.constant 0 : i32
    %dma_start3A_111 = arith.constant 0 : i32
    %dma_start3A_112 = tpu.memref_slice %arg3[%dma_start3A_110, %dma_start3A_111] : memref<1000000x64xf32, #tpu.memory_space<hbm>> -> memref<1000000x64xf32, #tpu.memory_space<hbm>>
    tpu.enqueue_indirect_dma source(%dma_start3A_112 : memref<1000000x64xf32, #tpu.memory_space<hbm>>) target(%dma_start3A_106 : memref<100x64xf32, #tpu.memory_space<vmem>>) offsets(%dma_start3A_109 : memref<100xi32, #tpu.memory_space<vmem>>) semaphore(%arg9 : memref<!tpu.dma_semaphore, #tpu.memory_space<semaphore_mem>>)
    %dma_wait3A = arith.constant 0 : i32
    %dma_wait3A_113 = arith.constant 0 : i32
    %dma_wait3A_114 = arith.constant 0 : i32
    %dma_wait3A_115 = arith.constant 20 : i32
    %dma_wait3A_116 = arith.constant 0 : i32
    %dma_wait3A_117 = tpu.memref_slice %arg7[%dma_wait3A_114, %dma_wait3A_115, %dma_wait3A_116] : memref<4x220x64xf32, #tpu.memory_space<vmem>> -> memref<1x100x64xf32, #tpu.memory_space<vmem>>
    %dma_wait3A_118 = tpu.memref_squeeze %dma_wait3A_117 : memref<1x100x64xf32, #tpu.memory_space<vmem>> -> memref<100x64xf32, #tpu.memory_space<vmem>>
    %dma_wait3A_119 = arith.constant 0 : i32
    %dma_wait3A_120 = tpu.memref_slice %arg6[%dma_wait3A, %dma_wait3A_113, %dma_wait3A_119] : memref<32x2x100xi32, #tpu.memory_space<vmem>> -> memref<1x1x100xi32, #tpu.memory_space<vmem>>
    %dma_wait3A_121 = tpu.memref_squeeze %dma_wait3A_120 : memref<1x1x100xi32, #tpu.memory_space<vmem>> -> memref<100xi32, #tpu.memory_space<vmem>>
    %dma_wait3A_122 = arith.constant 0 : i32
    %dma_wait3A_123 = arith.constant 0 : i32
    %dma_wait3A_124 = tpu.memref_slice %arg3[%dma_wait3A_122, %dma_wait3A_123] : memref<1000000x64xf32, #tpu.memory_space<hbm>> -> memref<1000000x64xf32, #tpu.memory_space<hbm>>
    tpu.wait_indirect_dma semaphore(%arg9 : memref<!tpu.dma_semaphore, #tpu.memory_space<semaphore_mem>>) src(%dma_wait3A_124 : memref<1000000x64xf32, #tpu.memory_space<hbm>>) dst(%dma_wait3A_118 : memref<100x64xf32, #tpu.memory_space<vmem>>)
    %dma_wait3A_125 = arith.constant 0 : i32
    %dma_wait3A_126 = arith.constant 1 : i32
    %dma_wait3A_127 = arith.constant 0 : i32
    %dma_wait3A_128 = arith.constant 120 : i32
    %dma_wait3A_129 = arith.constant 0 : i32
    %dma_wait3A_130 = tpu.memref_slice %arg7[%dma_wait3A_127, %dma_wait3A_128, %dma_wait3A_129] : memref<4x220x64xf32, #tpu.memory_space<vmem>> -> memref<1x100x64xf32, #tpu.memory_space<vmem>>
    %dma_wait3A_131 = tpu.memref_squeeze %dma_wait3A_130 : memref<1x100x64xf32, #tpu.memory_space<vmem>> -> memref<100x64xf32, #tpu.memory_space<vmem>>
    %dma_wait3A_132 = arith.constant 0 : i32
    %dma_wait3A_133 = tpu.memref_slice %arg6[%dma_wait3A_125, %dma_wait3A_126, %dma_wait3A_132] : memref<32x2x100xi32, #tpu.memory_space<vmem>> -> memref<1x1x100xi32, #tpu.memory_space<vmem>>
    %dma_wait3A_134 = tpu.memref_squeeze %dma_wait3A_133 : memref<1x1x100xi32, #tpu.memory_space<vmem>> -> memref<100xi32, #tpu.memory_space<vmem>>
    %dma_wait3A_135 = arith.constant 0 : i32
    %dma_wait3A_136 = arith.constant 0 : i32
    %dma_wait3A_137 = tpu.memref_slice %arg3[%dma_wait3A_135, %dma_wait3A_136] : memref<1000000x64xf32, #tpu.memory_space<hbm>> -> memref<1000000x64xf32, #tpu.memory_space<hbm>>
    tpu.wait_indirect_dma semaphore(%arg9 : memref<!tpu.dma_semaphore, #tpu.memory_space<semaphore_mem>>) src(%dma_wait3A_137 : memref<1000000x64xf32, #tpu.memory_space<hbm>>) dst(%dma_wait3A_131 : memref<100x64xf32, #tpu.memory_space<vmem>>)
    %dma_wait3A_138 = arith.constant 1 : i32
    %dma_wait3A_139 = arith.constant 0 : i32
    %dma_wait3A_140 = arith.constant 1 : i32
    %dma_wait3A_141 = arith.constant 20 : i32
    %dma_wait3A_142 = arith.constant 0 : i32
    %dma_wait3A_143 = tpu.memref_slice %arg7[%dma_wait3A_140, %dma_wait3A_141, %dma_wait3A_142] : memref<4x220x64xf32, #tpu.memory_space<vmem>> -> memref<1x100x64xf32, #tpu.memory_space<vmem>>
    %dma_wait3A_144 = tpu.memref_squeeze %dma_wait3A_143 : memref<1x100x64xf32, #tpu.memory_space<vmem>> -> memref<100x64xf32, #tpu.memory_space<vmem>>
    %dma_wait3A_145 = arith.constant 0 : i32
    %dma_wait3A_146 = tpu.memref_slice %arg6[%dma_wait3A_138, %dma_wait3A_139, %dma_wait3A_145] : memref<32x2x100xi32, #tpu.memory_space<vmem>> -> memref<1x1x100xi32, #tpu.memory_space<vmem>>
    %dma_wait3A_147 = tpu.memref_squeeze %dma_wait3A_146 : memref<1x1x100xi32, #tpu.memory_space<vmem>> -> memref<100xi32, #tpu.memory_space<vmem>>
    %dma_wait3A_148 = arith.constant 0 : i32
    %dma_wait3A_149 = arith.constant 0 : i32
    %dma_wait3A_150 = tpu.memref_slice %arg3[%dma_wait3A_148, %dma_wait3A_149] : memref<1000000x64xf32, #tpu.memory_space<hbm>> -> memref<1000000x64xf32, #tpu.memory_space<hbm>>
    tpu.wait_indirect_dma semaphore(%arg9 : memref<!tpu.dma_semaphore, #tpu.memory_space<semaphore_mem>>) src(%dma_wait3A_150 : memref<1000000x64xf32, #tpu.memory_space<hbm>>) dst(%dma_wait3A_144 : memref<100x64xf32, #tpu.memory_space<vmem>>)
    %dma_wait3A_151 = arith.constant 1 : i32
    %dma_wait3A_152 = arith.constant 1 : i32
    %dma_wait3A_153 = arith.constant 1 : i32
    %dma_wait3A_154 = arith.constant 120 : i32
    %dma_wait3A_155 = arith.constant 0 : i32
    %dma_wait3A_156 = tpu.memref_slice %arg7[%dma_wait3A_153, %dma_wait3A_154, %dma_wait3A_155] : memref<4x220x64xf32, #tpu.memory_space<vmem>> -> memref<1x100x64xf32, #tpu.memory_space<vmem>>
    %dma_wait3A_157 = tpu.memref_squeeze %dma_wait3A_156 : memref<1x100x64xf32, #tpu.memory_space<vmem>> -> memref<100x64xf32, #tpu.memory_space<vmem>>
    %dma_wait3A_158 = arith.constant 0 : i32
    %dma_wait3A_159 = tpu.memref_slice %arg6[%dma_wait3A_151, %dma_wait3A_152, %dma_wait3A_158] : memref<32x2x100xi32, #tpu.memory_space<vmem>> -> memref<1x1x100xi32, #tpu.memory_space<vmem>>
    %dma_wait3A_160 = tpu.memref_squeeze %dma_wait3A_159 : memref<1x1x100xi32, #tpu.memory_space<vmem>> -> memref<100xi32, #tpu.memory_space<vmem>>
    %dma_wait3A_161 = arith.constant 0 : i32
    %dma_wait3A_162 = arith.constant 0 : i32
    %dma_wait3A_163 = tpu.memref_slice %arg3[%dma_wait3A_161, %dma_wait3A_162] : memref<1000000x64xf32, #tpu.memory_space<hbm>> -> memref<1000000x64xf32, #tpu.memory_space<hbm>>
    tpu.wait_indirect_dma semaphore(%arg9 : memref<!tpu.dma_semaphore, #tpu.memory_space<semaphore_mem>>) src(%dma_wait3A_163 : memref<1000000x64xf32, #tpu.memory_space<hbm>>) dst(%dma_wait3A_157 : memref<100x64xf32, #tpu.memory_space<vmem>>)
    %dma_wait3A_164 = arith.constant 2 : i32
    %dma_wait3A_165 = arith.constant 0 : i32
    %dma_wait3A_166 = arith.constant 2 : i32
    %dma_wait3A_167 = arith.constant 20 : i32
    %dma_wait3A_168 = arith.constant 0 : i32
    %dma_wait3A_169 = tpu.memref_slice %arg7[%dma_wait3A_166, %dma_wait3A_167, %dma_wait3A_168] : memref<4x220x64xf32, #tpu.memory_space<vmem>> -> memref<1x100x64xf32, #tpu.memory_space<vmem>>
    %dma_wait3A_170 = tpu.memref_squeeze %dma_wait3A_169 : memref<1x100x64xf32, #tpu.memory_space<vmem>> -> memref<100x64xf32, #tpu.memory_space<vmem>>
    %dma_wait3A_171 = arith.constant 0 : i32
    %dma_wait3A_172 = tpu.memref_slice %arg6[%dma_wait3A_164, %dma_wait3A_165, %dma_wait3A_171] : memref<32x2x100xi32, #tpu.memory_space<vmem>> -> memref<1x1x100xi32, #tpu.memory_space<vmem>>
    %dma_wait3A_173 = tpu.memref_squeeze %dma_wait3A_172 : memref<1x1x100xi32, #tpu.memory_space<vmem>> -> memref<100xi32, #tpu.memory_space<vmem>>
    %dma_wait3A_174 = arith.constant 0 : i32
    %dma_wait3A_175 = arith.constant 0 : i32
    %dma_wait3A_176 = tpu.memref_slice %arg3[%dma_wait3A_174, %dma_wait3A_175] : memref<1000000x64xf32, #tpu.memory_space<hbm>> -> memref<1000000x64xf32, #tpu.memory_space<hbm>>
    tpu.wait_indirect_dma semaphore(%arg9 : memref<!tpu.dma_semaphore, #tpu.memory_space<semaphore_mem>>) src(%dma_wait3A_176 : memref<1000000x64xf32, #tpu.memory_space<hbm>>) dst(%dma_wait3A_170 : memref<100x64xf32, #tpu.memory_space<vmem>>)
    %dma_wait3A_177 = arith.constant 2 : i32
    %dma_wait3A_178 = arith.constant 1 : i32
    %dma_wait3A_179 = arith.constant 2 : i32
    %dma_wait3A_180 = arith.constant 120 : i32
    %dma_wait3A_181 = arith.constant 0 : i32
    %dma_wait3A_182 = tpu.memref_slice %arg7[%dma_wait3A_179, %dma_wait3A_180, %dma_wait3A_181] : memref<4x220x64xf32, #tpu.memory_space<vmem>> -> memref<1x100x64xf32, #tpu.memory_space<vmem>>
    %dma_wait3A_183 = tpu.memref_squeeze %dma_wait3A_182 : memref<1x100x64xf32, #tpu.memory_space<vmem>> -> memref<100x64xf32, #tpu.memory_space<vmem>>
    %dma_wait3A_184 = arith.constant 0 : i32
    %dma_wait3A_185 = tpu.memref_slice %arg6[%dma_wait3A_177, %dma_wait3A_178, %dma_wait3A_184] : memref<32x2x100xi32, #tpu.memory_space<vmem>> -> memref<1x1x100xi32, #tpu.memory_space<vmem>>
    %dma_wait3A_186 = tpu.memref_squeeze %dma_wait3A_185 : memref<1x1x100xi32, #tpu.memory_space<vmem>> -> memref<100xi32, #tpu.memory_space<vmem>>
    %dma_wait3A_187 = arith.constant 0 : i32
    %dma_wait3A_188 = arith.constant 0 : i32
    %dma_wait3A_189 = tpu.memref_slice %arg3[%dma_wait3A_187, %dma_wait3A_188] : memref<1000000x64xf32, #tpu.memory_space<hbm>> -> memref<1000000x64xf32, #tpu.memory_space<hbm>>
    tpu.wait_indirect_dma semaphore(%arg9 : memref<!tpu.dma_semaphore, #tpu.memory_space<semaphore_mem>>) src(%dma_wait3A_189 : memref<1000000x64xf32, #tpu.memory_space<hbm>>) dst(%dma_wait3A_183 : memref<100x64xf32, #tpu.memory_space<vmem>>)
    %dma_wait3A_190 = arith.constant 3 : i32
    %dma_wait3A_191 = arith.constant 0 : i32
    %dma_wait3A_192 = arith.constant 3 : i32
    %dma_wait3A_193 = arith.constant 20 : i32
    %dma_wait3A_194 = arith.constant 0 : i32
    %dma_wait3A_195 = tpu.memref_slice %arg7[%dma_wait3A_192, %dma_wait3A_193, %dma_wait3A_194] : memref<4x220x64xf32, #tpu.memory_space<vmem>> -> memref<1x100x64xf32, #tpu.memory_space<vmem>>
    %dma_wait3A_196 = tpu.memref_squeeze %dma_wait3A_195 : memref<1x100x64xf32, #tpu.memory_space<vmem>> -> memref<100x64xf32, #tpu.memory_space<vmem>>
    %dma_wait3A_197 = arith.constant 0 : i32
    %dma_wait3A_198 = tpu.memref_slice %arg6[%dma_wait3A_190, %dma_wait3A_191, %dma_wait3A_197] : memref<32x2x100xi32, #tpu.memory_space<vmem>> -> memref<1x1x100xi32, #tpu.memory_space<vmem>>
    %dma_wait3A_199 = tpu.memref_squeeze %dma_wait3A_198 : memref<1x1x100xi32, #tpu.memory_space<vmem>> -> memref<100xi32, #tpu.memory_space<vmem>>
    %dma_wait3A_200 = arith.constant 0 : i32
    %dma_wait3A_201 = arith.constant 0 : i32
    %dma_wait3A_202 = tpu.memref_slice %arg3[%dma_wait3A_200, %dma_wait3A_201] : memref<1000000x64xf32, #tpu.memory_space<hbm>> -> memref<1000000x64xf32, #tpu.memory_space<hbm>>
    tpu.wait_indirect_dma semaphore(%arg9 : memref<!tpu.dma_semaphore, #tpu.memory_space<semaphore_mem>>) src(%dma_wait3A_202 : memref<1000000x64xf32, #tpu.memory_space<hbm>>) dst(%dma_wait3A_196 : memref<100x64xf32, #tpu.memory_space<vmem>>)
    %dma_wait3A_203 = arith.constant 3 : i32
    %dma_wait3A_204 = arith.constant 1 : i32
    %dma_wait3A_205 = arith.constant 3 : i32
    %dma_wait3A_206 = arith.constant 120 : i32
    %dma_wait3A_207 = arith.constant 0 : i32
    %dma_wait3A_208 = tpu.memref_slice %arg7[%dma_wait3A_205, %dma_wait3A_206, %dma_wait3A_207] : memref<4x220x64xf32, #tpu.memory_space<vmem>> -> memref<1x100x64xf32, #tpu.memory_space<vmem>>
    %dma_wait3A_209 = tpu.memref_squeeze %dma_wait3A_208 : memref<1x100x64xf32, #tpu.memory_space<vmem>> -> memref<100x64xf32, #tpu.memory_space<vmem>>
    %dma_wait3A_210 = arith.constant 0 : i32
    %dma_wait3A_211 = tpu.memref_slice %arg6[%dma_wait3A_203, %dma_wait3A_204, %dma_wait3A_210] : memref<32x2x100xi32, #tpu.memory_space<vmem>> -> memref<1x1x100xi32, #tpu.memory_space<vmem>>
    %dma_wait3A_212 = tpu.memref_squeeze %dma_wait3A_211 : memref<1x1x100xi32, #tpu.memory_space<vmem>> -> memref<100xi32, #tpu.memory_space<vmem>>
    %dma_wait3A_213 = arith.constant 0 : i32
    %dma_wait3A_214 = arith.constant 0 : i32
    %dma_wait3A_215 = tpu.memref_slice %arg3[%dma_wait3A_213, %dma_wait3A_214] : memref<1000000x64xf32, #tpu.memory_space<hbm>> -> memref<1000000x64xf32, #tpu.memory_space<hbm>>
    tpu.wait_indirect_dma semaphore(%arg9 : memref<!tpu.dma_semaphore, #tpu.memory_space<semaphore_mem>>) src(%dma_wait3A_215 : memref<1000000x64xf32, #tpu.memory_space<hbm>>) dst(%dma_wait3A_209 : memref<100x64xf32, #tpu.memory_space<vmem>>)
    %add3A_216 = arith.constant 0 : i32
    %add3A_217 = arith.addi %mul3A_2, %add3A_216 : i32
    %dma_start3A_218 = arith.constant 0 : i32
    %dma_start3A_219 = arith.constant 0 : i32
    %dma_start3A_220 = tpu.memref_slice %arg5[%add3A_217, %dma_start3A_218, %dma_start3A_219] : memref<1024x220x64xf32, #tpu.memory_space<hbm>> -> memref<4x220x64xf32, #tpu.memory_space<hbm>>
    %dma_start3A_221 = arith.constant 0 : i32
    %dma_start3A_222 = arith.constant 0 : i32
    %dma_start3A_223 = tpu.memref_slice %arg5[%add3A_217, %dma_start3A_221, %dma_start3A_222] : memref<1024x220x64xf32, #tpu.memory_space<hbm>> -> memref<4x220x64xf32, #tpu.memory_space<hbm>>
    tpu.enqueue_dma source(%arg7 : memref<4x220x64xf32, #tpu.memory_space<vmem>>) target(%dma_start3A_223 : memref<4x220x64xf32, #tpu.memory_space<hbm>>) target_semaphore(%arg11 : memref<!tpu.dma_semaphore, #tpu.memory_space<semaphore_mem>>)
    %dma_start3A_224 = arith.constant 4 : i32
    %dma_start3A_225 = arith.constant 0 : i32
    %dma_start3A_226 = arith.constant 0 : i32
    %dma_start3A_227 = arith.constant 20 : i32
    %dma_start3A_228 = arith.constant 0 : i32
    %dma_start3A_229 = tpu.memref_slice %arg8[%dma_start3A_226, %dma_start3A_227, %dma_start3A_228] : memref<4x220x64xf32, #tpu.memory_space<vmem>> -> memref<1x100x64xf32, #tpu.memory_space<vmem>>
    %dma_start3A_230 = tpu.memref_squeeze %dma_start3A_229 : memref<1x100x64xf32, #tpu.memory_space<vmem>> -> memref<100x64xf32, #tpu.memory_space<vmem>>
    %dma_start3A_231 = arith.constant 0 : i32
    %dma_start3A_232 = tpu.memref_slice %arg6[%dma_start3A_224, %dma_start3A_225, %dma_start3A_231] : memref<32x2x100xi32, #tpu.memory_space<vmem>> -> memref<1x1x100xi32, #tpu.memory_space<vmem>>
    %dma_start3A_233 = tpu.memref_squeeze %dma_start3A_232 : memref<1x1x100xi32, #tpu.memory_space<vmem>> -> memref<100xi32, #tpu.memory_space<vmem>>
    %dma_start3A_234 = arith.constant 0 : i32
    %dma_start3A_235 = arith.constant 0 : i32
    %dma_start3A_236 = tpu.memref_slice %arg3[%dma_start3A_234, %dma_start3A_235] : memref<1000000x64xf32, #tpu.memory_space<hbm>> -> memref<1000000x64xf32, #tpu.memory_space<hbm>>
    tpu.enqueue_indirect_dma source(%dma_start3A_236 : memref<1000000x64xf32, #tpu.memory_space<hbm>>) target(%dma_start3A_230 : memref<100x64xf32, #tpu.memory_space<vmem>>) offsets(%dma_start3A_233 : memref<100xi32, #tpu.memory_space<vmem>>) semaphore(%arg10 : memref<!tpu.dma_semaphore, #tpu.memory_space<semaphore_mem>>)
    %dma_start3A_237 = arith.constant 4 : i32
    %dma_start3A_238 = arith.constant 1 : i32
    %dma_start3A_239 = arith.constant 0 : i32
    %dma_start3A_240 = arith.constant 120 : i32
    %dma_start3A_241 = arith.constant 0 : i32
    %dma_start3A_242 = tpu.memref_slice %arg8[%dma_start3A_239, %dma_start3A_240, %dma_start3A_241] : memref<4x220x64xf32, #tpu.memory_space<vmem>> -> memref<1x100x64xf32, #tpu.memory_space<vmem>>
    %dma_start3A_243 = tpu.memref_squeeze %dma_start3A_242 : memref<1x100x64xf32, #tpu.memory_space<vmem>> -> memref<100x64xf32, #tpu.memory_space<vmem>>
    %dma_start3A_244 = arith.constant 0 : i32
    %dma_start3A_245 = tpu.memref_slice %arg6[%dma_start3A_237, %dma_start3A_238, %dma_start3A_244] : memref<32x2x100xi32, #tpu.memory_space<vmem>> -> memref<1x1x100xi32, #tpu.memory_space<vmem>>
    %dma_start3A_246 = tpu.memref_squeeze %dma_start3A_245 : memref<1x1x100xi32, #tpu.memory_space<vmem>> -> memref<100xi32, #tpu.memory_space<vmem>>
    %dma_start3A_247 = arith.constant 0 : i32
    %dma_start3A_248 = arith.constant 0 : i32
    %dma_start3A_249 = tpu.memref_slice %arg3[%dma_start3A_247, %dma_start3A_248] : memref<1000000x64xf32, #tpu.memory_space<hbm>> -> memref<1000000x64xf32, #tpu.memory_space<hbm>>
    tpu.enqueue_indirect_dma source(%dma_start3A_249 : memref<1000000x64xf32, #tpu.memory_space<hbm>>) target(%dma_start3A_243 : memref<100x64xf32, #tpu.memory_space<vmem>>) offsets(%dma_start3A_246 : memref<100xi32, #tpu.memory_space<vmem>>) semaphore(%arg10 : memref<!tpu.dma_semaphore, #tpu.memory_space<semaphore_mem>>)
    %dma_start3A_250 = arith.constant 5 : i32
    %dma_start3A_251 = arith.constant 0 : i32
    %dma_start3A_252 = arith.constant 1 : i32
    %dma_start3A_253 = arith.constant 20 : i32
    %dma_start3A_254 = arith.constant 0 : i32
    %dma_start3A_255 = tpu.memref_slice %arg8[%dma_start3A_252, %dma_start3A_253, %dma_start3A_254] : memref<4x220x64xf32, #tpu.memory_space<vmem>> -> memref<1x100x64xf32, #tpu.memory_space<vmem>>
    %dma_start3A_256 = tpu.memref_squeeze %dma_start3A_255 : memref<1x100x64xf32, #tpu.memory_space<vmem>> -> memref<100x64xf32, #tpu.memory_space<vmem>>
    %dma_start3A_257 = arith.constant 0 : i32
    %dma_start3A_258 = tpu.memref_slice %arg6[%dma_start3A_250, %dma_start3A_251, %dma_start3A_257] : memref<32x2x100xi32, #tpu.memory_space<vmem>> -> memref<1x1x100xi32, #tpu.memory_space<vmem>>
    %dma_start3A_259 = tpu.memref_squeeze %dma_start3A_258 : memref<1x1x100xi32, #tpu.memory_space<vmem>> -> memref<100xi32, #tpu.memory_space<vmem>>
    %dma_start3A_260 = arith.constant 0 : i32
    %dma_start3A_261 = arith.constant 0 : i32
    %dma_start3A_262 = tpu.memref_slice %arg3[%dma_start3A_260, %dma_start3A_261] : memref<1000000x64xf32, #tpu.memory_space<hbm>> -> memref<1000000x64xf32, #tpu.memory_space<hbm>>
    tpu.enqueue_indirect_dma source(%dma_start3A_262 : memref<1000000x64xf32, #tpu.memory_space<hbm>>) target(%dma_start3A_256 : memref<100x64xf32, #tpu.memory_space<vmem>>) offsets(%dma_start3A_259 : memref<100xi32, #tpu.memory_space<vmem>>) semaphore(%arg10 : memref<!tpu.dma_semaphore, #tpu.memory_space<semaphore_mem>>)
    %dma_start3A_263 = arith.constant 5 : i32
    %dma_start3A_264 = arith.constant 1 : i32
    %dma_start3A_265 = arith.constant 1 : i32
    %dma_start3A_266 = arith.constant 120 : i32
    %dma_start3A_267 = arith.constant 0 : i32
    %dma_start3A_268 = tpu.memref_slice %arg8[%dma_start3A_265, %dma_start3A_266, %dma_start3A_267] : memref<4x220x64xf32, #tpu.memory_space<vmem>> -> memref<1x100x64xf32, #tpu.memory_space<vmem>>
    %dma_start3A_269 = tpu.memref_squeeze %dma_start3A_268 : memref<1x100x64xf32, #tpu.memory_space<vmem>> -> memref<100x64xf32, #tpu.memory_space<vmem>>
    %dma_start3A_270 = arith.constant 0 : i32
    %dma_start3A_271 = tpu.memref_slice %arg6[%dma_start3A_263, %dma_start3A_264, %dma_start3A_270] : memref<32x2x100xi32, #tpu.memory_space<vmem>> -> memref<1x1x100xi32, #tpu.memory_space<vmem>>
    %dma_start3A_272 = tpu.memref_squeeze %dma_start3A_271 : memref<1x1x100xi32, #tpu.memory_space<vmem>> -> memref<100xi32, #tpu.memory_space<vmem>>
    %dma_start3A_273 = arith.constant 0 : i32
    %dma_start3A_274 = arith.constant 0 : i32
    %dma_start3A_275 = tpu.memref_slice %arg3[%dma_start3A_273, %dma_start3A_274] : memref<1000000x64xf32, #tpu.memory_space<hbm>> -> memref<1000000x64xf32, #tpu.memory_space<hbm>>
    tpu.enqueue_indirect_dma source(%dma_start3A_275 : memref<1000000x64xf32, #tpu.memory_space<hbm>>) target(%dma_start3A_269 : memref<100x64xf32, #tpu.memory_space<vmem>>) offsets(%dma_start3A_272 : memref<100xi32, #tpu.memory_space<vmem>>) semaphore(%arg10 : memref<!tpu.dma_semaphore, #tpu.memory_space<semaphore_mem>>)
    %dma_start3A_276 = arith.constant 6 : i32
    %dma_start3A_277 = arith.constant 0 : i32
    %dma_start3A_278 = arith.constant 2 : i32
    %dma_start3A_279 = arith.constant 20 : i32
    %dma_start3A_280 = arith.constant 0 : i32
    %dma_start3A_281 = tpu.memref_slice %arg8[%dma_start3A_278, %dma_start3A_279, %dma_start3A_280] : memref<4x220x64xf32, #tpu.memory_space<vmem>> -> memref<1x100x64xf32, #tpu.memory_space<vmem>>
    %dma_start3A_282 = tpu.memref_squeeze %dma_start3A_281 : memref<1x100x64xf32, #tpu.memory_space<vmem>> -> memref<100x64xf32, #tpu.memory_space<vmem>>
    %dma_start3A_283 = arith.constant 0 : i32
    %dma_start3A_284 = tpu.memref_slice %arg6[%dma_start3A_276, %dma_start3A_277, %dma_start3A_283] : memref<32x2x100xi32, #tpu.memory_space<vmem>> -> memref<1x1x100xi32, #tpu.memory_space<vmem>>
    %dma_start3A_285 = tpu.memref_squeeze %dma_start3A_284 : memref<1x1x100xi32, #tpu.memory_space<vmem>> -> memref<100xi32, #tpu.memory_space<vmem>>
    %dma_start3A_286 = arith.constant 0 : i32
    %dma_start3A_287 = arith.constant 0 : i32
    %dma_start3A_288 = tpu.memref_slice %arg3[%dma_start3A_286, %dma_start3A_287] : memref<1000000x64xf32, #tpu.memory_space<hbm>> -> memref<1000000x64xf32, #tpu.memory_space<hbm>>
    tpu.enqueue_indirect_dma source(%dma_start3A_288 : memref<1000000x64xf32, #tpu.memory_space<hbm>>) target(%dma_start3A_282 : memref<100x64xf32, #tpu.memory_space<vmem>>) offsets(%dma_start3A_285 : memref<100xi32, #tpu.memory_space<vmem>>) semaphore(%arg10 : memref<!tpu.dma_semaphore, #tpu.memory_space<semaphore_mem>>)
    %dma_start3A_289 = arith.constant 6 : i32
    %dma_start3A_290 = arith.constant 1 : i32
    %dma_start3A_291 = arith.constant 2 : i32
    %dma_start3A_292 = arith.constant 120 : i32
    %dma_start3A_293 = arith.constant 0 : i32
    %dma_start3A_294 = tpu.memref_slice %arg8[%dma_start3A_291, %dma_start3A_292, %dma_start3A_293] : memref<4x220x64xf32, #tpu.memory_space<vmem>> -> memref<1x100x64xf32, #tpu.memory_space<vmem>>
    %dma_start3A_295 = tpu.memref_squeeze %dma_start3A_294 : memref<1x100x64xf32, #tpu.memory_space<vmem>> -> memref<100x64xf32, #tpu.memory_space<vmem>>
    %dma_start3A_296 = arith.constant 0 : i32
    %dma_start3A_297 = tpu.memref_slice %arg6[%dma_start3A_289, %dma_start3A_290, %dma_start3A_296] : memref<32x2x100xi32, #tpu.memory_space<vmem>> -> memref<1x1x100xi32, #tpu.memory_space<vmem>>
    %dma_start3A_298 = tpu.memref_squeeze %dma_start3A_297 : memref<1x1x100xi32, #tpu.memory_space<vmem>> -> memref<100xi32, #tpu.memory_space<vmem>>
    %dma_start3A_299 = arith.constant 0 : i32
    %dma_start3A_300 = arith.constant 0 : i32
    %dma_start3A_301 = tpu.memref_slice %arg3[%dma_start3A_299, %dma_start3A_300] : memref<1000000x64xf32, #tpu.memory_space<hbm>> -> memref<1000000x64xf32, #tpu.memory_space<hbm>>
    tpu.enqueue_indirect_dma source(%dma_start3A_301 : memref<1000000x64xf32, #tpu.memory_space<hbm>>) target(%dma_start3A_295 : memref<100x64xf32, #tpu.memory_space<vmem>>) offsets(%dma_start3A_298 : memref<100xi32, #tpu.memory_space<vmem>>) semaphore(%arg10 : memref<!tpu.dma_semaphore, #tpu.memory_space<semaphore_mem>>)
    %dma_start3A_302 = arith.constant 7 : i32
    %dma_start3A_303 = arith.constant 0 : i32
    %dma_start3A_304 = arith.constant 3 : i32
    %dma_start3A_305 = arith.constant 20 : i32
    %dma_start3A_306 = arith.constant 0 : i32
    %dma_start3A_307 = tpu.memref_slice %arg8[%dma_start3A_304, %dma_start3A_305, %dma_start3A_306] : memref<4x220x64xf32, #tpu.memory_space<vmem>> -> memref<1x100x64xf32, #tpu.memory_space<vmem>>
    %dma_start3A_308 = tpu.memref_squeeze %dma_start3A_307 : memref<1x100x64xf32, #tpu.memory_space<vmem>> -> memref<100x64xf32, #tpu.memory_space<vmem>>
    %dma_start3A_309 = arith.constant 0 : i32
    %dma_start3A_310 = tpu.memref_slice %arg6[%dma_start3A_302, %dma_start3A_303, %dma_start3A_309] : memref<32x2x100xi32, #tpu.memory_space<vmem>> -> memref<1x1x100xi32, #tpu.memory_space<vmem>>
    %dma_start3A_311 = tpu.memref_squeeze %dma_start3A_310 : memref<1x1x100xi32, #tpu.memory_space<vmem>> -> memref<100xi32, #tpu.memory_space<vmem>>
    %dma_start3A_312 = arith.constant 0 : i32
    %dma_start3A_313 = arith.constant 0 : i32
    %dma_start3A_314 = tpu.memref_slice %arg3[%dma_start3A_312, %dma_start3A_313] : memref<1000000x64xf32, #tpu.memory_space<hbm>> -> memref<1000000x64xf32, #tpu.memory_space<hbm>>
    tpu.enqueue_indirect_dma source(%dma_start3A_314 : memref<1000000x64xf32, #tpu.memory_space<hbm>>) target(%dma_start3A_308 : memref<100x64xf32, #tpu.memory_space<vmem>>) offsets(%dma_start3A_311 : memref<100xi32, #tpu.memory_space<vmem>>) semaphore(%arg10 : memref<!tpu.dma_semaphore, #tpu.memory_space<semaphore_mem>>)
    %dma_start3A_315 = arith.constant 7 : i32
    %dma_start3A_316 = arith.constant 1 : i32
    %dma_start3A_317 = arith.constant 3 : i32
    %dma_start3A_318 = arith.constant 120 : i32
    %dma_start3A_319 = arith.constant 0 : i32
    %dma_start3A_320 = tpu.memref_slice %arg8[%dma_start3A_317, %dma_start3A_318, %dma_start3A_319] : memref<4x220x64xf32, #tpu.memory_space<vmem>> -> memref<1x100x64xf32, #tpu.memory_space<vmem>>
    %dma_start3A_321 = tpu.memref_squeeze %dma_start3A_320 : memref<1x100x64xf32, #tpu.memory_space<vmem>> -> memref<100x64xf32, #tpu.memory_space<vmem>>
    %dma_start3A_322 = arith.constant 0 : i32
    %dma_start3A_323 = tpu.memref_slice %arg6[%dma_start3A_315, %dma_start3A_316, %dma_start3A_322] : memref<32x2x100xi32, #tpu.memory_space<vmem>> -> memref<1x1x100xi32, #tpu.memory_space<vmem>>
    %dma_start3A_324 = tpu.memref_squeeze %dma_start3A_323 : memref<1x1x100xi32, #tpu.memory_space<vmem>> -> memref<100xi32, #tpu.memory_space<vmem>>
    %dma_start3A_325 = arith.constant 0 : i32
    %dma_start3A_326 = arith.constant 0 : i32
    %dma_start3A_327 = tpu.memref_slice %arg3[%dma_start3A_325, %dma_start3A_326] : memref<1000000x64xf32, #tpu.memory_space<hbm>> -> memref<1000000x64xf32, #tpu.memory_space<hbm>>
    tpu.enqueue_indirect_dma source(%dma_start3A_327 : memref<1000000x64xf32, #tpu.memory_space<hbm>>) target(%dma_start3A_321 : memref<100x64xf32, #tpu.memory_space<vmem>>) offsets(%dma_start3A_324 : memref<100xi32, #tpu.memory_space<vmem>>) semaphore(%arg10 : memref<!tpu.dma_semaphore, #tpu.memory_space<semaphore_mem>>)
    %dma_wait3A_328 = arith.constant 4 : i32
    %dma_wait3A_329 = arith.constant 0 : i32
    %dma_wait3A_330 = arith.constant 0 : i32
    %dma_wait3A_331 = arith.constant 20 : i32
    %dma_wait3A_332 = arith.constant 0 : i32
    %dma_wait3A_333 = tpu.memref_slice %arg8[%dma_wait3A_330, %dma_wait3A_331, %dma_wait3A_332] : memref<4x220x64xf32, #tpu.memory_space<vmem>> -> memref<1x100x64xf32, #tpu.memory_space<vmem>>
    %dma_wait3A_334 = tpu.memref_squeeze %dma_wait3A_333 : memref<1x100x64xf32, #tpu.memory_space<vmem>> -> memref<100x64xf32, #tpu.memory_space<vmem>>
    %dma_wait3A_335 = arith.constant 0 : i32
    %dma_wait3A_336 = tpu.memref_slice %arg6[%dma_wait3A_328, %dma_wait3A_329, %dma_wait3A_335] : memref<32x2x100xi32, #tpu.memory_space<vmem>> -> memref<1x1x100xi32, #tpu.memory_space<vmem>>
    %dma_wait3A_337 = tpu.memref_squeeze %dma_wait3A_336 : memref<1x1x100xi32, #tpu.memory_space<vmem>> -> memref<100xi32, #tpu.memory_space<vmem>>
    %dma_wait3A_338 = arith.constant 0 : i32
    %dma_wait3A_339 = arith.constant 0 : i32
    %dma_wait3A_340 = tpu.memref_slice %arg3[%dma_wait3A_338, %dma_wait3A_339] : memref<1000000x64xf32, #tpu.memory_space<hbm>> -> memref<1000000x64xf32, #tpu.memory_space<hbm>>
    tpu.wait_indirect_dma semaphore(%arg10 : memref<!tpu.dma_semaphore, #tpu.memory_space<semaphore_mem>>) src(%dma_wait3A_340 : memref<1000000x64xf32, #tpu.memory_space<hbm>>) dst(%dma_wait3A_334 : memref<100x64xf32, #tpu.memory_space<vmem>>)
    %dma_wait3A_341 = arith.constant 4 : i32
    %dma_wait3A_342 = arith.constant 1 : i32
    %dma_wait3A_343 = arith.constant 0 : i32
    %dma_wait3A_344 = arith.constant 120 : i32
    %dma_wait3A_345 = arith.constant 0 : i32
    %dma_wait3A_346 = tpu.memref_slice %arg8[%dma_wait3A_343, %dma_wait3A_344, %dma_wait3A_345] : memref<4x220x64xf32, #tpu.memory_space<vmem>> -> memref<1x100x64xf32, #tpu.memory_space<vmem>>
    %dma_wait3A_347 = tpu.memref_squeeze %dma_wait3A_346 : memref<1x100x64xf32, #tpu.memory_space<vmem>> -> memref<100x64xf32, #tpu.memory_space<vmem>>
    %dma_wait3A_348 = arith.constant 0 : i32
    %dma_wait3A_349 = tpu.memref_slice %arg6[%dma_wait3A_341, %dma_wait3A_342, %dma_wait3A_348] : memref<32x2x100xi32, #tpu.memory_space<vmem>> -> memref<1x1x100xi32, #tpu.memory_space<vmem>>
    %dma_wait3A_350 = tpu.memref_squeeze %dma_wait3A_349 : memref<1x1x100xi32, #tpu.memory_space<vmem>> -> memref<100xi32, #tpu.memory_space<vmem>>
    %dma_wait3A_351 = arith.constant 0 : i32
    %dma_wait3A_352 = arith.constant 0 : i32
    %dma_wait3A_353 = tpu.memref_slice %arg3[%dma_wait3A_351, %dma_wait3A_352] : memref<1000000x64xf32, #tpu.memory_space<hbm>> -> memref<1000000x64xf32, #tpu.memory_space<hbm>>
    tpu.wait_indirect_dma semaphore(%arg10 : memref<!tpu.dma_semaphore, #tpu.memory_space<semaphore_mem>>) src(%dma_wait3A_353 : memref<1000000x64xf32, #tpu.memory_space<hbm>>) dst(%dma_wait3A_347 : memref<100x64xf32, #tpu.memory_space<vmem>>)
    %dma_wait3A_354 = arith.constant 5 : i32
    %dma_wait3A_355 = arith.constant 0 : i32
    %dma_wait3A_356 = arith.constant 1 : i32
    %dma_wait3A_357 = arith.constant 20 : i32
    %dma_wait3A_358 = arith.constant 0 : i32
    %dma_wait3A_359 = tpu.memref_slice %arg8[%dma_wait3A_356, %dma_wait3A_357, %dma_wait3A_358] : memref<4x220x64xf32, #tpu.memory_space<vmem>> -> memref<1x100x64xf32, #tpu.memory_space<vmem>>
    %dma_wait3A_360 = tpu.memref_squeeze %dma_wait3A_359 : memref<1x100x64xf32, #tpu.memory_space<vmem>> -> memref<100x64xf32, #tpu.memory_space<vmem>>
    %dma_wait3A_361 = arith.constant 0 : i32
    %dma_wait3A_362 = tpu.memref_slice %arg6[%dma_wait3A_354, %dma_wait3A_355, %dma_wait3A_361] : memref<32x2x100xi32, #tpu.memory_space<vmem>> -> memref<1x1x100xi32, #tpu.memory_space<vmem>>
    %dma_wait3A_363 = tpu.memref_squeeze %dma_wait3A_362 : memref<1x1x100xi32, #tpu.memory_space<vmem>> -> memref<100xi32, #tpu.memory_space<vmem>>
    %dma_wait3A_364 = arith.constant 0 : i32
    %dma_wait3A_365 = arith.constant 0 : i32
    %dma_wait3A_366 = tpu.memref_slice %arg3[%dma_wait3A_364, %dma_wait3A_365] : memref<1000000x64xf32, #tpu.memory_space<hbm>> -> memref<1000000x64xf32, #tpu.memory_space<hbm>>
    tpu.wait_indirect_dma semaphore(%arg10 : memref<!tpu.dma_semaphore, #tpu.memory_space<semaphore_mem>>) src(%dma_wait3A_366 : memref<1000000x64xf32, #tpu.memory_space<hbm>>) dst(%dma_wait3A_360 : memref<100x64xf32, #tpu.memory_space<vmem>>)
    %dma_wait3A_367 = arith.constant 5 : i32
    %dma_wait3A_368 = arith.constant 1 : i32
    %dma_wait3A_369 = arith.constant 1 : i32
    %dma_wait3A_370 = arith.constant 120 : i32
    %dma_wait3A_371 = arith.constant 0 : i32
    %dma_wait3A_372 = tpu.memref_slice %arg8[%dma_wait3A_369, %dma_wait3A_370, %dma_wait3A_371] : memref<4x220x64xf32, #tpu.memory_space<vmem>> -> memref<1x100x64xf32, #tpu.memory_space<vmem>>
    %dma_wait3A_373 = tpu.memref_squeeze %dma_wait3A_372 : memref<1x100x64xf32, #tpu.memory_space<vmem>> -> memref<100x64xf32, #tpu.memory_space<vmem>>
    %dma_wait3A_374 = arith.constant 0 : i32
    %dma_wait3A_375 = tpu.memref_slice %arg6[%dma_wait3A_367, %dma_wait3A_368, %dma_wait3A_374] : memref<32x2x100xi32, #tpu.memory_space<vmem>> -> memref<1x1x100xi32, #tpu.memory_space<vmem>>
    %dma_wait3A_376 = tpu.memref_squeeze %dma_wait3A_375 : memref<1x1x100xi32, #tpu.memory_space<vmem>> -> memref<100xi32, #tpu.memory_space<vmem>>
    %dma_wait3A_377 = arith.constant 0 : i32
    %dma_wait3A_378 = arith.constant 0 : i32
    %dma_wait3A_379 = tpu.memref_slice %arg3[%dma_wait3A_377, %dma_wait3A_378] : memref<1000000x64xf32, #tpu.memory_space<hbm>> -> memref<1000000x64xf32, #tpu.memory_space<hbm>>
    tpu.wait_indirect_dma semaphore(%arg10 : memref<!tpu.dma_semaphore, #tpu.memory_space<semaphore_mem>>) src(%dma_wait3A_379 : memref<1000000x64xf32, #tpu.memory_space<hbm>>) dst(%dma_wait3A_373 : memref<100x64xf32, #tpu.memory_space<vmem>>)
    %dma_wait3A_380 = arith.constant 6 : i32
    %dma_wait3A_381 = arith.constant 0 : i32
    %dma_wait3A_382 = arith.constant 2 : i32
    %dma_wait3A_383 = arith.constant 20 : i32
    %dma_wait3A_384 = arith.constant 0 : i32
    %dma_wait3A_385 = tpu.memref_slice %arg8[%dma_wait3A_382, %dma_wait3A_383, %dma_wait3A_384] : memref<4x220x64xf32, #tpu.memory_space<vmem>> -> memref<1x100x64xf32, #tpu.memory_space<vmem>>
    %dma_wait3A_386 = tpu.memref_squeeze %dma_wait3A_385 : memref<1x100x64xf32, #tpu.memory_space<vmem>> -> memref<100x64xf32, #tpu.memory_space<vmem>>
    %dma_wait3A_387 = arith.constant 0 : i32
    %dma_wait3A_388 = tpu.memref_slice %arg6[%dma_wait3A_380, %dma_wait3A_381, %dma_wait3A_387] : memref<32x2x100xi32, #tpu.memory_space<vmem>> -> memref<1x1x100xi32, #tpu.memory_space<vmem>>
    %dma_wait3A_389 = tpu.memref_squeeze %dma_wait3A_388 : memref<1x1x100xi32, #tpu.memory_space<vmem>> -> memref<100xi32, #tpu.memory_space<vmem>>
    %dma_wait3A_390 = arith.constant 0 : i32
    %dma_wait3A_391 = arith.constant 0 : i32
    %dma_wait3A_392 = tpu.memref_slice %arg3[%dma_wait3A_390, %dma_wait3A_391] : memref<1000000x64xf32, #tpu.memory_space<hbm>> -> memref<1000000x64xf32, #tpu.memory_space<hbm>>
    tpu.wait_indirect_dma semaphore(%arg10 : memref<!tpu.dma_semaphore, #tpu.memory_space<semaphore_mem>>) src(%dma_wait3A_392 : memref<1000000x64xf32, #tpu.memory_space<hbm>>) dst(%dma_wait3A_386 : memref<100x64xf32, #tpu.memory_space<vmem>>)
    %dma_wait3A_393 = arith.constant 6 : i32
    %dma_wait3A_394 = arith.constant 1 : i32
    %dma_wait3A_395 = arith.constant 2 : i32
    %dma_wait3A_396 = arith.constant 120 : i32
    %dma_wait3A_397 = arith.constant 0 : i32
    %dma_wait3A_398 = tpu.memref_slice %arg8[%dma_wait3A_395, %dma_wait3A_396, %dma_wait3A_397] : memref<4x220x64xf32, #tpu.memory_space<vmem>> -> memref<1x100x64xf32, #tpu.memory_space<vmem>>
    %dma_wait3A_399 = tpu.memref_squeeze %dma_wait3A_398 : memref<1x100x64xf32, #tpu.memory_space<vmem>> -> memref<100x64xf32, #tpu.memory_space<vmem>>
    %dma_wait3A_400 = arith.constant 0 : i32
    %dma_wait3A_401 = tpu.memref_slice %arg6[%dma_wait3A_393, %dma_wait3A_394, %dma_wait3A_400] : memref<32x2x100xi32, #tpu.memory_space<vmem>> -> memref<1x1x100xi32, #tpu.memory_space<vmem>>
    %dma_wait3A_402 = tpu.memref_squeeze %dma_wait3A_401 : memref<1x1x100xi32, #tpu.memory_space<vmem>> -> memref<100xi32, #tpu.memory_space<vmem>>
    %dma_wait3A_403 = arith.constant 0 : i32
    %dma_wait3A_404 = arith.constant 0 : i32
    %dma_wait3A_405 = tpu.memref_slice %arg3[%dma_wait3A_403, %dma_wait3A_404] : memref<1000000x64xf32, #tpu.memory_space<hbm>> -> memref<1000000x64xf32, #tpu.memory_space<hbm>>
    tpu.wait_indirect_dma semaphore(%arg10 : memref<!tpu.dma_semaphore, #tpu.memory_space<semaphore_mem>>) src(%dma_wait3A_405 : memref<1000000x64xf32, #tpu.memory_space<hbm>>) dst(%dma_wait3A_399 : memref<100x64xf32, #tpu.memory_space<vmem>>)
    %dma_wait3A_406 = arith.constant 7 : i32
    %dma_wait3A_407 = arith.constant 0 : i32
    %dma_wait3A_408 = arith.constant 3 : i32
    %dma_wait3A_409 = arith.constant 20 : i32
    %dma_wait3A_410 = arith.constant 0 : i32
    %dma_wait3A_411 = tpu.memref_slice %arg8[%dma_wait3A_408, %dma_wait3A_409, %dma_wait3A_410] : memref<4x220x64xf32, #tpu.memory_space<vmem>> -> memref<1x100x64xf32, #tpu.memory_space<vmem>>
    %dma_wait3A_412 = tpu.memref_squeeze %dma_wait3A_411 : memref<1x100x64xf32, #tpu.memory_space<vmem>> -> memref<100x64xf32, #tpu.memory_space<vmem>>
    %dma_wait3A_413 = arith.constant 0 : i32
    %dma_wait3A_414 = tpu.memref_slice %arg6[%dma_wait3A_406, %dma_wait3A_407, %dma_wait3A_413] : memref<32x2x100xi32, #tpu.memory_space<vmem>> -> memref<1x1x100xi32, #tpu.memory_space<vmem>>
    %dma_wait3A_415 = tpu.memref_squeeze %dma_wait3A_414 : memref<1x1x100xi32, #tpu.memory_space<vmem>> -> memref<100xi32, #tpu.memory_space<vmem>>
    %dma_wait3A_416 = arith.constant 0 : i32
    %dma_wait3A_417 = arith.constant 0 : i32
    %dma_wait3A_418 = tpu.memref_slice %arg3[%dma_wait3A_416, %dma_wait3A_417] : memref<1000000x64xf32, #tpu.memory_space<hbm>> -> memref<1000000x64xf32, #tpu.memory_space<hbm>>
    tpu.wait_indirect_dma semaphore(%arg10 : memref<!tpu.dma_semaphore, #tpu.memory_space<semaphore_mem>>) src(%dma_wait3A_418 : memref<1000000x64xf32, #tpu.memory_space<hbm>>) dst(%dma_wait3A_412 : memref<100x64xf32, #tpu.memory_space<vmem>>)
    %dma_wait3A_419 = arith.constant 7 : i32
    %dma_wait3A_420 = arith.constant 1 : i32
    %dma_wait3A_421 = arith.constant 3 : i32
    %dma_wait3A_422 = arith.constant 120 : i32
    %dma_wait3A_423 = arith.constant 0 : i32
    %dma_wait3A_424 = tpu.memref_slice %arg8[%dma_wait3A_421, %dma_wait3A_422, %dma_wait3A_423] : memref<4x220x64xf32, #tpu.memory_space<vmem>> -> memref<1x100x64xf32, #tpu.memory_space<vmem>>
    %dma_wait3A_425 = tpu.memref_squeeze %dma_wait3A_424 : memref<1x100x64xf32, #tpu.memory_space<vmem>> -> memref<100x64xf32, #tpu.memory_space<vmem>>
    %dma_wait3A_426 = arith.constant 0 : i32
    %dma_wait3A_427 = tpu.memref_slice %arg6[%dma_wait3A_419, %dma_wait3A_420, %dma_wait3A_426] : memref<32x2x100xi32, #tpu.memory_space<vmem>> -> memref<1x1x100xi32, #tpu.memory_space<vmem>>
    %dma_wait3A_428 = tpu.memref_squeeze %dma_wait3A_427 : memref<1x1x100xi32, #tpu.memory_space<vmem>> -> memref<100xi32, #tpu.memory_space<vmem>>
    %dma_wait3A_429 = arith.constant 0 : i32
    %dma_wait3A_430 = arith.constant 0 : i32
    %dma_wait3A_431 = tpu.memref_slice %arg3[%dma_wait3A_429, %dma_wait3A_430] : memref<1000000x64xf32, #tpu.memory_space<hbm>> -> memref<1000000x64xf32, #tpu.memory_space<hbm>>
    tpu.wait_indirect_dma semaphore(%arg10 : memref<!tpu.dma_semaphore, #tpu.memory_space<semaphore_mem>>) src(%dma_wait3A_431 : memref<1000000x64xf32, #tpu.memory_space<hbm>>) dst(%dma_wait3A_425 : memref<100x64xf32, #tpu.memory_space<vmem>>)
    %add3A_432 = arith.constant 4 : i32
    %add3A_433 = arith.addi %mul3A_2, %add3A_432 : i32
    %dma_start3A_434 = arith.constant 0 : i32
    %dma_start3A_435 = arith.constant 0 : i32
    %dma_start3A_436 = tpu.memref_slice %arg5[%add3A_433, %dma_start3A_434, %dma_start3A_435] : memref<1024x220x64xf32, #tpu.memory_space<hbm>> -> memref<4x220x64xf32, #tpu.memory_space<hbm>>
    %dma_start3A_437 = arith.constant 0 : i32
    %dma_start3A_438 = arith.constant 0 : i32
    %dma_start3A_439 = tpu.memref_slice %arg5[%add3A_433, %dma_start3A_437, %dma_start3A_438] : memref<1024x220x64xf32, #tpu.memory_space<hbm>> -> memref<4x220x64xf32, #tpu.memory_space<hbm>>
    tpu.enqueue_dma source(%arg8 : memref<4x220x64xf32, #tpu.memory_space<vmem>>) target(%dma_start3A_439 : memref<4x220x64xf32, #tpu.memory_space<hbm>>) target_semaphore(%arg12 : memref<!tpu.dma_semaphore, #tpu.memory_space<semaphore_mem>>)
    %dma_wait3A_440 = arith.constant 0 : i32
    %dma_wait3A_441 = arith.constant 0 : i32
    %dma_wait3A_442 = tpu.memref_slice %arg5[%add3A_217, %dma_wait3A_440, %dma_wait3A_441] : memref<1024x220x64xf32, #tpu.memory_space<hbm>> -> memref<4x220x64xf32, #tpu.memory_space<hbm>>
    %dma_wait3A_443 = arith.constant 0 : i32
    %dma_wait3A_444 = arith.constant 0 : i32
    %dma_wait3A_445 = tpu.memref_slice %arg5[%add3A_217, %dma_wait3A_443, %dma_wait3A_444] : memref<1024x220x64xf32, #tpu.memory_space<hbm>> -> memref<4x220x64xf32, #tpu.memory_space<hbm>>
    tpu.wait_dma2 semaphore(%arg11 : memref<!tpu.dma_semaphore, #tpu.memory_space<semaphore_mem>>) src(%arg7 : memref<4x220x64xf32, #tpu.memory_space<vmem>>) dst(%dma_wait3A_445 : memref<4x220x64xf32, #tpu.memory_space<hbm>>)
    %dma_start3A_446 = arith.constant 8 : i32
    %dma_start3A_447 = arith.constant 0 : i32
    %dma_start3A_448 = arith.constant 0 : i32
    %dma_start3A_449 = arith.constant 20 : i32
    %dma_start3A_450 = arith.constant 0 : i32
    %dma_start3A_451 = tpu.memref_slice %arg7[%dma_start3A_448, %dma_start3A_449, %dma_start3A_450] : memref<4x220x64xf32, #tpu.memory_space<vmem>> -> memref<1x100x64xf32, #tpu.memory_space<vmem>>
    %dma_start3A_452 = tpu.memref_squeeze %dma_start3A_451 : memref<1x100x64xf32, #tpu.memory_space<vmem>> -> memref<100x64xf32, #tpu.memory_space<vmem>>
    %dma_start3A_453 = arith.constant 0 : i32
    %dma_start3A_454 = tpu.memref_slice %arg6[%dma_start3A_446, %dma_start3A_447, %dma_start3A_453] : memref<32x2x100xi32, #tpu.memory_space<vmem>> -> memref<1x1x100xi32, #tpu.memory_space<vmem>>
    %dma_start3A_455 = tpu.memref_squeeze %dma_start3A_454 : memref<1x1x100xi32, #tpu.memory_space<vmem>> -> memref<100xi32, #tpu.memory_space<vmem>>
    %dma_start3A_456 = arith.constant 0 : i32
    %dma_start3A_457 = arith.constant 0 : i32
    %dma_start3A_458 = tpu.memref_slice %arg3[%dma_start3A_456, %dma_start3A_457] : memref<1000000x64xf32, #tpu.memory_space<hbm>> -> memref<1000000x64xf32, #tpu.memory_space<hbm>>
    tpu.enqueue_indirect_dma source(%dma_start3A_458 : memref<1000000x64xf32, #tpu.memory_space<hbm>>) target(%dma_start3A_452 : memref<100x64xf32, #tpu.memory_space<vmem>>) offsets(%dma_start3A_455 : memref<100xi32, #tpu.memory_space<vmem>>) semaphore(%arg9 : memref<!tpu.dma_semaphore, #tpu.memory_space<semaphore_mem>>)
    %dma_start3A_459 = arith.constant 8 : i32
    %dma_start3A_460 = arith.constant 1 : i32
    %dma_start3A_461 = arith.constant 0 : i32
    %dma_start3A_462 = arith.constant 120 : i32
    %dma_start3A_463 = arith.constant 0 : i32
    %dma_start3A_464 = tpu.memref_slice %arg7[%dma_start3A_461, %dma_start3A_462, %dma_start3A_463] : memref<4x220x64xf32, #tpu.memory_space<vmem>> -> memref<1x100x64xf32, #tpu.memory_space<vmem>>
    %dma_start3A_465 = tpu.memref_squeeze %dma_start3A_464 : memref<1x100x64xf32, #tpu.memory_space<vmem>> -> memref<100x64xf32, #tpu.memory_space<vmem>>
    %dma_start3A_466 = arith.constant 0 : i32
    %dma_start3A_467 = tpu.memref_slice %arg6[%dma_start3A_459, %dma_start3A_460, %dma_start3A_466] : memref<32x2x100xi32, #tpu.memory_space<vmem>> -> memref<1x1x100xi32, #tpu.memory_space<vmem>>
    %dma_start3A_468 = tpu.memref_squeeze %dma_start3A_467 : memref<1x1x100xi32, #tpu.memory_space<vmem>> -> memref<100xi32, #tpu.memory_space<vmem>>
    %dma_start3A_469 = arith.constant 0 : i32
    %dma_start3A_470 = arith.constant 0 : i32
    %dma_start3A_471 = tpu.memref_slice %arg3[%dma_start3A_469, %dma_start3A_470] : memref<1000000x64xf32, #tpu.memory_space<hbm>> -> memref<1000000x64xf32, #tpu.memory_space<hbm>>
    tpu.enqueue_indirect_dma source(%dma_start3A_471 : memref<1000000x64xf32, #tpu.memory_space<hbm>>) target(%dma_start3A_465 : memref<100x64xf32, #tpu.memory_space<vmem>>) offsets(%dma_start3A_468 : memref<100xi32, #tpu.memory_space<vmem>>) semaphore(%arg9 : memref<!tpu.dma_semaphore, #tpu.memory_space<semaphore_mem>>)
    %dma_start3A_472 = arith.constant 9 : i32
    %dma_start3A_473 = arith.constant 0 : i32
    %dma_start3A_474 = arith.constant 1 : i32
    %dma_start3A_475 = arith.constant 20 : i32
    %dma_start3A_476 = arith.constant 0 : i32
    %dma_start3A_477 = tpu.memref_slice %arg7[%dma_start3A_474, %dma_start3A_475, %dma_start3A_476] : memref<4x220x64xf32, #tpu.memory_space<vmem>> -> memref<1x100x64xf32, #tpu.memory_space<vmem>>
    %dma_start3A_478 = tpu.memref_squeeze %dma_start3A_477 : memref<1x100x64xf32, #tpu.memory_space<vmem>> -> memref<100x64xf32, #tpu.memory_space<vmem>>
    %dma_start3A_479 = arith.constant 0 : i32
    %dma_start3A_480 = tpu.memref_slice %arg6[%dma_start3A_472, %dma_start3A_473, %dma_start3A_479] : memref<32x2x100xi32, #tpu.memory_space<vmem>> -> memref<1x1x100xi32, #tpu.memory_space<vmem>>
    %dma_start3A_481 = tpu.memref_squeeze %dma_start3A_480 : memref<1x1x100xi32, #tpu.memory_space<vmem>> -> memref<100xi32, #tpu.memory_space<vmem>>
    %dma_start3A_482 = arith.constant 0 : i32
    %dma_start3A_483 = arith.constant 0 : i32
    %dma_start3A_484 = tpu.memref_slice %arg3[%dma_start3A_482, %dma_start3A_483] : memref<1000000x64xf32, #tpu.memory_space<hbm>> -> memref<1000000x64xf32, #tpu.memory_space<hbm>>
    tpu.enqueue_indirect_dma source(%dma_start3A_484 : memref<1000000x64xf32, #tpu.memory_space<hbm>>) target(%dma_start3A_478 : memref<100x64xf32, #tpu.memory_space<vmem>>) offsets(%dma_start3A_481 : memref<100xi32, #tpu.memory_space<vmem>>) semaphore(%arg9 : memref<!tpu.dma_semaphore, #tpu.memory_space<semaphore_mem>>)
    %dma_start3A_485 = arith.constant 9 : i32
    %dma_start3A_486 = arith.constant 1 : i32
    %dma_start3A_487 = arith.constant 1 : i32
    %dma_start3A_488 = arith.constant 120 : i32
    %dma_start3A_489 = arith.constant 0 : i32
    %dma_start3A_490 = tpu.memref_slice %arg7[%dma_start3A_487, %dma_start3A_488, %dma_start3A_489] : memref<4x220x64xf32, #tpu.memory_space<vmem>> -> memref<1x100x64xf32, #tpu.memory_space<vmem>>
    %dma_start3A_491 = tpu.memref_squeeze %dma_start3A_490 : memref<1x100x64xf32, #tpu.memory_space<vmem>> -> memref<100x64xf32, #tpu.memory_space<vmem>>
    %dma_start3A_492 = arith.constant 0 : i32
    %dma_start3A_493 = tpu.memref_slice %arg6[%dma_start3A_485, %dma_start3A_486, %dma_start3A_492] : memref<32x2x100xi32, #tpu.memory_space<vmem>> -> memref<1x1x100xi32, #tpu.memory_space<vmem>>
    %dma_start3A_494 = tpu.memref_squeeze %dma_start3A_493 : memref<1x1x100xi32, #tpu.memory_space<vmem>> -> memref<100xi32, #tpu.memory_space<vmem>>
    %dma_start3A_495 = arith.constant 0 : i32
    %dma_start3A_496 = arith.constant 0 : i32
    %dma_start3A_497 = tpu.memref_slice %arg3[%dma_start3A_495, %dma_start3A_496] : memref<1000000x64xf32, #tpu.memory_space<hbm>> -> memref<1000000x64xf32, #tpu.memory_space<hbm>>
    tpu.enqueue_indirect_dma source(%dma_start3A_497 : memref<1000000x64xf32, #tpu.memory_space<hbm>>) target(%dma_start3A_491 : memref<100x64xf32, #tpu.memory_space<vmem>>) offsets(%dma_start3A_494 : memref<100xi32, #tpu.memory_space<vmem>>) semaphore(%arg9 : memref<!tpu.dma_semaphore, #tpu.memory_space<semaphore_mem>>)
    %dma_start3A_498 = arith.constant 10 : i32
    %dma_start3A_499 = arith.constant 0 : i32
    %dma_start3A_500 = arith.constant 2 : i32
    %dma_start3A_501 = arith.constant 20 : i32
    %dma_start3A_502 = arith.constant 0 : i32
    %dma_start3A_503 = tpu.memref_slice %arg7[%dma_start3A_500, %dma_start3A_501, %dma_start3A_502] : memref<4x220x64xf32, #tpu.memory_space<vmem>> -> memref<1x100x64xf32, #tpu.memory_space<vmem>>
    %dma_start3A_504 = tpu.memref_squeeze %dma_start3A_503 : memref<1x100x64xf32, #tpu.memory_space<vmem>> -> memref<100x64xf32, #tpu.memory_space<vmem>>
    %dma_start3A_505 = arith.constant 0 : i32
    %dma_start3A_506 = tpu.memref_slice %arg6[%dma_start3A_498, %dma_start3A_499, %dma_start3A_505] : memref<32x2x100xi32, #tpu.memory_space<vmem>> -> memref<1x1x100xi32, #tpu.memory_space<vmem>>
    %dma_start3A_507 = tpu.memref_squeeze %dma_start3A_506 : memref<1x1x100xi32, #tpu.memory_space<vmem>> -> memref<100xi32, #tpu.memory_space<vmem>>
    %dma_start3A_508 = arith.constant 0 : i32
    %dma_start3A_509 = arith.constant 0 : i32
    %dma_start3A_510 = tpu.memref_slice %arg3[%dma_start3A_508, %dma_start3A_509] : memref<1000000x64xf32, #tpu.memory_space<hbm>> -> memref<1000000x64xf32, #tpu.memory_space<hbm>>
    tpu.enqueue_indirect_dma source(%dma_start3A_510 : memref<1000000x64xf32, #tpu.memory_space<hbm>>) target(%dma_start3A_504 : memref<100x64xf32, #tpu.memory_space<vmem>>) offsets(%dma_start3A_507 : memref<100xi32, #tpu.memory_space<vmem>>) semaphore(%arg9 : memref<!tpu.dma_semaphore, #tpu.memory_space<semaphore_mem>>)
    %dma_start3A_511 = arith.constant 10 : i32
    %dma_start3A_512 = arith.constant 1 : i32
    %dma_start3A_513 = arith.constant 2 : i32
    %dma_start3A_514 = arith.constant 120 : i32
    %dma_start3A_515 = arith.constant 0 : i32
    %dma_start3A_516 = tpu.memref_slice %arg7[%dma_start3A_513, %dma_start3A_514, %dma_start3A_515] : memref<4x220x64xf32, #tpu.memory_space<vmem>> -> memref<1x100x64xf32, #tpu.memory_space<vmem>>
    %dma_start3A_517 = tpu.memref_squeeze %dma_start3A_516 : memref<1x100x64xf32, #tpu.memory_space<vmem>> -> memref<100x64xf32, #tpu.memory_space<vmem>>
    %dma_start3A_518 = arith.constant 0 : i32
    %dma_start3A_519 = tpu.memref_slice %arg6[%dma_start3A_511, %dma_start3A_512, %dma_start3A_518] : memref<32x2x100xi32, #tpu.memory_space<vmem>> -> memref<1x1x100xi32, #tpu.memory_space<vmem>>
    %dma_start3A_520 = tpu.memref_squeeze %dma_start3A_519 : memref<1x1x100xi32, #tpu.memory_space<vmem>> -> memref<100xi32, #tpu.memory_space<vmem>>
    %dma_start3A_521 = arith.constant 0 : i32
    %dma_start3A_522 = arith.constant 0 : i32
    %dma_start3A_523 = tpu.memref_slice %arg3[%dma_start3A_521, %dma_start3A_522] : memref<1000000x64xf32, #tpu.memory_space<hbm>> -> memref<1000000x64xf32, #tpu.memory_space<hbm>>
    tpu.enqueue_indirect_dma source(%dma_start3A_523 : memref<1000000x64xf32, #tpu.memory_space<hbm>>) target(%dma_start3A_517 : memref<100x64xf32, #tpu.memory_space<vmem>>) offsets(%dma_start3A_520 : memref<100xi32, #tpu.memory_space<vmem>>) semaphore(%arg9 : memref<!tpu.dma_semaphore, #tpu.memory_space<semaphore_mem>>)
    %dma_start3A_524 = arith.constant 11 : i32
    %dma_start3A_525 = arith.constant 0 : i32
    %dma_start3A_526 = arith.constant 3 : i32
    %dma_start3A_527 = arith.constant 20 : i32
    %dma_start3A_528 = arith.constant 0 : i32
    %dma_start3A_529 = tpu.memref_slice %arg7[%dma_start3A_526, %dma_start3A_527, %dma_start3A_528] : memref<4x220x64xf32, #tpu.memory_space<vmem>> -> memref<1x100x64xf32, #tpu.memory_space<vmem>>
    %dma_start3A_530 = tpu.memref_squeeze %dma_start3A_529 : memref<1x100x64xf32, #tpu.memory_space<vmem>> -> memref<100x64xf32, #tpu.memory_space<vmem>>
    %dma_start3A_531 = arith.constant 0 : i32
    %dma_start3A_532 = tpu.memref_slice %arg6[%dma_start3A_524, %dma_start3A_525, %dma_start3A_531] : memref<32x2x100xi32, #tpu.memory_space<vmem>> -> memref<1x1x100xi32, #tpu.memory_space<vmem>>
    %dma_start3A_533 = tpu.memref_squeeze %dma_start3A_532 : memref<1x1x100xi32, #tpu.memory_space<vmem>> -> memref<100xi32, #tpu.memory_space<vmem>>
    %dma_start3A_534 = arith.constant 0 : i32
    %dma_start3A_535 = arith.constant 0 : i32
    %dma_start3A_536 = tpu.memref_slice %arg3[%dma_start3A_534, %dma_start3A_535] : memref<1000000x64xf32, #tpu.memory_space<hbm>> -> memref<1000000x64xf32, #tpu.memory_space<hbm>>
    tpu.enqueue_indirect_dma source(%dma_start3A_536 : memref<1000000x64xf32, #tpu.memory_space<hbm>>) target(%dma_start3A_530 : memref<100x64xf32, #tpu.memory_space<vmem>>) offsets(%dma_start3A_533 : memref<100xi32, #tpu.memory_space<vmem>>) semaphore(%arg9 : memref<!tpu.dma_semaphore, #tpu.memory_space<semaphore_mem>>)
    %dma_start3A_537 = arith.constant 11 : i32
    %dma_start3A_538 = arith.constant 1 : i32
    %dma_start3A_539 = arith.constant 3 : i32
    %dma_start3A_540 = arith.constant 120 : i32
    %dma_start3A_541 = arith.constant 0 : i32
    %dma_start3A_542 = tpu.memref_slice %arg7[%dma_start3A_539, %dma_start3A_540, %dma_start3A_541] : memref<4x220x64xf32, #tpu.memory_space<vmem>> -> memref<1x100x64xf32, #tpu.memory_space<vmem>>
    %dma_start3A_543 = tpu.memref_squeeze %dma_start3A_542 : memref<1x100x64xf32, #tpu.memory_space<vmem>> -> memref<100x64xf32, #tpu.memory_space<vmem>>
    %dma_start3A_544 = arith.constant 0 : i32
    %dma_start3A_545 = tpu.memref_slice %arg6[%dma_start3A_537, %dma_start3A_538, %dma_start3A_544] : memref<32x2x100xi32, #tpu.memory_space<vmem>> -> memref<1x1x100xi32, #tpu.memory_space<vmem>>
    %dma_start3A_546 = tpu.memref_squeeze %dma_start3A_545 : memref<1x1x100xi32, #tpu.memory_space<vmem>> -> memref<100xi32, #tpu.memory_space<vmem>>
    %dma_start3A_547 = arith.constant 0 : i32
    %dma_start3A_548 = arith.constant 0 : i32
    %dma_start3A_549 = tpu.memref_slice %arg3[%dma_start3A_547, %dma_start3A_548] : memref<1000000x64xf32, #tpu.memory_space<hbm>> -> memref<1000000x64xf32, #tpu.memory_space<hbm>>
    tpu.enqueue_indirect_dma source(%dma_start3A_549 : memref<1000000x64xf32, #tpu.memory_space<hbm>>) target(%dma_start3A_543 : memref<100x64xf32, #tpu.memory_space<vmem>>) offsets(%dma_start3A_546 : memref<100xi32, #tpu.memory_space<vmem>>) semaphore(%arg9 : memref<!tpu.dma_semaphore, #tpu.memory_space<semaphore_mem>>)
    %dma_wait3A_550 = arith.constant 8 : i32
    %dma_wait3A_551 = arith.constant 0 : i32
    %dma_wait3A_552 = arith.constant 0 : i32
    %dma_wait3A_553 = arith.constant 20 : i32
    %dma_wait3A_554 = arith.constant 0 : i32
    %dma_wait3A_555 = tpu.memref_slice %arg7[%dma_wait3A_552, %dma_wait3A_553, %dma_wait3A_554] : memref<4x220x64xf32, #tpu.memory_space<vmem>> -> memref<1x100x64xf32, #tpu.memory_space<vmem>>
    %dma_wait3A_556 = tpu.memref_squeeze %dma_wait3A_555 : memref<1x100x64xf32, #tpu.memory_space<vmem>> -> memref<100x64xf32, #tpu.memory_space<vmem>>
    %dma_wait3A_557 = arith.constant 0 : i32
    %dma_wait3A_558 = tpu.memref_slice %arg6[%dma_wait3A_550, %dma_wait3A_551, %dma_wait3A_557] : memref<32x2x100xi32, #tpu.memory_space<vmem>> -> memref<1x1x100xi32, #tpu.memory_space<vmem>>
    %dma_wait3A_559 = tpu.memref_squeeze %dma_wait3A_558 : memref<1x1x100xi32, #tpu.memory_space<vmem>> -> memref<100xi32, #tpu.memory_space<vmem>>
    %dma_wait3A_560 = arith.constant 0 : i32
    %dma_wait3A_561 = arith.constant 0 : i32
    %dma_wait3A_562 = tpu.memref_slice %arg3[%dma_wait3A_560, %dma_wait3A_561] : memref<1000000x64xf32, #tpu.memory_space<hbm>> -> memref<1000000x64xf32, #tpu.memory_space<hbm>>
    tpu.wait_indirect_dma semaphore(%arg9 : memref<!tpu.dma_semaphore, #tpu.memory_space<semaphore_mem>>) src(%dma_wait3A_562 : memref<1000000x64xf32, #tpu.memory_space<hbm>>) dst(%dma_wait3A_556 : memref<100x64xf32, #tpu.memory_space<vmem>>)
    %dma_wait3A_563 = arith.constant 8 : i32
    %dma_wait3A_564 = arith.constant 1 : i32
    %dma_wait3A_565 = arith.constant 0 : i32
    %dma_wait3A_566 = arith.constant 120 : i32
    %dma_wait3A_567 = arith.constant 0 : i32
    %dma_wait3A_568 = tpu.memref_slice %arg7[%dma_wait3A_565, %dma_wait3A_566, %dma_wait3A_567] : memref<4x220x64xf32, #tpu.memory_space<vmem>> -> memref<1x100x64xf32, #tpu.memory_space<vmem>>
    %dma_wait3A_569 = tpu.memref_squeeze %dma_wait3A_568 : memref<1x100x64xf32, #tpu.memory_space<vmem>> -> memref<100x64xf32, #tpu.memory_space<vmem>>
    %dma_wait3A_570 = arith.constant 0 : i32
    %dma_wait3A_571 = tpu.memref_slice %arg6[%dma_wait3A_563, %dma_wait3A_564, %dma_wait3A_570] : memref<32x2x100xi32, #tpu.memory_space<vmem>> -> memref<1x1x100xi32, #tpu.memory_space<vmem>>
    %dma_wait3A_572 = tpu.memref_squeeze %dma_wait3A_571 : memref<1x1x100xi32, #tpu.memory_space<vmem>> -> memref<100xi32, #tpu.memory_space<vmem>>
    %dma_wait3A_573 = arith.constant 0 : i32
    %dma_wait3A_574 = arith.constant 0 : i32
    %dma_wait3A_575 = tpu.memref_slice %arg3[%dma_wait3A_573, %dma_wait3A_574] : memref<1000000x64xf32, #tpu.memory_space<hbm>> -> memref<1000000x64xf32, #tpu.memory_space<hbm>>
    tpu.wait_indirect_dma semaphore(%arg9 : memref<!tpu.dma_semaphore, #tpu.memory_space<semaphore_mem>>) src(%dma_wait3A_575 : memref<1000000x64xf32, #tpu.memory_space<hbm>>) dst(%dma_wait3A_569 : memref<100x64xf32, #tpu.memory_space<vmem>>)
    %dma_wait3A_576 = arith.constant 9 : i32
    %dma_wait3A_577 = arith.constant 0 : i32
    %dma_wait3A_578 = arith.constant 1 : i32
    %dma_wait3A_579 = arith.constant 20 : i32
    %dma_wait3A_580 = arith.constant 0 : i32
    %dma_wait3A_581 = tpu.memref_slice %arg7[%dma_wait3A_578, %dma_wait3A_579, %dma_wait3A_580] : memref<4x220x64xf32, #tpu.memory_space<vmem>> -> memref<1x100x64xf32, #tpu.memory_space<vmem>>
    %dma_wait3A_582 = tpu.memref_squeeze %dma_wait3A_581 : memref<1x100x64xf32, #tpu.memory_space<vmem>> -> memref<100x64xf32, #tpu.memory_space<vmem>>
    %dma_wait3A_583 = arith.constant 0 : i32
    %dma_wait3A_584 = tpu.memref_slice %arg6[%dma_wait3A_576, %dma_wait3A_577, %dma_wait3A_583] : memref<32x2x100xi32, #tpu.memory_space<vmem>> -> memref<1x1x100xi32, #tpu.memory_space<vmem>>
    %dma_wait3A_585 = tpu.memref_squeeze %dma_wait3A_584 : memref<1x1x100xi32, #tpu.memory_space<vmem>> -> memref<100xi32, #tpu.memory_space<vmem>>
    %dma_wait3A_586 = arith.constant 0 : i32
    %dma_wait3A_587 = arith.constant 0 : i32
    %dma_wait3A_588 = tpu.memref_slice %arg3[%dma_wait3A_586, %dma_wait3A_587] : memref<1000000x64xf32, #tpu.memory_space<hbm>> -> memref<1000000x64xf32, #tpu.memory_space<hbm>>
    tpu.wait_indirect_dma semaphore(%arg9 : memref<!tpu.dma_semaphore, #tpu.memory_space<semaphore_mem>>) src(%dma_wait3A_588 : memref<1000000x64xf32, #tpu.memory_space<hbm>>) dst(%dma_wait3A_582 : memref<100x64xf32, #tpu.memory_space<vmem>>)
    %dma_wait3A_589 = arith.constant 9 : i32
    %dma_wait3A_590 = arith.constant 1 : i32
    %dma_wait3A_591 = arith.constant 1 : i32
    %dma_wait3A_592 = arith.constant 120 : i32
    %dma_wait3A_593 = arith.constant 0 : i32
    %dma_wait3A_594 = tpu.memref_slice %arg7[%dma_wait3A_591, %dma_wait3A_592, %dma_wait3A_593] : memref<4x220x64xf32, #tpu.memory_space<vmem>> -> memref<1x100x64xf32, #tpu.memory_space<vmem>>
    %dma_wait3A_595 = tpu.memref_squeeze %dma_wait3A_594 : memref<1x100x64xf32, #tpu.memory_space<vmem>> -> memref<100x64xf32, #tpu.memory_space<vmem>>
    %dma_wait3A_596 = arith.constant 0 : i32
    %dma_wait3A_597 = tpu.memref_slice %arg6[%dma_wait3A_589, %dma_wait3A_590, %dma_wait3A_596] : memref<32x2x100xi32, #tpu.memory_space<vmem>> -> memref<1x1x100xi32, #tpu.memory_space<vmem>>
    %dma_wait3A_598 = tpu.memref_squeeze %dma_wait3A_597 : memref<1x1x100xi32, #tpu.memory_space<vmem>> -> memref<100xi32, #tpu.memory_space<vmem>>
    %dma_wait3A_599 = arith.constant 0 : i32
    %dma_wait3A_600 = arith.constant 0 : i32
    %dma_wait3A_601 = tpu.memref_slice %arg3[%dma_wait3A_599, %dma_wait3A_600] : memref<1000000x64xf32, #tpu.memory_space<hbm>> -> memref<1000000x64xf32, #tpu.memory_space<hbm>>
    tpu.wait_indirect_dma semaphore(%arg9 : memref<!tpu.dma_semaphore, #tpu.memory_space<semaphore_mem>>) src(%dma_wait3A_601 : memref<1000000x64xf32, #tpu.memory_space<hbm>>) dst(%dma_wait3A_595 : memref<100x64xf32, #tpu.memory_space<vmem>>)
    %dma_wait3A_602 = arith.constant 10 : i32
    %dma_wait3A_603 = arith.constant 0 : i32
    %dma_wait3A_604 = arith.constant 2 : i32
    %dma_wait3A_605 = arith.constant 20 : i32
    %dma_wait3A_606 = arith.constant 0 : i32
    %dma_wait3A_607 = tpu.memref_slice %arg7[%dma_wait3A_604, %dma_wait3A_605, %dma_wait3A_606] : memref<4x220x64xf32, #tpu.memory_space<vmem>> -> memref<1x100x64xf32, #tpu.memory_space<vmem>>
    %dma_wait3A_608 = tpu.memref_squeeze %dma_wait3A_607 : memref<1x100x64xf32, #tpu.memory_space<vmem>> -> memref<100x64xf32, #tpu.memory_space<vmem>>
    %dma_wait3A_609 = arith.constant 0 : i32
    %dma_wait3A_610 = tpu.memref_slice %arg6[%dma_wait3A_602, %dma_wait3A_603, %dma_wait3A_609] : memref<32x2x100xi32, #tpu.memory_space<vmem>> -> memref<1x1x100xi32, #tpu.memory_space<vmem>>
    %dma_wait3A_611 = tpu.memref_squeeze %dma_wait3A_610 : memref<1x1x100xi32, #tpu.memory_space<vmem>> -> memref<100xi32, #tpu.memory_space<vmem>>
    %dma_wait3A_612 = arith.constant 0 : i32
    %dma_wait3A_613 = arith.constant 0 : i32
    %dma_wait3A_614 = tpu.memref_slice %arg3[%dma_wait3A_612, %dma_wait3A_613] : memref<1000000x64xf32, #tpu.memory_space<hbm>> -> memref<1000000x64xf32, #tpu.memory_space<hbm>>
    tpu.wait_indirect_dma semaphore(%arg9 : memref<!tpu.dma_semaphore, #tpu.memory_space<semaphore_mem>>) src(%dma_wait3A_614 : memref<1000000x64xf32, #tpu.memory_space<hbm>>) dst(%dma_wait3A_608 : memref<100x64xf32, #tpu.memory_space<vmem>>)
    %dma_wait3A_615 = arith.constant 10 : i32
    %dma_wait3A_616 = arith.constant 1 : i32
    %dma_wait3A_617 = arith.constant 2 : i32
    %dma_wait3A_618 = arith.constant 120 : i32
    %dma_wait3A_619 = arith.constant 0 : i32
    %dma_wait3A_620 = tpu.memref_slice %arg7[%dma_wait3A_617, %dma_wait3A_618, %dma_wait3A_619] : memref<4x220x64xf32, #tpu.memory_space<vmem>> -> memref<1x100x64xf32, #tpu.memory_space<vmem>>
    %dma_wait3A_621 = tpu.memref_squeeze %dma_wait3A_620 : memref<1x100x64xf32, #tpu.memory_space<vmem>> -> memref<100x64xf32, #tpu.memory_space<vmem>>
    %dma_wait3A_622 = arith.constant 0 : i32
    %dma_wait3A_623 = tpu.memref_slice %arg6[%dma_wait3A_615, %dma_wait3A_616, %dma_wait3A_622] : memref<32x2x100xi32, #tpu.memory_space<vmem>> -> memref<1x1x100xi32, #tpu.memory_space<vmem>>
    %dma_wait3A_624 = tpu.memref_squeeze %dma_wait3A_623 : memref<1x1x100xi32, #tpu.memory_space<vmem>> -> memref<100xi32, #tpu.memory_space<vmem>>
    %dma_wait3A_625 = arith.constant 0 : i32
    %dma_wait3A_626 = arith.constant 0 : i32
    %dma_wait3A_627 = tpu.memref_slice %arg3[%dma_wait3A_625, %dma_wait3A_626] : memref<1000000x64xf32, #tpu.memory_space<hbm>> -> memref<1000000x64xf32, #tpu.memory_space<hbm>>
    tpu.wait_indirect_dma semaphore(%arg9 : memref<!tpu.dma_semaphore, #tpu.memory_space<semaphore_mem>>) src(%dma_wait3A_627 : memref<1000000x64xf32, #tpu.memory_space<hbm>>) dst(%dma_wait3A_621 : memref<100x64xf32, #tpu.memory_space<vmem>>)
    %dma_wait3A_628 = arith.constant 11 : i32
    %dma_wait3A_629 = arith.constant 0 : i32
    %dma_wait3A_630 = arith.constant 3 : i32
    %dma_wait3A_631 = arith.constant 20 : i32
    %dma_wait3A_632 = arith.constant 0 : i32
    %dma_wait3A_633 = tpu.memref_slice %arg7[%dma_wait3A_630, %dma_wait3A_631, %dma_wait3A_632] : memref<4x220x64xf32, #tpu.memory_space<vmem>> -> memref<1x100x64xf32, #tpu.memory_space<vmem>>
    %dma_wait3A_634 = tpu.memref_squeeze %dma_wait3A_633 : memref<1x100x64xf32, #tpu.memory_space<vmem>> -> memref<100x64xf32, #tpu.memory_space<vmem>>
    %dma_wait3A_635 = arith.constant 0 : i32
    %dma_wait3A_636 = tpu.memref_slice %arg6[%dma_wait3A_628, %dma_wait3A_629, %dma_wait3A_635] : memref<32x2x100xi32, #tpu.memory_space<vmem>> -> memref<1x1x100xi32, #tpu.memory_space<vmem>>
    %dma_wait3A_637 = tpu.memref_squeeze %dma_wait3A_636 : memref<1x1x100xi32, #tpu.memory_space<vmem>> -> memref<100xi32, #tpu.memory_space<vmem>>
    %dma_wait3A_638 = arith.constant 0 : i32
    %dma_wait3A_639 = arith.constant 0 : i32
    %dma_wait3A_640 = tpu.memref_slice %arg3[%dma_wait3A_638, %dma_wait3A_639] : memref<1000000x64xf32, #tpu.memory_space<hbm>> -> memref<1000000x64xf32, #tpu.memory_space<hbm>>
    tpu.wait_indirect_dma semaphore(%arg9 : memref<!tpu.dma_semaphore, #tpu.memory_space<semaphore_mem>>) src(%dma_wait3A_640 : memref<1000000x64xf32, #tpu.memory_space<hbm>>) dst(%dma_wait3A_634 : memref<100x64xf32, #tpu.memory_space<vmem>>)
    %dma_wait3A_641 = arith.constant 11 : i32
    %dma_wait3A_642 = arith.constant 1 : i32
    %dma_wait3A_643 = arith.constant 3 : i32
    %dma_wait3A_644 = arith.constant 120 : i32
    %dma_wait3A_645 = arith.constant 0 : i32
    %dma_wait3A_646 = tpu.memref_slice %arg7[%dma_wait3A_643, %dma_wait3A_644, %dma_wait3A_645] : memref<4x220x64xf32, #tpu.memory_space<vmem>> -> memref<1x100x64xf32, #tpu.memory_space<vmem>>
    %dma_wait3A_647 = tpu.memref_squeeze %dma_wait3A_646 : memref<1x100x64xf32, #tpu.memory_space<vmem>> -> memref<100x64xf32, #tpu.memory_space<vmem>>
    %dma_wait3A_648 = arith.constant 0 : i32
    %dma_wait3A_649 = tpu.memref_slice %arg6[%dma_wait3A_641, %dma_wait3A_642, %dma_wait3A_648] : memref<32x2x100xi32, #tpu.memory_space<vmem>> -> memref<1x1x100xi32, #tpu.memory_space<vmem>>
    %dma_wait3A_650 = tpu.memref_squeeze %dma_wait3A_649 : memref<1x1x100xi32, #tpu.memory_space<vmem>> -> memref<100xi32, #tpu.memory_space<vmem>>
    %dma_wait3A_651 = arith.constant 0 : i32
    %dma_wait3A_652 = arith.constant 0 : i32
    %dma_wait3A_653 = tpu.memref_slice %arg3[%dma_wait3A_651, %dma_wait3A_652] : memref<1000000x64xf32, #tpu.memory_space<hbm>> -> memref<1000000x64xf32, #tpu.memory_space<hbm>>
    tpu.wait_indirect_dma semaphore(%arg9 : memref<!tpu.dma_semaphore, #tpu.memory_space<semaphore_mem>>) src(%dma_wait3A_653 : memref<1000000x64xf32, #tpu.memory_space<hbm>>) dst(%dma_wait3A_647 : memref<100x64xf32, #tpu.memory_space<vmem>>)
    %add3A_654 = arith.constant 8 : i32
    %add3A_655 = arith.addi %mul3A_2, %add3A_654 : i32
    %dma_start3A_656 = arith.constant 0 : i32
    %dma_start3A_657 = arith.constant 0 : i32
    %dma_start3A_658 = tpu.memref_slice %arg5[%add3A_655, %dma_start3A_656, %dma_start3A_657] : memref<1024x220x64xf32, #tpu.memory_space<hbm>> -> memref<4x220x64xf32, #tpu.memory_space<hbm>>
    %dma_start3A_659 = arith.constant 0 : i32
    %dma_start3A_660 = arith.constant 0 : i32
    %dma_start3A_661 = tpu.memref_slice %arg5[%add3A_655, %dma_start3A_659, %dma_start3A_660] : memref<1024x220x64xf32, #tpu.memory_space<hbm>> -> memref<4x220x64xf32, #tpu.memory_space<hbm>>
    tpu.enqueue_dma source(%arg7 : memref<4x220x64xf32, #tpu.memory_space<vmem>>) target(%dma_start3A_661 : memref<4x220x64xf32, #tpu.memory_space<hbm>>) target_semaphore(%arg11 : memref<!tpu.dma_semaphore, #tpu.memory_space<semaphore_mem>>)
    %dma_wait3A_662 = arith.constant 0 : i32
    %dma_wait3A_663 = arith.constant 0 : i32
    %dma_wait3A_664 = tpu.memref_slice %arg5[%add3A_433, %dma_wait3A_662, %dma_wait3A_663] : memref<1024x220x64xf32, #tpu.memory_space<hbm>> -> memref<4x220x64xf32, #tpu.memory_space<hbm>>
    %dma_wait3A_665 = arith.constant 0 : i32
    %dma_wait3A_666 = arith.constant 0 : i32
    %dma_wait3A_667 = tpu.memref_slice %arg5[%add3A_433, %dma_wait3A_665, %dma_wait3A_666] : memref<1024x220x64xf32, #tpu.memory_space<hbm>> -> memref<4x220x64xf32, #tpu.memory_space<hbm>>
    tpu.wait_dma2 semaphore(%arg12 : memref<!tpu.dma_semaphore, #tpu.memory_space<semaphore_mem>>) src(%arg8 : memref<4x220x64xf32, #tpu.memory_space<vmem>>) dst(%dma_wait3A_667 : memref<4x220x64xf32, #tpu.memory_space<hbm>>)
    %dma_start3A_668 = arith.constant 12 : i32
    %dma_start3A_669 = arith.constant 0 : i32
    %dma_start3A_670 = arith.constant 0 : i32
    %dma_start3A_671 = arith.constant 20 : i32
    %dma_start3A_672 = arith.constant 0 : i32
    %dma_start3A_673 = tpu.memref_slice %arg8[%dma_start3A_670, %dma_start3A_671, %dma_start3A_672] : memref<4x220x64xf32, #tpu.memory_space<vmem>> -> memref<1x100x64xf32, #tpu.memory_space<vmem>>
    %dma_start3A_674 = tpu.memref_squeeze %dma_start3A_673 : memref<1x100x64xf32, #tpu.memory_space<vmem>> -> memref<100x64xf32, #tpu.memory_space<vmem>>
    %dma_start3A_675 = arith.constant 0 : i32
    %dma_start3A_676 = tpu.memref_slice %arg6[%dma_start3A_668, %dma_start3A_669, %dma_start3A_675] : memref<32x2x100xi32, #tpu.memory_space<vmem>> -> memref<1x1x100xi32, #tpu.memory_space<vmem>>
    %dma_start3A_677 = tpu.memref_squeeze %dma_start3A_676 : memref<1x1x100xi32, #tpu.memory_space<vmem>> -> memref<100xi32, #tpu.memory_space<vmem>>
    %dma_start3A_678 = arith.constant 0 : i32
    %dma_start3A_679 = arith.constant 0 : i32
    %dma_start3A_680 = tpu.memref_slice %arg3[%dma_start3A_678, %dma_start3A_679] : memref<1000000x64xf32, #tpu.memory_space<hbm>> -> memref<1000000x64xf32, #tpu.memory_space<hbm>>
    tpu.enqueue_indirect_dma source(%dma_start3A_680 : memref<1000000x64xf32, #tpu.memory_space<hbm>>) target(%dma_start3A_674 : memref<100x64xf32, #tpu.memory_space<vmem>>) offsets(%dma_start3A_677 : memref<100xi32, #tpu.memory_space<vmem>>) semaphore(%arg10 : memref<!tpu.dma_semaphore, #tpu.memory_space<semaphore_mem>>)
    %dma_start3A_681 = arith.constant 12 : i32
    %dma_start3A_682 = arith.constant 1 : i32
    %dma_start3A_683 = arith.constant 0 : i32
    %dma_start3A_684 = arith.constant 120 : i32
    %dma_start3A_685 = arith.constant 0 : i32
    %dma_start3A_686 = tpu.memref_slice %arg8[%dma_start3A_683, %dma_start3A_684, %dma_start3A_685] : memref<4x220x64xf32, #tpu.memory_space<vmem>> -> memref<1x100x64xf32, #tpu.memory_space<vmem>>
    %dma_start3A_687 = tpu.memref_squeeze %dma_start3A_686 : memref<1x100x64xf32, #tpu.memory_space<vmem>> -> memref<100x64xf32, #tpu.memory_space<vmem>>
    %dma_start3A_688 = arith.constant 0 : i32
    %dma_start3A_689 = tpu.memref_slice %arg6[%dma_start3A_681, %dma_start3A_682, %dma_start3A_688] : memref<32x2x100xi32, #tpu.memory_space<vmem>> -> memref<1x1x100xi32, #tpu.memory_space<vmem>>
    %dma_start3A_690 = tpu.memref_squeeze %dma_start3A_689 : memref<1x1x100xi32, #tpu.memory_space<vmem>> -> memref<100xi32, #tpu.memory_space<vmem>>
    %dma_start3A_691 = arith.constant 0 : i32
    %dma_start3A_692 = arith.constant 0 : i32
    %dma_start3A_693 = tpu.memref_slice %arg3[%dma_start3A_691, %dma_start3A_692] : memref<1000000x64xf32, #tpu.memory_space<hbm>> -> memref<1000000x64xf32, #tpu.memory_space<hbm>>
    tpu.enqueue_indirect_dma source(%dma_start3A_693 : memref<1000000x64xf32, #tpu.memory_space<hbm>>) target(%dma_start3A_687 : memref<100x64xf32, #tpu.memory_space<vmem>>) offsets(%dma_start3A_690 : memref<100xi32, #tpu.memory_space<vmem>>) semaphore(%arg10 : memref<!tpu.dma_semaphore, #tpu.memory_space<semaphore_mem>>)
    %dma_start3A_694 = arith.constant 13 : i32
    %dma_start3A_695 = arith.constant 0 : i32
    %dma_start3A_696 = arith.constant 1 : i32
    %dma_start3A_697 = arith.constant 20 : i32
    %dma_start3A_698 = arith.constant 0 : i32
    %dma_start3A_699 = tpu.memref_slice %arg8[%dma_start3A_696, %dma_start3A_697, %dma_start3A_698] : memref<4x220x64xf32, #tpu.memory_space<vmem>> -> memref<1x100x64xf32, #tpu.memory_space<vmem>>
    %dma_start3A_700 = tpu.memref_squeeze %dma_start3A_699 : memref<1x100x64xf32, #tpu.memory_space<vmem>> -> memref<100x64xf32, #tpu.memory_space<vmem>>
    %dma_start3A_701 = arith.constant 0 : i32
    %dma_start3A_702 = tpu.memref_slice %arg6[%dma_start3A_694, %dma_start3A_695, %dma_start3A_701] : memref<32x2x100xi32, #tpu.memory_space<vmem>> -> memref<1x1x100xi32, #tpu.memory_space<vmem>>
    %dma_start3A_703 = tpu.memref_squeeze %dma_start3A_702 : memref<1x1x100xi32, #tpu.memory_space<vmem>> -> memref<100xi32, #tpu.memory_space<vmem>>
    %dma_start3A_704 = arith.constant 0 : i32
    %dma_start3A_705 = arith.constant 0 : i32
    %dma_start3A_706 = tpu.memref_slice %arg3[%dma_start3A_704, %dma_start3A_705] : memref<1000000x64xf32, #tpu.memory_space<hbm>> -> memref<1000000x64xf32, #tpu.memory_space<hbm>>
    tpu.enqueue_indirect_dma source(%dma_start3A_706 : memref<1000000x64xf32, #tpu.memory_space<hbm>>) target(%dma_start3A_700 : memref<100x64xf32, #tpu.memory_space<vmem>>) offsets(%dma_start3A_703 : memref<100xi32, #tpu.memory_space<vmem>>) semaphore(%arg10 : memref<!tpu.dma_semaphore, #tpu.memory_space<semaphore_mem>>)
    %dma_start3A_707 = arith.constant 13 : i32
    %dma_start3A_708 = arith.constant 1 : i32
    %dma_start3A_709 = arith.constant 1 : i32
    %dma_start3A_710 = arith.constant 120 : i32
    %dma_start3A_711 = arith.constant 0 : i32
    %dma_start3A_712 = tpu.memref_slice %arg8[%dma_start3A_709, %dma_start3A_710, %dma_start3A_711] : memref<4x220x64xf32, #tpu.memory_space<vmem>> -> memref<1x100x64xf32, #tpu.memory_space<vmem>>
    %dma_start3A_713 = tpu.memref_squeeze %dma_start3A_712 : memref<1x100x64xf32, #tpu.memory_space<vmem>> -> memref<100x64xf32, #tpu.memory_space<vmem>>
    %dma_start3A_714 = arith.constant 0 : i32
    %dma_start3A_715 = tpu.memref_slice %arg6[%dma_start3A_707, %dma_start3A_708, %dma_start3A_714] : memref<32x2x100xi32, #tpu.memory_space<vmem>> -> memref<1x1x100xi32, #tpu.memory_space<vmem>>
    %dma_start3A_716 = tpu.memref_squeeze %dma_start3A_715 : memref<1x1x100xi32, #tpu.memory_space<vmem>> -> memref<100xi32, #tpu.memory_space<vmem>>
    %dma_start3A_717 = arith.constant 0 : i32
    %dma_start3A_718 = arith.constant 0 : i32
    %dma_start3A_719 = tpu.memref_slice %arg3[%dma_start3A_717, %dma_start3A_718] : memref<1000000x64xf32, #tpu.memory_space<hbm>> -> memref<1000000x64xf32, #tpu.memory_space<hbm>>
    tpu.enqueue_indirect_dma source(%dma_start3A_719 : memref<1000000x64xf32, #tpu.memory_space<hbm>>) target(%dma_start3A_713 : memref<100x64xf32, #tpu.memory_space<vmem>>) offsets(%dma_start3A_716 : memref<100xi32, #tpu.memory_space<vmem>>) semaphore(%arg10 : memref<!tpu.dma_semaphore, #tpu.memory_space<semaphore_mem>>)
    %dma_start3A_720 = arith.constant 14 : i32
    %dma_start3A_721 = arith.constant 0 : i32
    %dma_start3A_722 = arith.constant 2 : i32
    %dma_start3A_723 = arith.constant 20 : i32
    %dma_start3A_724 = arith.constant 0 : i32
    %dma_start3A_725 = tpu.memref_slice %arg8[%dma_start3A_722, %dma_start3A_723, %dma_start3A_724] : memref<4x220x64xf32, #tpu.memory_space<vmem>> -> memref<1x100x64xf32, #tpu.memory_space<vmem>>
    %dma_start3A_726 = tpu.memref_squeeze %dma_start3A_725 : memref<1x100x64xf32, #tpu.memory_space<vmem>> -> memref<100x64xf32, #tpu.memory_space<vmem>>
    %dma_start3A_727 = arith.constant 0 : i32
    %dma_start3A_728 = tpu.memref_slice %arg6[%dma_start3A_720, %dma_start3A_721, %dma_start3A_727] : memref<32x2x100xi32, #tpu.memory_space<vmem>> -> memref<1x1x100xi32, #tpu.memory_space<vmem>>
    %dma_start3A_729 = tpu.memref_squeeze %dma_start3A_728 : memref<1x1x100xi32, #tpu.memory_space<vmem>> -> memref<100xi32, #tpu.memory_space<vmem>>
    %dma_start3A_730 = arith.constant 0 : i32
    %dma_start3A_731 = arith.constant 0 : i32
    %dma_start3A_732 = tpu.memref_slice %arg3[%dma_start3A_730, %dma_start3A_731] : memref<1000000x64xf32, #tpu.memory_space<hbm>> -> memref<1000000x64xf32, #tpu.memory_space<hbm>>
    tpu.enqueue_indirect_dma source(%dma_start3A_732 : memref<1000000x64xf32, #tpu.memory_space<hbm>>) target(%dma_start3A_726 : memref<100x64xf32, #tpu.memory_space<vmem>>) offsets(%dma_start3A_729 : memref<100xi32, #tpu.memory_space<vmem>>) semaphore(%arg10 : memref<!tpu.dma_semaphore, #tpu.memory_space<semaphore_mem>>)
    %dma_start3A_733 = arith.constant 14 : i32
    %dma_start3A_734 = arith.constant 1 : i32
    %dma_start3A_735 = arith.constant 2 : i32
    %dma_start3A_736 = arith.constant 120 : i32
    %dma_start3A_737 = arith.constant 0 : i32
    %dma_start3A_738 = tpu.memref_slice %arg8[%dma_start3A_735, %dma_start3A_736, %dma_start3A_737] : memref<4x220x64xf32, #tpu.memory_space<vmem>> -> memref<1x100x64xf32, #tpu.memory_space<vmem>>
    %dma_start3A_739 = tpu.memref_squeeze %dma_start3A_738 : memref<1x100x64xf32, #tpu.memory_space<vmem>> -> memref<100x64xf32, #tpu.memory_space<vmem>>
    %dma_start3A_740 = arith.constant 0 : i32
    %dma_start3A_741 = tpu.memref_slice %arg6[%dma_start3A_733, %dma_start3A_734, %dma_start3A_740] : memref<32x2x100xi32, #tpu.memory_space<vmem>> -> memref<1x1x100xi32, #tpu.memory_space<vmem>>
    %dma_start3A_742 = tpu.memref_squeeze %dma_start3A_741 : memref<1x1x100xi32, #tpu.memory_space<vmem>> -> memref<100xi32, #tpu.memory_space<vmem>>
    %dma_start3A_743 = arith.constant 0 : i32
    %dma_start3A_744 = arith.constant 0 : i32
    %dma_start3A_745 = tpu.memref_slice %arg3[%dma_start3A_743, %dma_start3A_744] : memref<1000000x64xf32, #tpu.memory_space<hbm>> -> memref<1000000x64xf32, #tpu.memory_space<hbm>>
    tpu.enqueue_indirect_dma source(%dma_start3A_745 : memref<1000000x64xf32, #tpu.memory_space<hbm>>) target(%dma_start3A_739 : memref<100x64xf32, #tpu.memory_space<vmem>>) offsets(%dma_start3A_742 : memref<100xi32, #tpu.memory_space<vmem>>) semaphore(%arg10 : memref<!tpu.dma_semaphore, #tpu.memory_space<semaphore_mem>>)
    %dma_start3A_746 = arith.constant 15 : i32
    %dma_start3A_747 = arith.constant 0 : i32
    %dma_start3A_748 = arith.constant 3 : i32
    %dma_start3A_749 = arith.constant 20 : i32
    %dma_start3A_750 = arith.constant 0 : i32
    %dma_start3A_751 = tpu.memref_slice %arg8[%dma_start3A_748, %dma_start3A_749, %dma_start3A_750] : memref<4x220x64xf32, #tpu.memory_space<vmem>> -> memref<1x100x64xf32, #tpu.memory_space<vmem>>
    %dma_start3A_752 = tpu.memref_squeeze %dma_start3A_751 : memref<1x100x64xf32, #tpu.memory_space<vmem>> -> memref<100x64xf32, #tpu.memory_space<vmem>>
    %dma_start3A_753 = arith.constant 0 : i32
    %dma_start3A_754 = tpu.memref_slice %arg6[%dma_start3A_746, %dma_start3A_747, %dma_start3A_753] : memref<32x2x100xi32, #tpu.memory_space<vmem>> -> memref<1x1x100xi32, #tpu.memory_space<vmem>>
    %dma_start3A_755 = tpu.memref_squeeze %dma_start3A_754 : memref<1x1x100xi32, #tpu.memory_space<vmem>> -> memref<100xi32, #tpu.memory_space<vmem>>
    %dma_start3A_756 = arith.constant 0 : i32
    %dma_start3A_757 = arith.constant 0 : i32
    %dma_start3A_758 = tpu.memref_slice %arg3[%dma_start3A_756, %dma_start3A_757] : memref<1000000x64xf32, #tpu.memory_space<hbm>> -> memref<1000000x64xf32, #tpu.memory_space<hbm>>
    tpu.enqueue_indirect_dma source(%dma_start3A_758 : memref<1000000x64xf32, #tpu.memory_space<hbm>>) target(%dma_start3A_752 : memref<100x64xf32, #tpu.memory_space<vmem>>) offsets(%dma_start3A_755 : memref<100xi32, #tpu.memory_space<vmem>>) semaphore(%arg10 : memref<!tpu.dma_semaphore, #tpu.memory_space<semaphore_mem>>)
    %dma_start3A_759 = arith.constant 15 : i32
    %dma_start3A_760 = arith.constant 1 : i32
    %dma_start3A_761 = arith.constant 3 : i32
    %dma_start3A_762 = arith.constant 120 : i32
    %dma_start3A_763 = arith.constant 0 : i32
    %dma_start3A_764 = tpu.memref_slice %arg8[%dma_start3A_761, %dma_start3A_762, %dma_start3A_763] : memref<4x220x64xf32, #tpu.memory_space<vmem>> -> memref<1x100x64xf32, #tpu.memory_space<vmem>>
    %dma_start3A_765 = tpu.memref_squeeze %dma_start3A_764 : memref<1x100x64xf32, #tpu.memory_space<vmem>> -> memref<100x64xf32, #tpu.memory_space<vmem>>
    %dma_start3A_766 = arith.constant 0 : i32
    %dma_start3A_767 = tpu.memref_slice %arg6[%dma_start3A_759, %dma_start3A_760, %dma_start3A_766] : memref<32x2x100xi32, #tpu.memory_space<vmem>> -> memref<1x1x100xi32, #tpu.memory_space<vmem>>
    %dma_start3A_768 = tpu.memref_squeeze %dma_start3A_767 : memref<1x1x100xi32, #tpu.memory_space<vmem>> -> memref<100xi32, #tpu.memory_space<vmem>>
    %dma_start3A_769 = arith.constant 0 : i32
    %dma_start3A_770 = arith.constant 0 : i32
    %dma_start3A_771 = tpu.memref_slice %arg3[%dma_start3A_769, %dma_start3A_770] : memref<1000000x64xf32, #tpu.memory_space<hbm>> -> memref<1000000x64xf32, #tpu.memory_space<hbm>>
    tpu.enqueue_indirect_dma source(%dma_start3A_771 : memref<1000000x64xf32, #tpu.memory_space<hbm>>) target(%dma_start3A_765 : memref<100x64xf32, #tpu.memory_space<vmem>>) offsets(%dma_start3A_768 : memref<100xi32, #tpu.memory_space<vmem>>) semaphore(%arg10 : memref<!tpu.dma_semaphore, #tpu.memory_space<semaphore_mem>>)
    %dma_wait3A_772 = arith.constant 12 : i32
    %dma_wait3A_773 = arith.constant 0 : i32
    %dma_wait3A_774 = arith.constant 0 : i32
    %dma_wait3A_775 = arith.constant 20 : i32
    %dma_wait3A_776 = arith.constant 0 : i32
    %dma_wait3A_777 = tpu.memref_slice %arg8[%dma_wait3A_774, %dma_wait3A_775, %dma_wait3A_776] : memref<4x220x64xf32, #tpu.memory_space<vmem>> -> memref<1x100x64xf32, #tpu.memory_space<vmem>>
    %dma_wait3A_778 = tpu.memref_squeeze %dma_wait3A_777 : memref<1x100x64xf32, #tpu.memory_space<vmem>> -> memref<100x64xf32, #tpu.memory_space<vmem>>
    %dma_wait3A_779 = arith.constant 0 : i32
    %dma_wait3A_780 = tpu.memref_slice %arg6[%dma_wait3A_772, %dma_wait3A_773, %dma_wait3A_779] : memref<32x2x100xi32, #tpu.memory_space<vmem>> -> memref<1x1x100xi32, #tpu.memory_space<vmem>>
    %dma_wait3A_781 = tpu.memref_squeeze %dma_wait3A_780 : memref<1x1x100xi32, #tpu.memory_space<vmem>> -> memref<100xi32, #tpu.memory_space<vmem>>
    %dma_wait3A_782 = arith.constant 0 : i32
    %dma_wait3A_783 = arith.constant 0 : i32
    %dma_wait3A_784 = tpu.memref_slice %arg3[%dma_wait3A_782, %dma_wait3A_783] : memref<1000000x64xf32, #tpu.memory_space<hbm>> -> memref<1000000x64xf32, #tpu.memory_space<hbm>>
    tpu.wait_indirect_dma semaphore(%arg10 : memref<!tpu.dma_semaphore, #tpu.memory_space<semaphore_mem>>) src(%dma_wait3A_784 : memref<1000000x64xf32, #tpu.memory_space<hbm>>) dst(%dma_wait3A_778 : memref<100x64xf32, #tpu.memory_space<vmem>>)
    %dma_wait3A_785 = arith.constant 12 : i32
    %dma_wait3A_786 = arith.constant 1 : i32
    %dma_wait3A_787 = arith.constant 0 : i32
    %dma_wait3A_788 = arith.constant 120 : i32
    %dma_wait3A_789 = arith.constant 0 : i32
    %dma_wait3A_790 = tpu.memref_slice %arg8[%dma_wait3A_787, %dma_wait3A_788, %dma_wait3A_789] : memref<4x220x64xf32, #tpu.memory_space<vmem>> -> memref<1x100x64xf32, #tpu.memory_space<vmem>>
    %dma_wait3A_791 = tpu.memref_squeeze %dma_wait3A_790 : memref<1x100x64xf32, #tpu.memory_space<vmem>> -> memref<100x64xf32, #tpu.memory_space<vmem>>
    %dma_wait3A_792 = arith.constant 0 : i32
    %dma_wait3A_793 = tpu.memref_slice %arg6[%dma_wait3A_785, %dma_wait3A_786, %dma_wait3A_792] : memref<32x2x100xi32, #tpu.memory_space<vmem>> -> memref<1x1x100xi32, #tpu.memory_space<vmem>>
    %dma_wait3A_794 = tpu.memref_squeeze %dma_wait3A_793 : memref<1x1x100xi32, #tpu.memory_space<vmem>> -> memref<100xi32, #tpu.memory_space<vmem>>
    %dma_wait3A_795 = arith.constant 0 : i32
    %dma_wait3A_796 = arith.constant 0 : i32
    %dma_wait3A_797 = tpu.memref_slice %arg3[%dma_wait3A_795, %dma_wait3A_796] : memref<1000000x64xf32, #tpu.memory_space<hbm>> -> memref<1000000x64xf32, #tpu.memory_space<hbm>>
    tpu.wait_indirect_dma semaphore(%arg10 : memref<!tpu.dma_semaphore, #tpu.memory_space<semaphore_mem>>) src(%dma_wait3A_797 : memref<1000000x64xf32, #tpu.memory_space<hbm>>) dst(%dma_wait3A_791 : memref<100x64xf32, #tpu.memory_space<vmem>>)
    %dma_wait3A_798 = arith.constant 13 : i32
    %dma_wait3A_799 = arith.constant 0 : i32
    %dma_wait3A_800 = arith.constant 1 : i32
    %dma_wait3A_801 = arith.constant 20 : i32
    %dma_wait3A_802 = arith.constant 0 : i32
    %dma_wait3A_803 = tpu.memref_slice %arg8[%dma_wait3A_800, %dma_wait3A_801, %dma_wait3A_802] : memref<4x220x64xf32, #tpu.memory_space<vmem>> -> memref<1x100x64xf32, #tpu.memory_space<vmem>>
    %dma_wait3A_804 = tpu.memref_squeeze %dma_wait3A_803 : memref<1x100x64xf32, #tpu.memory_space<vmem>> -> memref<100x64xf32, #tpu.memory_space<vmem>>
    %dma_wait3A_805 = arith.constant 0 : i32
    %dma_wait3A_806 = tpu.memref_slice %arg6[%dma_wait3A_798, %dma_wait3A_799, %dma_wait3A_805] : memref<32x2x100xi32, #tpu.memory_space<vmem>> -> memref<1x1x100xi32, #tpu.memory_space<vmem>>
    %dma_wait3A_807 = tpu.memref_squeeze %dma_wait3A_806 : memref<1x1x100xi32, #tpu.memory_space<vmem>> -> memref<100xi32, #tpu.memory_space<vmem>>
    %dma_wait3A_808 = arith.constant 0 : i32
    %dma_wait3A_809 = arith.constant 0 : i32
    %dma_wait3A_810 = tpu.memref_slice %arg3[%dma_wait3A_808, %dma_wait3A_809] : memref<1000000x64xf32, #tpu.memory_space<hbm>> -> memref<1000000x64xf32, #tpu.memory_space<hbm>>
    tpu.wait_indirect_dma semaphore(%arg10 : memref<!tpu.dma_semaphore, #tpu.memory_space<semaphore_mem>>) src(%dma_wait3A_810 : memref<1000000x64xf32, #tpu.memory_space<hbm>>) dst(%dma_wait3A_804 : memref<100x64xf32, #tpu.memory_space<vmem>>)
    %dma_wait3A_811 = arith.constant 13 : i32
    %dma_wait3A_812 = arith.constant 1 : i32
    %dma_wait3A_813 = arith.constant 1 : i32
    %dma_wait3A_814 = arith.constant 120 : i32
    %dma_wait3A_815 = arith.constant 0 : i32
    %dma_wait3A_816 = tpu.memref_slice %arg8[%dma_wait3A_813, %dma_wait3A_814, %dma_wait3A_815] : memref<4x220x64xf32, #tpu.memory_space<vmem>> -> memref<1x100x64xf32, #tpu.memory_space<vmem>>
    %dma_wait3A_817 = tpu.memref_squeeze %dma_wait3A_816 : memref<1x100x64xf32, #tpu.memory_space<vmem>> -> memref<100x64xf32, #tpu.memory_space<vmem>>
    %dma_wait3A_818 = arith.constant 0 : i32
    %dma_wait3A_819 = tpu.memref_slice %arg6[%dma_wait3A_811, %dma_wait3A_812, %dma_wait3A_818] : memref<32x2x100xi32, #tpu.memory_space<vmem>> -> memref<1x1x100xi32, #tpu.memory_space<vmem>>
    %dma_wait3A_820 = tpu.memref_squeeze %dma_wait3A_819 : memref<1x1x100xi32, #tpu.memory_space<vmem>> -> memref<100xi32, #tpu.memory_space<vmem>>
    %dma_wait3A_821 = arith.constant 0 : i32
    %dma_wait3A_822 = arith.constant 0 : i32
    %dma_wait3A_823 = tpu.memref_slice %arg3[%dma_wait3A_821, %dma_wait3A_822] : memref<1000000x64xf32, #tpu.memory_space<hbm>> -> memref<1000000x64xf32, #tpu.memory_space<hbm>>
    tpu.wait_indirect_dma semaphore(%arg10 : memref<!tpu.dma_semaphore, #tpu.memory_space<semaphore_mem>>) src(%dma_wait3A_823 : memref<1000000x64xf32, #tpu.memory_space<hbm>>) dst(%dma_wait3A_817 : memref<100x64xf32, #tpu.memory_space<vmem>>)
    %dma_wait3A_824 = arith.constant 14 : i32
    %dma_wait3A_825 = arith.constant 0 : i32
    %dma_wait3A_826 = arith.constant 2 : i32
    %dma_wait3A_827 = arith.constant 20 : i32
    %dma_wait3A_828 = arith.constant 0 : i32
    %dma_wait3A_829 = tpu.memref_slice %arg8[%dma_wait3A_826, %dma_wait3A_827, %dma_wait3A_828] : memref<4x220x64xf32, #tpu.memory_space<vmem>> -> memref<1x100x64xf32, #tpu.memory_space<vmem>>
    %dma_wait3A_830 = tpu.memref_squeeze %dma_wait3A_829 : memref<1x100x64xf32, #tpu.memory_space<vmem>> -> memref<100x64xf32, #tpu.memory_space<vmem>>
    %dma_wait3A_831 = arith.constant 0 : i32
    %dma_wait3A_832 = tpu.memref_slice %arg6[%dma_wait3A_824, %dma_wait3A_825, %dma_wait3A_831] : memref<32x2x100xi32, #tpu.memory_space<vmem>> -> memref<1x1x100xi32, #tpu.memory_space<vmem>>
    %dma_wait3A_833 = tpu.memref_squeeze %dma_wait3A_832 : memref<1x1x100xi32, #tpu.memory_space<vmem>> -> memref<100xi32, #tpu.memory_space<vmem>>
    %dma_wait3A_834 = arith.constant 0 : i32
    %dma_wait3A_835 = arith.constant 0 : i32
    %dma_wait3A_836 = tpu.memref_slice %arg3[%dma_wait3A_834, %dma_wait3A_835] : memref<1000000x64xf32, #tpu.memory_space<hbm>> -> memref<1000000x64xf32, #tpu.memory_space<hbm>>
    tpu.wait_indirect_dma semaphore(%arg10 : memref<!tpu.dma_semaphore, #tpu.memory_space<semaphore_mem>>) src(%dma_wait3A_836 : memref<1000000x64xf32, #tpu.memory_space<hbm>>) dst(%dma_wait3A_830 : memref<100x64xf32, #tpu.memory_space<vmem>>)
    %dma_wait3A_837 = arith.constant 14 : i32
    %dma_wait3A_838 = arith.constant 1 : i32
    %dma_wait3A_839 = arith.constant 2 : i32
    %dma_wait3A_840 = arith.constant 120 : i32
    %dma_wait3A_841 = arith.constant 0 : i32
    %dma_wait3A_842 = tpu.memref_slice %arg8[%dma_wait3A_839, %dma_wait3A_840, %dma_wait3A_841] : memref<4x220x64xf32, #tpu.memory_space<vmem>> -> memref<1x100x64xf32, #tpu.memory_space<vmem>>
    %dma_wait3A_843 = tpu.memref_squeeze %dma_wait3A_842 : memref<1x100x64xf32, #tpu.memory_space<vmem>> -> memref<100x64xf32, #tpu.memory_space<vmem>>
    %dma_wait3A_844 = arith.constant 0 : i32
    %dma_wait3A_845 = tpu.memref_slice %arg6[%dma_wait3A_837, %dma_wait3A_838, %dma_wait3A_844] : memref<32x2x100xi32, #tpu.memory_space<vmem>> -> memref<1x1x100xi32, #tpu.memory_space<vmem>>
    %dma_wait3A_846 = tpu.memref_squeeze %dma_wait3A_845 : memref<1x1x100xi32, #tpu.memory_space<vmem>> -> memref<100xi32, #tpu.memory_space<vmem>>
    %dma_wait3A_847 = arith.constant 0 : i32
    %dma_wait3A_848 = arith.constant 0 : i32
    %dma_wait3A_849 = tpu.memref_slice %arg3[%dma_wait3A_847, %dma_wait3A_848] : memref<1000000x64xf32, #tpu.memory_space<hbm>> -> memref<1000000x64xf32, #tpu.memory_space<hbm>>
    tpu.wait_indirect_dma semaphore(%arg10 : memref<!tpu.dma_semaphore, #tpu.memory_space<semaphore_mem>>) src(%dma_wait3A_849 : memref<1000000x64xf32, #tpu.memory_space<hbm>>) dst(%dma_wait3A_843 : memref<100x64xf32, #tpu.memory_space<vmem>>)
    %dma_wait3A_850 = arith.constant 15 : i32
    %dma_wait3A_851 = arith.constant 0 : i32
    %dma_wait3A_852 = arith.constant 3 : i32
    %dma_wait3A_853 = arith.constant 20 : i32
    %dma_wait3A_854 = arith.constant 0 : i32
    %dma_wait3A_855 = tpu.memref_slice %arg8[%dma_wait3A_852, %dma_wait3A_853, %dma_wait3A_854] : memref<4x220x64xf32, #tpu.memory_space<vmem>> -> memref<1x100x64xf32, #tpu.memory_space<vmem>>
    %dma_wait3A_856 = tpu.memref_squeeze %dma_wait3A_855 : memref<1x100x64xf32, #tpu.memory_space<vmem>> -> memref<100x64xf32, #tpu.memory_space<vmem>>
    %dma_wait3A_857 = arith.constant 0 : i32
    %dma_wait3A_858 = tpu.memref_slice %arg6[%dma_wait3A_850, %dma_wait3A_851, %dma_wait3A_857] : memref<32x2x100xi32, #tpu.memory_space<vmem>> -> memref<1x1x100xi32, #tpu.memory_space<vmem>>
    %dma_wait3A_859 = tpu.memref_squeeze %dma_wait3A_858 : memref<1x1x100xi32, #tpu.memory_space<vmem>> -> memref<100xi32, #tpu.memory_space<vmem>>
    %dma_wait3A_860 = arith.constant 0 : i32
    %dma_wait3A_861 = arith.constant 0 : i32
    %dma_wait3A_862 = tpu.memref_slice %arg3[%dma_wait3A_860, %dma_wait3A_861] : memref<1000000x64xf32, #tpu.memory_space<hbm>> -> memref<1000000x64xf32, #tpu.memory_space<hbm>>
    tpu.wait_indirect_dma semaphore(%arg10 : memref<!tpu.dma_semaphore, #tpu.memory_space<semaphore_mem>>) src(%dma_wait3A_862 : memref<1000000x64xf32, #tpu.memory_space<hbm>>) dst(%dma_wait3A_856 : memref<100x64xf32, #tpu.memory_space<vmem>>)
    %dma_wait3A_863 = arith.constant 15 : i32
    %dma_wait3A_864 = arith.constant 1 : i32
    %dma_wait3A_865 = arith.constant 3 : i32
    %dma_wait3A_866 = arith.constant 120 : i32
    %dma_wait3A_867 = arith.constant 0 : i32
    %dma_wait3A_868 = tpu.memref_slice %arg8[%dma_wait3A_865, %dma_wait3A_866, %dma_wait3A_867] : memref<4x220x64xf32, #tpu.memory_space<vmem>> -> memref<1x100x64xf32, #tpu.memory_space<vmem>>
    %dma_wait3A_869 = tpu.memref_squeeze %dma_wait3A_868 : memref<1x100x64xf32, #tpu.memory_space<vmem>> -> memref<100x64xf32, #tpu.memory_space<vmem>>
    %dma_wait3A_870 = arith.constant 0 : i32
    %dma_wait3A_871 = tpu.memref_slice %arg6[%dma_wait3A_863, %dma_wait3A_864, %dma_wait3A_870] : memref<32x2x100xi32, #tpu.memory_space<vmem>> -> memref<1x1x100xi32, #tpu.memory_space<vmem>>
    %dma_wait3A_872 = tpu.memref_squeeze %dma_wait3A_871 : memref<1x1x100xi32, #tpu.memory_space<vmem>> -> memref<100xi32, #tpu.memory_space<vmem>>
    %dma_wait3A_873 = arith.constant 0 : i32
    %dma_wait3A_874 = arith.constant 0 : i32
    %dma_wait3A_875 = tpu.memref_slice %arg3[%dma_wait3A_873, %dma_wait3A_874] : memref<1000000x64xf32, #tpu.memory_space<hbm>> -> memref<1000000x64xf32, #tpu.memory_space<hbm>>
    tpu.wait_indirect_dma semaphore(%arg10 : memref<!tpu.dma_semaphore, #tpu.memory_space<semaphore_mem>>) src(%dma_wait3A_875 : memref<1000000x64xf32, #tpu.memory_space<hbm>>) dst(%dma_wait3A_869 : memref<100x64xf32, #tpu.memory_space<vmem>>)
    %add3A_876 = arith.constant 12 : i32
    %add3A_877 = arith.addi %mul3A_2, %add3A_876 : i32
    %dma_start3A_878 = arith.constant 0 : i32
    %dma_start3A_879 = arith.constant 0 : i32
    %dma_start3A_880 = tpu.memref_slice %arg5[%add3A_877, %dma_start3A_878, %dma_start3A_879] : memref<1024x220x64xf32, #tpu.memory_space<hbm>> -> memref<4x220x64xf32, #tpu.memory_space<hbm>>
    %dma_start3A_881 = arith.constant 0 : i32
    %dma_start3A_882 = arith.constant 0 : i32
    %dma_start3A_883 = tpu.memref_slice %arg5[%add3A_877, %dma_start3A_881, %dma_start3A_882] : memref<1024x220x64xf32, #tpu.memory_space<hbm>> -> memref<4x220x64xf32, #tpu.memory_space<hbm>>
    tpu.enqueue_dma source(%arg8 : memref<4x220x64xf32, #tpu.memory_space<vmem>>) target(%dma_start3A_883 : memref<4x220x64xf32, #tpu.memory_space<hbm>>) target_semaphore(%arg12 : memref<!tpu.dma_semaphore, #tpu.memory_space<semaphore_mem>>)
    %dma_wait3A_884 = arith.constant 0 : i32
    %dma_wait3A_885 = arith.constant 0 : i32
    %dma_wait3A_886 = tpu.memref_slice %arg5[%add3A_655, %dma_wait3A_884, %dma_wait3A_885] : memref<1024x220x64xf32, #tpu.memory_space<hbm>> -> memref<4x220x64xf32, #tpu.memory_space<hbm>>
    %dma_wait3A_887 = arith.constant 0 : i32
    %dma_wait3A_888 = arith.constant 0 : i32
    %dma_wait3A_889 = tpu.memref_slice %arg5[%add3A_655, %dma_wait3A_887, %dma_wait3A_888] : memref<1024x220x64xf32, #tpu.memory_space<hbm>> -> memref<4x220x64xf32, #tpu.memory_space<hbm>>
    tpu.wait_dma2 semaphore(%arg11 : memref<!tpu.dma_semaphore, #tpu.memory_space<semaphore_mem>>) src(%arg7 : memref<4x220x64xf32, #tpu.memory_space<vmem>>) dst(%dma_wait3A_889 : memref<4x220x64xf32, #tpu.memory_space<hbm>>)
    %dma_start3A_890 = arith.constant 16 : i32
    %dma_start3A_891 = arith.constant 0 : i32
    %dma_start3A_892 = arith.constant 0 : i32
    %dma_start3A_893 = arith.constant 20 : i32
    %dma_start3A_894 = arith.constant 0 : i32
    %dma_start3A_895 = tpu.memref_slice %arg7[%dma_start3A_892, %dma_start3A_893, %dma_start3A_894] : memref<4x220x64xf32, #tpu.memory_space<vmem>> -> memref<1x100x64xf32, #tpu.memory_space<vmem>>
    %dma_start3A_896 = tpu.memref_squeeze %dma_start3A_895 : memref<1x100x64xf32, #tpu.memory_space<vmem>> -> memref<100x64xf32, #tpu.memory_space<vmem>>
    %dma_start3A_897 = arith.constant 0 : i32
    %dma_start3A_898 = tpu.memref_slice %arg6[%dma_start3A_890, %dma_start3A_891, %dma_start3A_897] : memref<32x2x100xi32, #tpu.memory_space<vmem>> -> memref<1x1x100xi32, #tpu.memory_space<vmem>>
    %dma_start3A_899 = tpu.memref_squeeze %dma_start3A_898 : memref<1x1x100xi32, #tpu.memory_space<vmem>> -> memref<100xi32, #tpu.memory_space<vmem>>
    %dma_start3A_900 = arith.constant 0 : i32
    %dma_start3A_901 = arith.constant 0 : i32
    %dma_start3A_902 = tpu.memref_slice %arg3[%dma_start3A_900, %dma_start3A_901] : memref<1000000x64xf32, #tpu.memory_space<hbm>> -> memref<1000000x64xf32, #tpu.memory_space<hbm>>
    tpu.enqueue_indirect_dma source(%dma_start3A_902 : memref<1000000x64xf32, #tpu.memory_space<hbm>>) target(%dma_start3A_896 : memref<100x64xf32, #tpu.memory_space<vmem>>) offsets(%dma_start3A_899 : memref<100xi32, #tpu.memory_space<vmem>>) semaphore(%arg9 : memref<!tpu.dma_semaphore, #tpu.memory_space<semaphore_mem>>)
    %dma_start3A_903 = arith.constant 16 : i32
    %dma_start3A_904 = arith.constant 1 : i32
    %dma_start3A_905 = arith.constant 0 : i32
    %dma_start3A_906 = arith.constant 120 : i32
    %dma_start3A_907 = arith.constant 0 : i32
    %dma_start3A_908 = tpu.memref_slice %arg7[%dma_start3A_905, %dma_start3A_906, %dma_start3A_907] : memref<4x220x64xf32, #tpu.memory_space<vmem>> -> memref<1x100x64xf32, #tpu.memory_space<vmem>>
    %dma_start3A_909 = tpu.memref_squeeze %dma_start3A_908 : memref<1x100x64xf32, #tpu.memory_space<vmem>> -> memref<100x64xf32, #tpu.memory_space<vmem>>
    %dma_start3A_910 = arith.constant 0 : i32
    %dma_start3A_911 = tpu.memref_slice %arg6[%dma_start3A_903, %dma_start3A_904, %dma_start3A_910] : memref<32x2x100xi32, #tpu.memory_space<vmem>> -> memref<1x1x100xi32, #tpu.memory_space<vmem>>
    %dma_start3A_912 = tpu.memref_squeeze %dma_start3A_911 : memref<1x1x100xi32, #tpu.memory_space<vmem>> -> memref<100xi32, #tpu.memory_space<vmem>>
    %dma_start3A_913 = arith.constant 0 : i32
    %dma_start3A_914 = arith.constant 0 : i32
    %dma_start3A_915 = tpu.memref_slice %arg3[%dma_start3A_913, %dma_start3A_914] : memref<1000000x64xf32, #tpu.memory_space<hbm>> -> memref<1000000x64xf32, #tpu.memory_space<hbm>>
    tpu.enqueue_indirect_dma source(%dma_start3A_915 : memref<1000000x64xf32, #tpu.memory_space<hbm>>) target(%dma_start3A_909 : memref<100x64xf32, #tpu.memory_space<vmem>>) offsets(%dma_start3A_912 : memref<100xi32, #tpu.memory_space<vmem>>) semaphore(%arg9 : memref<!tpu.dma_semaphore, #tpu.memory_space<semaphore_mem>>)
    %dma_start3A_916 = arith.constant 17 : i32
    %dma_start3A_917 = arith.constant 0 : i32
    %dma_start3A_918 = arith.constant 1 : i32
    %dma_start3A_919 = arith.constant 20 : i32
    %dma_start3A_920 = arith.constant 0 : i32
    %dma_start3A_921 = tpu.memref_slice %arg7[%dma_start3A_918, %dma_start3A_919, %dma_start3A_920] : memref<4x220x64xf32, #tpu.memory_space<vmem>> -> memref<1x100x64xf32, #tpu.memory_space<vmem>>
    %dma_start3A_922 = tpu.memref_squeeze %dma_start3A_921 : memref<1x100x64xf32, #tpu.memory_space<vmem>> -> memref<100x64xf32, #tpu.memory_space<vmem>>
    %dma_start3A_923 = arith.constant 0 : i32
    %dma_start3A_924 = tpu.memref_slice %arg6[%dma_start3A_916, %dma_start3A_917, %dma_start3A_923] : memref<32x2x100xi32, #tpu.memory_space<vmem>> -> memref<1x1x100xi32, #tpu.memory_space<vmem>>
    %dma_start3A_925 = tpu.memref_squeeze %dma_start3A_924 : memref<1x1x100xi32, #tpu.memory_space<vmem>> -> memref<100xi32, #tpu.memory_space<vmem>>
    %dma_start3A_926 = arith.constant 0 : i32
    %dma_start3A_927 = arith.constant 0 : i32
    %dma_start3A_928 = tpu.memref_slice %arg3[%dma_start3A_926, %dma_start3A_927] : memref<1000000x64xf32, #tpu.memory_space<hbm>> -> memref<1000000x64xf32, #tpu.memory_space<hbm>>
    tpu.enqueue_indirect_dma source(%dma_start3A_928 : memref<1000000x64xf32, #tpu.memory_space<hbm>>) target(%dma_start3A_922 : memref<100x64xf32, #tpu.memory_space<vmem>>) offsets(%dma_start3A_925 : memref<100xi32, #tpu.memory_space<vmem>>) semaphore(%arg9 : memref<!tpu.dma_semaphore, #tpu.memory_space<semaphore_mem>>)
    %dma_start3A_929 = arith.constant 17 : i32
    %dma_start3A_930 = arith.constant 1 : i32
    %dma_start3A_931 = arith.constant 1 : i32
    %dma_start3A_932 = arith.constant 120 : i32
    %dma_start3A_933 = arith.constant 0 : i32
    %dma_start3A_934 = tpu.memref_slice %arg7[%dma_start3A_931, %dma_start3A_932, %dma_start3A_933] : memref<4x220x64xf32, #tpu.memory_space<vmem>> -> memref<1x100x64xf32, #tpu.memory_space<vmem>>
    %dma_start3A_935 = tpu.memref_squeeze %dma_start3A_934 : memref<1x100x64xf32, #tpu.memory_space<vmem>> -> memref<100x64xf32, #tpu.memory_space<vmem>>
    %dma_start3A_936 = arith.constant 0 : i32
    %dma_start3A_937 = tpu.memref_slice %arg6[%dma_start3A_929, %dma_start3A_930, %dma_start3A_936] : memref<32x2x100xi32, #tpu.memory_space<vmem>> -> memref<1x1x100xi32, #tpu.memory_space<vmem>>
    %dma_start3A_938 = tpu.memref_squeeze %dma_start3A_937 : memref<1x1x100xi32, #tpu.memory_space<vmem>> -> memref<100xi32, #tpu.memory_space<vmem>>
    %dma_start3A_939 = arith.constant 0 : i32
    %dma_start3A_940 = arith.constant 0 : i32
    %dma_start3A_941 = tpu.memref_slice %arg3[%dma_start3A_939, %dma_start3A_940] : memref<1000000x64xf32, #tpu.memory_space<hbm>> -> memref<1000000x64xf32, #tpu.memory_space<hbm>>
    tpu.enqueue_indirect_dma source(%dma_start3A_941 : memref<1000000x64xf32, #tpu.memory_space<hbm>>) target(%dma_start3A_935 : memref<100x64xf32, #tpu.memory_space<vmem>>) offsets(%dma_start3A_938 : memref<100xi32, #tpu.memory_space<vmem>>) semaphore(%arg9 : memref<!tpu.dma_semaphore, #tpu.memory_space<semaphore_mem>>)
    %dma_start3A_942 = arith.constant 18 : i32
    %dma_start3A_943 = arith.constant 0 : i32
    %dma_start3A_944 = arith.constant 2 : i32
    %dma_start3A_945 = arith.constant 20 : i32
    %dma_start3A_946 = arith.constant 0 : i32
    %dma_start3A_947 = tpu.memref_slice %arg7[%dma_start3A_944, %dma_start3A_945, %dma_start3A_946] : memref<4x220x64xf32, #tpu.memory_space<vmem>> -> memref<1x100x64xf32, #tpu.memory_space<vmem>>
    %dma_start3A_948 = tpu.memref_squeeze %dma_start3A_947 : memref<1x100x64xf32, #tpu.memory_space<vmem>> -> memref<100x64xf32, #tpu.memory_space<vmem>>
    %dma_start3A_949 = arith.constant 0 : i32
    %dma_start3A_950 = tpu.memref_slice %arg6[%dma_start3A_942, %dma_start3A_943, %dma_start3A_949] : memref<32x2x100xi32, #tpu.memory_space<vmem>> -> memref<1x1x100xi32, #tpu.memory_space<vmem>>
    %dma_start3A_951 = tpu.memref_squeeze %dma_start3A_950 : memref<1x1x100xi32, #tpu.memory_space<vmem>> -> memref<100xi32, #tpu.memory_space<vmem>>
    %dma_start3A_952 = arith.constant 0 : i32
    %dma_start3A_953 = arith.constant 0 : i32
    %dma_start3A_954 = tpu.memref_slice %arg3[%dma_start3A_952, %dma_start3A_953] : memref<1000000x64xf32, #tpu.memory_space<hbm>> -> memref<1000000x64xf32, #tpu.memory_space<hbm>>
    tpu.enqueue_indirect_dma source(%dma_start3A_954 : memref<1000000x64xf32, #tpu.memory_space<hbm>>) target(%dma_start3A_948 : memref<100x64xf32, #tpu.memory_space<vmem>>) offsets(%dma_start3A_951 : memref<100xi32, #tpu.memory_space<vmem>>) semaphore(%arg9 : memref<!tpu.dma_semaphore, #tpu.memory_space<semaphore_mem>>)
    %dma_start3A_955 = arith.constant 18 : i32
    %dma_start3A_956 = arith.constant 1 : i32
    %dma_start3A_957 = arith.constant 2 : i32
    %dma_start3A_958 = arith.constant 120 : i32
    %dma_start3A_959 = arith.constant 0 : i32
    %dma_start3A_960 = tpu.memref_slice %arg7[%dma_start3A_957, %dma_start3A_958, %dma_start3A_959] : memref<4x220x64xf32, #tpu.memory_space<vmem>> -> memref<1x100x64xf32, #tpu.memory_space<vmem>>
    %dma_start3A_961 = tpu.memref_squeeze %dma_start3A_960 : memref<1x100x64xf32, #tpu.memory_space<vmem>> -> memref<100x64xf32, #tpu.memory_space<vmem>>
    %dma_start3A_962 = arith.constant 0 : i32
    %dma_start3A_963 = tpu.memref_slice %arg6[%dma_start3A_955, %dma_start3A_956, %dma_start3A_962] : memref<32x2x100xi32, #tpu.memory_space<vmem>> -> memref<1x1x100xi32, #tpu.memory_space<vmem>>
    %dma_start3A_964 = tpu.memref_squeeze %dma_start3A_963 : memref<1x1x100xi32, #tpu.memory_space<vmem>> -> memref<100xi32, #tpu.memory_space<vmem>>
    %dma_start3A_965 = arith.constant 0 : i32
    %dma_start3A_966 = arith.constant 0 : i32
    %dma_start3A_967 = tpu.memref_slice %arg3[%dma_start3A_965, %dma_start3A_966] : memref<1000000x64xf32, #tpu.memory_space<hbm>> -> memref<1000000x64xf32, #tpu.memory_space<hbm>>
    tpu.enqueue_indirect_dma source(%dma_start3A_967 : memref<1000000x64xf32, #tpu.memory_space<hbm>>) target(%dma_start3A_961 : memref<100x64xf32, #tpu.memory_space<vmem>>) offsets(%dma_start3A_964 : memref<100xi32, #tpu.memory_space<vmem>>) semaphore(%arg9 : memref<!tpu.dma_semaphore, #tpu.memory_space<semaphore_mem>>)
    %dma_start3A_968 = arith.constant 19 : i32
    %dma_start3A_969 = arith.constant 0 : i32
    %dma_start3A_970 = arith.constant 3 : i32
    %dma_start3A_971 = arith.constant 20 : i32
    %dma_start3A_972 = arith.constant 0 : i32
    %dma_start3A_973 = tpu.memref_slice %arg7[%dma_start3A_970, %dma_start3A_971, %dma_start3A_972] : memref<4x220x64xf32, #tpu.memory_space<vmem>> -> memref<1x100x64xf32, #tpu.memory_space<vmem>>
    %dma_start3A_974 = tpu.memref_squeeze %dma_start3A_973 : memref<1x100x64xf32, #tpu.memory_space<vmem>> -> memref<100x64xf32, #tpu.memory_space<vmem>>
    %dma_start3A_975 = arith.constant 0 : i32
    %dma_start3A_976 = tpu.memref_slice %arg6[%dma_start3A_968, %dma_start3A_969, %dma_start3A_975] : memref<32x2x100xi32, #tpu.memory_space<vmem>> -> memref<1x1x100xi32, #tpu.memory_space<vmem>>
    %dma_start3A_977 = tpu.memref_squeeze %dma_start3A_976 : memref<1x1x100xi32, #tpu.memory_space<vmem>> -> memref<100xi32, #tpu.memory_space<vmem>>
    %dma_start3A_978 = arith.constant 0 : i32
    %dma_start3A_979 = arith.constant 0 : i32
    %dma_start3A_980 = tpu.memref_slice %arg3[%dma_start3A_978, %dma_start3A_979] : memref<1000000x64xf32, #tpu.memory_space<hbm>> -> memref<1000000x64xf32, #tpu.memory_space<hbm>>
    tpu.enqueue_indirect_dma source(%dma_start3A_980 : memref<1000000x64xf32, #tpu.memory_space<hbm>>) target(%dma_start3A_974 : memref<100x64xf32, #tpu.memory_space<vmem>>) offsets(%dma_start3A_977 : memref<100xi32, #tpu.memory_space<vmem>>) semaphore(%arg9 : memref<!tpu.dma_semaphore, #tpu.memory_space<semaphore_mem>>)
    %dma_start3A_981 = arith.constant 19 : i32
    %dma_start3A_982 = arith.constant 1 : i32
    %dma_start3A_983 = arith.constant 3 : i32
    %dma_start3A_984 = arith.constant 120 : i32
    %dma_start3A_985 = arith.constant 0 : i32
    %dma_start3A_986 = tpu.memref_slice %arg7[%dma_start3A_983, %dma_start3A_984, %dma_start3A_985] : memref<4x220x64xf32, #tpu.memory_space<vmem>> -> memref<1x100x64xf32, #tpu.memory_space<vmem>>
    %dma_start3A_987 = tpu.memref_squeeze %dma_start3A_986 : memref<1x100x64xf32, #tpu.memory_space<vmem>> -> memref<100x64xf32, #tpu.memory_space<vmem>>
    %dma_start3A_988 = arith.constant 0 : i32
    %dma_start3A_989 = tpu.memref_slice %arg6[%dma_start3A_981, %dma_start3A_982, %dma_start3A_988] : memref<32x2x100xi32, #tpu.memory_space<vmem>> -> memref<1x1x100xi32, #tpu.memory_space<vmem>>
    %dma_start3A_990 = tpu.memref_squeeze %dma_start3A_989 : memref<1x1x100xi32, #tpu.memory_space<vmem>> -> memref<100xi32, #tpu.memory_space<vmem>>
    %dma_start3A_991 = arith.constant 0 : i32
    %dma_start3A_992 = arith.constant 0 : i32
    %dma_start3A_993 = tpu.memref_slice %arg3[%dma_start3A_991, %dma_start3A_992] : memref<1000000x64xf32, #tpu.memory_space<hbm>> -> memref<1000000x64xf32, #tpu.memory_space<hbm>>
    tpu.enqueue_indirect_dma source(%dma_start3A_993 : memref<1000000x64xf32, #tpu.memory_space<hbm>>) target(%dma_start3A_987 : memref<100x64xf32, #tpu.memory_space<vmem>>) offsets(%dma_start3A_990 : memref<100xi32, #tpu.memory_space<vmem>>) semaphore(%arg9 : memref<!tpu.dma_semaphore, #tpu.memory_space<semaphore_mem>>)
    %dma_wait3A_994 = arith.constant 16 : i32
    %dma_wait3A_995 = arith.constant 0 : i32
    %dma_wait3A_996 = arith.constant 0 : i32
    %dma_wait3A_997 = arith.constant 20 : i32
    %dma_wait3A_998 = arith.constant 0 : i32
    %dma_wait3A_999 = tpu.memref_slice %arg7[%dma_wait3A_996, %dma_wait3A_997, %dma_wait3A_998] : memref<4x220x64xf32, #tpu.memory_space<vmem>> -> memref<1x100x64xf32, #tpu.memory_space<vmem>>
    %dma_wait3A_1000 = tpu.memref_squeeze %dma_wait3A_999 : memref<1x100x64xf32, #tpu.memory_space<vmem>> -> memref<100x64xf32, #tpu.memory_space<vmem>>
    %dma_wait3A_1001 = arith.constant 0 : i32
    %dma_wait3A_1002 = tpu.memref_slice %arg6[%dma_wait3A_994, %dma_wait3A_995, %dma_wait3A_1001] : memref<32x2x100xi32, #tpu.memory_space<vmem>> -> memref<1x1x100xi32, #tpu.memory_space<vmem>>
    %dma_wait3A_1003 = tpu.memref_squeeze %dma_wait3A_1002 : memref<1x1x100xi32, #tpu.memory_space<vmem>> -> memref<100xi32, #tpu.memory_space<vmem>>
    %dma_wait3A_1004 = arith.constant 0 : i32
    %dma_wait3A_1005 = arith.constant 0 : i32
    %dma_wait3A_1006 = tpu.memref_slice %arg3[%dma_wait3A_1004, %dma_wait3A_1005] : memref<1000000x64xf32, #tpu.memory_space<hbm>> -> memref<1000000x64xf32, #tpu.memory_space<hbm>>
    tpu.wait_indirect_dma semaphore(%arg9 : memref<!tpu.dma_semaphore, #tpu.memory_space<semaphore_mem>>) src(%dma_wait3A_1006 : memref<1000000x64xf32, #tpu.memory_space<hbm>>) dst(%dma_wait3A_1000 : memref<100x64xf32, #tpu.memory_space<vmem>>)
    %dma_wait3A_1007 = arith.constant 16 : i32
    %dma_wait3A_1008 = arith.constant 1 : i32
    %dma_wait3A_1009 = arith.constant 0 : i32
    %dma_wait3A_1010 = arith.constant 120 : i32
    %dma_wait3A_1011 = arith.constant 0 : i32
    %dma_wait3A_1012 = tpu.memref_slice %arg7[%dma_wait3A_1009, %dma_wait3A_1010, %dma_wait3A_1011] : memref<4x220x64xf32, #tpu.memory_space<vmem>> -> memref<1x100x64xf32, #tpu.memory_space<vmem>>
    %dma_wait3A_1013 = tpu.memref_squeeze %dma_wait3A_1012 : memref<1x100x64xf32, #tpu.memory_space<vmem>> -> memref<100x64xf32, #tpu.memory_space<vmem>>
    %dma_wait3A_1014 = arith.constant 0 : i32
    %dma_wait3A_1015 = tpu.memref_slice %arg6[%dma_wait3A_1007, %dma_wait3A_1008, %dma_wait3A_1014] : memref<32x2x100xi32, #tpu.memory_space<vmem>> -> memref<1x1x100xi32, #tpu.memory_space<vmem>>
    %dma_wait3A_1016 = tpu.memref_squeeze %dma_wait3A_1015 : memref<1x1x100xi32, #tpu.memory_space<vmem>> -> memref<100xi32, #tpu.memory_space<vmem>>
    %dma_wait3A_1017 = arith.constant 0 : i32
    %dma_wait3A_1018 = arith.constant 0 : i32
    %dma_wait3A_1019 = tpu.memref_slice %arg3[%dma_wait3A_1017, %dma_wait3A_1018] : memref<1000000x64xf32, #tpu.memory_space<hbm>> -> memref<1000000x64xf32, #tpu.memory_space<hbm>>
    tpu.wait_indirect_dma semaphore(%arg9 : memref<!tpu.dma_semaphore, #tpu.memory_space<semaphore_mem>>) src(%dma_wait3A_1019 : memref<1000000x64xf32, #tpu.memory_space<hbm>>) dst(%dma_wait3A_1013 : memref<100x64xf32, #tpu.memory_space<vmem>>)
    %dma_wait3A_1020 = arith.constant 17 : i32
    %dma_wait3A_1021 = arith.constant 0 : i32
    %dma_wait3A_1022 = arith.constant 1 : i32
    %dma_wait3A_1023 = arith.constant 20 : i32
    %dma_wait3A_1024 = arith.constant 0 : i32
    %dma_wait3A_1025 = tpu.memref_slice %arg7[%dma_wait3A_1022, %dma_wait3A_1023, %dma_wait3A_1024] : memref<4x220x64xf32, #tpu.memory_space<vmem>> -> memref<1x100x64xf32, #tpu.memory_space<vmem>>
    %dma_wait3A_1026 = tpu.memref_squeeze %dma_wait3A_1025 : memref<1x100x64xf32, #tpu.memory_space<vmem>> -> memref<100x64xf32, #tpu.memory_space<vmem>>
    %dma_wait3A_1027 = arith.constant 0 : i32
    %dma_wait3A_1028 = tpu.memref_slice %arg6[%dma_wait3A_1020, %dma_wait3A_1021, %dma_wait3A_1027] : memref<32x2x100xi32, #tpu.memory_space<vmem>> -> memref<1x1x100xi32, #tpu.memory_space<vmem>>
    %dma_wait3A_1029 = tpu.memref_squeeze %dma_wait3A_1028 : memref<1x1x100xi32, #tpu.memory_space<vmem>> -> memref<100xi32, #tpu.memory_space<vmem>>
    %dma_wait3A_1030 = arith.constant 0 : i32
    %dma_wait3A_1031 = arith.constant 0 : i32
    %dma_wait3A_1032 = tpu.memref_slice %arg3[%dma_wait3A_1030, %dma_wait3A_1031] : memref<1000000x64xf32, #tpu.memory_space<hbm>> -> memref<1000000x64xf32, #tpu.memory_space<hbm>>
    tpu.wait_indirect_dma semaphore(%arg9 : memref<!tpu.dma_semaphore, #tpu.memory_space<semaphore_mem>>) src(%dma_wait3A_1032 : memref<1000000x64xf32, #tpu.memory_space<hbm>>) dst(%dma_wait3A_1026 : memref<100x64xf32, #tpu.memory_space<vmem>>)
    %dma_wait3A_1033 = arith.constant 17 : i32
    %dma_wait3A_1034 = arith.constant 1 : i32
    %dma_wait3A_1035 = arith.constant 1 : i32
    %dma_wait3A_1036 = arith.constant 120 : i32
    %dma_wait3A_1037 = arith.constant 0 : i32
    %dma_wait3A_1038 = tpu.memref_slice %arg7[%dma_wait3A_1035, %dma_wait3A_1036, %dma_wait3A_1037] : memref<4x220x64xf32, #tpu.memory_space<vmem>> -> memref<1x100x64xf32, #tpu.memory_space<vmem>>
    %dma_wait3A_1039 = tpu.memref_squeeze %dma_wait3A_1038 : memref<1x100x64xf32, #tpu.memory_space<vmem>> -> memref<100x64xf32, #tpu.memory_space<vmem>>
    %dma_wait3A_1040 = arith.constant 0 : i32
    %dma_wait3A_1041 = tpu.memref_slice %arg6[%dma_wait3A_1033, %dma_wait3A_1034, %dma_wait3A_1040] : memref<32x2x100xi32, #tpu.memory_space<vmem>> -> memref<1x1x100xi32, #tpu.memory_space<vmem>>
    %dma_wait3A_1042 = tpu.memref_squeeze %dma_wait3A_1041 : memref<1x1x100xi32, #tpu.memory_space<vmem>> -> memref<100xi32, #tpu.memory_space<vmem>>
    %dma_wait3A_1043 = arith.constant 0 : i32
    %dma_wait3A_1044 = arith.constant 0 : i32
    %dma_wait3A_1045 = tpu.memref_slice %arg3[%dma_wait3A_1043, %dma_wait3A_1044] : memref<1000000x64xf32, #tpu.memory_space<hbm>> -> memref<1000000x64xf32, #tpu.memory_space<hbm>>
    tpu.wait_indirect_dma semaphore(%arg9 : memref<!tpu.dma_semaphore, #tpu.memory_space<semaphore_mem>>) src(%dma_wait3A_1045 : memref<1000000x64xf32, #tpu.memory_space<hbm>>) dst(%dma_wait3A_1039 : memref<100x64xf32, #tpu.memory_space<vmem>>)
    %dma_wait3A_1046 = arith.constant 18 : i32
    %dma_wait3A_1047 = arith.constant 0 : i32
    %dma_wait3A_1048 = arith.constant 2 : i32
    %dma_wait3A_1049 = arith.constant 20 : i32
    %dma_wait3A_1050 = arith.constant 0 : i32
    %dma_wait3A_1051 = tpu.memref_slice %arg7[%dma_wait3A_1048, %dma_wait3A_1049, %dma_wait3A_1050] : memref<4x220x64xf32, #tpu.memory_space<vmem>> -> memref<1x100x64xf32, #tpu.memory_space<vmem>>
    %dma_wait3A_1052 = tpu.memref_squeeze %dma_wait3A_1051 : memref<1x100x64xf32, #tpu.memory_space<vmem>> -> memref<100x64xf32, #tpu.memory_space<vmem>>
    %dma_wait3A_1053 = arith.constant 0 : i32
    %dma_wait3A_1054 = tpu.memref_slice %arg6[%dma_wait3A_1046, %dma_wait3A_1047, %dma_wait3A_1053] : memref<32x2x100xi32, #tpu.memory_space<vmem>> -> memref<1x1x100xi32, #tpu.memory_space<vmem>>
    %dma_wait3A_1055 = tpu.memref_squeeze %dma_wait3A_1054 : memref<1x1x100xi32, #tpu.memory_space<vmem>> -> memref<100xi32, #tpu.memory_space<vmem>>
    %dma_wait3A_1056 = arith.constant 0 : i32
    %dma_wait3A_1057 = arith.constant 0 : i32
    %dma_wait3A_1058 = tpu.memref_slice %arg3[%dma_wait3A_1056, %dma_wait3A_1057] : memref<1000000x64xf32, #tpu.memory_space<hbm>> -> memref<1000000x64xf32, #tpu.memory_space<hbm>>
    tpu.wait_indirect_dma semaphore(%arg9 : memref<!tpu.dma_semaphore, #tpu.memory_space<semaphore_mem>>) src(%dma_wait3A_1058 : memref<1000000x64xf32, #tpu.memory_space<hbm>>) dst(%dma_wait3A_1052 : memref<100x64xf32, #tpu.memory_space<vmem>>)
    %dma_wait3A_1059 = arith.constant 18 : i32
    %dma_wait3A_1060 = arith.constant 1 : i32
    %dma_wait3A_1061 = arith.constant 2 : i32
    %dma_wait3A_1062 = arith.constant 120 : i32
    %dma_wait3A_1063 = arith.constant 0 : i32
    %dma_wait3A_1064 = tpu.memref_slice %arg7[%dma_wait3A_1061, %dma_wait3A_1062, %dma_wait3A_1063] : memref<4x220x64xf32, #tpu.memory_space<vmem>> -> memref<1x100x64xf32, #tpu.memory_space<vmem>>
    %dma_wait3A_1065 = tpu.memref_squeeze %dma_wait3A_1064 : memref<1x100x64xf32, #tpu.memory_space<vmem>> -> memref<100x64xf32, #tpu.memory_space<vmem>>
    %dma_wait3A_1066 = arith.constant 0 : i32
    %dma_wait3A_1067 = tpu.memref_slice %arg6[%dma_wait3A_1059, %dma_wait3A_1060, %dma_wait3A_1066] : memref<32x2x100xi32, #tpu.memory_space<vmem>> -> memref<1x1x100xi32, #tpu.memory_space<vmem>>
    %dma_wait3A_1068 = tpu.memref_squeeze %dma_wait3A_1067 : memref<1x1x100xi32, #tpu.memory_space<vmem>> -> memref<100xi32, #tpu.memory_space<vmem>>
    %dma_wait3A_1069 = arith.constant 0 : i32
    %dma_wait3A_1070 = arith.constant 0 : i32
    %dma_wait3A_1071 = tpu.memref_slice %arg3[%dma_wait3A_1069, %dma_wait3A_1070] : memref<1000000x64xf32, #tpu.memory_space<hbm>> -> memref<1000000x64xf32, #tpu.memory_space<hbm>>
    tpu.wait_indirect_dma semaphore(%arg9 : memref<!tpu.dma_semaphore, #tpu.memory_space<semaphore_mem>>) src(%dma_wait3A_1071 : memref<1000000x64xf32, #tpu.memory_space<hbm>>) dst(%dma_wait3A_1065 : memref<100x64xf32, #tpu.memory_space<vmem>>)
    %dma_wait3A_1072 = arith.constant 19 : i32
    %dma_wait3A_1073 = arith.constant 0 : i32
    %dma_wait3A_1074 = arith.constant 3 : i32
    %dma_wait3A_1075 = arith.constant 20 : i32
    %dma_wait3A_1076 = arith.constant 0 : i32
    %dma_wait3A_1077 = tpu.memref_slice %arg7[%dma_wait3A_1074, %dma_wait3A_1075, %dma_wait3A_1076] : memref<4x220x64xf32, #tpu.memory_space<vmem>> -> memref<1x100x64xf32, #tpu.memory_space<vmem>>
    %dma_wait3A_1078 = tpu.memref_squeeze %dma_wait3A_1077 : memref<1x100x64xf32, #tpu.memory_space<vmem>> -> memref<100x64xf32, #tpu.memory_space<vmem>>
    %dma_wait3A_1079 = arith.constant 0 : i32
    %dma_wait3A_1080 = tpu.memref_slice %arg6[%dma_wait3A_1072, %dma_wait3A_1073, %dma_wait3A_1079] : memref<32x2x100xi32, #tpu.memory_space<vmem>> -> memref<1x1x100xi32, #tpu.memory_space<vmem>>
    %dma_wait3A_1081 = tpu.memref_squeeze %dma_wait3A_1080 : memref<1x1x100xi32, #tpu.memory_space<vmem>> -> memref<100xi32, #tpu.memory_space<vmem>>
    %dma_wait3A_1082 = arith.constant 0 : i32
    %dma_wait3A_1083 = arith.constant 0 : i32
    %dma_wait3A_1084 = tpu.memref_slice %arg3[%dma_wait3A_1082, %dma_wait3A_1083] : memref<1000000x64xf32, #tpu.memory_space<hbm>> -> memref<1000000x64xf32, #tpu.memory_space<hbm>>
    tpu.wait_indirect_dma semaphore(%arg9 : memref<!tpu.dma_semaphore, #tpu.memory_space<semaphore_mem>>) src(%dma_wait3A_1084 : memref<1000000x64xf32, #tpu.memory_space<hbm>>) dst(%dma_wait3A_1078 : memref<100x64xf32, #tpu.memory_space<vmem>>)
    %dma_wait3A_1085 = arith.constant 19 : i32
    %dma_wait3A_1086 = arith.constant 1 : i32
    %dma_wait3A_1087 = arith.constant 3 : i32
    %dma_wait3A_1088 = arith.constant 120 : i32
    %dma_wait3A_1089 = arith.constant 0 : i32
    %dma_wait3A_1090 = tpu.memref_slice %arg7[%dma_wait3A_1087, %dma_wait3A_1088, %dma_wait3A_1089] : memref<4x220x64xf32, #tpu.memory_space<vmem>> -> memref<1x100x64xf32, #tpu.memory_space<vmem>>
    %dma_wait3A_1091 = tpu.memref_squeeze %dma_wait3A_1090 : memref<1x100x64xf32, #tpu.memory_space<vmem>> -> memref<100x64xf32, #tpu.memory_space<vmem>>
    %dma_wait3A_1092 = arith.constant 0 : i32
    %dma_wait3A_1093 = tpu.memref_slice %arg6[%dma_wait3A_1085, %dma_wait3A_1086, %dma_wait3A_1092] : memref<32x2x100xi32, #tpu.memory_space<vmem>> -> memref<1x1x100xi32, #tpu.memory_space<vmem>>
    %dma_wait3A_1094 = tpu.memref_squeeze %dma_wait3A_1093 : memref<1x1x100xi32, #tpu.memory_space<vmem>> -> memref<100xi32, #tpu.memory_space<vmem>>
    %dma_wait3A_1095 = arith.constant 0 : i32
    %dma_wait3A_1096 = arith.constant 0 : i32
    %dma_wait3A_1097 = tpu.memref_slice %arg3[%dma_wait3A_1095, %dma_wait3A_1096] : memref<1000000x64xf32, #tpu.memory_space<hbm>> -> memref<1000000x64xf32, #tpu.memory_space<hbm>>
    tpu.wait_indirect_dma semaphore(%arg9 : memref<!tpu.dma_semaphore, #tpu.memory_space<semaphore_mem>>) src(%dma_wait3A_1097 : memref<1000000x64xf32, #tpu.memory_space<hbm>>) dst(%dma_wait3A_1091 : memref<100x64xf32, #tpu.memory_space<vmem>>)
    %add3A_1098 = arith.constant 16 : i32
    %add3A_1099 = arith.addi %mul3A_2, %add3A_1098 : i32
    %dma_start3A_1100 = arith.constant 0 : i32
    %dma_start3A_1101 = arith.constant 0 : i32
    %dma_start3A_1102 = tpu.memref_slice %arg5[%add3A_1099, %dma_start3A_1100, %dma_start3A_1101] : memref<1024x220x64xf32, #tpu.memory_space<hbm>> -> memref<4x220x64xf32, #tpu.memory_space<hbm>>
    %dma_start3A_1103 = arith.constant 0 : i32
    %dma_start3A_1104 = arith.constant 0 : i32
    %dma_start3A_1105 = tpu.memref_slice %arg5[%add3A_1099, %dma_start3A_1103, %dma_start3A_1104] : memref<1024x220x64xf32, #tpu.memory_space<hbm>> -> memref<4x220x64xf32, #tpu.memory_space<hbm>>
    tpu.enqueue_dma source(%arg7 : memref<4x220x64xf32, #tpu.memory_space<vmem>>) target(%dma_start3A_1105 : memref<4x220x64xf32, #tpu.memory_space<hbm>>) target_semaphore(%arg11 : memref<!tpu.dma_semaphore, #tpu.memory_space<semaphore_mem>>)
    %dma_wait3A_1106 = arith.constant 0 : i32
    %dma_wait3A_1107 = arith.constant 0 : i32
    %dma_wait3A_1108 = tpu.memref_slice %arg5[%add3A_877, %dma_wait3A_1106, %dma_wait3A_1107] : memref<1024x220x64xf32, #tpu.memory_space<hbm>> -> memref<4x220x64xf32, #tpu.memory_space<hbm>>
    %dma_wait3A_1109 = arith.constant 0 : i32
    %dma_wait3A_1110 = arith.constant 0 : i32
    %dma_wait3A_1111 = tpu.memref_slice %arg5[%add3A_877, %dma_wait3A_1109, %dma_wait3A_1110] : memref<1024x220x64xf32, #tpu.memory_space<hbm>> -> memref<4x220x64xf32, #tpu.memory_space<hbm>>
    tpu.wait_dma2 semaphore(%arg12 : memref<!tpu.dma_semaphore, #tpu.memory_space<semaphore_mem>>) src(%arg8 : memref<4x220x64xf32, #tpu.memory_space<vmem>>) dst(%dma_wait3A_1111 : memref<4x220x64xf32, #tpu.memory_space<hbm>>)
    %dma_start3A_1112 = arith.constant 20 : i32
    %dma_start3A_1113 = arith.constant 0 : i32
    %dma_start3A_1114 = arith.constant 0 : i32
    %dma_start3A_1115 = arith.constant 20 : i32
    %dma_start3A_1116 = arith.constant 0 : i32
    %dma_start3A_1117 = tpu.memref_slice %arg8[%dma_start3A_1114, %dma_start3A_1115, %dma_start3A_1116] : memref<4x220x64xf32, #tpu.memory_space<vmem>> -> memref<1x100x64xf32, #tpu.memory_space<vmem>>
    %dma_start3A_1118 = tpu.memref_squeeze %dma_start3A_1117 : memref<1x100x64xf32, #tpu.memory_space<vmem>> -> memref<100x64xf32, #tpu.memory_space<vmem>>
    %dma_start3A_1119 = arith.constant 0 : i32
    %dma_start3A_1120 = tpu.memref_slice %arg6[%dma_start3A_1112, %dma_start3A_1113, %dma_start3A_1119] : memref<32x2x100xi32, #tpu.memory_space<vmem>> -> memref<1x1x100xi32, #tpu.memory_space<vmem>>
    %dma_start3A_1121 = tpu.memref_squeeze %dma_start3A_1120 : memref<1x1x100xi32, #tpu.memory_space<vmem>> -> memref<100xi32, #tpu.memory_space<vmem>>
    %dma_start3A_1122 = arith.constant 0 : i32
    %dma_start3A_1123 = arith.constant 0 : i32
    %dma_start3A_1124 = tpu.memref_slice %arg3[%dma_start3A_1122, %dma_start3A_1123] : memref<1000000x64xf32, #tpu.memory_space<hbm>> -> memref<1000000x64xf32, #tpu.memory_space<hbm>>
    tpu.enqueue_indirect_dma source(%dma_start3A_1124 : memref<1000000x64xf32, #tpu.memory_space<hbm>>) target(%dma_start3A_1118 : memref<100x64xf32, #tpu.memory_space<vmem>>) offsets(%dma_start3A_1121 : memref<100xi32, #tpu.memory_space<vmem>>) semaphore(%arg10 : memref<!tpu.dma_semaphore, #tpu.memory_space<semaphore_mem>>)
    %dma_start3A_1125 = arith.constant 20 : i32
    %dma_start3A_1126 = arith.constant 1 : i32
    %dma_start3A_1127 = arith.constant 0 : i32
    %dma_start3A_1128 = arith.constant 120 : i32
    %dma_start3A_1129 = arith.constant 0 : i32
    %dma_start3A_1130 = tpu.memref_slice %arg8[%dma_start3A_1127, %dma_start3A_1128, %dma_start3A_1129] : memref<4x220x64xf32, #tpu.memory_space<vmem>> -> memref<1x100x64xf32, #tpu.memory_space<vmem>>
    %dma_start3A_1131 = tpu.memref_squeeze %dma_start3A_1130 : memref<1x100x64xf32, #tpu.memory_space<vmem>> -> memref<100x64xf32, #tpu.memory_space<vmem>>
    %dma_start3A_1132 = arith.constant 0 : i32
    %dma_start3A_1133 = tpu.memref_slice %arg6[%dma_start3A_1125, %dma_start3A_1126, %dma_start3A_1132] : memref<32x2x100xi32, #tpu.memory_space<vmem>> -> memref<1x1x100xi32, #tpu.memory_space<vmem>>
    %dma_start3A_1134 = tpu.memref_squeeze %dma_start3A_1133 : memref<1x1x100xi32, #tpu.memory_space<vmem>> -> memref<100xi32, #tpu.memory_space<vmem>>
    %dma_start3A_1135 = arith.constant 0 : i32
    %dma_start3A_1136 = arith.constant 0 : i32
    %dma_start3A_1137 = tpu.memref_slice %arg3[%dma_start3A_1135, %dma_start3A_1136] : memref<1000000x64xf32, #tpu.memory_space<hbm>> -> memref<1000000x64xf32, #tpu.memory_space<hbm>>
    tpu.enqueue_indirect_dma source(%dma_start3A_1137 : memref<1000000x64xf32, #tpu.memory_space<hbm>>) target(%dma_start3A_1131 : memref<100x64xf32, #tpu.memory_space<vmem>>) offsets(%dma_start3A_1134 : memref<100xi32, #tpu.memory_space<vmem>>) semaphore(%arg10 : memref<!tpu.dma_semaphore, #tpu.memory_space<semaphore_mem>>)
    %dma_start3A_1138 = arith.constant 21 : i32
    %dma_start3A_1139 = arith.constant 0 : i32
    %dma_start3A_1140 = arith.constant 1 : i32
    %dma_start3A_1141 = arith.constant 20 : i32
    %dma_start3A_1142 = arith.constant 0 : i32
    %dma_start3A_1143 = tpu.memref_slice %arg8[%dma_start3A_1140, %dma_start3A_1141, %dma_start3A_1142] : memref<4x220x64xf32, #tpu.memory_space<vmem>> -> memref<1x100x64xf32, #tpu.memory_space<vmem>>
    %dma_start3A_1144 = tpu.memref_squeeze %dma_start3A_1143 : memref<1x100x64xf32, #tpu.memory_space<vmem>> -> memref<100x64xf32, #tpu.memory_space<vmem>>
    %dma_start3A_1145 = arith.constant 0 : i32
    %dma_start3A_1146 = tpu.memref_slice %arg6[%dma_start3A_1138, %dma_start3A_1139, %dma_start3A_1145] : memref<32x2x100xi32, #tpu.memory_space<vmem>> -> memref<1x1x100xi32, #tpu.memory_space<vmem>>
    %dma_start3A_1147 = tpu.memref_squeeze %dma_start3A_1146 : memref<1x1x100xi32, #tpu.memory_space<vmem>> -> memref<100xi32, #tpu.memory_space<vmem>>
    %dma_start3A_1148 = arith.constant 0 : i32
    %dma_start3A_1149 = arith.constant 0 : i32
    %dma_start3A_1150 = tpu.memref_slice %arg3[%dma_start3A_1148, %dma_start3A_1149] : memref<1000000x64xf32, #tpu.memory_space<hbm>> -> memref<1000000x64xf32, #tpu.memory_space<hbm>>
    tpu.enqueue_indirect_dma source(%dma_start3A_1150 : memref<1000000x64xf32, #tpu.memory_space<hbm>>) target(%dma_start3A_1144 : memref<100x64xf32, #tpu.memory_space<vmem>>) offsets(%dma_start3A_1147 : memref<100xi32, #tpu.memory_space<vmem>>) semaphore(%arg10 : memref<!tpu.dma_semaphore, #tpu.memory_space<semaphore_mem>>)
    %dma_start3A_1151 = arith.constant 21 : i32
    %dma_start3A_1152 = arith.constant 1 : i32
    %dma_start3A_1153 = arith.constant 1 : i32
    %dma_start3A_1154 = arith.constant 120 : i32
    %dma_start3A_1155 = arith.constant 0 : i32
    %dma_start3A_1156 = tpu.memref_slice %arg8[%dma_start3A_1153, %dma_start3A_1154, %dma_start3A_1155] : memref<4x220x64xf32, #tpu.memory_space<vmem>> -> memref<1x100x64xf32, #tpu.memory_space<vmem>>
    %dma_start3A_1157 = tpu.memref_squeeze %dma_start3A_1156 : memref<1x100x64xf32, #tpu.memory_space<vmem>> -> memref<100x64xf32, #tpu.memory_space<vmem>>
    %dma_start3A_1158 = arith.constant 0 : i32
    %dma_start3A_1159 = tpu.memref_slice %arg6[%dma_start3A_1151, %dma_start3A_1152, %dma_start3A_1158] : memref<32x2x100xi32, #tpu.memory_space<vmem>> -> memref<1x1x100xi32, #tpu.memory_space<vmem>>
    %dma_start3A_1160 = tpu.memref_squeeze %dma_start3A_1159 : memref<1x1x100xi32, #tpu.memory_space<vmem>> -> memref<100xi32, #tpu.memory_space<vmem>>
    %dma_start3A_1161 = arith.constant 0 : i32
    %dma_start3A_1162 = arith.constant 0 : i32
    %dma_start3A_1163 = tpu.memref_slice %arg3[%dma_start3A_1161, %dma_start3A_1162] : memref<1000000x64xf32, #tpu.memory_space<hbm>> -> memref<1000000x64xf32, #tpu.memory_space<hbm>>
    tpu.enqueue_indirect_dma source(%dma_start3A_1163 : memref<1000000x64xf32, #tpu.memory_space<hbm>>) target(%dma_start3A_1157 : memref<100x64xf32, #tpu.memory_space<vmem>>) offsets(%dma_start3A_1160 : memref<100xi32, #tpu.memory_space<vmem>>) semaphore(%arg10 : memref<!tpu.dma_semaphore, #tpu.memory_space<semaphore_mem>>)
    %dma_start3A_1164 = arith.constant 22 : i32
    %dma_start3A_1165 = arith.constant 0 : i32
    %dma_start3A_1166 = arith.constant 2 : i32
    %dma_start3A_1167 = arith.constant 20 : i32
    %dma_start3A_1168 = arith.constant 0 : i32
    %dma_start3A_1169 = tpu.memref_slice %arg8[%dma_start3A_1166, %dma_start3A_1167, %dma_start3A_1168] : memref<4x220x64xf32, #tpu.memory_space<vmem>> -> memref<1x100x64xf32, #tpu.memory_space<vmem>>
    %dma_start3A_1170 = tpu.memref_squeeze %dma_start3A_1169 : memref<1x100x64xf32, #tpu.memory_space<vmem>> -> memref<100x64xf32, #tpu.memory_space<vmem>>
    %dma_start3A_1171 = arith.constant 0 : i32
    %dma_start3A_1172 = tpu.memref_slice %arg6[%dma_start3A_1164, %dma_start3A_1165, %dma_start3A_1171] : memref<32x2x100xi32, #tpu.memory_space<vmem>> -> memref<1x1x100xi32, #tpu.memory_space<vmem>>
    %dma_start3A_1173 = tpu.memref_squeeze %dma_start3A_1172 : memref<1x1x100xi32, #tpu.memory_space<vmem>> -> memref<100xi32, #tpu.memory_space<vmem>>
    %dma_start3A_1174 = arith.constant 0 : i32
    %dma_start3A_1175 = arith.constant 0 : i32
    %dma_start3A_1176 = tpu.memref_slice %arg3[%dma_start3A_1174, %dma_start3A_1175] : memref<1000000x64xf32, #tpu.memory_space<hbm>> -> memref<1000000x64xf32, #tpu.memory_space<hbm>>
    tpu.enqueue_indirect_dma source(%dma_start3A_1176 : memref<1000000x64xf32, #tpu.memory_space<hbm>>) target(%dma_start3A_1170 : memref<100x64xf32, #tpu.memory_space<vmem>>) offsets(%dma_start3A_1173 : memref<100xi32, #tpu.memory_space<vmem>>) semaphore(%arg10 : memref<!tpu.dma_semaphore, #tpu.memory_space<semaphore_mem>>)
    %dma_start3A_1177 = arith.constant 22 : i32
    %dma_start3A_1178 = arith.constant 1 : i32
    %dma_start3A_1179 = arith.constant 2 : i32
    %dma_start3A_1180 = arith.constant 120 : i32
    %dma_start3A_1181 = arith.constant 0 : i32
    %dma_start3A_1182 = tpu.memref_slice %arg8[%dma_start3A_1179, %dma_start3A_1180, %dma_start3A_1181] : memref<4x220x64xf32, #tpu.memory_space<vmem>> -> memref<1x100x64xf32, #tpu.memory_space<vmem>>
    %dma_start3A_1183 = tpu.memref_squeeze %dma_start3A_1182 : memref<1x100x64xf32, #tpu.memory_space<vmem>> -> memref<100x64xf32, #tpu.memory_space<vmem>>
    %dma_start3A_1184 = arith.constant 0 : i32
    %dma_start3A_1185 = tpu.memref_slice %arg6[%dma_start3A_1177, %dma_start3A_1178, %dma_start3A_1184] : memref<32x2x100xi32, #tpu.memory_space<vmem>> -> memref<1x1x100xi32, #tpu.memory_space<vmem>>
    %dma_start3A_1186 = tpu.memref_squeeze %dma_start3A_1185 : memref<1x1x100xi32, #tpu.memory_space<vmem>> -> memref<100xi32, #tpu.memory_space<vmem>>
    %dma_start3A_1187 = arith.constant 0 : i32
    %dma_start3A_1188 = arith.constant 0 : i32
    %dma_start3A_1189 = tpu.memref_slice %arg3[%dma_start3A_1187, %dma_start3A_1188] : memref<1000000x64xf32, #tpu.memory_space<hbm>> -> memref<1000000x64xf32, #tpu.memory_space<hbm>>
    tpu.enqueue_indirect_dma source(%dma_start3A_1189 : memref<1000000x64xf32, #tpu.memory_space<hbm>>) target(%dma_start3A_1183 : memref<100x64xf32, #tpu.memory_space<vmem>>) offsets(%dma_start3A_1186 : memref<100xi32, #tpu.memory_space<vmem>>) semaphore(%arg10 : memref<!tpu.dma_semaphore, #tpu.memory_space<semaphore_mem>>)
    %dma_start3A_1190 = arith.constant 23 : i32
    %dma_start3A_1191 = arith.constant 0 : i32
    %dma_start3A_1192 = arith.constant 3 : i32
    %dma_start3A_1193 = arith.constant 20 : i32
    %dma_start3A_1194 = arith.constant 0 : i32
    %dma_start3A_1195 = tpu.memref_slice %arg8[%dma_start3A_1192, %dma_start3A_1193, %dma_start3A_1194] : memref<4x220x64xf32, #tpu.memory_space<vmem>> -> memref<1x100x64xf32, #tpu.memory_space<vmem>>
    %dma_start3A_1196 = tpu.memref_squeeze %dma_start3A_1195 : memref<1x100x64xf32, #tpu.memory_space<vmem>> -> memref<100x64xf32, #tpu.memory_space<vmem>>
    %dma_start3A_1197 = arith.constant 0 : i32
    %dma_start3A_1198 = tpu.memref_slice %arg6[%dma_start3A_1190, %dma_start3A_1191, %dma_start3A_1197] : memref<32x2x100xi32, #tpu.memory_space<vmem>> -> memref<1x1x100xi32, #tpu.memory_space<vmem>>
    %dma_start3A_1199 = tpu.memref_squeeze %dma_start3A_1198 : memref<1x1x100xi32, #tpu.memory_space<vmem>> -> memref<100xi32, #tpu.memory_space<vmem>>
    %dma_start3A_1200 = arith.constant 0 : i32
    %dma_start3A_1201 = arith.constant 0 : i32
    %dma_start3A_1202 = tpu.memref_slice %arg3[%dma_start3A_1200, %dma_start3A_1201] : memref<1000000x64xf32, #tpu.memory_space<hbm>> -> memref<1000000x64xf32, #tpu.memory_space<hbm>>
    tpu.enqueue_indirect_dma source(%dma_start3A_1202 : memref<1000000x64xf32, #tpu.memory_space<hbm>>) target(%dma_start3A_1196 : memref<100x64xf32, #tpu.memory_space<vmem>>) offsets(%dma_start3A_1199 : memref<100xi32, #tpu.memory_space<vmem>>) semaphore(%arg10 : memref<!tpu.dma_semaphore, #tpu.memory_space<semaphore_mem>>)
    %dma_start3A_1203 = arith.constant 23 : i32
    %dma_start3A_1204 = arith.constant 1 : i32
    %dma_start3A_1205 = arith.constant 3 : i32
    %dma_start3A_1206 = arith.constant 120 : i32
    %dma_start3A_1207 = arith.constant 0 : i32
    %dma_start3A_1208 = tpu.memref_slice %arg8[%dma_start3A_1205, %dma_start3A_1206, %dma_start3A_1207] : memref<4x220x64xf32, #tpu.memory_space<vmem>> -> memref<1x100x64xf32, #tpu.memory_space<vmem>>
    %dma_start3A_1209 = tpu.memref_squeeze %dma_start3A_1208 : memref<1x100x64xf32, #tpu.memory_space<vmem>> -> memref<100x64xf32, #tpu.memory_space<vmem>>
    %dma_start3A_1210 = arith.constant 0 : i32
    %dma_start3A_1211 = tpu.memref_slice %arg6[%dma_start3A_1203, %dma_start3A_1204, %dma_start3A_1210] : memref<32x2x100xi32, #tpu.memory_space<vmem>> -> memref<1x1x100xi32, #tpu.memory_space<vmem>>
    %dma_start3A_1212 = tpu.memref_squeeze %dma_start3A_1211 : memref<1x1x100xi32, #tpu.memory_space<vmem>> -> memref<100xi32, #tpu.memory_space<vmem>>
    %dma_start3A_1213 = arith.constant 0 : i32
    %dma_start3A_1214 = arith.constant 0 : i32
    %dma_start3A_1215 = tpu.memref_slice %arg3[%dma_start3A_1213, %dma_start3A_1214] : memref<1000000x64xf32, #tpu.memory_space<hbm>> -> memref<1000000x64xf32, #tpu.memory_space<hbm>>
    tpu.enqueue_indirect_dma source(%dma_start3A_1215 : memref<1000000x64xf32, #tpu.memory_space<hbm>>) target(%dma_start3A_1209 : memref<100x64xf32, #tpu.memory_space<vmem>>) offsets(%dma_start3A_1212 : memref<100xi32, #tpu.memory_space<vmem>>) semaphore(%arg10 : memref<!tpu.dma_semaphore, #tpu.memory_space<semaphore_mem>>)
    %dma_wait3A_1216 = arith.constant 20 : i32
    %dma_wait3A_1217 = arith.constant 0 : i32
    %dma_wait3A_1218 = arith.constant 0 : i32
    %dma_wait3A_1219 = arith.constant 20 : i32
    %dma_wait3A_1220 = arith.constant 0 : i32
    %dma_wait3A_1221 = tpu.memref_slice %arg8[%dma_wait3A_1218, %dma_wait3A_1219, %dma_wait3A_1220] : memref<4x220x64xf32, #tpu.memory_space<vmem>> -> memref<1x100x64xf32, #tpu.memory_space<vmem>>
    %dma_wait3A_1222 = tpu.memref_squeeze %dma_wait3A_1221 : memref<1x100x64xf32, #tpu.memory_space<vmem>> -> memref<100x64xf32, #tpu.memory_space<vmem>>
    %dma_wait3A_1223 = arith.constant 0 : i32
    %dma_wait3A_1224 = tpu.memref_slice %arg6[%dma_wait3A_1216, %dma_wait3A_1217, %dma_wait3A_1223] : memref<32x2x100xi32, #tpu.memory_space<vmem>> -> memref<1x1x100xi32, #tpu.memory_space<vmem>>
    %dma_wait3A_1225 = tpu.memref_squeeze %dma_wait3A_1224 : memref<1x1x100xi32, #tpu.memory_space<vmem>> -> memref<100xi32, #tpu.memory_space<vmem>>
    %dma_wait3A_1226 = arith.constant 0 : i32
    %dma_wait3A_1227 = arith.constant 0 : i32
    %dma_wait3A_1228 = tpu.memref_slice %arg3[%dma_wait3A_1226, %dma_wait3A_1227] : memref<1000000x64xf32, #tpu.memory_space<hbm>> -> memref<1000000x64xf32, #tpu.memory_space<hbm>>
    tpu.wait_indirect_dma semaphore(%arg10 : memref<!tpu.dma_semaphore, #tpu.memory_space<semaphore_mem>>) src(%dma_wait3A_1228 : memref<1000000x64xf32, #tpu.memory_space<hbm>>) dst(%dma_wait3A_1222 : memref<100x64xf32, #tpu.memory_space<vmem>>)
    %dma_wait3A_1229 = arith.constant 20 : i32
    %dma_wait3A_1230 = arith.constant 1 : i32
    %dma_wait3A_1231 = arith.constant 0 : i32
    %dma_wait3A_1232 = arith.constant 120 : i32
    %dma_wait3A_1233 = arith.constant 0 : i32
    %dma_wait3A_1234 = tpu.memref_slice %arg8[%dma_wait3A_1231, %dma_wait3A_1232, %dma_wait3A_1233] : memref<4x220x64xf32, #tpu.memory_space<vmem>> -> memref<1x100x64xf32, #tpu.memory_space<vmem>>
    %dma_wait3A_1235 = tpu.memref_squeeze %dma_wait3A_1234 : memref<1x100x64xf32, #tpu.memory_space<vmem>> -> memref<100x64xf32, #tpu.memory_space<vmem>>
    %dma_wait3A_1236 = arith.constant 0 : i32
    %dma_wait3A_1237 = tpu.memref_slice %arg6[%dma_wait3A_1229, %dma_wait3A_1230, %dma_wait3A_1236] : memref<32x2x100xi32, #tpu.memory_space<vmem>> -> memref<1x1x100xi32, #tpu.memory_space<vmem>>
    %dma_wait3A_1238 = tpu.memref_squeeze %dma_wait3A_1237 : memref<1x1x100xi32, #tpu.memory_space<vmem>> -> memref<100xi32, #tpu.memory_space<vmem>>
    %dma_wait3A_1239 = arith.constant 0 : i32
    %dma_wait3A_1240 = arith.constant 0 : i32
    %dma_wait3A_1241 = tpu.memref_slice %arg3[%dma_wait3A_1239, %dma_wait3A_1240] : memref<1000000x64xf32, #tpu.memory_space<hbm>> -> memref<1000000x64xf32, #tpu.memory_space<hbm>>
    tpu.wait_indirect_dma semaphore(%arg10 : memref<!tpu.dma_semaphore, #tpu.memory_space<semaphore_mem>>) src(%dma_wait3A_1241 : memref<1000000x64xf32, #tpu.memory_space<hbm>>) dst(%dma_wait3A_1235 : memref<100x64xf32, #tpu.memory_space<vmem>>)
    %dma_wait3A_1242 = arith.constant 21 : i32
    %dma_wait3A_1243 = arith.constant 0 : i32
    %dma_wait3A_1244 = arith.constant 1 : i32
    %dma_wait3A_1245 = arith.constant 20 : i32
    %dma_wait3A_1246 = arith.constant 0 : i32
    %dma_wait3A_1247 = tpu.memref_slice %arg8[%dma_wait3A_1244, %dma_wait3A_1245, %dma_wait3A_1246] : memref<4x220x64xf32, #tpu.memory_space<vmem>> -> memref<1x100x64xf32, #tpu.memory_space<vmem>>
    %dma_wait3A_1248 = tpu.memref_squeeze %dma_wait3A_1247 : memref<1x100x64xf32, #tpu.memory_space<vmem>> -> memref<100x64xf32, #tpu.memory_space<vmem>>
    %dma_wait3A_1249 = arith.constant 0 : i32
    %dma_wait3A_1250 = tpu.memref_slice %arg6[%dma_wait3A_1242, %dma_wait3A_1243, %dma_wait3A_1249] : memref<32x2x100xi32, #tpu.memory_space<vmem>> -> memref<1x1x100xi32, #tpu.memory_space<vmem>>
    %dma_wait3A_1251 = tpu.memref_squeeze %dma_wait3A_1250 : memref<1x1x100xi32, #tpu.memory_space<vmem>> -> memref<100xi32, #tpu.memory_space<vmem>>
    %dma_wait3A_1252 = arith.constant 0 : i32
    %dma_wait3A_1253 = arith.constant 0 : i32
    %dma_wait3A_1254 = tpu.memref_slice %arg3[%dma_wait3A_1252, %dma_wait3A_1253] : memref<1000000x64xf32, #tpu.memory_space<hbm>> -> memref<1000000x64xf32, #tpu.memory_space<hbm>>
    tpu.wait_indirect_dma semaphore(%arg10 : memref<!tpu.dma_semaphore, #tpu.memory_space<semaphore_mem>>) src(%dma_wait3A_1254 : memref<1000000x64xf32, #tpu.memory_space<hbm>>) dst(%dma_wait3A_1248 : memref<100x64xf32, #tpu.memory_space<vmem>>)
    %dma_wait3A_1255 = arith.constant 21 : i32
    %dma_wait3A_1256 = arith.constant 1 : i32
    %dma_wait3A_1257 = arith.constant 1 : i32
    %dma_wait3A_1258 = arith.constant 120 : i32
    %dma_wait3A_1259 = arith.constant 0 : i32
    %dma_wait3A_1260 = tpu.memref_slice %arg8[%dma_wait3A_1257, %dma_wait3A_1258, %dma_wait3A_1259] : memref<4x220x64xf32, #tpu.memory_space<vmem>> -> memref<1x100x64xf32, #tpu.memory_space<vmem>>
    %dma_wait3A_1261 = tpu.memref_squeeze %dma_wait3A_1260 : memref<1x100x64xf32, #tpu.memory_space<vmem>> -> memref<100x64xf32, #tpu.memory_space<vmem>>
    %dma_wait3A_1262 = arith.constant 0 : i32
    %dma_wait3A_1263 = tpu.memref_slice %arg6[%dma_wait3A_1255, %dma_wait3A_1256, %dma_wait3A_1262] : memref<32x2x100xi32, #tpu.memory_space<vmem>> -> memref<1x1x100xi32, #tpu.memory_space<vmem>>
    %dma_wait3A_1264 = tpu.memref_squeeze %dma_wait3A_1263 : memref<1x1x100xi32, #tpu.memory_space<vmem>> -> memref<100xi32, #tpu.memory_space<vmem>>
    %dma_wait3A_1265 = arith.constant 0 : i32
    %dma_wait3A_1266 = arith.constant 0 : i32
    %dma_wait3A_1267 = tpu.memref_slice %arg3[%dma_wait3A_1265, %dma_wait3A_1266] : memref<1000000x64xf32, #tpu.memory_space<hbm>> -> memref<1000000x64xf32, #tpu.memory_space<hbm>>
    tpu.wait_indirect_dma semaphore(%arg10 : memref<!tpu.dma_semaphore, #tpu.memory_space<semaphore_mem>>) src(%dma_wait3A_1267 : memref<1000000x64xf32, #tpu.memory_space<hbm>>) dst(%dma_wait3A_1261 : memref<100x64xf32, #tpu.memory_space<vmem>>)
    %dma_wait3A_1268 = arith.constant 22 : i32
    %dma_wait3A_1269 = arith.constant 0 : i32
    %dma_wait3A_1270 = arith.constant 2 : i32
    %dma_wait3A_1271 = arith.constant 20 : i32
    %dma_wait3A_1272 = arith.constant 0 : i32
    %dma_wait3A_1273 = tpu.memref_slice %arg8[%dma_wait3A_1270, %dma_wait3A_1271, %dma_wait3A_1272] : memref<4x220x64xf32, #tpu.memory_space<vmem>> -> memref<1x100x64xf32, #tpu.memory_space<vmem>>
    %dma_wait3A_1274 = tpu.memref_squeeze %dma_wait3A_1273 : memref<1x100x64xf32, #tpu.memory_space<vmem>> -> memref<100x64xf32, #tpu.memory_space<vmem>>
    %dma_wait3A_1275 = arith.constant 0 : i32
    %dma_wait3A_1276 = tpu.memref_slice %arg6[%dma_wait3A_1268, %dma_wait3A_1269, %dma_wait3A_1275] : memref<32x2x100xi32, #tpu.memory_space<vmem>> -> memref<1x1x100xi32, #tpu.memory_space<vmem>>
    %dma_wait3A_1277 = tpu.memref_squeeze %dma_wait3A_1276 : memref<1x1x100xi32, #tpu.memory_space<vmem>> -> memref<100xi32, #tpu.memory_space<vmem>>
    %dma_wait3A_1278 = arith.constant 0 : i32
    %dma_wait3A_1279 = arith.constant 0 : i32
    %dma_wait3A_1280 = tpu.memref_slice %arg3[%dma_wait3A_1278, %dma_wait3A_1279] : memref<1000000x64xf32, #tpu.memory_space<hbm>> -> memref<1000000x64xf32, #tpu.memory_space<hbm>>
    tpu.wait_indirect_dma semaphore(%arg10 : memref<!tpu.dma_semaphore, #tpu.memory_space<semaphore_mem>>) src(%dma_wait3A_1280 : memref<1000000x64xf32, #tpu.memory_space<hbm>>) dst(%dma_wait3A_1274 : memref<100x64xf32, #tpu.memory_space<vmem>>)
    %dma_wait3A_1281 = arith.constant 22 : i32
    %dma_wait3A_1282 = arith.constant 1 : i32
    %dma_wait3A_1283 = arith.constant 2 : i32
    %dma_wait3A_1284 = arith.constant 120 : i32
    %dma_wait3A_1285 = arith.constant 0 : i32
    %dma_wait3A_1286 = tpu.memref_slice %arg8[%dma_wait3A_1283, %dma_wait3A_1284, %dma_wait3A_1285] : memref<4x220x64xf32, #tpu.memory_space<vmem>> -> memref<1x100x64xf32, #tpu.memory_space<vmem>>
    %dma_wait3A_1287 = tpu.memref_squeeze %dma_wait3A_1286 : memref<1x100x64xf32, #tpu.memory_space<vmem>> -> memref<100x64xf32, #tpu.memory_space<vmem>>
    %dma_wait3A_1288 = arith.constant 0 : i32
    %dma_wait3A_1289 = tpu.memref_slice %arg6[%dma_wait3A_1281, %dma_wait3A_1282, %dma_wait3A_1288] : memref<32x2x100xi32, #tpu.memory_space<vmem>> -> memref<1x1x100xi32, #tpu.memory_space<vmem>>
    %dma_wait3A_1290 = tpu.memref_squeeze %dma_wait3A_1289 : memref<1x1x100xi32, #tpu.memory_space<vmem>> -> memref<100xi32, #tpu.memory_space<vmem>>
    %dma_wait3A_1291 = arith.constant 0 : i32
    %dma_wait3A_1292 = arith.constant 0 : i32
    %dma_wait3A_1293 = tpu.memref_slice %arg3[%dma_wait3A_1291, %dma_wait3A_1292] : memref<1000000x64xf32, #tpu.memory_space<hbm>> -> memref<1000000x64xf32, #tpu.memory_space<hbm>>
    tpu.wait_indirect_dma semaphore(%arg10 : memref<!tpu.dma_semaphore, #tpu.memory_space<semaphore_mem>>) src(%dma_wait3A_1293 : memref<1000000x64xf32, #tpu.memory_space<hbm>>) dst(%dma_wait3A_1287 : memref<100x64xf32, #tpu.memory_space<vmem>>)
    %dma_wait3A_1294 = arith.constant 23 : i32
    %dma_wait3A_1295 = arith.constant 0 : i32
    %dma_wait3A_1296 = arith.constant 3 : i32
    %dma_wait3A_1297 = arith.constant 20 : i32
    %dma_wait3A_1298 = arith.constant 0 : i32
    %dma_wait3A_1299 = tpu.memref_slice %arg8[%dma_wait3A_1296, %dma_wait3A_1297, %dma_wait3A_1298] : memref<4x220x64xf32, #tpu.memory_space<vmem>> -> memref<1x100x64xf32, #tpu.memory_space<vmem>>
    %dma_wait3A_1300 = tpu.memref_squeeze %dma_wait3A_1299 : memref<1x100x64xf32, #tpu.memory_space<vmem>> -> memref<100x64xf32, #tpu.memory_space<vmem>>
    %dma_wait3A_1301 = arith.constant 0 : i32
    %dma_wait3A_1302 = tpu.memref_slice %arg6[%dma_wait3A_1294, %dma_wait3A_1295, %dma_wait3A_1301] : memref<32x2x100xi32, #tpu.memory_space<vmem>> -> memref<1x1x100xi32, #tpu.memory_space<vmem>>
    %dma_wait3A_1303 = tpu.memref_squeeze %dma_wait3A_1302 : memref<1x1x100xi32, #tpu.memory_space<vmem>> -> memref<100xi32, #tpu.memory_space<vmem>>
    %dma_wait3A_1304 = arith.constant 0 : i32
    %dma_wait3A_1305 = arith.constant 0 : i32
    %dma_wait3A_1306 = tpu.memref_slice %arg3[%dma_wait3A_1304, %dma_wait3A_1305] : memref<1000000x64xf32, #tpu.memory_space<hbm>> -> memref<1000000x64xf32, #tpu.memory_space<hbm>>
    tpu.wait_indirect_dma semaphore(%arg10 : memref<!tpu.dma_semaphore, #tpu.memory_space<semaphore_mem>>) src(%dma_wait3A_1306 : memref<1000000x64xf32, #tpu.memory_space<hbm>>) dst(%dma_wait3A_1300 : memref<100x64xf32, #tpu.memory_space<vmem>>)
    %dma_wait3A_1307 = arith.constant 23 : i32
    %dma_wait3A_1308 = arith.constant 1 : i32
    %dma_wait3A_1309 = arith.constant 3 : i32
    %dma_wait3A_1310 = arith.constant 120 : i32
    %dma_wait3A_1311 = arith.constant 0 : i32
    %dma_wait3A_1312 = tpu.memref_slice %arg8[%dma_wait3A_1309, %dma_wait3A_1310, %dma_wait3A_1311] : memref<4x220x64xf32, #tpu.memory_space<vmem>> -> memref<1x100x64xf32, #tpu.memory_space<vmem>>
    %dma_wait3A_1313 = tpu.memref_squeeze %dma_wait3A_1312 : memref<1x100x64xf32, #tpu.memory_space<vmem>> -> memref<100x64xf32, #tpu.memory_space<vmem>>
    %dma_wait3A_1314 = arith.constant 0 : i32
    %dma_wait3A_1315 = tpu.memref_slice %arg6[%dma_wait3A_1307, %dma_wait3A_1308, %dma_wait3A_1314] : memref<32x2x100xi32, #tpu.memory_space<vmem>> -> memref<1x1x100xi32, #tpu.memory_space<vmem>>
    %dma_wait3A_1316 = tpu.memref_squeeze %dma_wait3A_1315 : memref<1x1x100xi32, #tpu.memory_space<vmem>> -> memref<100xi32, #tpu.memory_space<vmem>>
    %dma_wait3A_1317 = arith.constant 0 : i32
    %dma_wait3A_1318 = arith.constant 0 : i32
    %dma_wait3A_1319 = tpu.memref_slice %arg3[%dma_wait3A_1317, %dma_wait3A_1318] : memref<1000000x64xf32, #tpu.memory_space<hbm>> -> memref<1000000x64xf32, #tpu.memory_space<hbm>>
    tpu.wait_indirect_dma semaphore(%arg10 : memref<!tpu.dma_semaphore, #tpu.memory_space<semaphore_mem>>) src(%dma_wait3A_1319 : memref<1000000x64xf32, #tpu.memory_space<hbm>>) dst(%dma_wait3A_1313 : memref<100x64xf32, #tpu.memory_space<vmem>>)
    %add3A_1320 = arith.constant 20 : i32
    %add3A_1321 = arith.addi %mul3A_2, %add3A_1320 : i32
    %dma_start3A_1322 = arith.constant 0 : i32
    %dma_start3A_1323 = arith.constant 0 : i32
    %dma_start3A_1324 = tpu.memref_slice %arg5[%add3A_1321, %dma_start3A_1322, %dma_start3A_1323] : memref<1024x220x64xf32, #tpu.memory_space<hbm>> -> memref<4x220x64xf32, #tpu.memory_space<hbm>>
    %dma_start3A_1325 = arith.constant 0 : i32
    %dma_start3A_1326 = arith.constant 0 : i32
    %dma_start3A_1327 = tpu.memref_slice %arg5[%add3A_1321, %dma_start3A_1325, %dma_start3A_1326] : memref<1024x220x64xf32, #tpu.memory_space<hbm>> -> memref<4x220x64xf32, #tpu.memory_space<hbm>>
    tpu.enqueue_dma source(%arg8 : memref<4x220x64xf32, #tpu.memory_space<vmem>>) target(%dma_start3A_1327 : memref<4x220x64xf32, #tpu.memory_space<hbm>>) target_semaphore(%arg12 : memref<!tpu.dma_semaphore, #tpu.memory_space<semaphore_mem>>)
    %dma_wait3A_1328 = arith.constant 0 : i32
    %dma_wait3A_1329 = arith.constant 0 : i32
    %dma_wait3A_1330 = tpu.memref_slice %arg5[%add3A_1099, %dma_wait3A_1328, %dma_wait3A_1329] : memref<1024x220x64xf32, #tpu.memory_space<hbm>> -> memref<4x220x64xf32, #tpu.memory_space<hbm>>
    %dma_wait3A_1331 = arith.constant 0 : i32
    %dma_wait3A_1332 = arith.constant 0 : i32
    %dma_wait3A_1333 = tpu.memref_slice %arg5[%add3A_1099, %dma_wait3A_1331, %dma_wait3A_1332] : memref<1024x220x64xf32, #tpu.memory_space<hbm>> -> memref<4x220x64xf32, #tpu.memory_space<hbm>>
    tpu.wait_dma2 semaphore(%arg11 : memref<!tpu.dma_semaphore, #tpu.memory_space<semaphore_mem>>) src(%arg7 : memref<4x220x64xf32, #tpu.memory_space<vmem>>) dst(%dma_wait3A_1333 : memref<4x220x64xf32, #tpu.memory_space<hbm>>)
    %dma_start3A_1334 = arith.constant 24 : i32
    %dma_start3A_1335 = arith.constant 0 : i32
    %dma_start3A_1336 = arith.constant 0 : i32
    %dma_start3A_1337 = arith.constant 20 : i32
    %dma_start3A_1338 = arith.constant 0 : i32
    %dma_start3A_1339 = tpu.memref_slice %arg7[%dma_start3A_1336, %dma_start3A_1337, %dma_start3A_1338] : memref<4x220x64xf32, #tpu.memory_space<vmem>> -> memref<1x100x64xf32, #tpu.memory_space<vmem>>
    %dma_start3A_1340 = tpu.memref_squeeze %dma_start3A_1339 : memref<1x100x64xf32, #tpu.memory_space<vmem>> -> memref<100x64xf32, #tpu.memory_space<vmem>>
    %dma_start3A_1341 = arith.constant 0 : i32
    %dma_start3A_1342 = tpu.memref_slice %arg6[%dma_start3A_1334, %dma_start3A_1335, %dma_start3A_1341] : memref<32x2x100xi32, #tpu.memory_space<vmem>> -> memref<1x1x100xi32, #tpu.memory_space<vmem>>
    %dma_start3A_1343 = tpu.memref_squeeze %dma_start3A_1342 : memref<1x1x100xi32, #tpu.memory_space<vmem>> -> memref<100xi32, #tpu.memory_space<vmem>>
    %dma_start3A_1344 = arith.constant 0 : i32
    %dma_start3A_1345 = arith.constant 0 : i32
    %dma_start3A_1346 = tpu.memref_slice %arg3[%dma_start3A_1344, %dma_start3A_1345] : memref<1000000x64xf32, #tpu.memory_space<hbm>> -> memref<1000000x64xf32, #tpu.memory_space<hbm>>
    tpu.enqueue_indirect_dma source(%dma_start3A_1346 : memref<1000000x64xf32, #tpu.memory_space<hbm>>) target(%dma_start3A_1340 : memref<100x64xf32, #tpu.memory_space<vmem>>) offsets(%dma_start3A_1343 : memref<100xi32, #tpu.memory_space<vmem>>) semaphore(%arg9 : memref<!tpu.dma_semaphore, #tpu.memory_space<semaphore_mem>>)
    %dma_start3A_1347 = arith.constant 24 : i32
    %dma_start3A_1348 = arith.constant 1 : i32
    %dma_start3A_1349 = arith.constant 0 : i32
    %dma_start3A_1350 = arith.constant 120 : i32
    %dma_start3A_1351 = arith.constant 0 : i32
    %dma_start3A_1352 = tpu.memref_slice %arg7[%dma_start3A_1349, %dma_start3A_1350, %dma_start3A_1351] : memref<4x220x64xf32, #tpu.memory_space<vmem>> -> memref<1x100x64xf32, #tpu.memory_space<vmem>>
    %dma_start3A_1353 = tpu.memref_squeeze %dma_start3A_1352 : memref<1x100x64xf32, #tpu.memory_space<vmem>> -> memref<100x64xf32, #tpu.memory_space<vmem>>
    %dma_start3A_1354 = arith.constant 0 : i32
    %dma_start3A_1355 = tpu.memref_slice %arg6[%dma_start3A_1347, %dma_start3A_1348, %dma_start3A_1354] : memref<32x2x100xi32, #tpu.memory_space<vmem>> -> memref<1x1x100xi32, #tpu.memory_space<vmem>>
    %dma_start3A_1356 = tpu.memref_squeeze %dma_start3A_1355 : memref<1x1x100xi32, #tpu.memory_space<vmem>> -> memref<100xi32, #tpu.memory_space<vmem>>
    %dma_start3A_1357 = arith.constant 0 : i32
    %dma_start3A_1358 = arith.constant 0 : i32
    %dma_start3A_1359 = tpu.memref_slice %arg3[%dma_start3A_1357, %dma_start3A_1358] : memref<1000000x64xf32, #tpu.memory_space<hbm>> -> memref<1000000x64xf32, #tpu.memory_space<hbm>>
    tpu.enqueue_indirect_dma source(%dma_start3A_1359 : memref<1000000x64xf32, #tpu.memory_space<hbm>>) target(%dma_start3A_1353 : memref<100x64xf32, #tpu.memory_space<vmem>>) offsets(%dma_start3A_1356 : memref<100xi32, #tpu.memory_space<vmem>>) semaphore(%arg9 : memref<!tpu.dma_semaphore, #tpu.memory_space<semaphore_mem>>)
    %dma_start3A_1360 = arith.constant 25 : i32
    %dma_start3A_1361 = arith.constant 0 : i32
    %dma_start3A_1362 = arith.constant 1 : i32
    %dma_start3A_1363 = arith.constant 20 : i32
    %dma_start3A_1364 = arith.constant 0 : i32
    %dma_start3A_1365 = tpu.memref_slice %arg7[%dma_start3A_1362, %dma_start3A_1363, %dma_start3A_1364] : memref<4x220x64xf32, #tpu.memory_space<vmem>> -> memref<1x100x64xf32, #tpu.memory_space<vmem>>
    %dma_start3A_1366 = tpu.memref_squeeze %dma_start3A_1365 : memref<1x100x64xf32, #tpu.memory_space<vmem>> -> memref<100x64xf32, #tpu.memory_space<vmem>>
    %dma_start3A_1367 = arith.constant 0 : i32
    %dma_start3A_1368 = tpu.memref_slice %arg6[%dma_start3A_1360, %dma_start3A_1361, %dma_start3A_1367] : memref<32x2x100xi32, #tpu.memory_space<vmem>> -> memref<1x1x100xi32, #tpu.memory_space<vmem>>
    %dma_start3A_1369 = tpu.memref_squeeze %dma_start3A_1368 : memref<1x1x100xi32, #tpu.memory_space<vmem>> -> memref<100xi32, #tpu.memory_space<vmem>>
    %dma_start3A_1370 = arith.constant 0 : i32
    %dma_start3A_1371 = arith.constant 0 : i32
    %dma_start3A_1372 = tpu.memref_slice %arg3[%dma_start3A_1370, %dma_start3A_1371] : memref<1000000x64xf32, #tpu.memory_space<hbm>> -> memref<1000000x64xf32, #tpu.memory_space<hbm>>
    tpu.enqueue_indirect_dma source(%dma_start3A_1372 : memref<1000000x64xf32, #tpu.memory_space<hbm>>) target(%dma_start3A_1366 : memref<100x64xf32, #tpu.memory_space<vmem>>) offsets(%dma_start3A_1369 : memref<100xi32, #tpu.memory_space<vmem>>) semaphore(%arg9 : memref<!tpu.dma_semaphore, #tpu.memory_space<semaphore_mem>>)
    %dma_start3A_1373 = arith.constant 25 : i32
    %dma_start3A_1374 = arith.constant 1 : i32
    %dma_start3A_1375 = arith.constant 1 : i32
    %dma_start3A_1376 = arith.constant 120 : i32
    %dma_start3A_1377 = arith.constant 0 : i32
    %dma_start3A_1378 = tpu.memref_slice %arg7[%dma_start3A_1375, %dma_start3A_1376, %dma_start3A_1377] : memref<4x220x64xf32, #tpu.memory_space<vmem>> -> memref<1x100x64xf32, #tpu.memory_space<vmem>>
    %dma_start3A_1379 = tpu.memref_squeeze %dma_start3A_1378 : memref<1x100x64xf32, #tpu.memory_space<vmem>> -> memref<100x64xf32, #tpu.memory_space<vmem>>
    %dma_start3A_1380 = arith.constant 0 : i32
    %dma_start3A_1381 = tpu.memref_slice %arg6[%dma_start3A_1373, %dma_start3A_1374, %dma_start3A_1380] : memref<32x2x100xi32, #tpu.memory_space<vmem>> -> memref<1x1x100xi32, #tpu.memory_space<vmem>>
    %dma_start3A_1382 = tpu.memref_squeeze %dma_start3A_1381 : memref<1x1x100xi32, #tpu.memory_space<vmem>> -> memref<100xi32, #tpu.memory_space<vmem>>
    %dma_start3A_1383 = arith.constant 0 : i32
    %dma_start3A_1384 = arith.constant 0 : i32
    %dma_start3A_1385 = tpu.memref_slice %arg3[%dma_start3A_1383, %dma_start3A_1384] : memref<1000000x64xf32, #tpu.memory_space<hbm>> -> memref<1000000x64xf32, #tpu.memory_space<hbm>>
    tpu.enqueue_indirect_dma source(%dma_start3A_1385 : memref<1000000x64xf32, #tpu.memory_space<hbm>>) target(%dma_start3A_1379 : memref<100x64xf32, #tpu.memory_space<vmem>>) offsets(%dma_start3A_1382 : memref<100xi32, #tpu.memory_space<vmem>>) semaphore(%arg9 : memref<!tpu.dma_semaphore, #tpu.memory_space<semaphore_mem>>)
    %dma_start3A_1386 = arith.constant 26 : i32
    %dma_start3A_1387 = arith.constant 0 : i32
    %dma_start3A_1388 = arith.constant 2 : i32
    %dma_start3A_1389 = arith.constant 20 : i32
    %dma_start3A_1390 = arith.constant 0 : i32
    %dma_start3A_1391 = tpu.memref_slice %arg7[%dma_start3A_1388, %dma_start3A_1389, %dma_start3A_1390] : memref<4x220x64xf32, #tpu.memory_space<vmem>> -> memref<1x100x64xf32, #tpu.memory_space<vmem>>
    %dma_start3A_1392 = tpu.memref_squeeze %dma_start3A_1391 : memref<1x100x64xf32, #tpu.memory_space<vmem>> -> memref<100x64xf32, #tpu.memory_space<vmem>>
    %dma_start3A_1393 = arith.constant 0 : i32
    %dma_start3A_1394 = tpu.memref_slice %arg6[%dma_start3A_1386, %dma_start3A_1387, %dma_start3A_1393] : memref<32x2x100xi32, #tpu.memory_space<vmem>> -> memref<1x1x100xi32, #tpu.memory_space<vmem>>
    %dma_start3A_1395 = tpu.memref_squeeze %dma_start3A_1394 : memref<1x1x100xi32, #tpu.memory_space<vmem>> -> memref<100xi32, #tpu.memory_space<vmem>>
    %dma_start3A_1396 = arith.constant 0 : i32
    %dma_start3A_1397 = arith.constant 0 : i32
    %dma_start3A_1398 = tpu.memref_slice %arg3[%dma_start3A_1396, %dma_start3A_1397] : memref<1000000x64xf32, #tpu.memory_space<hbm>> -> memref<1000000x64xf32, #tpu.memory_space<hbm>>
    tpu.enqueue_indirect_dma source(%dma_start3A_1398 : memref<1000000x64xf32, #tpu.memory_space<hbm>>) target(%dma_start3A_1392 : memref<100x64xf32, #tpu.memory_space<vmem>>) offsets(%dma_start3A_1395 : memref<100xi32, #tpu.memory_space<vmem>>) semaphore(%arg9 : memref<!tpu.dma_semaphore, #tpu.memory_space<semaphore_mem>>)
    %dma_start3A_1399 = arith.constant 26 : i32
    %dma_start3A_1400 = arith.constant 1 : i32
    %dma_start3A_1401 = arith.constant 2 : i32
    %dma_start3A_1402 = arith.constant 120 : i32
    %dma_start3A_1403 = arith.constant 0 : i32
    %dma_start3A_1404 = tpu.memref_slice %arg7[%dma_start3A_1401, %dma_start3A_1402, %dma_start3A_1403] : memref<4x220x64xf32, #tpu.memory_space<vmem>> -> memref<1x100x64xf32, #tpu.memory_space<vmem>>
    %dma_start3A_1405 = tpu.memref_squeeze %dma_start3A_1404 : memref<1x100x64xf32, #tpu.memory_space<vmem>> -> memref<100x64xf32, #tpu.memory_space<vmem>>
    %dma_start3A_1406 = arith.constant 0 : i32
    %dma_start3A_1407 = tpu.memref_slice %arg6[%dma_start3A_1399, %dma_start3A_1400, %dma_start3A_1406] : memref<32x2x100xi32, #tpu.memory_space<vmem>> -> memref<1x1x100xi32, #tpu.memory_space<vmem>>
    %dma_start3A_1408 = tpu.memref_squeeze %dma_start3A_1407 : memref<1x1x100xi32, #tpu.memory_space<vmem>> -> memref<100xi32, #tpu.memory_space<vmem>>
    %dma_start3A_1409 = arith.constant 0 : i32
    %dma_start3A_1410 = arith.constant 0 : i32
    %dma_start3A_1411 = tpu.memref_slice %arg3[%dma_start3A_1409, %dma_start3A_1410] : memref<1000000x64xf32, #tpu.memory_space<hbm>> -> memref<1000000x64xf32, #tpu.memory_space<hbm>>
    tpu.enqueue_indirect_dma source(%dma_start3A_1411 : memref<1000000x64xf32, #tpu.memory_space<hbm>>) target(%dma_start3A_1405 : memref<100x64xf32, #tpu.memory_space<vmem>>) offsets(%dma_start3A_1408 : memref<100xi32, #tpu.memory_space<vmem>>) semaphore(%arg9 : memref<!tpu.dma_semaphore, #tpu.memory_space<semaphore_mem>>)
    %dma_start3A_1412 = arith.constant 27 : i32
    %dma_start3A_1413 = arith.constant 0 : i32
    %dma_start3A_1414 = arith.constant 3 : i32
    %dma_start3A_1415 = arith.constant 20 : i32
    %dma_start3A_1416 = arith.constant 0 : i32
    %dma_start3A_1417 = tpu.memref_slice %arg7[%dma_start3A_1414, %dma_start3A_1415, %dma_start3A_1416] : memref<4x220x64xf32, #tpu.memory_space<vmem>> -> memref<1x100x64xf32, #tpu.memory_space<vmem>>
    %dma_start3A_1418 = tpu.memref_squeeze %dma_start3A_1417 : memref<1x100x64xf32, #tpu.memory_space<vmem>> -> memref<100x64xf32, #tpu.memory_space<vmem>>
    %dma_start3A_1419 = arith.constant 0 : i32
    %dma_start3A_1420 = tpu.memref_slice %arg6[%dma_start3A_1412, %dma_start3A_1413, %dma_start3A_1419] : memref<32x2x100xi32, #tpu.memory_space<vmem>> -> memref<1x1x100xi32, #tpu.memory_space<vmem>>
    %dma_start3A_1421 = tpu.memref_squeeze %dma_start3A_1420 : memref<1x1x100xi32, #tpu.memory_space<vmem>> -> memref<100xi32, #tpu.memory_space<vmem>>
    %dma_start3A_1422 = arith.constant 0 : i32
    %dma_start3A_1423 = arith.constant 0 : i32
    %dma_start3A_1424 = tpu.memref_slice %arg3[%dma_start3A_1422, %dma_start3A_1423] : memref<1000000x64xf32, #tpu.memory_space<hbm>> -> memref<1000000x64xf32, #tpu.memory_space<hbm>>
    tpu.enqueue_indirect_dma source(%dma_start3A_1424 : memref<1000000x64xf32, #tpu.memory_space<hbm>>) target(%dma_start3A_1418 : memref<100x64xf32, #tpu.memory_space<vmem>>) offsets(%dma_start3A_1421 : memref<100xi32, #tpu.memory_space<vmem>>) semaphore(%arg9 : memref<!tpu.dma_semaphore, #tpu.memory_space<semaphore_mem>>)
    %dma_start3A_1425 = arith.constant 27 : i32
    %dma_start3A_1426 = arith.constant 1 : i32
    %dma_start3A_1427 = arith.constant 3 : i32
    %dma_start3A_1428 = arith.constant 120 : i32
    %dma_start3A_1429 = arith.constant 0 : i32
    %dma_start3A_1430 = tpu.memref_slice %arg7[%dma_start3A_1427, %dma_start3A_1428, %dma_start3A_1429] : memref<4x220x64xf32, #tpu.memory_space<vmem>> -> memref<1x100x64xf32, #tpu.memory_space<vmem>>
    %dma_start3A_1431 = tpu.memref_squeeze %dma_start3A_1430 : memref<1x100x64xf32, #tpu.memory_space<vmem>> -> memref<100x64xf32, #tpu.memory_space<vmem>>
    %dma_start3A_1432 = arith.constant 0 : i32
    %dma_start3A_1433 = tpu.memref_slice %arg6[%dma_start3A_1425, %dma_start3A_1426, %dma_start3A_1432] : memref<32x2x100xi32, #tpu.memory_space<vmem>> -> memref<1x1x100xi32, #tpu.memory_space<vmem>>
    %dma_start3A_1434 = tpu.memref_squeeze %dma_start3A_1433 : memref<1x1x100xi32, #tpu.memory_space<vmem>> -> memref<100xi32, #tpu.memory_space<vmem>>
    %dma_start3A_1435 = arith.constant 0 : i32
    %dma_start3A_1436 = arith.constant 0 : i32
    %dma_start3A_1437 = tpu.memref_slice %arg3[%dma_start3A_1435, %dma_start3A_1436] : memref<1000000x64xf32, #tpu.memory_space<hbm>> -> memref<1000000x64xf32, #tpu.memory_space<hbm>>
    tpu.enqueue_indirect_dma source(%dma_start3A_1437 : memref<1000000x64xf32, #tpu.memory_space<hbm>>) target(%dma_start3A_1431 : memref<100x64xf32, #tpu.memory_space<vmem>>) offsets(%dma_start3A_1434 : memref<100xi32, #tpu.memory_space<vmem>>) semaphore(%arg9 : memref<!tpu.dma_semaphore, #tpu.memory_space<semaphore_mem>>)
    %dma_wait3A_1438 = arith.constant 24 : i32
    %dma_wait3A_1439 = arith.constant 0 : i32
    %dma_wait3A_1440 = arith.constant 0 : i32
    %dma_wait3A_1441 = arith.constant 20 : i32
    %dma_wait3A_1442 = arith.constant 0 : i32
    %dma_wait3A_1443 = tpu.memref_slice %arg7[%dma_wait3A_1440, %dma_wait3A_1441, %dma_wait3A_1442] : memref<4x220x64xf32, #tpu.memory_space<vmem>> -> memref<1x100x64xf32, #tpu.memory_space<vmem>>
    %dma_wait3A_1444 = tpu.memref_squeeze %dma_wait3A_1443 : memref<1x100x64xf32, #tpu.memory_space<vmem>> -> memref<100x64xf32, #tpu.memory_space<vmem>>
    %dma_wait3A_1445 = arith.constant 0 : i32
    %dma_wait3A_1446 = tpu.memref_slice %arg6[%dma_wait3A_1438, %dma_wait3A_1439, %dma_wait3A_1445] : memref<32x2x100xi32, #tpu.memory_space<vmem>> -> memref<1x1x100xi32, #tpu.memory_space<vmem>>
    %dma_wait3A_1447 = tpu.memref_squeeze %dma_wait3A_1446 : memref<1x1x100xi32, #tpu.memory_space<vmem>> -> memref<100xi32, #tpu.memory_space<vmem>>
    %dma_wait3A_1448 = arith.constant 0 : i32
    %dma_wait3A_1449 = arith.constant 0 : i32
    %dma_wait3A_1450 = tpu.memref_slice %arg3[%dma_wait3A_1448, %dma_wait3A_1449] : memref<1000000x64xf32, #tpu.memory_space<hbm>> -> memref<1000000x64xf32, #tpu.memory_space<hbm>>
    tpu.wait_indirect_dma semaphore(%arg9 : memref<!tpu.dma_semaphore, #tpu.memory_space<semaphore_mem>>) src(%dma_wait3A_1450 : memref<1000000x64xf32, #tpu.memory_space<hbm>>) dst(%dma_wait3A_1444 : memref<100x64xf32, #tpu.memory_space<vmem>>)
    %dma_wait3A_1451 = arith.constant 24 : i32
    %dma_wait3A_1452 = arith.constant 1 : i32
    %dma_wait3A_1453 = arith.constant 0 : i32
    %dma_wait3A_1454 = arith.constant 120 : i32
    %dma_wait3A_1455 = arith.constant 0 : i32
    %dma_wait3A_1456 = tpu.memref_slice %arg7[%dma_wait3A_1453, %dma_wait3A_1454, %dma_wait3A_1455] : memref<4x220x64xf32, #tpu.memory_space<vmem>> -> memref<1x100x64xf32, #tpu.memory_space<vmem>>
    %dma_wait3A_1457 = tpu.memref_squeeze %dma_wait3A_1456 : memref<1x100x64xf32, #tpu.memory_space<vmem>> -> memref<100x64xf32, #tpu.memory_space<vmem>>
    %dma_wait3A_1458 = arith.constant 0 : i32
    %dma_wait3A_1459 = tpu.memref_slice %arg6[%dma_wait3A_1451, %dma_wait3A_1452, %dma_wait3A_1458] : memref<32x2x100xi32, #tpu.memory_space<vmem>> -> memref<1x1x100xi32, #tpu.memory_space<vmem>>
    %dma_wait3A_1460 = tpu.memref_squeeze %dma_wait3A_1459 : memref<1x1x100xi32, #tpu.memory_space<vmem>> -> memref<100xi32, #tpu.memory_space<vmem>>
    %dma_wait3A_1461 = arith.constant 0 : i32
    %dma_wait3A_1462 = arith.constant 0 : i32
    %dma_wait3A_1463 = tpu.memref_slice %arg3[%dma_wait3A_1461, %dma_wait3A_1462] : memref<1000000x64xf32, #tpu.memory_space<hbm>> -> memref<1000000x64xf32, #tpu.memory_space<hbm>>
    tpu.wait_indirect_dma semaphore(%arg9 : memref<!tpu.dma_semaphore, #tpu.memory_space<semaphore_mem>>) src(%dma_wait3A_1463 : memref<1000000x64xf32, #tpu.memory_space<hbm>>) dst(%dma_wait3A_1457 : memref<100x64xf32, #tpu.memory_space<vmem>>)
    %dma_wait3A_1464 = arith.constant 25 : i32
    %dma_wait3A_1465 = arith.constant 0 : i32
    %dma_wait3A_1466 = arith.constant 1 : i32
    %dma_wait3A_1467 = arith.constant 20 : i32
    %dma_wait3A_1468 = arith.constant 0 : i32
    %dma_wait3A_1469 = tpu.memref_slice %arg7[%dma_wait3A_1466, %dma_wait3A_1467, %dma_wait3A_1468] : memref<4x220x64xf32, #tpu.memory_space<vmem>> -> memref<1x100x64xf32, #tpu.memory_space<vmem>>
    %dma_wait3A_1470 = tpu.memref_squeeze %dma_wait3A_1469 : memref<1x100x64xf32, #tpu.memory_space<vmem>> -> memref<100x64xf32, #tpu.memory_space<vmem>>
    %dma_wait3A_1471 = arith.constant 0 : i32
    %dma_wait3A_1472 = tpu.memref_slice %arg6[%dma_wait3A_1464, %dma_wait3A_1465, %dma_wait3A_1471] : memref<32x2x100xi32, #tpu.memory_space<vmem>> -> memref<1x1x100xi32, #tpu.memory_space<vmem>>
    %dma_wait3A_1473 = tpu.memref_squeeze %dma_wait3A_1472 : memref<1x1x100xi32, #tpu.memory_space<vmem>> -> memref<100xi32, #tpu.memory_space<vmem>>
    %dma_wait3A_1474 = arith.constant 0 : i32
    %dma_wait3A_1475 = arith.constant 0 : i32
    %dma_wait3A_1476 = tpu.memref_slice %arg3[%dma_wait3A_1474, %dma_wait3A_1475] : memref<1000000x64xf32, #tpu.memory_space<hbm>> -> memref<1000000x64xf32, #tpu.memory_space<hbm>>
    tpu.wait_indirect_dma semaphore(%arg9 : memref<!tpu.dma_semaphore, #tpu.memory_space<semaphore_mem>>) src(%dma_wait3A_1476 : memref<1000000x64xf32, #tpu.memory_space<hbm>>) dst(%dma_wait3A_1470 : memref<100x64xf32, #tpu.memory_space<vmem>>)
    %dma_wait3A_1477 = arith.constant 25 : i32
    %dma_wait3A_1478 = arith.constant 1 : i32
    %dma_wait3A_1479 = arith.constant 1 : i32
    %dma_wait3A_1480 = arith.constant 120 : i32
    %dma_wait3A_1481 = arith.constant 0 : i32
    %dma_wait3A_1482 = tpu.memref_slice %arg7[%dma_wait3A_1479, %dma_wait3A_1480, %dma_wait3A_1481] : memref<4x220x64xf32, #tpu.memory_space<vmem>> -> memref<1x100x64xf32, #tpu.memory_space<vmem>>
    %dma_wait3A_1483 = tpu.memref_squeeze %dma_wait3A_1482 : memref<1x100x64xf32, #tpu.memory_space<vmem>> -> memref<100x64xf32, #tpu.memory_space<vmem>>
    %dma_wait3A_1484 = arith.constant 0 : i32
    %dma_wait3A_1485 = tpu.memref_slice %arg6[%dma_wait3A_1477, %dma_wait3A_1478, %dma_wait3A_1484] : memref<32x2x100xi32, #tpu.memory_space<vmem>> -> memref<1x1x100xi32, #tpu.memory_space<vmem>>
    %dma_wait3A_1486 = tpu.memref_squeeze %dma_wait3A_1485 : memref<1x1x100xi32, #tpu.memory_space<vmem>> -> memref<100xi32, #tpu.memory_space<vmem>>
    %dma_wait3A_1487 = arith.constant 0 : i32
    %dma_wait3A_1488 = arith.constant 0 : i32
    %dma_wait3A_1489 = tpu.memref_slice %arg3[%dma_wait3A_1487, %dma_wait3A_1488] : memref<1000000x64xf32, #tpu.memory_space<hbm>> -> memref<1000000x64xf32, #tpu.memory_space<hbm>>
    tpu.wait_indirect_dma semaphore(%arg9 : memref<!tpu.dma_semaphore, #tpu.memory_space<semaphore_mem>>) src(%dma_wait3A_1489 : memref<1000000x64xf32, #tpu.memory_space<hbm>>) dst(%dma_wait3A_1483 : memref<100x64xf32, #tpu.memory_space<vmem>>)
    %dma_wait3A_1490 = arith.constant 26 : i32
    %dma_wait3A_1491 = arith.constant 0 : i32
    %dma_wait3A_1492 = arith.constant 2 : i32
    %dma_wait3A_1493 = arith.constant 20 : i32
    %dma_wait3A_1494 = arith.constant 0 : i32
    %dma_wait3A_1495 = tpu.memref_slice %arg7[%dma_wait3A_1492, %dma_wait3A_1493, %dma_wait3A_1494] : memref<4x220x64xf32, #tpu.memory_space<vmem>> -> memref<1x100x64xf32, #tpu.memory_space<vmem>>
    %dma_wait3A_1496 = tpu.memref_squeeze %dma_wait3A_1495 : memref<1x100x64xf32, #tpu.memory_space<vmem>> -> memref<100x64xf32, #tpu.memory_space<vmem>>
    %dma_wait3A_1497 = arith.constant 0 : i32
    %dma_wait3A_1498 = tpu.memref_slice %arg6[%dma_wait3A_1490, %dma_wait3A_1491, %dma_wait3A_1497] : memref<32x2x100xi32, #tpu.memory_space<vmem>> -> memref<1x1x100xi32, #tpu.memory_space<vmem>>
    %dma_wait3A_1499 = tpu.memref_squeeze %dma_wait3A_1498 : memref<1x1x100xi32, #tpu.memory_space<vmem>> -> memref<100xi32, #tpu.memory_space<vmem>>
    %dma_wait3A_1500 = arith.constant 0 : i32
    %dma_wait3A_1501 = arith.constant 0 : i32
    %dma_wait3A_1502 = tpu.memref_slice %arg3[%dma_wait3A_1500, %dma_wait3A_1501] : memref<1000000x64xf32, #tpu.memory_space<hbm>> -> memref<1000000x64xf32, #tpu.memory_space<hbm>>
    tpu.wait_indirect_dma semaphore(%arg9 : memref<!tpu.dma_semaphore, #tpu.memory_space<semaphore_mem>>) src(%dma_wait3A_1502 : memref<1000000x64xf32, #tpu.memory_space<hbm>>) dst(%dma_wait3A_1496 : memref<100x64xf32, #tpu.memory_space<vmem>>)
    %dma_wait3A_1503 = arith.constant 26 : i32
    %dma_wait3A_1504 = arith.constant 1 : i32
    %dma_wait3A_1505 = arith.constant 2 : i32
    %dma_wait3A_1506 = arith.constant 120 : i32
    %dma_wait3A_1507 = arith.constant 0 : i32
    %dma_wait3A_1508 = tpu.memref_slice %arg7[%dma_wait3A_1505, %dma_wait3A_1506, %dma_wait3A_1507] : memref<4x220x64xf32, #tpu.memory_space<vmem>> -> memref<1x100x64xf32, #tpu.memory_space<vmem>>
    %dma_wait3A_1509 = tpu.memref_squeeze %dma_wait3A_1508 : memref<1x100x64xf32, #tpu.memory_space<vmem>> -> memref<100x64xf32, #tpu.memory_space<vmem>>
    %dma_wait3A_1510 = arith.constant 0 : i32
    %dma_wait3A_1511 = tpu.memref_slice %arg6[%dma_wait3A_1503, %dma_wait3A_1504, %dma_wait3A_1510] : memref<32x2x100xi32, #tpu.memory_space<vmem>> -> memref<1x1x100xi32, #tpu.memory_space<vmem>>
    %dma_wait3A_1512 = tpu.memref_squeeze %dma_wait3A_1511 : memref<1x1x100xi32, #tpu.memory_space<vmem>> -> memref<100xi32, #tpu.memory_space<vmem>>
    %dma_wait3A_1513 = arith.constant 0 : i32
    %dma_wait3A_1514 = arith.constant 0 : i32
    %dma_wait3A_1515 = tpu.memref_slice %arg3[%dma_wait3A_1513, %dma_wait3A_1514] : memref<1000000x64xf32, #tpu.memory_space<hbm>> -> memref<1000000x64xf32, #tpu.memory_space<hbm>>
    tpu.wait_indirect_dma semaphore(%arg9 : memref<!tpu.dma_semaphore, #tpu.memory_space<semaphore_mem>>) src(%dma_wait3A_1515 : memref<1000000x64xf32, #tpu.memory_space<hbm>>) dst(%dma_wait3A_1509 : memref<100x64xf32, #tpu.memory_space<vmem>>)
    %dma_wait3A_1516 = arith.constant 27 : i32
    %dma_wait3A_1517 = arith.constant 0 : i32
    %dma_wait3A_1518 = arith.constant 3 : i32
    %dma_wait3A_1519 = arith.constant 20 : i32
    %dma_wait3A_1520 = arith.constant 0 : i32
    %dma_wait3A_1521 = tpu.memref_slice %arg7[%dma_wait3A_1518, %dma_wait3A_1519, %dma_wait3A_1520] : memref<4x220x64xf32, #tpu.memory_space<vmem>> -> memref<1x100x64xf32, #tpu.memory_space<vmem>>
    %dma_wait3A_1522 = tpu.memref_squeeze %dma_wait3A_1521 : memref<1x100x64xf32, #tpu.memory_space<vmem>> -> memref<100x64xf32, #tpu.memory_space<vmem>>
    %dma_wait3A_1523 = arith.constant 0 : i32
    %dma_wait3A_1524 = tpu.memref_slice %arg6[%dma_wait3A_1516, %dma_wait3A_1517, %dma_wait3A_1523] : memref<32x2x100xi32, #tpu.memory_space<vmem>> -> memref<1x1x100xi32, #tpu.memory_space<vmem>>
    %dma_wait3A_1525 = tpu.memref_squeeze %dma_wait3A_1524 : memref<1x1x100xi32, #tpu.memory_space<vmem>> -> memref<100xi32, #tpu.memory_space<vmem>>
    %dma_wait3A_1526 = arith.constant 0 : i32
    %dma_wait3A_1527 = arith.constant 0 : i32
    %dma_wait3A_1528 = tpu.memref_slice %arg3[%dma_wait3A_1526, %dma_wait3A_1527] : memref<1000000x64xf32, #tpu.memory_space<hbm>> -> memref<1000000x64xf32, #tpu.memory_space<hbm>>
    tpu.wait_indirect_dma semaphore(%arg9 : memref<!tpu.dma_semaphore, #tpu.memory_space<semaphore_mem>>) src(%dma_wait3A_1528 : memref<1000000x64xf32, #tpu.memory_space<hbm>>) dst(%dma_wait3A_1522 : memref<100x64xf32, #tpu.memory_space<vmem>>)
    %dma_wait3A_1529 = arith.constant 27 : i32
    %dma_wait3A_1530 = arith.constant 1 : i32
    %dma_wait3A_1531 = arith.constant 3 : i32
    %dma_wait3A_1532 = arith.constant 120 : i32
    %dma_wait3A_1533 = arith.constant 0 : i32
    %dma_wait3A_1534 = tpu.memref_slice %arg7[%dma_wait3A_1531, %dma_wait3A_1532, %dma_wait3A_1533] : memref<4x220x64xf32, #tpu.memory_space<vmem>> -> memref<1x100x64xf32, #tpu.memory_space<vmem>>
    %dma_wait3A_1535 = tpu.memref_squeeze %dma_wait3A_1534 : memref<1x100x64xf32, #tpu.memory_space<vmem>> -> memref<100x64xf32, #tpu.memory_space<vmem>>
    %dma_wait3A_1536 = arith.constant 0 : i32
    %dma_wait3A_1537 = tpu.memref_slice %arg6[%dma_wait3A_1529, %dma_wait3A_1530, %dma_wait3A_1536] : memref<32x2x100xi32, #tpu.memory_space<vmem>> -> memref<1x1x100xi32, #tpu.memory_space<vmem>>
    %dma_wait3A_1538 = tpu.memref_squeeze %dma_wait3A_1537 : memref<1x1x100xi32, #tpu.memory_space<vmem>> -> memref<100xi32, #tpu.memory_space<vmem>>
    %dma_wait3A_1539 = arith.constant 0 : i32
    %dma_wait3A_1540 = arith.constant 0 : i32
    %dma_wait3A_1541 = tpu.memref_slice %arg3[%dma_wait3A_1539, %dma_wait3A_1540] : memref<1000000x64xf32, #tpu.memory_space<hbm>> -> memref<1000000x64xf32, #tpu.memory_space<hbm>>
    tpu.wait_indirect_dma semaphore(%arg9 : memref<!tpu.dma_semaphore, #tpu.memory_space<semaphore_mem>>) src(%dma_wait3A_1541 : memref<1000000x64xf32, #tpu.memory_space<hbm>>) dst(%dma_wait3A_1535 : memref<100x64xf32, #tpu.memory_space<vmem>>)
    %add3A_1542 = arith.constant 24 : i32
    %add3A_1543 = arith.addi %mul3A_2, %add3A_1542 : i32
    %dma_start3A_1544 = arith.constant 0 : i32
    %dma_start3A_1545 = arith.constant 0 : i32
    %dma_start3A_1546 = tpu.memref_slice %arg5[%add3A_1543, %dma_start3A_1544, %dma_start3A_1545] : memref<1024x220x64xf32, #tpu.memory_space<hbm>> -> memref<4x220x64xf32, #tpu.memory_space<hbm>>
    %dma_start3A_1547 = arith.constant 0 : i32
    %dma_start3A_1548 = arith.constant 0 : i32
    %dma_start3A_1549 = tpu.memref_slice %arg5[%add3A_1543, %dma_start3A_1547, %dma_start3A_1548] : memref<1024x220x64xf32, #tpu.memory_space<hbm>> -> memref<4x220x64xf32, #tpu.memory_space<hbm>>
    tpu.enqueue_dma source(%arg7 : memref<4x220x64xf32, #tpu.memory_space<vmem>>) target(%dma_start3A_1549 : memref<4x220x64xf32, #tpu.memory_space<hbm>>) target_semaphore(%arg11 : memref<!tpu.dma_semaphore, #tpu.memory_space<semaphore_mem>>)
    %dma_wait3A_1550 = arith.constant 0 : i32
    %dma_wait3A_1551 = arith.constant 0 : i32
    %dma_wait3A_1552 = tpu.memref_slice %arg5[%add3A_1321, %dma_wait3A_1550, %dma_wait3A_1551] : memref<1024x220x64xf32, #tpu.memory_space<hbm>> -> memref<4x220x64xf32, #tpu.memory_space<hbm>>
    %dma_wait3A_1553 = arith.constant 0 : i32
    %dma_wait3A_1554 = arith.constant 0 : i32
    %dma_wait3A_1555 = tpu.memref_slice %arg5[%add3A_1321, %dma_wait3A_1553, %dma_wait3A_1554] : memref<1024x220x64xf32, #tpu.memory_space<hbm>> -> memref<4x220x64xf32, #tpu.memory_space<hbm>>
    tpu.wait_dma2 semaphore(%arg12 : memref<!tpu.dma_semaphore, #tpu.memory_space<semaphore_mem>>) src(%arg8 : memref<4x220x64xf32, #tpu.memory_space<vmem>>) dst(%dma_wait3A_1555 : memref<4x220x64xf32, #tpu.memory_space<hbm>>)
    %dma_start3A_1556 = arith.constant 28 : i32
    %dma_start3A_1557 = arith.constant 0 : i32
    %dma_start3A_1558 = arith.constant 0 : i32
    %dma_start3A_1559 = arith.constant 20 : i32
    %dma_start3A_1560 = arith.constant 0 : i32
    %dma_start3A_1561 = tpu.memref_slice %arg8[%dma_start3A_1558, %dma_start3A_1559, %dma_start3A_1560] : memref<4x220x64xf32, #tpu.memory_space<vmem>> -> memref<1x100x64xf32, #tpu.memory_space<vmem>>
    %dma_start3A_1562 = tpu.memref_squeeze %dma_start3A_1561 : memref<1x100x64xf32, #tpu.memory_space<vmem>> -> memref<100x64xf32, #tpu.memory_space<vmem>>
    %dma_start3A_1563 = arith.constant 0 : i32
    %dma_start3A_1564 = tpu.memref_slice %arg6[%dma_start3A_1556, %dma_start3A_1557, %dma_start3A_1563] : memref<32x2x100xi32, #tpu.memory_space<vmem>> -> memref<1x1x100xi32, #tpu.memory_space<vmem>>
    %dma_start3A_1565 = tpu.memref_squeeze %dma_start3A_1564 : memref<1x1x100xi32, #tpu.memory_space<vmem>> -> memref<100xi32, #tpu.memory_space<vmem>>
    %dma_start3A_1566 = arith.constant 0 : i32
    %dma_start3A_1567 = arith.constant 0 : i32
    %dma_start3A_1568 = tpu.memref_slice %arg3[%dma_start3A_1566, %dma_start3A_1567] : memref<1000000x64xf32, #tpu.memory_space<hbm>> -> memref<1000000x64xf32, #tpu.memory_space<hbm>>
    tpu.enqueue_indirect_dma source(%dma_start3A_1568 : memref<1000000x64xf32, #tpu.memory_space<hbm>>) target(%dma_start3A_1562 : memref<100x64xf32, #tpu.memory_space<vmem>>) offsets(%dma_start3A_1565 : memref<100xi32, #tpu.memory_space<vmem>>) semaphore(%arg10 : memref<!tpu.dma_semaphore, #tpu.memory_space<semaphore_mem>>)
    %dma_start3A_1569 = arith.constant 28 : i32
    %dma_start3A_1570 = arith.constant 1 : i32
    %dma_start3A_1571 = arith.constant 0 : i32
    %dma_start3A_1572 = arith.constant 120 : i32
    %dma_start3A_1573 = arith.constant 0 : i32
    %dma_start3A_1574 = tpu.memref_slice %arg8[%dma_start3A_1571, %dma_start3A_1572, %dma_start3A_1573] : memref<4x220x64xf32, #tpu.memory_space<vmem>> -> memref<1x100x64xf32, #tpu.memory_space<vmem>>
    %dma_start3A_1575 = tpu.memref_squeeze %dma_start3A_1574 : memref<1x100x64xf32, #tpu.memory_space<vmem>> -> memref<100x64xf32, #tpu.memory_space<vmem>>
    %dma_start3A_1576 = arith.constant 0 : i32
    %dma_start3A_1577 = tpu.memref_slice %arg6[%dma_start3A_1569, %dma_start3A_1570, %dma_start3A_1576] : memref<32x2x100xi32, #tpu.memory_space<vmem>> -> memref<1x1x100xi32, #tpu.memory_space<vmem>>
    %dma_start3A_1578 = tpu.memref_squeeze %dma_start3A_1577 : memref<1x1x100xi32, #tpu.memory_space<vmem>> -> memref<100xi32, #tpu.memory_space<vmem>>
    %dma_start3A_1579 = arith.constant 0 : i32
    %dma_start3A_1580 = arith.constant 0 : i32
    %dma_start3A_1581 = tpu.memref_slice %arg3[%dma_start3A_1579, %dma_start3A_1580] : memref<1000000x64xf32, #tpu.memory_space<hbm>> -> memref<1000000x64xf32, #tpu.memory_space<hbm>>
    tpu.enqueue_indirect_dma source(%dma_start3A_1581 : memref<1000000x64xf32, #tpu.memory_space<hbm>>) target(%dma_start3A_1575 : memref<100x64xf32, #tpu.memory_space<vmem>>) offsets(%dma_start3A_1578 : memref<100xi32, #tpu.memory_space<vmem>>) semaphore(%arg10 : memref<!tpu.dma_semaphore, #tpu.memory_space<semaphore_mem>>)
    %dma_start3A_1582 = arith.constant 29 : i32
    %dma_start3A_1583 = arith.constant 0 : i32
    %dma_start3A_1584 = arith.constant 1 : i32
    %dma_start3A_1585 = arith.constant 20 : i32
    %dma_start3A_1586 = arith.constant 0 : i32
    %dma_start3A_1587 = tpu.memref_slice %arg8[%dma_start3A_1584, %dma_start3A_1585, %dma_start3A_1586] : memref<4x220x64xf32, #tpu.memory_space<vmem>> -> memref<1x100x64xf32, #tpu.memory_space<vmem>>
    %dma_start3A_1588 = tpu.memref_squeeze %dma_start3A_1587 : memref<1x100x64xf32, #tpu.memory_space<vmem>> -> memref<100x64xf32, #tpu.memory_space<vmem>>
    %dma_start3A_1589 = arith.constant 0 : i32
    %dma_start3A_1590 = tpu.memref_slice %arg6[%dma_start3A_1582, %dma_start3A_1583, %dma_start3A_1589] : memref<32x2x100xi32, #tpu.memory_space<vmem>> -> memref<1x1x100xi32, #tpu.memory_space<vmem>>
    %dma_start3A_1591 = tpu.memref_squeeze %dma_start3A_1590 : memref<1x1x100xi32, #tpu.memory_space<vmem>> -> memref<100xi32, #tpu.memory_space<vmem>>
    %dma_start3A_1592 = arith.constant 0 : i32
    %dma_start3A_1593 = arith.constant 0 : i32
    %dma_start3A_1594 = tpu.memref_slice %arg3[%dma_start3A_1592, %dma_start3A_1593] : memref<1000000x64xf32, #tpu.memory_space<hbm>> -> memref<1000000x64xf32, #tpu.memory_space<hbm>>
    tpu.enqueue_indirect_dma source(%dma_start3A_1594 : memref<1000000x64xf32, #tpu.memory_space<hbm>>) target(%dma_start3A_1588 : memref<100x64xf32, #tpu.memory_space<vmem>>) offsets(%dma_start3A_1591 : memref<100xi32, #tpu.memory_space<vmem>>) semaphore(%arg10 : memref<!tpu.dma_semaphore, #tpu.memory_space<semaphore_mem>>)
    %dma_start3A_1595 = arith.constant 29 : i32
    %dma_start3A_1596 = arith.constant 1 : i32
    %dma_start3A_1597 = arith.constant 1 : i32
    %dma_start3A_1598 = arith.constant 120 : i32
    %dma_start3A_1599 = arith.constant 0 : i32
    %dma_start3A_1600 = tpu.memref_slice %arg8[%dma_start3A_1597, %dma_start3A_1598, %dma_start3A_1599] : memref<4x220x64xf32, #tpu.memory_space<vmem>> -> memref<1x100x64xf32, #tpu.memory_space<vmem>>
    %dma_start3A_1601 = tpu.memref_squeeze %dma_start3A_1600 : memref<1x100x64xf32, #tpu.memory_space<vmem>> -> memref<100x64xf32, #tpu.memory_space<vmem>>
    %dma_start3A_1602 = arith.constant 0 : i32
    %dma_start3A_1603 = tpu.memref_slice %arg6[%dma_start3A_1595, %dma_start3A_1596, %dma_start3A_1602] : memref<32x2x100xi32, #tpu.memory_space<vmem>> -> memref<1x1x100xi32, #tpu.memory_space<vmem>>
    %dma_start3A_1604 = tpu.memref_squeeze %dma_start3A_1603 : memref<1x1x100xi32, #tpu.memory_space<vmem>> -> memref<100xi32, #tpu.memory_space<vmem>>
    %dma_start3A_1605 = arith.constant 0 : i32
    %dma_start3A_1606 = arith.constant 0 : i32
    %dma_start3A_1607 = tpu.memref_slice %arg3[%dma_start3A_1605, %dma_start3A_1606] : memref<1000000x64xf32, #tpu.memory_space<hbm>> -> memref<1000000x64xf32, #tpu.memory_space<hbm>>
    tpu.enqueue_indirect_dma source(%dma_start3A_1607 : memref<1000000x64xf32, #tpu.memory_space<hbm>>) target(%dma_start3A_1601 : memref<100x64xf32, #tpu.memory_space<vmem>>) offsets(%dma_start3A_1604 : memref<100xi32, #tpu.memory_space<vmem>>) semaphore(%arg10 : memref<!tpu.dma_semaphore, #tpu.memory_space<semaphore_mem>>)
    %dma_start3A_1608 = arith.constant 30 : i32
    %dma_start3A_1609 = arith.constant 0 : i32
    %dma_start3A_1610 = arith.constant 2 : i32
    %dma_start3A_1611 = arith.constant 20 : i32
    %dma_start3A_1612 = arith.constant 0 : i32
    %dma_start3A_1613 = tpu.memref_slice %arg8[%dma_start3A_1610, %dma_start3A_1611, %dma_start3A_1612] : memref<4x220x64xf32, #tpu.memory_space<vmem>> -> memref<1x100x64xf32, #tpu.memory_space<vmem>>
    %dma_start3A_1614 = tpu.memref_squeeze %dma_start3A_1613 : memref<1x100x64xf32, #tpu.memory_space<vmem>> -> memref<100x64xf32, #tpu.memory_space<vmem>>
    %dma_start3A_1615 = arith.constant 0 : i32
    %dma_start3A_1616 = tpu.memref_slice %arg6[%dma_start3A_1608, %dma_start3A_1609, %dma_start3A_1615] : memref<32x2x100xi32, #tpu.memory_space<vmem>> -> memref<1x1x100xi32, #tpu.memory_space<vmem>>
    %dma_start3A_1617 = tpu.memref_squeeze %dma_start3A_1616 : memref<1x1x100xi32, #tpu.memory_space<vmem>> -> memref<100xi32, #tpu.memory_space<vmem>>
    %dma_start3A_1618 = arith.constant 0 : i32
    %dma_start3A_1619 = arith.constant 0 : i32
    %dma_start3A_1620 = tpu.memref_slice %arg3[%dma_start3A_1618, %dma_start3A_1619] : memref<1000000x64xf32, #tpu.memory_space<hbm>> -> memref<1000000x64xf32, #tpu.memory_space<hbm>>
    tpu.enqueue_indirect_dma source(%dma_start3A_1620 : memref<1000000x64xf32, #tpu.memory_space<hbm>>) target(%dma_start3A_1614 : memref<100x64xf32, #tpu.memory_space<vmem>>) offsets(%dma_start3A_1617 : memref<100xi32, #tpu.memory_space<vmem>>) semaphore(%arg10 : memref<!tpu.dma_semaphore, #tpu.memory_space<semaphore_mem>>)
    %dma_start3A_1621 = arith.constant 30 : i32
    %dma_start3A_1622 = arith.constant 1 : i32
    %dma_start3A_1623 = arith.constant 2 : i32
    %dma_start3A_1624 = arith.constant 120 : i32
    %dma_start3A_1625 = arith.constant 0 : i32
    %dma_start3A_1626 = tpu.memref_slice %arg8[%dma_start3A_1623, %dma_start3A_1624, %dma_start3A_1625] : memref<4x220x64xf32, #tpu.memory_space<vmem>> -> memref<1x100x64xf32, #tpu.memory_space<vmem>>
    %dma_start3A_1627 = tpu.memref_squeeze %dma_start3A_1626 : memref<1x100x64xf32, #tpu.memory_space<vmem>> -> memref<100x64xf32, #tpu.memory_space<vmem>>
    %dma_start3A_1628 = arith.constant 0 : i32
    %dma_start3A_1629 = tpu.memref_slice %arg6[%dma_start3A_1621, %dma_start3A_1622, %dma_start3A_1628] : memref<32x2x100xi32, #tpu.memory_space<vmem>> -> memref<1x1x100xi32, #tpu.memory_space<vmem>>
    %dma_start3A_1630 = tpu.memref_squeeze %dma_start3A_1629 : memref<1x1x100xi32, #tpu.memory_space<vmem>> -> memref<100xi32, #tpu.memory_space<vmem>>
    %dma_start3A_1631 = arith.constant 0 : i32
    %dma_start3A_1632 = arith.constant 0 : i32
    %dma_start3A_1633 = tpu.memref_slice %arg3[%dma_start3A_1631, %dma_start3A_1632] : memref<1000000x64xf32, #tpu.memory_space<hbm>> -> memref<1000000x64xf32, #tpu.memory_space<hbm>>
    tpu.enqueue_indirect_dma source(%dma_start3A_1633 : memref<1000000x64xf32, #tpu.memory_space<hbm>>) target(%dma_start3A_1627 : memref<100x64xf32, #tpu.memory_space<vmem>>) offsets(%dma_start3A_1630 : memref<100xi32, #tpu.memory_space<vmem>>) semaphore(%arg10 : memref<!tpu.dma_semaphore, #tpu.memory_space<semaphore_mem>>)
    %dma_start3A_1634 = arith.constant 31 : i32
    %dma_start3A_1635 = arith.constant 0 : i32
    %dma_start3A_1636 = arith.constant 3 : i32
    %dma_start3A_1637 = arith.constant 20 : i32
    %dma_start3A_1638 = arith.constant 0 : i32
    %dma_start3A_1639 = tpu.memref_slice %arg8[%dma_start3A_1636, %dma_start3A_1637, %dma_start3A_1638] : memref<4x220x64xf32, #tpu.memory_space<vmem>> -> memref<1x100x64xf32, #tpu.memory_space<vmem>>
    %dma_start3A_1640 = tpu.memref_squeeze %dma_start3A_1639 : memref<1x100x64xf32, #tpu.memory_space<vmem>> -> memref<100x64xf32, #tpu.memory_space<vmem>>
    %dma_start3A_1641 = arith.constant 0 : i32
    %dma_start3A_1642 = tpu.memref_slice %arg6[%dma_start3A_1634, %dma_start3A_1635, %dma_start3A_1641] : memref<32x2x100xi32, #tpu.memory_space<vmem>> -> memref<1x1x100xi32, #tpu.memory_space<vmem>>
    %dma_start3A_1643 = tpu.memref_squeeze %dma_start3A_1642 : memref<1x1x100xi32, #tpu.memory_space<vmem>> -> memref<100xi32, #tpu.memory_space<vmem>>
    %dma_start3A_1644 = arith.constant 0 : i32
    %dma_start3A_1645 = arith.constant 0 : i32
    %dma_start3A_1646 = tpu.memref_slice %arg3[%dma_start3A_1644, %dma_start3A_1645] : memref<1000000x64xf32, #tpu.memory_space<hbm>> -> memref<1000000x64xf32, #tpu.memory_space<hbm>>
    tpu.enqueue_indirect_dma source(%dma_start3A_1646 : memref<1000000x64xf32, #tpu.memory_space<hbm>>) target(%dma_start3A_1640 : memref<100x64xf32, #tpu.memory_space<vmem>>) offsets(%dma_start3A_1643 : memref<100xi32, #tpu.memory_space<vmem>>) semaphore(%arg10 : memref<!tpu.dma_semaphore, #tpu.memory_space<semaphore_mem>>)
    %dma_start3A_1647 = arith.constant 31 : i32
    %dma_start3A_1648 = arith.constant 1 : i32
    %dma_start3A_1649 = arith.constant 3 : i32
    %dma_start3A_1650 = arith.constant 120 : i32
    %dma_start3A_1651 = arith.constant 0 : i32
    %dma_start3A_1652 = tpu.memref_slice %arg8[%dma_start3A_1649, %dma_start3A_1650, %dma_start3A_1651] : memref<4x220x64xf32, #tpu.memory_space<vmem>> -> memref<1x100x64xf32, #tpu.memory_space<vmem>>
    %dma_start3A_1653 = tpu.memref_squeeze %dma_start3A_1652 : memref<1x100x64xf32, #tpu.memory_space<vmem>> -> memref<100x64xf32, #tpu.memory_space<vmem>>
    %dma_start3A_1654 = arith.constant 0 : i32
    %dma_start3A_1655 = tpu.memref_slice %arg6[%dma_start3A_1647, %dma_start3A_1648, %dma_start3A_1654] : memref<32x2x100xi32, #tpu.memory_space<vmem>> -> memref<1x1x100xi32, #tpu.memory_space<vmem>>
    %dma_start3A_1656 = tpu.memref_squeeze %dma_start3A_1655 : memref<1x1x100xi32, #tpu.memory_space<vmem>> -> memref<100xi32, #tpu.memory_space<vmem>>
    %dma_start3A_1657 = arith.constant 0 : i32
    %dma_start3A_1658 = arith.constant 0 : i32
    %dma_start3A_1659 = tpu.memref_slice %arg3[%dma_start3A_1657, %dma_start3A_1658] : memref<1000000x64xf32, #tpu.memory_space<hbm>> -> memref<1000000x64xf32, #tpu.memory_space<hbm>>
    tpu.enqueue_indirect_dma source(%dma_start3A_1659 : memref<1000000x64xf32, #tpu.memory_space<hbm>>) target(%dma_start3A_1653 : memref<100x64xf32, #tpu.memory_space<vmem>>) offsets(%dma_start3A_1656 : memref<100xi32, #tpu.memory_space<vmem>>) semaphore(%arg10 : memref<!tpu.dma_semaphore, #tpu.memory_space<semaphore_mem>>)
    %dma_wait3A_1660 = arith.constant 28 : i32
    %dma_wait3A_1661 = arith.constant 0 : i32
    %dma_wait3A_1662 = arith.constant 0 : i32
    %dma_wait3A_1663 = arith.constant 20 : i32
    %dma_wait3A_1664 = arith.constant 0 : i32
    %dma_wait3A_1665 = tpu.memref_slice %arg8[%dma_wait3A_1662, %dma_wait3A_1663, %dma_wait3A_1664] : memref<4x220x64xf32, #tpu.memory_space<vmem>> -> memref<1x100x64xf32, #tpu.memory_space<vmem>>
    %dma_wait3A_1666 = tpu.memref_squeeze %dma_wait3A_1665 : memref<1x100x64xf32, #tpu.memory_space<vmem>> -> memref<100x64xf32, #tpu.memory_space<vmem>>
    %dma_wait3A_1667 = arith.constant 0 : i32
    %dma_wait3A_1668 = tpu.memref_slice %arg6[%dma_wait3A_1660, %dma_wait3A_1661, %dma_wait3A_1667] : memref<32x2x100xi32, #tpu.memory_space<vmem>> -> memref<1x1x100xi32, #tpu.memory_space<vmem>>
    %dma_wait3A_1669 = tpu.memref_squeeze %dma_wait3A_1668 : memref<1x1x100xi32, #tpu.memory_space<vmem>> -> memref<100xi32, #tpu.memory_space<vmem>>
    %dma_wait3A_1670 = arith.constant 0 : i32
    %dma_wait3A_1671 = arith.constant 0 : i32
    %dma_wait3A_1672 = tpu.memref_slice %arg3[%dma_wait3A_1670, %dma_wait3A_1671] : memref<1000000x64xf32, #tpu.memory_space<hbm>> -> memref<1000000x64xf32, #tpu.memory_space<hbm>>
    tpu.wait_indirect_dma semaphore(%arg10 : memref<!tpu.dma_semaphore, #tpu.memory_space<semaphore_mem>>) src(%dma_wait3A_1672 : memref<1000000x64xf32, #tpu.memory_space<hbm>>) dst(%dma_wait3A_1666 : memref<100x64xf32, #tpu.memory_space<vmem>>)
    %dma_wait3A_1673 = arith.constant 28 : i32
    %dma_wait3A_1674 = arith.constant 1 : i32
    %dma_wait3A_1675 = arith.constant 0 : i32
    %dma_wait3A_1676 = arith.constant 120 : i32
    %dma_wait3A_1677 = arith.constant 0 : i32
    %dma_wait3A_1678 = tpu.memref_slice %arg8[%dma_wait3A_1675, %dma_wait3A_1676, %dma_wait3A_1677] : memref<4x220x64xf32, #tpu.memory_space<vmem>> -> memref<1x100x64xf32, #tpu.memory_space<vmem>>
    %dma_wait3A_1679 = tpu.memref_squeeze %dma_wait3A_1678 : memref<1x100x64xf32, #tpu.memory_space<vmem>> -> memref<100x64xf32, #tpu.memory_space<vmem>>
    %dma_wait3A_1680 = arith.constant 0 : i32
    %dma_wait3A_1681 = tpu.memref_slice %arg6[%dma_wait3A_1673, %dma_wait3A_1674, %dma_wait3A_1680] : memref<32x2x100xi32, #tpu.memory_space<vmem>> -> memref<1x1x100xi32, #tpu.memory_space<vmem>>
    %dma_wait3A_1682 = tpu.memref_squeeze %dma_wait3A_1681 : memref<1x1x100xi32, #tpu.memory_space<vmem>> -> memref<100xi32, #tpu.memory_space<vmem>>
    %dma_wait3A_1683 = arith.constant 0 : i32
    %dma_wait3A_1684 = arith.constant 0 : i32
    %dma_wait3A_1685 = tpu.memref_slice %arg3[%dma_wait3A_1683, %dma_wait3A_1684] : memref<1000000x64xf32, #tpu.memory_space<hbm>> -> memref<1000000x64xf32, #tpu.memory_space<hbm>>
    tpu.wait_indirect_dma semaphore(%arg10 : memref<!tpu.dma_semaphore, #tpu.memory_space<semaphore_mem>>) src(%dma_wait3A_1685 : memref<1000000x64xf32, #tpu.memory_space<hbm>>) dst(%dma_wait3A_1679 : memref<100x64xf32, #tpu.memory_space<vmem>>)
    %dma_wait3A_1686 = arith.constant 29 : i32
    %dma_wait3A_1687 = arith.constant 0 : i32
    %dma_wait3A_1688 = arith.constant 1 : i32
    %dma_wait3A_1689 = arith.constant 20 : i32
    %dma_wait3A_1690 = arith.constant 0 : i32
    %dma_wait3A_1691 = tpu.memref_slice %arg8[%dma_wait3A_1688, %dma_wait3A_1689, %dma_wait3A_1690] : memref<4x220x64xf32, #tpu.memory_space<vmem>> -> memref<1x100x64xf32, #tpu.memory_space<vmem>>
    %dma_wait3A_1692 = tpu.memref_squeeze %dma_wait3A_1691 : memref<1x100x64xf32, #tpu.memory_space<vmem>> -> memref<100x64xf32, #tpu.memory_space<vmem>>
    %dma_wait3A_1693 = arith.constant 0 : i32
    %dma_wait3A_1694 = tpu.memref_slice %arg6[%dma_wait3A_1686, %dma_wait3A_1687, %dma_wait3A_1693] : memref<32x2x100xi32, #tpu.memory_space<vmem>> -> memref<1x1x100xi32, #tpu.memory_space<vmem>>
    %dma_wait3A_1695 = tpu.memref_squeeze %dma_wait3A_1694 : memref<1x1x100xi32, #tpu.memory_space<vmem>> -> memref<100xi32, #tpu.memory_space<vmem>>
    %dma_wait3A_1696 = arith.constant 0 : i32
    %dma_wait3A_1697 = arith.constant 0 : i32
    %dma_wait3A_1698 = tpu.memref_slice %arg3[%dma_wait3A_1696, %dma_wait3A_1697] : memref<1000000x64xf32, #tpu.memory_space<hbm>> -> memref<1000000x64xf32, #tpu.memory_space<hbm>>
    tpu.wait_indirect_dma semaphore(%arg10 : memref<!tpu.dma_semaphore, #tpu.memory_space<semaphore_mem>>) src(%dma_wait3A_1698 : memref<1000000x64xf32, #tpu.memory_space<hbm>>) dst(%dma_wait3A_1692 : memref<100x64xf32, #tpu.memory_space<vmem>>)
    %dma_wait3A_1699 = arith.constant 29 : i32
    %dma_wait3A_1700 = arith.constant 1 : i32
    %dma_wait3A_1701 = arith.constant 1 : i32
    %dma_wait3A_1702 = arith.constant 120 : i32
    %dma_wait3A_1703 = arith.constant 0 : i32
    %dma_wait3A_1704 = tpu.memref_slice %arg8[%dma_wait3A_1701, %dma_wait3A_1702, %dma_wait3A_1703] : memref<4x220x64xf32, #tpu.memory_space<vmem>> -> memref<1x100x64xf32, #tpu.memory_space<vmem>>
    %dma_wait3A_1705 = tpu.memref_squeeze %dma_wait3A_1704 : memref<1x100x64xf32, #tpu.memory_space<vmem>> -> memref<100x64xf32, #tpu.memory_space<vmem>>
    %dma_wait3A_1706 = arith.constant 0 : i32
    %dma_wait3A_1707 = tpu.memref_slice %arg6[%dma_wait3A_1699, %dma_wait3A_1700, %dma_wait3A_1706] : memref<32x2x100xi32, #tpu.memory_space<vmem>> -> memref<1x1x100xi32, #tpu.memory_space<vmem>>
    %dma_wait3A_1708 = tpu.memref_squeeze %dma_wait3A_1707 : memref<1x1x100xi32, #tpu.memory_space<vmem>> -> memref<100xi32, #tpu.memory_space<vmem>>
    %dma_wait3A_1709 = arith.constant 0 : i32
    %dma_wait3A_1710 = arith.constant 0 : i32
    %dma_wait3A_1711 = tpu.memref_slice %arg3[%dma_wait3A_1709, %dma_wait3A_1710] : memref<1000000x64xf32, #tpu.memory_space<hbm>> -> memref<1000000x64xf32, #tpu.memory_space<hbm>>
    tpu.wait_indirect_dma semaphore(%arg10 : memref<!tpu.dma_semaphore, #tpu.memory_space<semaphore_mem>>) src(%dma_wait3A_1711 : memref<1000000x64xf32, #tpu.memory_space<hbm>>) dst(%dma_wait3A_1705 : memref<100x64xf32, #tpu.memory_space<vmem>>)
    %dma_wait3A_1712 = arith.constant 30 : i32
    %dma_wait3A_1713 = arith.constant 0 : i32
    %dma_wait3A_1714 = arith.constant 2 : i32
    %dma_wait3A_1715 = arith.constant 20 : i32
    %dma_wait3A_1716 = arith.constant 0 : i32
    %dma_wait3A_1717 = tpu.memref_slice %arg8[%dma_wait3A_1714, %dma_wait3A_1715, %dma_wait3A_1716] : memref<4x220x64xf32, #tpu.memory_space<vmem>> -> memref<1x100x64xf32, #tpu.memory_space<vmem>>
    %dma_wait3A_1718 = tpu.memref_squeeze %dma_wait3A_1717 : memref<1x100x64xf32, #tpu.memory_space<vmem>> -> memref<100x64xf32, #tpu.memory_space<vmem>>
    %dma_wait3A_1719 = arith.constant 0 : i32
    %dma_wait3A_1720 = tpu.memref_slice %arg6[%dma_wait3A_1712, %dma_wait3A_1713, %dma_wait3A_1719] : memref<32x2x100xi32, #tpu.memory_space<vmem>> -> memref<1x1x100xi32, #tpu.memory_space<vmem>>
    %dma_wait3A_1721 = tpu.memref_squeeze %dma_wait3A_1720 : memref<1x1x100xi32, #tpu.memory_space<vmem>> -> memref<100xi32, #tpu.memory_space<vmem>>
    %dma_wait3A_1722 = arith.constant 0 : i32
    %dma_wait3A_1723 = arith.constant 0 : i32
    %dma_wait3A_1724 = tpu.memref_slice %arg3[%dma_wait3A_1722, %dma_wait3A_1723] : memref<1000000x64xf32, #tpu.memory_space<hbm>> -> memref<1000000x64xf32, #tpu.memory_space<hbm>>
    tpu.wait_indirect_dma semaphore(%arg10 : memref<!tpu.dma_semaphore, #tpu.memory_space<semaphore_mem>>) src(%dma_wait3A_1724 : memref<1000000x64xf32, #tpu.memory_space<hbm>>) dst(%dma_wait3A_1718 : memref<100x64xf32, #tpu.memory_space<vmem>>)
    %dma_wait3A_1725 = arith.constant 30 : i32
    %dma_wait3A_1726 = arith.constant 1 : i32
    %dma_wait3A_1727 = arith.constant 2 : i32
    %dma_wait3A_1728 = arith.constant 120 : i32
    %dma_wait3A_1729 = arith.constant 0 : i32
    %dma_wait3A_1730 = tpu.memref_slice %arg8[%dma_wait3A_1727, %dma_wait3A_1728, %dma_wait3A_1729] : memref<4x220x64xf32, #tpu.memory_space<vmem>> -> memref<1x100x64xf32, #tpu.memory_space<vmem>>
    %dma_wait3A_1731 = tpu.memref_squeeze %dma_wait3A_1730 : memref<1x100x64xf32, #tpu.memory_space<vmem>> -> memref<100x64xf32, #tpu.memory_space<vmem>>
    %dma_wait3A_1732 = arith.constant 0 : i32
    %dma_wait3A_1733 = tpu.memref_slice %arg6[%dma_wait3A_1725, %dma_wait3A_1726, %dma_wait3A_1732] : memref<32x2x100xi32, #tpu.memory_space<vmem>> -> memref<1x1x100xi32, #tpu.memory_space<vmem>>
    %dma_wait3A_1734 = tpu.memref_squeeze %dma_wait3A_1733 : memref<1x1x100xi32, #tpu.memory_space<vmem>> -> memref<100xi32, #tpu.memory_space<vmem>>
    %dma_wait3A_1735 = arith.constant 0 : i32
    %dma_wait3A_1736 = arith.constant 0 : i32
    %dma_wait3A_1737 = tpu.memref_slice %arg3[%dma_wait3A_1735, %dma_wait3A_1736] : memref<1000000x64xf32, #tpu.memory_space<hbm>> -> memref<1000000x64xf32, #tpu.memory_space<hbm>>
    tpu.wait_indirect_dma semaphore(%arg10 : memref<!tpu.dma_semaphore, #tpu.memory_space<semaphore_mem>>) src(%dma_wait3A_1737 : memref<1000000x64xf32, #tpu.memory_space<hbm>>) dst(%dma_wait3A_1731 : memref<100x64xf32, #tpu.memory_space<vmem>>)
    %dma_wait3A_1738 = arith.constant 31 : i32
    %dma_wait3A_1739 = arith.constant 0 : i32
    %dma_wait3A_1740 = arith.constant 3 : i32
    %dma_wait3A_1741 = arith.constant 20 : i32
    %dma_wait3A_1742 = arith.constant 0 : i32
    %dma_wait3A_1743 = tpu.memref_slice %arg8[%dma_wait3A_1740, %dma_wait3A_1741, %dma_wait3A_1742] : memref<4x220x64xf32, #tpu.memory_space<vmem>> -> memref<1x100x64xf32, #tpu.memory_space<vmem>>
    %dma_wait3A_1744 = tpu.memref_squeeze %dma_wait3A_1743 : memref<1x100x64xf32, #tpu.memory_space<vmem>> -> memref<100x64xf32, #tpu.memory_space<vmem>>
    %dma_wait3A_1745 = arith.constant 0 : i32
    %dma_wait3A_1746 = tpu.memref_slice %arg6[%dma_wait3A_1738, %dma_wait3A_1739, %dma_wait3A_1745] : memref<32x2x100xi32, #tpu.memory_space<vmem>> -> memref<1x1x100xi32, #tpu.memory_space<vmem>>
    %dma_wait3A_1747 = tpu.memref_squeeze %dma_wait3A_1746 : memref<1x1x100xi32, #tpu.memory_space<vmem>> -> memref<100xi32, #tpu.memory_space<vmem>>
    %dma_wait3A_1748 = arith.constant 0 : i32
    %dma_wait3A_1749 = arith.constant 0 : i32
    %dma_wait3A_1750 = tpu.memref_slice %arg3[%dma_wait3A_1748, %dma_wait3A_1749] : memref<1000000x64xf32, #tpu.memory_space<hbm>> -> memref<1000000x64xf32, #tpu.memory_space<hbm>>
    tpu.wait_indirect_dma semaphore(%arg10 : memref<!tpu.dma_semaphore, #tpu.memory_space<semaphore_mem>>) src(%dma_wait3A_1750 : memref<1000000x64xf32, #tpu.memory_space<hbm>>) dst(%dma_wait3A_1744 : memref<100x64xf32, #tpu.memory_space<vmem>>)
    %dma_wait3A_1751 = arith.constant 31 : i32
    %dma_wait3A_1752 = arith.constant 1 : i32
    %dma_wait3A_1753 = arith.constant 3 : i32
    %dma_wait3A_1754 = arith.constant 120 : i32
    %dma_wait3A_1755 = arith.constant 0 : i32
    %dma_wait3A_1756 = tpu.memref_slice %arg8[%dma_wait3A_1753, %dma_wait3A_1754, %dma_wait3A_1755] : memref<4x220x64xf32, #tpu.memory_space<vmem>> -> memref<1x100x64xf32, #tpu.memory_space<vmem>>
    %dma_wait3A_1757 = tpu.memref_squeeze %dma_wait3A_1756 : memref<1x100x64xf32, #tpu.memory_space<vmem>> -> memref<100x64xf32, #tpu.memory_space<vmem>>
    %dma_wait3A_1758 = arith.constant 0 : i32
    %dma_wait3A_1759 = tpu.memref_slice %arg6[%dma_wait3A_1751, %dma_wait3A_1752, %dma_wait3A_1758] : memref<32x2x100xi32, #tpu.memory_space<vmem>> -> memref<1x1x100xi32, #tpu.memory_space<vmem>>
    %dma_wait3A_1760 = tpu.memref_squeeze %dma_wait3A_1759 : memref<1x1x100xi32, #tpu.memory_space<vmem>> -> memref<100xi32, #tpu.memory_space<vmem>>
    %dma_wait3A_1761 = arith.constant 0 : i32
    %dma_wait3A_1762 = arith.constant 0 : i32
    %dma_wait3A_1763 = tpu.memref_slice %arg3[%dma_wait3A_1761, %dma_wait3A_1762] : memref<1000000x64xf32, #tpu.memory_space<hbm>> -> memref<1000000x64xf32, #tpu.memory_space<hbm>>
    tpu.wait_indirect_dma semaphore(%arg10 : memref<!tpu.dma_semaphore, #tpu.memory_space<semaphore_mem>>) src(%dma_wait3A_1763 : memref<1000000x64xf32, #tpu.memory_space<hbm>>) dst(%dma_wait3A_1757 : memref<100x64xf32, #tpu.memory_space<vmem>>)
    %add3A_1764 = arith.constant 28 : i32
    %add3A_1765 = arith.addi %mul3A_2, %add3A_1764 : i32
    %dma_start3A_1766 = arith.constant 0 : i32
    %dma_start3A_1767 = arith.constant 0 : i32
    %dma_start3A_1768 = tpu.memref_slice %arg5[%add3A_1765, %dma_start3A_1766, %dma_start3A_1767] : memref<1024x220x64xf32, #tpu.memory_space<hbm>> -> memref<4x220x64xf32, #tpu.memory_space<hbm>>
    %dma_start3A_1769 = arith.constant 0 : i32
    %dma_start3A_1770 = arith.constant 0 : i32
    %dma_start3A_1771 = tpu.memref_slice %arg5[%add3A_1765, %dma_start3A_1769, %dma_start3A_1770] : memref<1024x220x64xf32, #tpu.memory_space<hbm>> -> memref<4x220x64xf32, #tpu.memory_space<hbm>>
    tpu.enqueue_dma source(%arg8 : memref<4x220x64xf32, #tpu.memory_space<vmem>>) target(%dma_start3A_1771 : memref<4x220x64xf32, #tpu.memory_space<hbm>>) target_semaphore(%arg12 : memref<!tpu.dma_semaphore, #tpu.memory_space<semaphore_mem>>)
    %dma_wait3A_1772 = arith.constant 0 : i32
    %dma_wait3A_1773 = arith.constant 0 : i32
    %dma_wait3A_1774 = tpu.memref_slice %arg5[%add3A_1543, %dma_wait3A_1772, %dma_wait3A_1773] : memref<1024x220x64xf32, #tpu.memory_space<hbm>> -> memref<4x220x64xf32, #tpu.memory_space<hbm>>
    %dma_wait3A_1775 = arith.constant 0 : i32
    %dma_wait3A_1776 = arith.constant 0 : i32
    %dma_wait3A_1777 = tpu.memref_slice %arg5[%add3A_1543, %dma_wait3A_1775, %dma_wait3A_1776] : memref<1024x220x64xf32, #tpu.memory_space<hbm>> -> memref<4x220x64xf32, #tpu.memory_space<hbm>>
    tpu.wait_dma2 semaphore(%arg11 : memref<!tpu.dma_semaphore, #tpu.memory_space<semaphore_mem>>) src(%arg7 : memref<4x220x64xf32, #tpu.memory_space<vmem>>) dst(%dma_wait3A_1777 : memref<4x220x64xf32, #tpu.memory_space<hbm>>)
    %dma_wait3A_1778 = arith.constant 0 : i32
    %dma_wait3A_1779 = arith.constant 0 : i32
    %dma_wait3A_1780 = tpu.memref_slice %arg5[%add3A_1765, %dma_wait3A_1778, %dma_wait3A_1779] : memref<1024x220x64xf32, #tpu.memory_space<hbm>> -> memref<4x220x64xf32, #tpu.memory_space<hbm>>
    %dma_wait3A_1781 = arith.constant 0 : i32
    %dma_wait3A_1782 = arith.constant 0 : i32
    %dma_wait3A_1783 = tpu.memref_slice %arg5[%add3A_1765, %dma_wait3A_1781, %dma_wait3A_1782] : memref<1024x220x64xf32, #tpu.memory_space<hbm>> -> memref<4x220x64xf32, #tpu.memory_space<hbm>>
    tpu.wait_dma2 semaphore(%arg12 : memref<!tpu.dma_semaphore, #tpu.memory_space<semaphore_mem>>) src(%arg8 : memref<4x220x64xf32, #tpu.memory_space<vmem>>) dst(%dma_wait3A_1783 : memref<4x220x64xf32, #tpu.memory_space<hbm>>)
    return
  }
}

</mosaic_0001>

<sc_bundles>
// kernel: kernel.3.cloned.1.call-start
scs
__scs_entry_jumppad:
0x0: {  	(pc) =	sbr.rel $0x88, $3  }
0x1: {  	(tag) =	ssettag $0x0;
	lr =	simm.s32 $0x1  }
0x2: {  	[smem:$0x3F9E] =	sst lr;
	_ =	strace $0xD0000000  }
0x3: {  	_ = 	snop  }
0x4: {  	_ = 	snop  }
0x5: {  	_ = 	snop  }
0x6: {  	_ = 	snop  }
0x7: {  	_ = 	snop  }
__scs_overlays_trampoline_lowered:
0x8: {  	[smem:$0x3FAD] =	sst s0  }
0x9: {  	[smem:$0x3FAE] =	sst s1  }
0xa: {  	[smem:$0x3FAF] =	sst s2  }
0xb: {  	[smem:$0x3FB0] =	sst s3  }
0xc: {  	[smem:$0x3FB1] =	sst s4  }
0xd: {  	[smem:$0x3FB2] =	sst s5  }
0xe: {  	[smem:$0x3FB3] =	sst s6  }
0xf: {  	[smem:$0x3FB4] =	sst s7  }
0x10: {  	[smem:$0x3FB5] =	sst s8  }
0x11: {  	[smem:$0x3FB6] =	sst s9;
	s0 =	simm.s32 @!p0 $0x0  }
0x12: {  	s1 =	sld [smem:$0x3F9C];
	s0 =	simm.s32 @p0 $0x1  }
0x13: {  	[smem:$0x3FB7] =	sst s0;
	s0 =	simm.s32 @!p1 $0x0  }
0x14: {  	s2 =	sld [smem:$0x3F9B];
	s0 =	simm.s32 @p1 $0x1  }
0x15: {  	[smem:$0x3FB8] =	sst s0;
	s0 =	simm.s32 @!p2 $0x0  }
0x16: {  	s3 =	sld [smem:$0x3FDB];
	s0 =	simm.s32 @p2 $0x1  }
0x17: {  	s4 =	simm.s32 $0x1BF5;
	[smem:$0x3FBA] =	sst s0  }
0x18: {  	s0 =	sld [smem:$0x3F9D];
	_ =	swait.ge [sflag:s4], $0x0  }
0x19: {  	s7 =	sld [smem:$0x3F9E]  }
0x1a: {  	s8 =	sadd.s32 $0xFFFFE003, lr  }
0x1b: {  	s9 =	sadd.s32 $0xFFFFFEF7, lr;
	s5 =	simm.s32 $0xFFFFFFFF;
	p2 =	slt.u32 s8, $0xFFFFF086  }
0x1c: {  	p1 =	slt.u32 s9, $0xF7A;
	s5 =	simm.s32 @!p2 $0x0  }
0x1d: {  	s5 =	simm.s32 @p1 $0x1;
	p0 =	seq.s32 s7, s2  }
0x1e: {  	s7 =	smul.u32 @!p0 $0xF7A, s2;
	p2 =	seq.s32 @!p0 s5, $0x0  }
0x1f: {  	s9 =	smul.u32 $0xF7A, s1;
	s8 =	simm.s32 @!p0 $0x1BF5;
	p2 =	por !p2, p0  }
0x20: {  	[sflag:s8] =	ssyncset.s32 @!p0 $0xFFFFF086;
	s6 =	sadd.s32 @!p0 s3, s7;
	s7 =	simm.s32 @!p0 $0x108  }
0x21: {  	s3 =	sadd.s32 s3, s9;
	s6 =	sadd.s32 @!p0 $0x88, s6;
	s7 =	simm.s32 @p2 $0x1082  }
0x22: {  	[simem:s7], [sflag:s8] =	dma.local @!p0 [hbm:s6], $0xF7A  }
0x23: {  	s9 =	sor.u32 $0xD0000000, s2;
	s6 =	simm.s32 $0x108;
	_ =	swait.ge @!p0 [sflag:s8], $0x0  }
0x24: {  	s3 =	sadd.s32 $0x88, s3;
	s6 =	simm.s32 @!p1 $0x1082;
	[sflag:s4] =	ssyncset.s32 $0xFFFFF086  }
0x25: {  	[simem:s6], [sflag:s4] =	dma.local [hbm:s3], $0xF7A  }
0x26: {  	[smem:$0x3F9E] =	sst s1;
	(tag) =	ssettag s2;
	_ =	strace s9  }
0x27: {  	s1 =	sld [smem:$0x3FAE]  }
0x28: {  	s2 =	sld [smem:$0x3FAF]  }
0x29: {  	s4 =	sld [smem:$0x3FB1]  }
0x2a: {  	p0 =	seq.s32 s5, $0x0;
	s5 =	sld [smem:$0x3FB2]  }
0x2b: {  	s6 =	sld [smem:$0x3FB3]  }
0x2c: {  	s7 =	sld [smem:$0x3FB4]  }
0x2d: {  	s3 =	simm.s32 $0x108;
	s8 =	sld [smem:$0x3FB5]  }
0x2e: {  	s3 =	simm.s32 @!p0 $0x1082;
	s9 =	sld [smem:$0x3FB6]  }
0x2f: {  	lr =	sadd.s32 s0, s3;
	s0 =	sld [smem:$0x3FAD]  }
0x30: {  	s3 =	sld [smem:$0x3FB0]  }
0x31: {  	[smem:$0x3FB9] =	sst s10  }
0x32: {  	s10 =	sld [smem:$0x3FB7];
	_ =	sdelay $0x3  }
0x33: {  	p0 =	seq.s32 s10, $0x1;
	s10 =	sld [smem:$0x3FB9];
	_ =	sdelay $0x3  }
0x34: {  	[smem:$0x3FB9] =	sst s10  }
0x35: {  	s10 =	sld [smem:$0x3FB8];
	_ =	sdelay $0x3  }
0x36: {  	p1 =	seq.s32 s10, $0x1;
	s10 =	sld [smem:$0x3FB9];
	_ =	sdelay $0x3  }
0x37: {  	[smem:$0x3FB9] =	sst s10  }
0x38: {  	s10 =	sld [smem:$0x3FBA]  }
0x39: {  	_ = 	snop;
	(pc) =	sbr.ind lr, $3  }
0x3a: {  	_ = 	snop  }
0x3b: {  	_ = 	snop  }
0x3c: {  	p2 =	seq.s32 s10, $0x1;
	s10 =	sld [smem:$0x3FB9]  }
0x3d: {  	_ =	shalt  }
0x3e: {  	_ =	shalt  }
0x3f: {  	_ =	shalt  }
0x40: {  	_ =	shalt  }
0x41: {  	_ =	shalt  }
0x42: {  	_ =	shalt  }
0x43: {  	_ =	shalt  }
0x44: {  	_ =	shalt  }
0x45: {  	_ =	shalt  }
0x46: {  	_ =	shalt  }
0x47: {  	_ =	shalt  }
0x48: {  	_ =	shalt  }
0x49: {  	_ =	shalt  }
0x4a: {  	_ =	shalt  }
0x4b: {  	_ =	shalt  }
0x4c: {  	_ =	shalt  }
0x4d: {  	_ =	shalt  }
0x4e: {  	_ =	shalt  }
0x4f: {  	_ =	shalt  }
0x50: {  	_ =	shalt  }
0x51: {  	_ =	shalt  }
0x52: {  	_ =	shalt  }
0x53: {  	_ =	shalt  }
0x54: {  	_ =	shalt  }
0x55: {  	_ =	shalt  }
0x56: {  	_ =	shalt  }
0x57: {  	_ =	shalt  }
0x58: {  	_ =	shalt  }
0x59: {  	_ =	shalt  }
0x5a: {  	_ =	shalt  }
0x5b: {  	_ =	shalt  }
0x5c: {  	_ =	shalt  }
0x5d: {  	_ =	shalt  }
0x5e: {  	_ =	shalt  }
0x5f: {  	_ =	shalt  }
0x60: {  	_ =	shalt  }
0x61: {  	_ =	shalt  }
0x62: {  	_ =	shalt  }
0x63: {  	_ =	shalt  }
0x64: {  	_ =	shalt  }
0x65: {  	_ =	shalt  }
0x66: {  	_ =	shalt  }
0x67: {  	_ =	shalt  }
0x68: {  	_ =	shalt  }
0x69: {  	_ =	shalt  }
0x6a: {  	_ =	shalt  }
0x6b: {  	_ =	shalt  }
0x6c: {  	_ =	shalt  }
0x6d: {  	_ =	shalt  }
0x6e: {  	_ =	shalt  }
0x6f: {  	_ =	shalt  }
0x70: {  	_ =	shalt  }
0x71: {  	_ =	shalt  }
0x72: {  	_ =	shalt  }
0x73: {  	_ =	shalt  }
0x74: {  	_ =	shalt  }
0x75: {  	_ =	shalt  }
0x76: {  	_ =	shalt  }
0x77: {  	_ =	shalt  }
0x78: {  	_ =	shalt  }
0x79: {  	_ =	shalt  }
0x7a: {  	_ =	shalt  }
0x7b: {  	_ =	shalt  }
0x7c: {  	_ =	shalt  }
0x7d: {  	_ =	shalt  }
0x7e: {  	_ =	shalt  }
0x7f: {  	_ =	shalt  }
0x80: {  	_ =	shalt  }
0x81: {  	_ =	shalt  }
0x82: {  	_ =	shalt  }
0x83: {  	_ =	shalt  }
0x84: {  	_ =	shalt  }
0x85: {  	_ =	shalt  }
0x86: {  	_ =	shalt  }
0x87: {  	_ =	shalt  }
.Lfunc_end0:
.L_simem_size_0:
called_computation.1_lowered:
.L_overlay_start_0:
0x88: {  	s2 =	sld [smem:$0x3FD9]  }
0x89: {  	s3 =	sld [smem:$0x3FFE];
	_ =	sdelay $0x1  }
0x8a: {  	s1 =	srdreg.scid  }
0x8b: {  	s0 =	sand.u32 $0x1, s1  }
0x8c: {  	s17 =	sshll.u32 s0, $0xA;
	s2 =	sadd.s32 s3, s2  }
0x8d: {  	s2 =	sadd.s32 s2, s17  }
0x8e: {  	[smem:$0x3FC5] =	sst s2  }
0x8f: {  	_ = 	snop  }
0x90: {  	s2 =	sld [smem:$0x3FD0];
	(tm) =	ssettm $0x1  }
0x91: {  	s18 =	sld [smem:$0x3FFB];
	_ =	sdelay $0x3  }
0x92: {  	_ =	strace s18  }
0x93: {  	s3 =	sld [smem:$0x3FFC];
	_ =	sdelay $0x3  }
0x94: {  	_ =	strace s3  }
0x95: {  	s3 =	sld [smem:$0x3FFD];
	_ =	sdelay $0x3  }
0x96: {  	_ =	strace s3  }
0x97: {  	_ =	strace $0x8FFFFFFF  }
0x98: {  	s19 =	sld [smem:$0x3FDB];
	_ =	sdelay $0x1  }
0x99: {  	s4 =	simm.s32 $_scs_section_size  }
0x9a: {  	s5 =	simm.s32 $_size__tile_overlayer_lowered;
	s6 =	simm.s32 $_tile_overlayer_lowered  }
0x9b: {  	s22 =	simm.s32 $0x1BFF;
	s21 =	sshll.u32 s6, $0x1;
	s3 =	sadd.s32 s4, s19  }
0x9c: {  	s7 =	simm.s32 $0x0;
	s20 =	sshll.u32 s5, $0x1;
	s5 =	sadd.s32 s21, s3  }
0x9d: {  	[timem:s7], [sflag:s22] =	dma.local [hbm:s5], s20  }
0x9e: {  	_ =	swait.ge [sflag:s22], s20  }
0x9f: {  	s4 =	ssub.s32 $0x0, s20;
	[sflag:s22] =	ssyncset.done $0x0  }
0xa0: {  	[sflag:s22] =	ssyncadd.s32 s4;
	_ =	sdelay $0x1  }
0xa1: {  	s23 =	simm.s32 $0x1B8B  }
0xa2: {  	_ =	swait.ge [sflag:s23], $0x1  }
0xa3: {  	[sflag:s23] =	ssyncset.done $0x0  }
0xa4: {  	s25 =	simm.s32 $0x1B8E;
	s24 =	sld [smem:$0x3FFE];
	[sflag:s23] =	ssyncadd.s32 $0xFFFFFFFF  }
0xa5: {  	s26 =	simm.s32 $execute0_lowered;
	[smem:$0x3FD2] =	sst s25  }
0xa6: {  	s5 =	sshll.u32 s26, $0x1;
	_ =	strace $0x80000046;
	[dreg:$0x1] =	wrdreg $0xFFFFFFFF  }
0xa7: {  	s28 =	simm.s32 $_size_execute0_lowered;
	s3 =	sadd.s32 s3, s5;
	[dreg:$0x0] =	wrdreg $0x0  }
0xa8: {  	s5 =	sshll.u32 s28, $0x1;
	[dreg:$0x2] =	wrdreg s3  }
0xa9: {  	[dreg:$0x3] =	wrdreg s5  }
0xaa: {  	[dreg:$0x4] =	wrdreg $0xC0  }
0xab: {  	_ =	task [dreg:s7], $0x5FFFF  }
0xac: {  	[dreg:$0x1] =	wrdreg $0xFFFFFFFF  }
0xad: {  	[dreg:$0x0] =	wrdreg $0x60  }
0xae: {  	[dreg:$0x2] =	wrdreg s24  }
0xaf: {  	[dreg:$0x3] =	wrdreg s2  }
0xb0: {  	[dreg:$0x4] =	wrdreg $0x9  }
0xb1: {  	_ =	task.clear_ibuf [dreg:s7], $0x5FFFF;
	_ =	strace $0x90000046  }
0xb2: {  	s29 =	simm.s32 $0x9;
	_ =	strace $0x80000048  }
0xb3: {  	_ =	swait.ge [sflag:s29], $0x1  }
0xb4: {  	[sflag:s29] =	ssyncadd.s32 $0xFFFFFFFF  }
0xb5: {  	_ =	strace $0x90000048  }
0xb6: {  	_ =	sfence  }
0xb7: {  	s30 =	sld [smem:$0x0];
	_ =	sdelay $0x2  }
0xb8: {  	s31 =	sshll.u32 s1, $0xD;
	s1 =	sshrl.u32 s1, $0x2  }
0xb9: {  	s3 =	sand.u32 $0x4000, s31;
	s1 =	sadd.s32 s1, s30  }
0xba: {  	s0 =	sor.u32 s3, s0;
	s1 =	sshll.u32 s1, $0x11  }
0xbb: {  	s0 =	sor.u32 s1, s0  }
0xbc: {  	s0 =	sadd.s32 $0x8F2B, s0  }
0xbd: {  	[sflag:s0] =	ssyncadd.remote.s32 $0x1  }
0xbe: {  	_ =	sfence.sel $0xFFFF  }
0xbf: {  	[dreg:$0x0] =	wrdreg $0xFFFFFFFF;
	(pc) =	sbr.abs _section_cstart, $3  }
0xc0: {  	[dreg:$0x1] =	wrdreg $0xFFFFFFFF  }
0xc1: {  	_ =	task.clear_ibuf [dreg:s7], $0x2FFFF;
	_ =	strace $0x9FFFFFFF  }
0xc2: {  	(tm) =	ssettm $0x7FFFFFFF  }
0xc3: {  	_ =	shalt  }
tec
execute0_lowered:
.L_overlay_start_1:
0x0: {  	(tag) =	ssettag $0x1  }
0x1: {  	s0 =	srdreg.scid  }
0x2: {  	s19 =	stileid.u32;
	s1 =	sand.u32 $0x1, s0  }
0x3: {  	s3 =	rddreg [dreg:$0x0];
	s6 =	sshll.u32 s19, $0x6;
	s2 =	sshll.u32 s1, $0x5  }
0x4: {  	s4 =	rddreg [dreg:$0x1];
	s0 =	sor.u32 s2, s6;
	s2 =	simm.s32 $0x0  }
0x5: {  	s14 =	simm.s32 $0x5100;
	[smem:$0x7FF] =	sst s2  }
0x6: {  	s15 =	simm.s32 $0x8800;
	_ =	strace $0x80000047;
	[dreg:$0xc] =	wrdreg s14  }
0x7: {  	s16 =	simm.s32 $0xBF00;
	[dreg:$0xd] =	wrdreg s15  }
0x8: {  	s17 =	simm.s32 $0x12D00;
	[dreg:$0xe] =	wrdreg s16  }
0x9: {  	s18 =	simm.s32 $0x16400;
	[dreg:$0xf] =	wrdreg s17  }
0xa: {  	s20 =	simm.s32 $0x19B00;
	[dreg:$0x10] =	wrdreg s18  }
0xb: {  	s21 =	simm.s32 $0x68;
	[dreg:$0x11] =	wrdreg s20  }
0xc: {  	s22 =	simm.s32 $0xD0;
	[dreg:$0x12] =	wrdreg s21  }
0xd: {  	s23 =	simm.s32 $0x138;
	[dreg:$0x13] =	wrdreg s22  }
0xe: {  	s24 =	simm.s32 $0x1A0;
	[dreg:$0x14] =	wrdreg s23  }
0xf: {  	s25 =	simm.s32 $0x208;
	[dreg:$0x15] =	wrdreg s24  }
0x10: {  	s26 =	simm.s32 $0x270;
	[dreg:$0x16] =	wrdreg s25  }
0x11: {  	[dreg:$0x17] =	wrdreg s26;
	s14 =	simm.s32 $0x6E8  }
0x12: {  	s15 =	simm.s32 $0x750;
	[smem:$0x7D1] =	sst s14  }
0x13: {  	s16 =	simm.s32 $0x7B8;
	[smem:$0x7D2] =	sst s15  }
0x14: {  	s17 =	simm.s32 $0x820;
	[smem:$0x7D3] =	sst s16  }
0x15: {  	s18 =	simm.s32 $0x888;
	[smem:$0x7D4] =	sst s17  }
0x16: {  	s20 =	simm.s32 $0x8F0;
	[smem:$0x7D5] =	sst s18  }
0x17: {  	s21 =	simm.s32 $0x958;
	[smem:$0x7D6] =	sst s20  }
0x18: {  	s22 =	simm.s32 $0x9C0;
	[smem:$0x7D7] =	sst s21  }
0x19: {  	s5 =	smul.u32 $0x1A, s0;
	s23 =	simm.s32 $0xA28;
	[smem:$0x7D8] =	sst s22  }
0x1a: {  	s6 =	smul.u32 $0x3700, s0;
	s24 =	simm.s32 $0xA90;
	[smem:$0x7D9] =	sst s23  }
0x1b: {  	s0 =	smul.u32 $0x6E0, s0;
	s25 =	simm.s32 $0xAF8;
	[smem:$0x7DA] =	sst s24  }
0x1c: {  	s26 =	simm.s32 $0xB60;
	[smem:$0x7DB] =	sst s25  }
0x1d: {  	s0 =	sadd.s32 s4, s0;
	[smem:$0x7DC] =	sst s26  }
0x1e: {  	s14 =	simm.s32 $0xFD8;
	[dreg:$0x4] =	wrdreg s0  }
0x1f: {  	s16 =	simm.s32 $0x1040;
	[smem:$0x7E7] =	sst s14  }
0x20: {  	s17 =	simm.s32 $0x10A8;
	[smem:$0x7E8] =	sst s16  }
0x21: {  	s18 =	simm.s32 $0x1110;
	[smem:$0x7E9] =	sst s17  }
0x22: {  	s20 =	simm.s32 $0x1178;
	[smem:$0x7EA] =	sst s18  }
0x23: {  	s21 =	simm.s32 $0x11E0;
	[smem:$0x7EB] =	sst s20  }
0x24: {  	s22 =	simm.s32 $0x1248;
	[smem:$0x7EC] =	sst s21  }
0x25: {  	s23 =	simm.s32 $0x12B0;
	[smem:$0x7ED] =	sst s22  }
0x26: {  	s1 =	ssub.s32 $0x2, s1;
	s24 =	simm.s32 $0x1318;
	[smem:$0x7EE] =	sst s23  }
0x27: {  	s5 =	sadd.s32 s5, s3;
	s25 =	simm.s32 $0x1380;
	[smem:$0x7EF] =	sst s24  }
0x28: {  	s6 =	sshrl.u32 s6, $0x3;
	s26 =	simm.s32 $0x13E8;
	[smem:$0x7F0] =	sst s25  }
0x29: {  	s15 =	sshrl.u32 s1, $0x1;
	s5 =	sadd.s32 $0xC00, s5;
	[smem:$0x7F1] =	sst s26  }
0x2a: {  	s4 =	sadd.s32 s4, s6;
	s6 =	simm.s32 $0x3A8;
	[dreg:$0x3] =	wrdreg s5  }
0x2b: {  	s1 =	ssub.s32 s1, s15;
	s15 =	simm.s32 $0x1728;
	[dreg:$0x1a] =	wrdreg s6  }
0x2c: {  	s16 =	simm.s32 $0x1790;
	[smem:$0x7F9] =	sst s15  }
0x2d: {  	s17 =	simm.s32 $0x17F8;
	[smem:$0x7FA] =	sst s16  }
0x2e: {  	s18 =	simm.s32 $0x1860;
	[smem:$0x7FB] =	sst s17  }
0x2f: {  	s20 =	simm.s32 $0x18C8;
	[smem:$0x7FC] =	sst s18  }
0x30: {  	s7 =	sadd.s32 $0x1B80, s4;
	[smem:$0x7FD] =	sst s20  }
0x31: {  	s8 =	sadd.s32 $0x3700, s4;
	[dreg:$0x5] =	wrdreg s7  }
0x32: {  	s9 =	sadd.s32 $0x5280, s4;
	[dreg:$0x6] =	wrdreg s8  }
0x33: {  	s10 =	sadd.s32 $0x6E00, s4;
	[dreg:$0x7] =	wrdreg s9  }
0x34: {  	s11 =	sadd.s32 $0x8980, s4;
	[dreg:$0x8] =	wrdreg s10  }
0x35: {  	s12 =	sadd.s32 $0xA500, s4;
	[dreg:$0x9] =	wrdreg s11  }
0x36: {  	s13 =	sadd.s32 $0xC080, s4;
	[dreg:$0xa] =	wrdreg s12  }
0x37: {  	s4 =	simm.s32 $0x2D8;
	[dreg:$0xb] =	wrdreg s13  }
0x38: {  	s31 =	simm.s32 $0x5;
	s5 =	simm.s32 $0x340;
	[dreg:$0x18] =	wrdreg s4  }
0x39: {  	s28 =	simm.s32 $0xC400;
	s6 =	simm.s32 $0xC98;
	[dreg:$0x19] =	wrdreg s5  }
0x3a: {  	s29 =	simm.s32 $0xDD00;
	p0 =	por $0x0, $0x0;
	[smem:$0x7DF] =	sst s6  }
0x3b: {  	s30 =	sadd.s32 $0x7400, s3;
	s7 =	simm.s32 $0x410;
	s0 =	rddreg [dreg:$0x3]  }
0x3c: {  	s21 =	simm.s32 $0x1F00;
	s8 =	simm.s32 $0x478;
	[dreg:$0x1b] =	wrdreg s7  }
0x3d: {  	s22 =	simm.s32 $0x3800;
	s9 =	simm.s32 $0x4E0;
	[dreg:$0x1c] =	wrdreg s8  }
0x3e: {  	s23 =	simm.s32 $0x5600;
	s10 =	simm.s32 $0x548;
	[dreg:$0x1d] =	wrdreg s9  }
0x3f: {  	s24 =	simm.s32 $0x6F00;
	s11 =	simm.s32 $0x5B0;
	[dreg:$0x1e] =	wrdreg s10  }
0x40: {  	s25 =	simm.s32 $0x8D00;
	s12 =	simm.s32 $0x618;
	[dreg:$0x1f] =	wrdreg s11  }
0x41: {  	s26 =	simm.s32 $0xA600;
	s13 =	simm.s32 $0x680;
	[smem:$0x7CF] =	sst s12  }
0x42: {  	s14 =	simm.s32 $0x1;
	s4 =	simm.s32 $0xBC8;
	[smem:$0x7D0] =	sst s13  }
0x43: {  	s1 =	smax.u32 s1, $0x1;
	s5 =	simm.s32 $0xC30;
	[smem:$0x7DD] =	sst s4  }
0x44: {  	s15 =	simm.s32 $0x16900;
	[smem:$0x7DE] =	sst s5;
	s7 =	simm.s32 $0xD00  }
0x45: {  	s16 =	simm.s32 $0x18200;
	s8 =	simm.s32 $0xD68;
	[smem:$0x7E0] =	sst s7  }
0x46: {  	s17 =	simm.s32 $0x1A000;
	s9 =	simm.s32 $0xDD0;
	[smem:$0x7E1] =	sst s8  }
0x47: {  	s18 =	simm.s32 $0x1B900;
	s10 =	simm.s32 $0xE38;
	[smem:$0x7E2] =	sst s9  }
0x48: {  	s20 =	simm.s32 $0x1998;
	s11 =	simm.s32 $0xEA0;
	[smem:$0x7E3] =	sst s10  }
0x49: {  	s6 =	simm.s32 $0x1A00;
	s12 =	simm.s32 $0xF08;
	[smem:$0x7E4] =	sst s11  }
0x4a: {  	p1 =	sne.s32 s1, $0x1;
	s13 =	simm.s32 $0xF70;
	[smem:$0x7E5] =	sst s12  }
0x4b: {  	s1 =	sadd.s32 $0xFFFFFFFF, s1;
	[smem:$0x7E6] =	sst s13;
	s7 =	simm.s32 $0x1450  }
0x4c: {  	s4 =	sadd.s32 $0xF43000, s3;
	s8 =	simm.s32 $0x14B8;
	[smem:$0x7F2] =	sst s7  }
0x4d: {  	s3 =	simm.s32 $0xF600;
	s9 =	simm.s32 $0x1520;
	[smem:$0x7F3] =	sst s8  }
0x4e: {  	s5 =	simm.s32 $0x64;
	s10 =	simm.s32 $0x1588;
	[smem:$0x7F4] =	sst s9  }
.Ltmp0:
0x4f: {  	s11 =	simm.s32 $0x15F0;
	[smem:$0x7F5] =	sst s10;
	(pc) =	sbr.rel @!p1 .LBB2_1-.Ltmp0, $4  }
0x50: {  	s12 =	simm.s32 $0x1658;
	s13 =	simm.s32 $0x16C0;
	[smem:$0x7F6] =	sst s11  }
0x51: {  	s10 =	simm.s32 $0xFB00;
	[smem:$0x7F7] =	sst s12;
	s11 =	simm.s32 $0x11400  }
0x52: {  	[smem:$0x7F8] =	sst s13;
	s12 =	simm.s32 $0x13200;
	s13 =	simm.s32 $0x14B00  }
0x53: {  	s9 =	simm.s32 $0x2;
	s8 =	simm.s32 $0x3;
	s7 =	simm.s32 $0x4  }
0x54: {  	[tilespmem:s2], [sflag:$0x5] =	stream.linear.gather [hbm4b:s0+s2], $0x1A00, $0x38;
	[tilespmem:$0x1D200] =	vst v63  }
0x55: {  	_ =	swait.ge [sflag:s31], $0x1A00  }
0x56: {  	[sflag:s31] =	ssyncset.done $0x0  }
0x57: {  	[sflag:s31] =	ssyncadd.s32 $0xFFFFE600  }
0x58: {  	[tilespmem:s6], [sflag:$0x5] =	stream.linear.gather [hbm4b:s30+s2], $0x500, $0x38;
	[tilespmem:$0x1D200] =	vst v63  }
0x59: {  	_ =	swait.ge [sflag:s31], $0x500  }
0x5a: {  	[sflag:s31] =	ssyncset.done $0x0  }
0x5b: {  	s19 =	rddreg [dreg:$0xc];
	[sflag:s31] =	ssyncadd.s32 $0xFFFFFB00  }
0x5c: {  	[tilespmem:s19], [sflag:$0x5] =	stream.linear.gather [hbm4b:s30+s2], $0x500, $0x38;
	[tilespmem:$0x1D200] =	vst v63  }
0x5d: {  	_ =	swait.ge [sflag:s31], $0x500  }
0x5e: {  	[sflag:s31] =	ssyncset.done $0x0  }
0x5f: {  	s19 =	rddreg [dreg:$0xd];
	[sflag:s31] =	ssyncadd.s32 $0xFFFFFB00  }
0x60: {  	[tilespmem:s19], [sflag:$0x5] =	stream.linear.gather [hbm4b:s30+s2], $0x500, $0x38;
	[tilespmem:$0x1D200] =	vst v63  }
0x61: {  	_ =	swait.ge [sflag:s31], $0x500  }
0x62: {  	[sflag:s31] =	ssyncset.done $0x0  }
0x63: {  	s19 =	rddreg [dreg:$0xe];
	[sflag:s31] =	ssyncadd.s32 $0xFFFFFB00  }
0x64: {  	[tilespmem:s19], [sflag:$0x5] =	stream.linear.gather [hbm4b:s30+s2], $0x500, $0x38;
	[tilespmem:$0x1D200] =	vst v63  }
0x65: {  	_ =	swait.ge [sflag:s31], $0x500  }
0x66: {  	[sflag:s31] =	ssyncset.done $0x0  }
0x67: {  	[sflag:s31] =	ssyncadd.s32 $0xFFFFFB00  }
0x68: {  	[tilespmem:s3], [sflag:$0x5] =	stream.linear.gather [hbm4b:s30+s2], $0x500, $0x38;
	[tilespmem:$0x1D200] =	vst v63  }
0x69: {  	_ =	swait.ge [sflag:s31], $0x500  }
0x6a: {  	[sflag:s31] =	ssyncset.done $0x0  }
0x6b: {  	s19 =	rddreg [dreg:$0xf];
	[sflag:s31] =	ssyncadd.s32 $0xFFFFFB00  }
0x6c: {  	[tilespmem:s19], [sflag:$0x5] =	stream.linear.gather [hbm4b:s30+s2], $0x500, $0x38;
	[tilespmem:$0x1D200] =	vst v63  }
0x6d: {  	_ =	swait.ge [sflag:s31], $0x500  }
0x6e: {  	[sflag:s31] =	ssyncset.done $0x0  }
0x6f: {  	s19 =	rddreg [dreg:$0x10];
	[sflag:s31] =	ssyncadd.s32 $0xFFFFFB00  }
0x70: {  	[tilespmem:s19], [sflag:$0x5] =	stream.linear.gather [hbm4b:s30+s2], $0x500, $0x38;
	[tilespmem:$0x1D200] =	vst v63  }
0x71: {  	_ =	swait.ge [sflag:s31], $0x500  }
0x72: {  	[sflag:s31] =	ssyncset.done $0x0  }
0x73: {  	s19 =	rddreg [dreg:$0x11];
	[sflag:s31] =	ssyncadd.s32 $0xFFFFFB00  }
0x74: {  	[tilespmem:s19], [sflag:$0x5] =	stream.linear.gather [hbm4b:s30+s2], $0x500, $0x38;
	[tilespmem:$0x1D200] =	vst v63  }
0x75: {  	_ =	swait.ge [sflag:s31], $0x500  }
0x76: {  	[sflag:s31] =	ssyncset.done $0x0  }
0x77: {  	[sflag:s31] =	ssyncadd.s32 $0xFFFFFB00  }
0x78: {  	[tilespmem:s21], [sflag:$0x1] =	stream.indirect.gather [hbm4b:s4+s5], $0x40, s2, s5, $0xb8;
	[tilespmem:$0x1D200] =	vst v63  }
0x79: {  	s0 =	rddreg [dreg:$0x12]  }
0x7a: {  	[tilespmem:s22], [sflag:$0x1] =	stream.indirect.gather [hbm4b:s4+s5], $0x40, s0, s5, $0xb8;
	[tilespmem:$0x1D200] =	vst v63  }
0x7b: {  	s19 =	smov.u32 s1;
	s1 =	rddreg [dreg:$0x13]  }
0x7c: {  	[tilespmem:s23], [sflag:$0x1] =	stream.indirect.gather [hbm4b:s4+s5], $0x40, s1, s5, $0xb8;
	[tilespmem:$0x1D200] =	vst v63  }
0x7d: {  	s0 =	rddreg [dreg:$0x14]  }
0x7e: {  	[tilespmem:s24], [sflag:$0x1] =	stream.indirect.gather [hbm4b:s4+s5], $0x40, s0, s5, $0xb8;
	[tilespmem:$0x1D200] =	vst v63  }
0x7f: {  	s1 =	rddreg [dreg:$0x15]  }
0x80: {  	[tilespmem:s25], [sflag:$0x1] =	stream.indirect.gather [hbm4b:s4+s5], $0x40, s1, s5, $0xb8;
	[tilespmem:$0x1D200] =	vst v63  }
0x81: {  	s0 =	rddreg [dreg:$0x16]  }
0x82: {  	[tilespmem:s26], [sflag:$0x1] =	stream.indirect.gather [hbm4b:s4+s5], $0x40, s0, s5, $0xb8;
	[tilespmem:$0x1D200] =	vst v63  }
0x83: {  	s1 =	rddreg [dreg:$0x17]  }
0x84: {  	[tilespmem:s28], [sflag:$0x1] =	stream.indirect.gather [hbm4b:s4+s5], $0x40, s1, s5, $0xb8;
	[tilespmem:$0x1D200] =	vst v63  }
0x85: {  	s0 =	rddreg [dreg:$0x18]  }
0x86: {  	[tilespmem:s29], [sflag:$0x1] =	stream.indirect.gather [hbm4b:s4+s5], $0x40, s0, s5, $0xb8;
	[tilespmem:$0x1D200] =	vst v63  }
0x87: {  	_ =	swait.ge [sflag:s14], $0x1900  }
0x88: {  	[sflag:s14] =	ssyncset.done $0x0  }
0x89: {  	[sflag:s14] =	ssyncadd.s32 $0xFFFFE700  }
0x8a: {  	_ =	swait.ge [sflag:s14], $0x1900  }
0x8b: {  	[sflag:s14] =	ssyncset.done $0x0  }
0x8c: {  	[sflag:s14] =	ssyncadd.s32 $0xFFFFE700  }
0x8d: {  	_ =	swait.ge [sflag:s14], $0x1900  }
0x8e: {  	[sflag:s14] =	ssyncset.done $0x0  }
0x8f: {  	[sflag:s14] =	ssyncadd.s32 $0xFFFFE700  }
0x90: {  	_ =	swait.ge [sflag:s14], $0x1900  }
0x91: {  	[sflag:s14] =	ssyncset.done $0x0  }
0x92: {  	[sflag:s14] =	ssyncadd.s32 $0xFFFFE700  }
0x93: {  	_ =	swait.ge [sflag:s14], $0x1900  }
0x94: {  	[sflag:s14] =	ssyncset.done $0x0  }
0x95: {  	[sflag:s14] =	ssyncadd.s32 $0xFFFFE700  }
0x96: {  	_ =	swait.ge [sflag:s14], $0x1900  }
0x97: {  	[sflag:s14] =	ssyncset.done $0x0  }
0x98: {  	[sflag:s14] =	ssyncadd.s32 $0xFFFFE700  }
0x99: {  	_ =	swait.ge [sflag:s14], $0x1900  }
0x9a: {  	[sflag:s14] =	ssyncset.done $0x0  }
0x9b: {  	[sflag:s14] =	ssyncadd.s32 $0xFFFFE700  }
0x9c: {  	_ =	swait.ge [sflag:s14], $0x1900  }
0x9d: {  	s0 =	rddreg [dreg:$0x4];
	[sflag:s14] =	ssyncset.done $0x0  }
0x9e: {  	s1 =	rddreg [dreg:$0x19];
	[sflag:s14] =	ssyncadd.s32 $0xFFFFE700  }
0x9f: {  	[hbm4b:s0+s2] =	stream.linear.scatter [tilespmem:s6], [sflag:$0x3], $0xDC00, $0x38;
	[tilespmem:$0x1D200] =	vst v63  }
0xa0: {  	s0 =	rddreg [dreg:$0x1a]  }
0xa1: {  	[tilespmem:s10], [sflag:$0x2] =	stream.indirect.gather [hbm4b:s4+s5], $0x40, s1, s5, $0xb8;
	[tilespmem:$0x1D200] =	vst v63  }
0xa2: {  	s1 =	rddreg [dreg:$0x1b]  }
0xa3: {  	[tilespmem:s11], [sflag:$0x2] =	stream.indirect.gather [hbm4b:s4+s5], $0x40, s0, s5, $0xb8;
	[tilespmem:$0x1D200] =	vst v63  }
0xa4: {  	s0 =	rddreg [dreg:$0x1c]  }
0xa5: {  	[tilespmem:s12], [sflag:$0x2] =	stream.indirect.gather [hbm4b:s4+s5], $0x40, s1, s5, $0xb8;
	[tilespmem:$0x1D200] =	vst v63  }
0xa6: {  	s1 =	rddreg [dreg:$0x1d]  }
0xa7: {  	[tilespmem:s13], [sflag:$0x2] =	stream.indirect.gather [hbm4b:s4+s5], $0x40, s0, s5, $0xb8;
	[tilespmem:$0x1D200] =	vst v63  }
0xa8: {  	s0 =	rddreg [dreg:$0x1e]  }
0xa9: {  	[tilespmem:s15], [sflag:$0x2] =	stream.indirect.gather [hbm4b:s4+s5], $0x40, s1, s5, $0xb8;
	[tilespmem:$0x1D200] =	vst v63  }
0xaa: {  	s1 =	rddreg [dreg:$0x1f]  }
0xab: {  	[tilespmem:s16], [sflag:$0x2] =	stream.indirect.gather [hbm4b:s4+s5], $0x40, s0, s5, $0xb8;
	[tilespmem:$0x1D200] =	vst v63  }
0xac: {  	s0 =	sld [smem:$0x7CF]  }
0xad: {  	[tilespmem:s17], [sflag:$0x2] =	stream.indirect.gather [hbm4b:s4+s5], $0x40, s1, s5, $0xb8;
	[tilespmem:$0x1D200] =	vst v63  }
0xae: {  	_ = 	snop  }
0xaf: {  	[tilespmem:s18], [sflag:$0x2] =	stream.indirect.gather [hbm4b:s4+s5], $0x40, s0, s5, $0xb8;
	[tilespmem:$0x1D200] =	vst v63  }
0xb0: {  	_ =	swait.ge [sflag:s9], $0x1900  }
0xb1: {  	[sflag:s9] =	ssyncset.done $0x0  }
0xb2: {  	[sflag:s9] =	ssyncadd.s32 $0xFFFFE700  }
0xb3: {  	_ =	swait.ge [sflag:s9], $0x1900  }
0xb4: {  	[sflag:s9] =	ssyncset.done $0x0  }
0xb5: {  	[sflag:s9] =	ssyncadd.s32 $0xFFFFE700  }
0xb6: {  	_ =	swait.ge [sflag:s9], $0x1900  }
0xb7: {  	[sflag:s9] =	ssyncset.done $0x0  }
0xb8: {  	[sflag:s9] =	ssyncadd.s32 $0xFFFFE700  }
0xb9: {  	_ =	swait.ge [sflag:s9], $0x1900  }
0xba: {  	[sflag:s9] =	ssyncset.done $0x0  }
0xbb: {  	[sflag:s9] =	ssyncadd.s32 $0xFFFFE700  }
0xbc: {  	_ =	swait.ge [sflag:s9], $0x1900  }
0xbd: {  	[sflag:s9] =	ssyncset.done $0x0  }
0xbe: {  	[sflag:s9] =	ssyncadd.s32 $0xFFFFE700  }
0xbf: {  	_ =	swait.ge [sflag:s9], $0x1900  }
0xc0: {  	[sflag:s9] =	ssyncset.done $0x0  }
0xc1: {  	[sflag:s9] =	ssyncadd.s32 $0xFFFFE700  }
0xc2: {  	_ =	swait.ge [sflag:s9], $0x1900  }
0xc3: {  	[sflag:s9] =	ssyncset.done $0x0  }
0xc4: {  	[sflag:s9] =	ssyncadd.s32 $0xFFFFE700  }
0xc5: {  	_ =	swait.ge [sflag:s9], $0x1900  }
0xc6: {  	[sflag:s9] =	ssyncset.done $0x0  }
0xc7: {  	s1 =	rddreg [dreg:$0x5];
	[sflag:s9] =	ssyncadd.s32 $0xFFFFE700  }
0xc8: {  	[hbm4b:s1+s2] =	stream.linear.scatter [tilespmem:s3], [sflag:$0x4], $0xDC00, $0x38;
	[tilespmem:$0x1D200] =	vst v63  }
0xc9: {  	_ =	swait.ge [sflag:s8], $0xDC00  }
0xca: {  	s0 =	sld [smem:$0x7D0]  }
0xcb: {  	[sflag:s8] =	ssyncset.done $0x0  }
0xcc: {  	s1 =	sld [smem:$0x7D1];
	[sflag:s8] =	ssyncadd.s32 $0xFFFF2400  }
0xcd: {  	[tilespmem:s21], [sflag:$0x1] =	stream.indirect.gather [hbm4b:s4+s5], $0x40, s0, s5, $0xb8;
	[tilespmem:$0x1D200] =	vst v63  }
0xce: {  	s0 =	sld [smem:$0x7D2]  }
0xcf: {  	[tilespmem:s22], [sflag:$0x1] =	stream.indirect.gather [hbm4b:s4+s5], $0x40, s1, s5, $0xb8;
	[tilespmem:$0x1D200] =	vst v63  }
0xd0: {  	s1 =	sld [smem:$0x7D3]  }
0xd1: {  	[tilespmem:s23], [sflag:$0x1] =	stream.indirect.gather [hbm4b:s4+s5], $0x40, s0, s5, $0xb8;
	[tilespmem:$0x1D200] =	vst v63  }
0xd2: {  	s0 =	sld [smem:$0x7D4]  }
0xd3: {  	[tilespmem:s24], [sflag:$0x1] =	stream.indirect.gather [hbm4b:s4+s5], $0x40, s1, s5, $0xb8;
	[tilespmem:$0x1D200] =	vst v63  }
0xd4: {  	s1 =	sld [smem:$0x7D5]  }
0xd5: {  	[tilespmem:s25], [sflag:$0x1] =	stream.indirect.gather [hbm4b:s4+s5], $0x40, s0, s5, $0xb8;
	[tilespmem:$0x1D200] =	vst v63  }
0xd6: {  	s0 =	sld [smem:$0x7D6]  }
0xd7: {  	[tilespmem:s26], [sflag:$0x1] =	stream.indirect.gather [hbm4b:s4+s5], $0x40, s1, s5, $0xb8;
	[tilespmem:$0x1D200] =	vst v63  }
0xd8: {  	s1 =	sld [smem:$0x7D7]  }
0xd9: {  	[tilespmem:s28], [sflag:$0x1] =	stream.indirect.gather [hbm4b:s4+s5], $0x40, s0, s5, $0xb8;
	[tilespmem:$0x1D200] =	vst v63  }
0xda: {  	_ = 	snop  }
0xdb: {  	[tilespmem:s29], [sflag:$0x1] =	stream.indirect.gather [hbm4b:s4+s5], $0x40, s1, s5, $0xb8;
	[tilespmem:$0x1D200] =	vst v63  }
0xdc: {  	_ =	swait.ge [sflag:s14], $0x1900  }
0xdd: {  	[sflag:s14] =	ssyncset.done $0x0  }
0xde: {  	[sflag:s14] =	ssyncadd.s32 $0xFFFFE700  }
0xdf: {  	_ =	swait.ge [sflag:s14], $0x1900  }
0xe0: {  	[sflag:s14] =	ssyncset.done $0x0  }
0xe1: {  	[sflag:s14] =	ssyncadd.s32 $0xFFFFE700  }
0xe2: {  	_ =	swait.ge [sflag:s14], $0x1900  }
0xe3: {  	[sflag:s14] =	ssyncset.done $0x0  }
0xe4: {  	[sflag:s14] =	ssyncadd.s32 $0xFFFFE700  }
0xe5: {  	_ =	swait.ge [sflag:s14], $0x1900  }
0xe6: {  	[sflag:s14] =	ssyncset.done $0x0  }
0xe7: {  	[sflag:s14] =	ssyncadd.s32 $0xFFFFE700  }
0xe8: {  	_ =	swait.ge [sflag:s14], $0x1900  }
0xe9: {  	[sflag:s14] =	ssyncset.done $0x0  }
0xea: {  	[sflag:s14] =	ssyncadd.s32 $0xFFFFE700  }
0xeb: {  	_ =	swait.ge [sflag:s14], $0x1900  }
0xec: {  	[sflag:s14] =	ssyncset.done $0x0  }
0xed: {  	[sflag:s14] =	ssyncadd.s32 $0xFFFFE700  }
0xee: {  	_ =	swait.ge [sflag:s14], $0x1900  }
0xef: {  	[sflag:s14] =	ssyncset.done $0x0  }
0xf0: {  	[sflag:s14] =	ssyncadd.s32 $0xFFFFE700  }
0xf1: {  	_ =	swait.ge [sflag:s14], $0x1900  }
0xf2: {  	[sflag:s14] =	ssyncset.done $0x0  }
0xf3: {  	s1 =	rddreg [dreg:$0x6];
	[sflag:s14] =	ssyncadd.s32 $0xFFFFE700  }
0xf4: {  	[hbm4b:s1+s2] =	stream.linear.scatter [tilespmem:s6], [sflag:$0x3], $0xDC00, $0x38;
	[tilespmem:$0x1D200] =	vst v63  }
0xf5: {  	_ =	swait.ge [sflag:s7], $0xDC00  }
0xf6: {  	s0 =	sld [smem:$0x7D8]  }
0xf7: {  	[sflag:s7] =	ssyncset.done $0x0  }
0xf8: {  	s1 =	sld [smem:$0x7D9];
	[sflag:s7] =	ssyncadd.s32 $0xFFFF2400  }
0xf9: {  	[tilespmem:s10], [sflag:$0x2] =	stream.indirect.gather [hbm4b:s4+s5], $0x40, s0, s5, $0xb8;
	[tilespmem:$0x1D200] =	vst v63  }
0xfa: {  	s0 =	sld [smem:$0x7DA]  }
0xfb: {  	[tilespmem:s11], [sflag:$0x2] =	stream.indirect.gather [hbm4b:s4+s5], $0x40, s1, s5, $0xb8;
	[tilespmem:$0x1D200] =	vst v63  }
0xfc: {  	s1 =	sld [smem:$0x7DB]  }
0xfd: {  	[tilespmem:s12], [sflag:$0x2] =	stream.indirect.gather [hbm4b:s4+s5], $0x40, s0, s5, $0xb8;
	[tilespmem:$0x1D200] =	vst v63  }
0xfe: {  	s0 =	sld [smem:$0x7DC]  }
0xff: {  	[tilespmem:s13], [sflag:$0x2] =	stream.indirect.gather [hbm4b:s4+s5], $0x40, s1, s5, $0xb8;
	[tilespmem:$0x1D200] =	vst v63  }
0x100: {  	s1 =	sld [smem:$0x7DD]  }
0x101: {  	[tilespmem:s15], [sflag:$0x2] =	stream.indirect.gather [hbm4b:s4+s5], $0x40, s0, s5, $0xb8;
	[tilespmem:$0x1D200] =	vst v63  }
0x102: {  	s0 =	sld [smem:$0x7DE]  }
0x103: {  	[tilespmem:s16], [sflag:$0x2] =	stream.indirect.gather [hbm4b:s4+s5], $0x40, s1, s5, $0xb8;
	[tilespmem:$0x1D200] =	vst v63  }
0x104: {  	s1 =	sld [smem:$0x7DF]  }
0x105: {  	[tilespmem:s17], [sflag:$0x2] =	stream.indirect.gather [hbm4b:s4+s5], $0x40, s0, s5, $0xb8;
	[tilespmem:$0x1D200] =	vst v63  }
0x106: {  	_ = 	snop  }
0x107: {  	[tilespmem:s18], [sflag:$0x2] =	stream.indirect.gather [hbm4b:s4+s5], $0x40, s1, s5, $0xb8;
	[tilespmem:$0x1D200] =	vst v63  }
0x108: {  	_ =	swait.ge [sflag:s9], $0x1900  }
0x109: {  	[sflag:s9] =	ssyncset.done $0x0  }
0x10a: {  	[sflag:s9] =	ssyncadd.s32 $0xFFFFE700  }
0x10b: {  	_ =	swait.ge [sflag:s9], $0x1900  }
0x10c: {  	[sflag:s9] =	ssyncset.done $0x0  }
0x10d: {  	[sflag:s9] =	ssyncadd.s32 $0xFFFFE700  }
0x10e: {  	_ =	swait.ge [sflag:s9], $0x1900  }
0x10f: {  	[sflag:s9] =	ssyncset.done $0x0  }
0x110: {  	[sflag:s9] =	ssyncadd.s32 $0xFFFFE700  }
0x111: {  	_ =	swait.ge [sflag:s9], $0x1900  }
0x112: {  	[sflag:s9] =	ssyncset.done $0x0  }
0x113: {  	[sflag:s9] =	ssyncadd.s32 $0xFFFFE700  }
0x114: {  	_ =	swait.ge [sflag:s9], $0x1900  }
0x115: {  	[sflag:s9] =	ssyncset.done $0x0  }
0x116: {  	[sflag:s9] =	ssyncadd.s32 $0xFFFFE700  }
0x117: {  	_ =	swait.ge [sflag:s9], $0x1900  }
0x118: {  	[sflag:s9] =	ssyncset.done $0x0  }
0x119: {  	[sflag:s9] =	ssyncadd.s32 $0xFFFFE700  }
0x11a: {  	_ =	swait.ge [sflag:s9], $0x1900  }
0x11b: {  	[sflag:s9] =	ssyncset.done $0x0  }
0x11c: {  	[sflag:s9] =	ssyncadd.s32 $0xFFFFE700  }
0x11d: {  	_ =	swait.ge [sflag:s9], $0x1900  }
0x11e: {  	[sflag:s9] =	ssyncset.done $0x0  }
0x11f: {  	s1 =	rddreg [dreg:$0x7];
	[sflag:s9] =	ssyncadd.s32 $0xFFFFE700  }
0x120: {  	[hbm4b:s1+s2] =	stream.linear.scatter [tilespmem:s3], [sflag:$0x4], $0xDC00, $0x38;
	[tilespmem:$0x1D200] =	vst v63  }
0x121: {  	_ =	swait.ge [sflag:s8], $0xDC00  }
0x122: {  	s0 =	sld [smem:$0x7E0]  }
0x123: {  	[sflag:s8] =	ssyncset.done $0x0  }
0x124: {  	s1 =	sld [smem:$0x7E1];
	[sflag:s8] =	ssyncadd.s32 $0xFFFF2400  }
0x125: {  	[tilespmem:s21], [sflag:$0x1] =	stream.indirect.gather [hbm4b:s4+s5], $0x40, s0, s5, $0xb8;
	[tilespmem:$0x1D200] =	vst v63  }
0x126: {  	s0 =	sld [smem:$0x7E2]  }
0x127: {  	[tilespmem:s22], [sflag:$0x1] =	stream.indirect.gather [hbm4b:s4+s5], $0x40, s1, s5, $0xb8;
	[tilespmem:$0x1D200] =	vst v63  }
0x128: {  	s1 =	sld [smem:$0x7E3]  }
0x129: {  	[tilespmem:s23], [sflag:$0x1] =	stream.indirect.gather [hbm4b:s4+s5], $0x40, s0, s5, $0xb8;
	[tilespmem:$0x1D200] =	vst v63  }
0x12a: {  	s0 =	sld [smem:$0x7E4]  }
0x12b: {  	[tilespmem:s24], [sflag:$0x1] =	stream.indirect.gather [hbm4b:s4+s5], $0x40, s1, s5, $0xb8;
	[tilespmem:$0x1D200] =	vst v63  }
0x12c: {  	s1 =	sld [smem:$0x7E5]  }
0x12d: {  	[tilespmem:s25], [sflag:$0x1] =	stream.indirect.gather [hbm4b:s4+s5], $0x40, s0, s5, $0xb8;
	[tilespmem:$0x1D200] =	vst v63  }
0x12e: {  	s0 =	sld [smem:$0x7E6]  }
0x12f: {  	[tilespmem:s26], [sflag:$0x1] =	stream.indirect.gather [hbm4b:s4+s5], $0x40, s1, s5, $0xb8;
	[tilespmem:$0x1D200] =	vst v63  }
0x130: {  	s1 =	sld [smem:$0x7E7]  }
0x131: {  	[tilespmem:s28], [sflag:$0x1] =	stream.indirect.gather [hbm4b:s4+s5], $0x40, s0, s5, $0xb8;
	[tilespmem:$0x1D200] =	vst v63  }
0x132: {  	_ = 	snop  }
0x133: {  	[tilespmem:s29], [sflag:$0x1] =	stream.indirect.gather [hbm4b:s4+s5], $0x40, s1, s5, $0xb8;
	[tilespmem:$0x1D200] =	vst v63  }
0x134: {  	_ =	swait.ge [sflag:s14], $0x1900  }
0x135: {  	[sflag:s14] =	ssyncset.done $0x0  }
0x136: {  	[sflag:s14] =	ssyncadd.s32 $0xFFFFE700  }
0x137: {  	_ =	swait.ge [sflag:s14], $0x1900  }
0x138: {  	[sflag:s14] =	ssyncset.done $0x0  }
0x139: {  	[sflag:s14] =	ssyncadd.s32 $0xFFFFE700  }
0x13a: {  	_ =	swait.ge [sflag:s14], $0x1900  }
0x13b: {  	[sflag:s14] =	ssyncset.done $0x0  }
0x13c: {  	[sflag:s14] =	ssyncadd.s32 $0xFFFFE700  }
0x13d: {  	_ =	swait.ge [sflag:s14], $0x1900  }
0x13e: {  	[sflag:s14] =	ssyncset.done $0x0  }
0x13f: {  	[sflag:s14] =	ssyncadd.s32 $0xFFFFE700  }
0x140: {  	_ =	swait.ge [sflag:s14], $0x1900  }
0x141: {  	[sflag:s14] =	ssyncset.done $0x0  }
0x142: {  	[sflag:s14] =	ssyncadd.s32 $0xFFFFE700  }
0x143: {  	_ =	swait.ge [sflag:s14], $0x1900  }
0x144: {  	[sflag:s14] =	ssyncset.done $0x0  }
0x145: {  	[sflag:s14] =	ssyncadd.s32 $0xFFFFE700  }
0x146: {  	_ =	swait.ge [sflag:s14], $0x1900  }
0x147: {  	[sflag:s14] =	ssyncset.done $0x0  }
0x148: {  	[sflag:s14] =	ssyncadd.s32 $0xFFFFE700  }
0x149: {  	_ =	swait.ge [sflag:s14], $0x1900  }
0x14a: {  	[sflag:s14] =	ssyncset.done $0x0  }
0x14b: {  	s1 =	rddreg [dreg:$0x8];
	[sflag:s14] =	ssyncadd.s32 $0xFFFFE700  }
0x14c: {  	[hbm4b:s1+s2] =	stream.linear.scatter [tilespmem:s6], [sflag:$0x3], $0xDC00, $0x38;
	[tilespmem:$0x1D200] =	vst v63  }
0x14d: {  	_ =	swait.ge [sflag:s7], $0xDC00  }
0x14e: {  	s0 =	sld [smem:$0x7E8]  }
0x14f: {  	[sflag:s7] =	ssyncset.done $0x0  }
0x150: {  	s1 =	sld [smem:$0x7E9];
	[sflag:s7] =	ssyncadd.s32 $0xFFFF2400  }
0x151: {  	[tilespmem:s10], [sflag:$0x2] =	stream.indirect.gather [hbm4b:s4+s5], $0x40, s0, s5, $0xb8;
	[tilespmem:$0x1D200] =	vst v63  }
0x152: {  	s0 =	sld [smem:$0x7EA]  }
0x153: {  	[tilespmem:s11], [sflag:$0x2] =	stream.indirect.gather [hbm4b:s4+s5], $0x40, s1, s5, $0xb8;
	[tilespmem:$0x1D200] =	vst v63  }
0x154: {  	s1 =	sld [smem:$0x7EB]  }
0x155: {  	[tilespmem:s12], [sflag:$0x2] =	stream.indirect.gather [hbm4b:s4+s5], $0x40, s0, s5, $0xb8;
	[tilespmem:$0x1D200] =	vst v63  }
0x156: {  	s0 =	sld [smem:$0x7EC]  }
0x157: {  	[tilespmem:s13], [sflag:$0x2] =	stream.indirect.gather [hbm4b:s4+s5], $0x40, s1, s5, $0xb8;
	[tilespmem:$0x1D200] =	vst v63  }
0x158: {  	s1 =	sld [smem:$0x7ED]  }
0x159: {  	[tilespmem:s15], [sflag:$0x2] =	stream.indirect.gather [hbm4b:s4+s5], $0x40, s0, s5, $0xb8;
	[tilespmem:$0x1D200] =	vst v63  }
0x15a: {  	s0 =	sld [smem:$0x7EE]  }
0x15b: {  	[tilespmem:s16], [sflag:$0x2] =	stream.indirect.gather [hbm4b:s4+s5], $0x40, s1, s5, $0xb8;
	[tilespmem:$0x1D200] =	vst v63  }
0x15c: {  	s1 =	sld [smem:$0x7EF]  }
0x15d: {  	[tilespmem:s17], [sflag:$0x2] =	stream.indirect.gather [hbm4b:s4+s5], $0x40, s0, s5, $0xb8;
	[tilespmem:$0x1D200] =	vst v63  }
0x15e: {  	_ = 	snop  }
0x15f: {  	[tilespmem:s18], [sflag:$0x2] =	stream.indirect.gather [hbm4b:s4+s5], $0x40, s1, s5, $0xb8;
	[tilespmem:$0x1D200] =	vst v63  }
0x160: {  	_ =	swait.ge [sflag:s9], $0x1900  }
0x161: {  	[sflag:s9] =	ssyncset.done $0x0  }
0x162: {  	[sflag:s9] =	ssyncadd.s32 $0xFFFFE700  }
0x163: {  	_ =	swait.ge [sflag:s9], $0x1900  }
0x164: {  	[sflag:s9] =	ssyncset.done $0x0  }
0x165: {  	[sflag:s9] =	ssyncadd.s32 $0xFFFFE700  }
0x166: {  	_ =	swait.ge [sflag:s9], $0x1900  }
0x167: {  	[sflag:s9] =	ssyncset.done $0x0  }
0x168: {  	[sflag:s9] =	ssyncadd.s32 $0xFFFFE700  }
0x169: {  	_ =	swait.ge [sflag:s9], $0x1900  }
0x16a: {  	[sflag:s9] =	ssyncset.done $0x0  }
0x16b: {  	[sflag:s9] =	ssyncadd.s32 $0xFFFFE700  }
0x16c: {  	_ =	swait.ge [sflag:s9], $0x1900  }
0x16d: {  	[sflag:s9] =	ssyncset.done $0x0  }
0x16e: {  	[sflag:s9] =	ssyncadd.s32 $0xFFFFE700  }
0x16f: {  	_ =	swait.ge [sflag:s9], $0x1900  }
0x170: {  	[sflag:s9] =	ssyncset.done $0x0  }
0x171: {  	[sflag:s9] =	ssyncadd.s32 $0xFFFFE700  }
0x172: {  	_ =	swait.ge [sflag:s9], $0x1900  }
0x173: {  	[sflag:s9] =	ssyncset.done $0x0  }
0x174: {  	[sflag:s9] =	ssyncadd.s32 $0xFFFFE700  }
0x175: {  	_ =	swait.ge [sflag:s9], $0x1900  }
0x176: {  	[sflag:s9] =	ssyncset.done $0x0  }
0x177: {  	s1 =	rddreg [dreg:$0x9];
	[sflag:s9] =	ssyncadd.s32 $0xFFFFE700  }
0x178: {  	[hbm4b:s1+s2] =	stream.linear.scatter [tilespmem:s3], [sflag:$0x4], $0xDC00, $0x38;
	[tilespmem:$0x1D200] =	vst v63  }
0x179: {  	_ =	swait.ge [sflag:s8], $0xDC00  }
0x17a: {  	s0 =	sld [smem:$0x7F0]  }
0x17b: {  	[sflag:s8] =	ssyncset.done $0x0  }
0x17c: {  	s1 =	sld [smem:$0x7F1];
	[sflag:s8] =	ssyncadd.s32 $0xFFFF2400  }
0x17d: {  	[tilespmem:s21], [sflag:$0x1] =	stream.indirect.gather [hbm4b:s4+s5], $0x40, s0, s5, $0xb8;
	[tilespmem:$0x1D200] =	vst v63  }
0x17e: {  	s0 =	sld [smem:$0x7F2]  }
0x17f: {  	[tilespmem:s22], [sflag:$0x1] =	stream.indirect.gather [hbm4b:s4+s5], $0x40, s1, s5, $0xb8;
	[tilespmem:$0x1D200] =	vst v63  }
0x180: {  	s1 =	sld [smem:$0x7F3]  }
0x181: {  	[tilespmem:s23], [sflag:$0x1] =	stream.indirect.gather [hbm4b:s4+s5], $0x40, s0, s5, $0xb8;
	[tilespmem:$0x1D200] =	vst v63  }
0x182: {  	s0 =	sld [smem:$0x7F4]  }
0x183: {  	[tilespmem:s24], [sflag:$0x1] =	stream.indirect.gather [hbm4b:s4+s5], $0x40, s1, s5, $0xb8;
	[tilespmem:$0x1D200] =	vst v63  }
0x184: {  	s1 =	sld [smem:$0x7F5]  }
0x185: {  	[tilespmem:s25], [sflag:$0x1] =	stream.indirect.gather [hbm4b:s4+s5], $0x40, s0, s5, $0xb8;
	[tilespmem:$0x1D200] =	vst v63  }
0x186: {  	s0 =	sld [smem:$0x7F6]  }
0x187: {  	[tilespmem:s26], [sflag:$0x1] =	stream.indirect.gather [hbm4b:s4+s5], $0x40, s1, s5, $0xb8;
	[tilespmem:$0x1D200] =	vst v63  }
0x188: {  	s1 =	sld [smem:$0x7F7]  }
0x189: {  	[tilespmem:s28], [sflag:$0x1] =	stream.indirect.gather [hbm4b:s4+s5], $0x40, s0, s5, $0xb8;
	[tilespmem:$0x1D200] =	vst v63  }
0x18a: {  	_ = 	snop  }
0x18b: {  	[tilespmem:s29], [sflag:$0x1] =	stream.indirect.gather [hbm4b:s4+s5], $0x40, s1, s5, $0xb8;
	[tilespmem:$0x1D200] =	vst v63  }
0x18c: {  	_ =	swait.ge [sflag:s14], $0x1900  }
0x18d: {  	[sflag:s14] =	ssyncset.done $0x0  }
0x18e: {  	[sflag:s14] =	ssyncadd.s32 $0xFFFFE700  }
0x18f: {  	_ =	swait.ge [sflag:s14], $0x1900  }
0x190: {  	[sflag:s14] =	ssyncset.done $0x0  }
0x191: {  	[sflag:s14] =	ssyncadd.s32 $0xFFFFE700  }
0x192: {  	_ =	swait.ge [sflag:s14], $0x1900  }
0x193: {  	[sflag:s14] =	ssyncset.done $0x0  }
0x194: {  	[sflag:s14] =	ssyncadd.s32 $0xFFFFE700  }
0x195: {  	_ =	swait.ge [sflag:s14], $0x1900  }
0x196: {  	[sflag:s14] =	ssyncset.done $0x0  }
0x197: {  	[sflag:s14] =	ssyncadd.s32 $0xFFFFE700  }
0x198: {  	_ =	swait.ge [sflag:s14], $0x1900  }
0x199: {  	[sflag:s14] =	ssyncset.done $0x0  }
0x19a: {  	[sflag:s14] =	ssyncadd.s32 $0xFFFFE700  }
0x19b: {  	_ =	swait.ge [sflag:s14], $0x1900  }
0x19c: {  	[sflag:s14] =	ssyncset.done $0x0  }
0x19d: {  	[sflag:s14] =	ssyncadd.s32 $0xFFFFE700  }
0x19e: {  	_ =	swait.ge [sflag:s14], $0x1900  }
0x19f: {  	[sflag:s14] =	ssyncset.done $0x0  }
0x1a0: {  	[sflag:s14] =	ssyncadd.s32 $0xFFFFE700  }
0x1a1: {  	_ =	swait.ge [sflag:s14], $0x1900  }
0x1a2: {  	[sflag:s14] =	ssyncset.done $0x0  }
0x1a3: {  	s1 =	rddreg [dreg:$0xa];
	[sflag:s14] =	ssyncadd.s32 $0xFFFFE700  }
0x1a4: {  	[hbm4b:s1+s2] =	stream.linear.scatter [tilespmem:s6], [sflag:$0x3], $0xDC00, $0x38;
	[tilespmem:$0x1D200] =	vst v63  }
0x1a5: {  	_ =	swait.ge [sflag:s7], $0xDC00  }
0x1a6: {  	s0 =	sld [smem:$0x7F8]  }
0x1a7: {  	[sflag:s7] =	ssyncset.done $0x0  }
0x1a8: {  	s1 =	sld [smem:$0x7F9];
	[sflag:s7] =	ssyncadd.s32 $0xFFFF2400  }
0x1a9: {  	[tilespmem:s10], [sflag:$0x2] =	stream.indirect.gather [hbm4b:s4+s5], $0x40, s0, s5, $0xb8;
	[tilespmem:$0x1D200] =	vst v63  }
0x1aa: {  	s0 =	sld [smem:$0x7FA]  }
0x1ab: {  	[tilespmem:s11], [sflag:$0x2] =	stream.indirect.gather [hbm4b:s4+s5], $0x40, s1, s5, $0xb8;
	[tilespmem:$0x1D200] =	vst v63  }
0x1ac: {  	s1 =	sld [smem:$0x7FB]  }
0x1ad: {  	[tilespmem:s12], [sflag:$0x2] =	stream.indirect.gather [hbm4b:s4+s5], $0x40, s0, s5, $0xb8;
	[tilespmem:$0x1D200] =	vst v63  }
0x1ae: {  	s0 =	sld [smem:$0x7FC]  }
0x1af: {  	[tilespmem:s13], [sflag:$0x2] =	stream.indirect.gather [hbm4b:s4+s5], $0x40, s1, s5, $0xb8;
	[tilespmem:$0x1D200] =	vst v63  }
0x1b0: {  	s1 =	sld [smem:$0x7FD]  }
0x1b1: {  	[tilespmem:s15], [sflag:$0x2] =	stream.indirect.gather [hbm4b:s4+s5], $0x40, s0, s5, $0xb8;
	[tilespmem:$0x1D200] =	vst v63  }
0x1b2: {  	_ = 	snop  }
0x1b3: {  	[tilespmem:s16], [sflag:$0x2] =	stream.indirect.gather [hbm4b:s4+s5], $0x40, s1, s5, $0xb8;
	[tilespmem:$0x1D200] =	vst v63  }
0x1b4: {  	s1 =	simm.s32 $0x1930  }
0x1b5: {  	[tilespmem:s17], [sflag:$0x2] =	stream.indirect.gather [hbm4b:s4+s5], $0x40, s1, s5, $0xb8;
	[tilespmem:$0x1D200] =	vst v63  }
0x1b6: {  	_ = 	snop  }
0x1b7: {  	[tilespmem:s18], [sflag:$0x2] =	stream.indirect.gather [hbm4b:s4+s5], $0x40, s20, s5, $0xb8;
	[tilespmem:$0x1D200] =	vst v63  }
0x1b8: {  	_ =	swait.ge [sflag:s9], $0x1900  }
0x1b9: {  	[sflag:s9] =	ssyncset.done $0x0  }
0x1ba: {  	[sflag:s9] =	ssyncadd.s32 $0xFFFFE700  }
0x1bb: {  	_ =	swait.ge [sflag:s9], $0x1900  }
0x1bc: {  	[sflag:s9] =	ssyncset.done $0x0  }
0x1bd: {  	[sflag:s9] =	ssyncadd.s32 $0xFFFFE700  }
0x1be: {  	_ =	swait.ge [sflag:s9], $0x1900  }
0x1bf: {  	[sflag:s9] =	ssyncset.done $0x0  }
0x1c0: {  	[sflag:s9] =	ssyncadd.s32 $0xFFFFE700  }
0x1c1: {  	_ =	swait.ge [sflag:s9], $0x1900  }
0x1c2: {  	[sflag:s9] =	ssyncset.done $0x0  }
0x1c3: {  	[sflag:s9] =	ssyncadd.s32 $0xFFFFE700  }
0x1c4: {  	_ =	swait.ge [sflag:s9], $0x1900  }
0x1c5: {  	[sflag:s9] =	ssyncset.done $0x0  }
0x1c6: {  	[sflag:s9] =	ssyncadd.s32 $0xFFFFE700  }
0x1c7: {  	_ =	swait.ge [sflag:s9], $0x1900  }
0x1c8: {  	[sflag:s9] =	ssyncset.done $0x0  }
0x1c9: {  	[sflag:s9] =	ssyncadd.s32 $0xFFFFE700  }
0x1ca: {  	_ =	swait.ge [sflag:s9], $0x1900  }
0x1cb: {  	[sflag:s9] =	ssyncset.done $0x0  }
0x1cc: {  	[sflag:s9] =	ssyncadd.s32 $0xFFFFE700  }
0x1cd: {  	_ =	swait.ge [sflag:s9], $0x1900  }
0x1ce: {  	[sflag:s9] =	ssyncset.done $0x0  }
0x1cf: {  	p1 =	sne.s32 s19, $0x1;
	s1 =	rddreg [dreg:$0xb];
	[sflag:s9] =	ssyncadd.s32 $0xFFFFE700  }
0x1d0: {  	[hbm4b:s1+s2] =	stream.linear.scatter [tilespmem:s3], [sflag:$0x4], $0xDC00, $0x38;
	[tilespmem:$0x1D200] =	vst v63  }
.Ltmp1:
0x1d1: {  	_ =	swait.ge [sflag:s8], $0xDC00;
	(pc) =	sbr.rel @!p1 .LBB2_3-.Ltmp1, $4  }
0x1d2: {  	[sflag:s8] =	ssyncset.done $0x0  }
0x1d3: {  	[sflag:s8] =	ssyncadd.s32 $0xFFFF2400  }
0x1d4: {  	p0 =	por $0x1, $0x1;
	_ =	swait.ge [sflag:s7], $0xDC00  }
0x1d5: {  	s1 =	sadd.s32 $0xFFFFFFFF, s19;
	s0 =	rddreg [dreg:$0x3];
	[sflag:s7] =	ssyncset.done $0x0  }
.LBB2_4:
0x1d6: {  	[sflag:s7] =	ssyncadd.s32 $0xFFFF2400  }
0x1d7: {  	[tilespmem:s2], [sflag:$0x5] =	stream.linear.gather [hbm4b:s0+s2], $0x1A00, $0x38;
	[tilespmem:$0x1D200] =	vst v63  }
0x1d8: {  	_ =	swait.ge [sflag:s31], $0x1A00  }
0x1d9: {  	[sflag:s31] =	ssyncset.done $0x0  }
0x1da: {  	[sflag:s31] =	ssyncadd.s32 $0xFFFFE600  }
0x1db: {  	[tilespmem:s6], [sflag:$0x5] =	stream.linear.gather [hbm4b:s30+s2], $0x500, $0x38;
	[tilespmem:$0x1D200] =	vst v63  }
0x1dc: {  	_ =	swait.ge [sflag:s31], $0x500  }
0x1dd: {  	[sflag:s31] =	ssyncset.done $0x0  }
0x1de: {  	s19 =	rddreg [dreg:$0xc];
	[sflag:s31] =	ssyncadd.s32 $0xFFFFFB00  }
0x1df: {  	[tilespmem:s19], [sflag:$0x5] =	stream.linear.gather [hbm4b:s30+s2], $0x500, $0x38;
	[tilespmem:$0x1D200] =	vst v63  }
0x1e0: {  	_ =	swait.ge [sflag:s31], $0x500  }
0x1e1: {  	[sflag:s31] =	ssyncset.done $0x0  }
0x1e2: {  	s19 =	rddreg [dreg:$0xd];
	[sflag:s31] =	ssyncadd.s32 $0xFFFFFB00  }
0x1e3: {  	[tilespmem:s19], [sflag:$0x5] =	stream.linear.gather [hbm4b:s30+s2], $0x500, $0x38;
	[tilespmem:$0x1D200] =	vst v63  }
0x1e4: {  	_ =	swait.ge [sflag:s31], $0x500  }
0x1e5: {  	[sflag:s31] =	ssyncset.done $0x0  }
0x1e6: {  	s19 =	rddreg [dreg:$0xe];
	[sflag:s31] =	ssyncadd.s32 $0xFFFFFB00  }
0x1e7: {  	[tilespmem:s19], [sflag:$0x5] =	stream.linear.gather [hbm4b:s30+s2], $0x500, $0x38;
	[tilespmem:$0x1D200] =	vst v63  }
0x1e8: {  	_ =	swait.ge [sflag:s31], $0x500  }
0x1e9: {  	[sflag:s31] =	ssyncset.done $0x0  }
0x1ea: {  	[sflag:s31] =	ssyncadd.s32 $0xFFFFFB00  }
0x1eb: {  	[tilespmem:s3], [sflag:$0x5] =	stream.linear.gather [hbm4b:s30+s2], $0x500, $0x38;
	[tilespmem:$0x1D200] =	vst v63  }
0x1ec: {  	_ =	swait.ge [sflag:s31], $0x500  }
0x1ed: {  	[sflag:s31] =	ssyncset.done $0x0  }
0x1ee: {  	s19 =	rddreg [dreg:$0xf];
	[sflag:s31] =	ssyncadd.s32 $0xFFFFFB00  }
0x1ef: {  	[tilespmem:s19], [sflag:$0x5] =	stream.linear.gather [hbm4b:s30+s2], $0x500, $0x38;
	[tilespmem:$0x1D200] =	vst v63  }
0x1f0: {  	_ =	swait.ge [sflag:s31], $0x500  }
0x1f1: {  	[sflag:s31] =	ssyncset.done $0x0  }
0x1f2: {  	s19 =	rddreg [dreg:$0x10];
	[sflag:s31] =	ssyncadd.s32 $0xFFFFFB00  }
0x1f3: {  	[tilespmem:s19], [sflag:$0x5] =	stream.linear.gather [hbm4b:s30+s2], $0x500, $0x38;
	[tilespmem:$0x1D200] =	vst v63  }
0x1f4: {  	_ =	swait.ge [sflag:s31], $0x500  }
0x1f5: {  	[sflag:s31] =	ssyncset.done $0x0  }
0x1f6: {  	s19 =	rddreg [dreg:$0x11];
	[sflag:s31] =	ssyncadd.s32 $0xFFFFFB00  }
0x1f7: {  	[tilespmem:s19], [sflag:$0x5] =	stream.linear.gather [hbm4b:s30+s2], $0x500, $0x38;
	[tilespmem:$0x1D200] =	vst v63  }
0x1f8: {  	_ =	swait.ge [sflag:s31], $0x500  }
0x1f9: {  	[sflag:s31] =	ssyncset.done $0x0  }
0x1fa: {  	[sflag:s31] =	ssyncadd.s32 $0xFFFFFB00  }
0x1fb: {  	[tilespmem:s21], [sflag:$0x1] =	stream.indirect.gather [hbm4b:s4+s5], $0x40, s2, s5, $0xb8;
	[tilespmem:$0x1D200] =	vst v63  }
0x1fc: {  	s0 =	rddreg [dreg:$0x12]  }
0x1fd: {  	[tilespmem:s22], [sflag:$0x1] =	stream.indirect.gather [hbm4b:s4+s5], $0x40, s0, s5, $0xb8;
	[tilespmem:$0x1D200] =	vst v63  }
0x1fe: {  	s19 =	rddreg [dreg:$0x13]  }
0x1ff: {  	[tilespmem:s23], [sflag:$0x1] =	stream.indirect.gather [hbm4b:s4+s5], $0x40, s19, s5, $0xb8;
	[tilespmem:$0x1D200] =	vst v63  }
0x200: {  	s0 =	rddreg [dreg:$0x14]  }
0x201: {  	[tilespmem:s24], [sflag:$0x1] =	stream.indirect.gather [hbm4b:s4+s5], $0x40, s0, s5, $0xb8;
	[tilespmem:$0x1D200] =	vst v63  }
0x202: {  	s19 =	rddreg [dreg:$0x15]  }
0x203: {  	[tilespmem:s25], [sflag:$0x1] =	stream.indirect.gather [hbm4b:s4+s5], $0x40, s19, s5, $0xb8;
	[tilespmem:$0x1D200] =	vst v63  }
0x204: {  	s0 =	rddreg [dreg:$0x16]  }
0x205: {  	[tilespmem:s26], [sflag:$0x1] =	stream.indirect.gather [hbm4b:s4+s5], $0x40, s0, s5, $0xb8;
	[tilespmem:$0x1D200] =	vst v63  }
0x206: {  	s19 =	rddreg [dreg:$0x17]  }
0x207: {  	[tilespmem:s28], [sflag:$0x1] =	stream.indirect.gather [hbm4b:s4+s5], $0x40, s19, s5, $0xb8;
	[tilespmem:$0x1D200] =	vst v63  }
0x208: {  	s0 =	rddreg [dreg:$0x18]  }
0x209: {  	[tilespmem:s29], [sflag:$0x1] =	stream.indirect.gather [hbm4b:s4+s5], $0x40, s0, s5, $0xb8;
	[tilespmem:$0x1D200] =	vst v63  }
0x20a: {  	_ =	swait.ge [sflag:s14], $0x1900  }
0x20b: {  	[sflag:s14] =	ssyncset.done $0x0  }
0x20c: {  	[sflag:s14] =	ssyncadd.s32 $0xFFFFE700  }
0x20d: {  	_ =	swait.ge [sflag:s14], $0x1900  }
0x20e: {  	[sflag:s14] =	ssyncset.done $0x0  }
0x20f: {  	[sflag:s14] =	ssyncadd.s32 $0xFFFFE700  }
0x210: {  	_ =	swait.ge [sflag:s14], $0x1900  }
0x211: {  	[sflag:s14] =	ssyncset.done $0x0  }
0x212: {  	[sflag:s14] =	ssyncadd.s32 $0xFFFFE700  }
0x213: {  	_ =	swait.ge [sflag:s14], $0x1900  }
0x214: {  	[sflag:s14] =	ssyncset.done $0x0  }
0x215: {  	[sflag:s14] =	ssyncadd.s32 $0xFFFFE700  }
0x216: {  	_ =	swait.ge [sflag:s14], $0x1900  }
0x217: {  	[sflag:s14] =	ssyncset.done $0x0  }
0x218: {  	[sflag:s14] =	ssyncadd.s32 $0xFFFFE700  }
0x219: {  	_ =	swait.ge [sflag:s14], $0x1900  }
0x21a: {  	[sflag:s14] =	ssyncset.done $0x0  }
0x21b: {  	[sflag:s14] =	ssyncadd.s32 $0xFFFFE700  }
0x21c: {  	_ =	swait.ge [sflag:s14], $0x1900  }
0x21d: {  	[sflag:s14] =	ssyncset.done $0x0  }
0x21e: {  	[sflag:s14] =	ssyncadd.s32 $0xFFFFE700  }
0x21f: {  	_ =	swait.ge [sflag:s14], $0x1900  }
0x220: {  	s0 =	rddreg [dreg:$0x4];
	[sflag:s14] =	ssyncset.done $0x0  }
0x221: {  	s19 =	rddreg [dreg:$0x19];
	[sflag:s14] =	ssyncadd.s32 $0xFFFFE700  }
0x222: {  	[hbm4b:s0+s2] =	stream.linear.scatter [tilespmem:s6], [sflag:$0x3], $0xDC00, $0x38;
	[tilespmem:$0x1D200] =	vst v63  }
0x223: {  	s0 =	rddreg [dreg:$0x1a]  }
0x224: {  	[tilespmem:s10], [sflag:$0x2] =	stream.indirect.gather [hbm4b:s4+s5], $0x40, s19, s5, $0xb8;
	[tilespmem:$0x1D200] =	vst v63  }
0x225: {  	s19 =	rddreg [dreg:$0x1b]  }
0x226: {  	[tilespmem:s11], [sflag:$0x2] =	stream.indirect.gather [hbm4b:s4+s5], $0x40, s0, s5, $0xb8;
	[tilespmem:$0x1D200] =	vst v63  }
0x227: {  	s0 =	rddreg [dreg:$0x1c]  }
0x228: {  	[tilespmem:s12], [sflag:$0x2] =	stream.indirect.gather [hbm4b:s4+s5], $0x40, s19, s5, $0xb8;
	[tilespmem:$0x1D200] =	vst v63  }
0x229: {  	s19 =	rddreg [dreg:$0x1d]  }
0x22a: {  	[tilespmem:s13], [sflag:$0x2] =	stream.indirect.gather [hbm4b:s4+s5], $0x40, s0, s5, $0xb8;
	[tilespmem:$0x1D200] =	vst v63  }
0x22b: {  	s0 =	rddreg [dreg:$0x1e]  }
0x22c: {  	[tilespmem:s15], [sflag:$0x2] =	stream.indirect.gather [hbm4b:s4+s5], $0x40, s19, s5, $0xb8;
	[tilespmem:$0x1D200] =	vst v63  }
0x22d: {  	s19 =	rddreg [dreg:$0x1f]  }
0x22e: {  	[tilespmem:s16], [sflag:$0x2] =	stream.indirect.gather [hbm4b:s4+s5], $0x40, s0, s5, $0xb8;
	[tilespmem:$0x1D200] =	vst v63  }
0x22f: {  	s0 =	sld [smem:$0x7CF]  }
0x230: {  	[tilespmem:s17], [sflag:$0x2] =	stream.indirect.gather [hbm4b:s4+s5], $0x40, s19, s5, $0xb8;
	[tilespmem:$0x1D200] =	vst v63  }
0x231: {  	_ = 	snop  }
0x232: {  	[tilespmem:s18], [sflag:$0x2] =	stream.indirect.gather [hbm4b:s4+s5], $0x40, s0, s5, $0xb8;
	[tilespmem:$0x1D200] =	vst v63  }
0x233: {  	_ =	swait.ge [sflag:s9], $0x1900  }
0x234: {  	[sflag:s9] =	ssyncset.done $0x0  }
0x235: {  	[sflag:s9] =	ssyncadd.s32 $0xFFFFE700  }
0x236: {  	_ =	swait.ge [sflag:s9], $0x1900  }
0x237: {  	[sflag:s9] =	ssyncset.done $0x0  }
0x238: {  	[sflag:s9] =	ssyncadd.s32 $0xFFFFE700  }
0x239: {  	_ =	swait.ge [sflag:s9], $0x1900  }
0x23a: {  	[sflag:s9] =	ssyncset.done $0x0  }
0x23b: {  	[sflag:s9] =	ssyncadd.s32 $0xFFFFE700  }
0x23c: {  	_ =	swait.ge [sflag:s9], $0x1900  }
0x23d: {  	[sflag:s9] =	ssyncset.done $0x0  }
0x23e: {  	[sflag:s9] =	ssyncadd.s32 $0xFFFFE700  }
0x23f: {  	_ =	swait.ge [sflag:s9], $0x1900  }
0x240: {  	[sflag:s9] =	ssyncset.done $0x0  }
0x241: {  	[sflag:s9] =	ssyncadd.s32 $0xFFFFE700  }
0x242: {  	_ =	swait.ge [sflag:s9], $0x1900  }
0x243: {  	[sflag:s9] =	ssyncset.done $0x0  }
0x244: {  	[sflag:s9] =	ssyncadd.s32 $0xFFFFE700  }
0x245: {  	_ =	swait.ge [sflag:s9], $0x1900  }
0x246: {  	[sflag:s9] =	ssyncset.done $0x0  }
0x247: {  	[sflag:s9] =	ssyncadd.s32 $0xFFFFE700  }
0x248: {  	_ =	swait.ge [sflag:s9], $0x1900  }
0x249: {  	[sflag:s9] =	ssyncset.done $0x0  }
0x24a: {  	s19 =	rddreg [dreg:$0x5];
	[sflag:s9] =	ssyncadd.s32 $0xFFFFE700  }
0x24b: {  	[hbm4b:s19+s2] =	stream.linear.scatter [tilespmem:s3], [sflag:$0x4], $0xDC00, $0x38;
	[tilespmem:$0x1D200] =	vst v63  }
0x24c: {  	_ =	swait.ge [sflag:s8], $0xDC00  }
0x24d: {  	s0 =	sld [smem:$0x7D0]  }
0x24e: {  	[sflag:s8] =	ssyncset.done $0x0  }
0x24f: {  	s19 =	sld [smem:$0x7D1];
	[sflag:s8] =	ssyncadd.s32 $0xFFFF2400  }
0x250: {  	[tilespmem:s21], [sflag:$0x1] =	stream.indirect.gather [hbm4b:s4+s5], $0x40, s0, s5, $0xb8;
	[tilespmem:$0x1D200] =	vst v63  }
0x251: {  	s0 =	sld [smem:$0x7D2]  }
0x252: {  	[tilespmem:s22], [sflag:$0x1] =	stream.indirect.gather [hbm4b:s4+s5], $0x40, s19, s5, $0xb8;
	[tilespmem:$0x1D200] =	vst v63  }
0x253: {  	s19 =	sld [smem:$0x7D3]  }
0x254: {  	[tilespmem:s23], [sflag:$0x1] =	stream.indirect.gather [hbm4b:s4+s5], $0x40, s0, s5, $0xb8;
	[tilespmem:$0x1D200] =	vst v63  }
0x255: {  	s0 =	sld [smem:$0x7D4]  }
0x256: {  	[tilespmem:s24], [sflag:$0x1] =	stream.indirect.gather [hbm4b:s4+s5], $0x40, s19, s5, $0xb8;
	[tilespmem:$0x1D200] =	vst v63  }
0x257: {  	s19 =	sld [smem:$0x7D5]  }
0x258: {  	[tilespmem:s25], [sflag:$0x1] =	stream.indirect.gather [hbm4b:s4+s5], $0x40, s0, s5, $0xb8;
	[tilespmem:$0x1D200] =	vst v63  }
0x259: {  	s0 =	sld [smem:$0x7D6]  }
0x25a: {  	[tilespmem:s26], [sflag:$0x1] =	stream.indirect.gather [hbm4b:s4+s5], $0x40, s19, s5, $0xb8;
	[tilespmem:$0x1D200] =	vst v63  }
0x25b: {  	s19 =	sld [smem:$0x7D7]  }
0x25c: {  	[tilespmem:s28], [sflag:$0x1] =	stream.indirect.gather [hbm4b:s4+s5], $0x40, s0, s5, $0xb8;
	[tilespmem:$0x1D200] =	vst v63  }
0x25d: {  	_ = 	snop  }
0x25e: {  	[tilespmem:s29], [sflag:$0x1] =	stream.indirect.gather [hbm4b:s4+s5], $0x40, s19, s5, $0xb8;
	[tilespmem:$0x1D200] =	vst v63  }
0x25f: {  	_ =	swait.ge [sflag:s14], $0x1900  }
0x260: {  	[sflag:s14] =	ssyncset.done $0x0  }
0x261: {  	[sflag:s14] =	ssyncadd.s32 $0xFFFFE700  }
0x262: {  	_ =	swait.ge [sflag:s14], $0x1900  }
0x263: {  	[sflag:s14] =	ssyncset.done $0x0  }
0x264: {  	[sflag:s14] =	ssyncadd.s32 $0xFFFFE700  }
0x265: {  	_ =	swait.ge [sflag:s14], $0x1900  }
0x266: {  	[sflag:s14] =	ssyncset.done $0x0  }
0x267: {  	[sflag:s14] =	ssyncadd.s32 $0xFFFFE700  }
0x268: {  	_ =	swait.ge [sflag:s14], $0x1900  }
0x269: {  	[sflag:s14] =	ssyncset.done $0x0  }
0x26a: {  	[sflag:s14] =	ssyncadd.s32 $0xFFFFE700  }
0x26b: {  	_ =	swait.ge [sflag:s14], $0x1900  }
0x26c: {  	[sflag:s14] =	ssyncset.done $0x0  }
0x26d: {  	[sflag:s14] =	ssyncadd.s32 $0xFFFFE700  }
0x26e: {  	_ =	swait.ge [sflag:s14], $0x1900  }
0x26f: {  	[sflag:s14] =	ssyncset.done $0x0  }
0x270: {  	[sflag:s14] =	ssyncadd.s32 $0xFFFFE700  }
0x271: {  	_ =	swait.ge [sflag:s14], $0x1900  }
0x272: {  	[sflag:s14] =	ssyncset.done $0x0  }
0x273: {  	[sflag:s14] =	ssyncadd.s32 $0xFFFFE700  }
0x274: {  	_ =	swait.ge [sflag:s14], $0x1900  }
0x275: {  	[sflag:s14] =	ssyncset.done $0x0  }
0x276: {  	s19 =	rddreg [dreg:$0x6];
	[sflag:s14] =	ssyncadd.s32 $0xFFFFE700  }
0x277: {  	[hbm4b:s19+s2] =	stream.linear.scatter [tilespmem:s6], [sflag:$0x3], $0xDC00, $0x38;
	[tilespmem:$0x1D200] =	vst v63  }
0x278: {  	_ =	swait.ge [sflag:s7], $0xDC00  }
0x279: {  	s0 =	sld [smem:$0x7D8]  }
0x27a: {  	[sflag:s7] =	ssyncset.done $0x0  }
0x27b: {  	s19 =	sld [smem:$0x7D9];
	[sflag:s7] =	ssyncadd.s32 $0xFFFF2400  }
0x27c: {  	[tilespmem:s10], [sflag:$0x2] =	stream.indirect.gather [hbm4b:s4+s5], $0x40, s0, s5, $0xb8;
	[tilespmem:$0x1D200] =	vst v63  }
0x27d: {  	s0 =	sld [smem:$0x7DA]  }
0x27e: {  	[tilespmem:s11], [sflag:$0x2] =	stream.indirect.gather [hbm4b:s4+s5], $0x40, s19, s5, $0xb8;
	[tilespmem:$0x1D200] =	vst v63  }
0x27f: {  	s19 =	sld [smem:$0x7DB]  }
0x280: {  	[tilespmem:s12], [sflag:$0x2] =	stream.indirect.gather [hbm4b:s4+s5], $0x40, s0, s5, $0xb8;
	[tilespmem:$0x1D200] =	vst v63  }
0x281: {  	s0 =	sld [smem:$0x7DC]  }
0x282: {  	[tilespmem:s13], [sflag:$0x2] =	stream.indirect.gather [hbm4b:s4+s5], $0x40, s19, s5, $0xb8;
	[tilespmem:$0x1D200] =	vst v63  }
0x283: {  	s19 =	sld [smem:$0x7DD]  }
0x284: {  	[tilespmem:s15], [sflag:$0x2] =	stream.indirect.gather [hbm4b:s4+s5], $0x40, s0, s5, $0xb8;
	[tilespmem:$0x1D200] =	vst v63  }
0x285: {  	s0 =	sld [smem:$0x7DE]  }
0x286: {  	[tilespmem:s16], [sflag:$0x2] =	stream.indirect.gather [hbm4b:s4+s5], $0x40, s19, s5, $0xb8;
	[tilespmem:$0x1D200] =	vst v63  }
0x287: {  	s19 =	sld [smem:$0x7DF]  }
0x288: {  	[tilespmem:s17], [sflag:$0x2] =	stream.indirect.gather [hbm4b:s4+s5], $0x40, s0, s5, $0xb8;
	[tilespmem:$0x1D200] =	vst v63  }
0x289: {  	_ = 	snop  }
0x28a: {  	[tilespmem:s18], [sflag:$0x2] =	stream.indirect.gather [hbm4b:s4+s5], $0x40, s19, s5, $0xb8;
	[tilespmem:$0x1D200] =	vst v63  }
0x28b: {  	_ =	swait.ge [sflag:s9], $0x1900  }
0x28c: {  	[sflag:s9] =	ssyncset.done $0x0  }
0x28d: {  	[sflag:s9] =	ssyncadd.s32 $0xFFFFE700  }
0x28e: {  	_ =	swait.ge [sflag:s9], $0x1900  }
0x28f: {  	[sflag:s9] =	ssyncset.done $0x0  }
0x290: {  	[sflag:s9] =	ssyncadd.s32 $0xFFFFE700  }
0x291: {  	_ =	swait.ge [sflag:s9], $0x1900  }
0x292: {  	[sflag:s9] =	ssyncset.done $0x0  }
0x293: {  	[sflag:s9] =	ssyncadd.s32 $0xFFFFE700  }
0x294: {  	_ =	swait.ge [sflag:s9], $0x1900  }
0x295: {  	[sflag:s9] =	ssyncset.done $0x0  }
0x296: {  	[sflag:s9] =	ssyncadd.s32 $0xFFFFE700  }
0x297: {  	_ =	swait.ge [sflag:s9], $0x1900  }
0x298: {  	[sflag:s9] =	ssyncset.done $0x0  }
0x299: {  	[sflag:s9] =	ssyncadd.s32 $0xFFFFE700  }
0x29a: {  	_ =	swait.ge [sflag:s9], $0x1900  }
0x29b: {  	[sflag:s9] =	ssyncset.done $0x0  }
0x29c: {  	[sflag:s9] =	ssyncadd.s32 $0xFFFFE700  }
0x29d: {  	_ =	swait.ge [sflag:s9], $0x1900  }
0x29e: {  	[sflag:s9] =	ssyncset.done $0x0  }
0x29f: {  	[sflag:s9] =	ssyncadd.s32 $0xFFFFE700  }
0x2a0: {  	_ =	swait.ge [sflag:s9], $0x1900  }
0x2a1: {  	[sflag:s9] =	ssyncset.done $0x0  }
0x2a2: {  	s19 =	rddreg [dreg:$0x7];
	[sflag:s9] =	ssyncadd.s32 $0xFFFFE700  }
0x2a3: {  	[hbm4b:s19+s2] =	stream.linear.scatter [tilespmem:s3], [sflag:$0x4], $0xDC00, $0x38;
	[tilespmem:$0x1D200] =	vst v63  }
0x2a4: {  	_ =	swait.ge [sflag:s8], $0xDC00  }
0x2a5: {  	s0 =	sld [smem:$0x7E0]  }
0x2a6: {  	[sflag:s8] =	ssyncset.done $0x0  }
0x2a7: {  	s19 =	sld [smem:$0x7E1];
	[sflag:s8] =	ssyncadd.s32 $0xFFFF2400  }
0x2a8: {  	[tilespmem:s21], [sflag:$0x1] =	stream.indirect.gather [hbm4b:s4+s5], $0x40, s0, s5, $0xb8;
	[tilespmem:$0x1D200] =	vst v63  }
0x2a9: {  	s0 =	sld [smem:$0x7E2]  }
0x2aa: {  	[tilespmem:s22], [sflag:$0x1] =	stream.indirect.gather [hbm4b:s4+s5], $0x40, s19, s5, $0xb8;
	[tilespmem:$0x1D200] =	vst v63  }
0x2ab: {  	s19 =	sld [smem:$0x7E3]  }
0x2ac: {  	[tilespmem:s23], [sflag:$0x1] =	stream.indirect.gather [hbm4b:s4+s5], $0x40, s0, s5, $0xb8;
	[tilespmem:$0x1D200] =	vst v63  }
0x2ad: {  	s0 =	sld [smem:$0x7E4]  }
0x2ae: {  	[tilespmem:s24], [sflag:$0x1] =	stream.indirect.gather [hbm4b:s4+s5], $0x40, s19, s5, $0xb8;
	[tilespmem:$0x1D200] =	vst v63  }
0x2af: {  	s19 =	sld [smem:$0x7E5]  }
0x2b0: {  	[tilespmem:s25], [sflag:$0x1] =	stream.indirect.gather [hbm4b:s4+s5], $0x40, s0, s5, $0xb8;
	[tilespmem:$0x1D200] =	vst v63  }
0x2b1: {  	s0 =	sld [smem:$0x7E6]  }
0x2b2: {  	[tilespmem:s26], [sflag:$0x1] =	stream.indirect.gather [hbm4b:s4+s5], $0x40, s19, s5, $0xb8;
	[tilespmem:$0x1D200] =	vst v63  }
0x2b3: {  	s19 =	sld [smem:$0x7E7]  }
0x2b4: {  	[tilespmem:s28], [sflag:$0x1] =	stream.indirect.gather [hbm4b:s4+s5], $0x40, s0, s5, $0xb8;
	[tilespmem:$0x1D200] =	vst v63  }
0x2b5: {  	_ = 	snop  }
0x2b6: {  	[tilespmem:s29], [sflag:$0x1] =	stream.indirect.gather [hbm4b:s4+s5], $0x40, s19, s5, $0xb8;
	[tilespmem:$0x1D200] =	vst v63  }
0x2b7: {  	_ =	swait.ge [sflag:s14], $0x1900  }
0x2b8: {  	[sflag:s14] =	ssyncset.done $0x0  }
0x2b9: {  	[sflag:s14] =	ssyncadd.s32 $0xFFFFE700  }
0x2ba: {  	_ =	swait.ge [sflag:s14], $0x1900  }
0x2bb: {  	[sflag:s14] =	ssyncset.done $0x0  }
0x2bc: {  	[sflag:s14] =	ssyncadd.s32 $0xFFFFE700  }
0x2bd: {  	_ =	swait.ge [sflag:s14], $0x1900  }
0x2be: {  	[sflag:s14] =	ssyncset.done $0x0  }
0x2bf: {  	[sflag:s14] =	ssyncadd.s32 $0xFFFFE700  }
0x2c0: {  	_ =	swait.ge [sflag:s14], $0x1900  }
0x2c1: {  	[sflag:s14] =	ssyncset.done $0x0  }
0x2c2: {  	[sflag:s14] =	ssyncadd.s32 $0xFFFFE700  }
0x2c3: {  	_ =	swait.ge [sflag:s14], $0x1900  }
0x2c4: {  	[sflag:s14] =	ssyncset.done $0x0  }
0x2c5: {  	[sflag:s14] =	ssyncadd.s32 $0xFFFFE700  }
0x2c6: {  	_ =	swait.ge [sflag:s14], $0x1900  }
0x2c7: {  	[sflag:s14] =	ssyncset.done $0x0  }
0x2c8: {  	[sflag:s14] =	ssyncadd.s32 $0xFFFFE700  }
0x2c9: {  	_ =	swait.ge [sflag:s14], $0x1900  }
0x2ca: {  	[sflag:s14] =	ssyncset.done $0x0  }
0x2cb: {  	[sflag:s14] =	ssyncadd.s32 $0xFFFFE700  }
0x2cc: {  	_ =	swait.ge [sflag:s14], $0x1900  }
0x2cd: {  	[sflag:s14] =	ssyncset.done $0x0  }
0x2ce: {  	s19 =	rddreg [dreg:$0x8];
	[sflag:s14] =	ssyncadd.s32 $0xFFFFE700  }
0x2cf: {  	[hbm4b:s19+s2] =	stream.linear.scatter [tilespmem:s6], [sflag:$0x3], $0xDC00, $0x38;
	[tilespmem:$0x1D200] =	vst v63  }
0x2d0: {  	_ =	swait.ge [sflag:s7], $0xDC00  }
0x2d1: {  	s0 =	sld [smem:$0x7E8]  }
0x2d2: {  	[sflag:s7] =	ssyncset.done $0x0  }
0x2d3: {  	s19 =	sld [smem:$0x7E9];
	[sflag:s7] =	ssyncadd.s32 $0xFFFF2400  }
0x2d4: {  	[tilespmem:s10], [sflag:$0x2] =	stream.indirect.gather [hbm4b:s4+s5], $0x40, s0, s5, $0xb8;
	[tilespmem:$0x1D200] =	vst v63  }
0x2d5: {  	s0 =	sld [smem:$0x7EA]  }
0x2d6: {  	[tilespmem:s11], [sflag:$0x2] =	stream.indirect.gather [hbm4b:s4+s5], $0x40, s19, s5, $0xb8;
	[tilespmem:$0x1D200] =	vst v63  }
0x2d7: {  	s19 =	sld [smem:$0x7EB]  }
0x2d8: {  	[tilespmem:s12], [sflag:$0x2] =	stream.indirect.gather [hbm4b:s4+s5], $0x40, s0, s5, $0xb8;
	[tilespmem:$0x1D200] =	vst v63  }
0x2d9: {  	s0 =	sld [smem:$0x7EC]  }
0x2da: {  	[tilespmem:s13], [sflag:$0x2] =	stream.indirect.gather [hbm4b:s4+s5], $0x40, s19, s5, $0xb8;
	[tilespmem:$0x1D200] =	vst v63  }
0x2db: {  	s19 =	sld [smem:$0x7ED]  }
0x2dc: {  	[tilespmem:s15], [sflag:$0x2] =	stream.indirect.gather [hbm4b:s4+s5], $0x40, s0, s5, $0xb8;
	[tilespmem:$0x1D200] =	vst v63  }
0x2dd: {  	s0 =	sld [smem:$0x7EE]  }
0x2de: {  	[tilespmem:s16], [sflag:$0x2] =	stream.indirect.gather [hbm4b:s4+s5], $0x40, s19, s5, $0xb8;
	[tilespmem:$0x1D200] =	vst v63  }
0x2df: {  	s19 =	sld [smem:$0x7EF]  }
0x2e0: {  	[tilespmem:s17], [sflag:$0x2] =	stream.indirect.gather [hbm4b:s4+s5], $0x40, s0, s5, $0xb8;
	[tilespmem:$0x1D200] =	vst v63  }
0x2e1: {  	_ = 	snop  }
0x2e2: {  	[tilespmem:s18], [sflag:$0x2] =	stream.indirect.gather [hbm4b:s4+s5], $0x40, s19, s5, $0xb8;
	[tilespmem:$0x1D200] =	vst v63  }
0x2e3: {  	_ =	swait.ge [sflag:s9], $0x1900  }
0x2e4: {  	[sflag:s9] =	ssyncset.done $0x0  }
0x2e5: {  	[sflag:s9] =	ssyncadd.s32 $0xFFFFE700  }
0x2e6: {  	_ =	swait.ge [sflag:s9], $0x1900  }
0x2e7: {  	[sflag:s9] =	ssyncset.done $0x0  }
0x2e8: {  	[sflag:s9] =	ssyncadd.s32 $0xFFFFE700  }
0x2e9: {  	_ =	swait.ge [sflag:s9], $0x1900  }
0x2ea: {  	[sflag:s9] =	ssyncset.done $0x0  }
0x2eb: {  	[sflag:s9] =	ssyncadd.s32 $0xFFFFE700  }
0x2ec: {  	_ =	swait.ge [sflag:s9], $0x1900  }
0x2ed: {  	[sflag:s9] =	ssyncset.done $0x0  }
0x2ee: {  	[sflag:s9] =	ssyncadd.s32 $0xFFFFE700  }
0x2ef: {  	_ =	swait.ge [sflag:s9], $0x1900  }
0x2f0: {  	[sflag:s9] =	ssyncset.done $0x0  }
0x2f1: {  	[sflag:s9] =	ssyncadd.s32 $0xFFFFE700  }
0x2f2: {  	_ =	swait.ge [sflag:s9], $0x1900  }
0x2f3: {  	[sflag:s9] =	ssyncset.done $0x0  }
0x2f4: {  	[sflag:s9] =	ssyncadd.s32 $0xFFFFE700  }
0x2f5: {  	_ =	swait.ge [sflag:s9], $0x1900  }
0x2f6: {  	[sflag:s9] =	ssyncset.done $0x0  }
0x2f7: {  	[sflag:s9] =	ssyncadd.s32 $0xFFFFE700  }
0x2f8: {  	_ =	swait.ge [sflag:s9], $0x1900  }
0x2f9: {  	[sflag:s9] =	ssyncset.done $0x0  }
0x2fa: {  	s19 =	rddreg [dreg:$0x9];
	[sflag:s9] =	ssyncadd.s32 $0xFFFFE700  }
0x2fb: {  	[hbm4b:s19+s2] =	stream.linear.scatter [tilespmem:s3], [sflag:$0x4], $0xDC00, $0x38;
	[tilespmem:$0x1D200] =	vst v63  }
0x2fc: {  	_ =	swait.ge [sflag:s8], $0xDC00  }
0x2fd: {  	s0 =	sld [smem:$0x7F0]  }
0x2fe: {  	[sflag:s8] =	ssyncset.done $0x0  }
0x2ff: {  	s19 =	sld [smem:$0x7F1];
	[sflag:s8] =	ssyncadd.s32 $0xFFFF2400  }
0x300: {  	[tilespmem:s21], [sflag:$0x1] =	stream.indirect.gather [hbm4b:s4+s5], $0x40, s0, s5, $0xb8;
	[tilespmem:$0x1D200] =	vst v63  }
0x301: {  	s0 =	sld [smem:$0x7F2]  }
0x302: {  	[tilespmem:s22], [sflag:$0x1] =	stream.indirect.gather [hbm4b:s4+s5], $0x40, s19, s5, $0xb8;
	[tilespmem:$0x1D200] =	vst v63  }
0x303: {  	s19 =	sld [smem:$0x7F3]  }
0x304: {  	[tilespmem:s23], [sflag:$0x1] =	stream.indirect.gather [hbm4b:s4+s5], $0x40, s0, s5, $0xb8;
	[tilespmem:$0x1D200] =	vst v63  }
0x305: {  	s0 =	sld [smem:$0x7F4]  }
0x306: {  	[tilespmem:s24], [sflag:$0x1] =	stream.indirect.gather [hbm4b:s4+s5], $0x40, s19, s5, $0xb8;
	[tilespmem:$0x1D200] =	vst v63  }
0x307: {  	s19 =	sld [smem:$0x7F5]  }
0x308: {  	[tilespmem:s25], [sflag:$0x1] =	stream.indirect.gather [hbm4b:s4+s5], $0x40, s0, s5, $0xb8;
	[tilespmem:$0x1D200] =	vst v63  }
0x309: {  	s0 =	sld [smem:$0x7F6]  }
0x30a: {  	[tilespmem:s26], [sflag:$0x1] =	stream.indirect.gather [hbm4b:s4+s5], $0x40, s19, s5, $0xb8;
	[tilespmem:$0x1D200] =	vst v63  }
0x30b: {  	s19 =	sld [smem:$0x7F7]  }
0x30c: {  	[tilespmem:s28], [sflag:$0x1] =	stream.indirect.gather [hbm4b:s4+s5], $0x40, s0, s5, $0xb8;
	[tilespmem:$0x1D200] =	vst v63  }
0x30d: {  	_ = 	snop  }
0x30e: {  	[tilespmem:s29], [sflag:$0x1] =	stream.indirect.gather [hbm4b:s4+s5], $0x40, s19, s5, $0xb8;
	[tilespmem:$0x1D200] =	vst v63  }
0x30f: {  	_ =	swait.ge [sflag:s14], $0x1900  }
0x310: {  	[sflag:s14] =	ssyncset.done $0x0  }
0x311: {  	[sflag:s14] =	ssyncadd.s32 $0xFFFFE700  }
0x312: {  	_ =	swait.ge [sflag:s14], $0x1900  }
0x313: {  	[sflag:s14] =	ssyncset.done $0x0  }
0x314: {  	[sflag:s14] =	ssyncadd.s32 $0xFFFFE700  }
0x315: {  	_ =	swait.ge [sflag:s14], $0x1900  }
0x316: {  	[sflag:s14] =	ssyncset.done $0x0  }
0x317: {  	[sflag:s14] =	ssyncadd.s32 $0xFFFFE700  }
0x318: {  	_ =	swait.ge [sflag:s14], $0x1900  }
0x319: {  	[sflag:s14] =	ssyncset.done $0x0  }
0x31a: {  	[sflag:s14] =	ssyncadd.s32 $0xFFFFE700  }
0x31b: {  	_ =	swait.ge [sflag:s14], $0x1900  }
0x31c: {  	[sflag:s14] =	ssyncset.done $0x0  }
0x31d: {  	[sflag:s14] =	ssyncadd.s32 $0xFFFFE700  }
0x31e: {  	_ =	swait.ge [sflag:s14], $0x1900  }
0x31f: {  	[sflag:s14] =	ssyncset.done $0x0  }
0x320: {  	[sflag:s14] =	ssyncadd.s32 $0xFFFFE700  }
0x321: {  	_ =	swait.ge [sflag:s14], $0x1900  }
0x322: {  	[sflag:s14] =	ssyncset.done $0x0  }
0x323: {  	[sflag:s14] =	ssyncadd.s32 $0xFFFFE700  }
0x324: {  	_ =	swait.ge [sflag:s14], $0x1900  }
0x325: {  	[sflag:s14] =	ssyncset.done $0x0  }
0x326: {  	s19 =	rddreg [dreg:$0xa];
	[sflag:s14] =	ssyncadd.s32 $0xFFFFE700  }
0x327: {  	[hbm4b:s19+s2] =	stream.linear.scatter [tilespmem:s6], [sflag:$0x3], $0xDC00, $0x38;
	[tilespmem:$0x1D200] =	vst v63  }
0x328: {  	_ =	swait.ge [sflag:s7], $0xDC00  }
0x329: {  	s0 =	sld [smem:$0x7F8]  }
0x32a: {  	[sflag:s7] =	ssyncset.done $0x0  }
0x32b: {  	s19 =	sld [smem:$0x7F9];
	[sflag:s7] =	ssyncadd.s32 $0xFFFF2400  }
0x32c: {  	[tilespmem:s10], [sflag:$0x2] =	stream.indirect.gather [hbm4b:s4+s5], $0x40, s0, s5, $0xb8;
	[tilespmem:$0x1D200] =	vst v63  }
0x32d: {  	s0 =	sld [smem:$0x7FA]  }
0x32e: {  	[tilespmem:s11], [sflag:$0x2] =	stream.indirect.gather [hbm4b:s4+s5], $0x40, s19, s5, $0xb8;
	[tilespmem:$0x1D200] =	vst v63  }
0x32f: {  	s19 =	sld [smem:$0x7FB]  }
0x330: {  	[tilespmem:s12], [sflag:$0x2] =	stream.indirect.gather [hbm4b:s4+s5], $0x40, s0, s5, $0xb8;
	[tilespmem:$0x1D200] =	vst v63  }
0x331: {  	s0 =	sld [smem:$0x7FC]  }
0x332: {  	[tilespmem:s13], [sflag:$0x2] =	stream.indirect.gather [hbm4b:s4+s5], $0x40, s19, s5, $0xb8;
	[tilespmem:$0x1D200] =	vst v63  }
0x333: {  	s19 =	sld [smem:$0x7FD]  }
0x334: {  	[tilespmem:s15], [sflag:$0x2] =	stream.indirect.gather [hbm4b:s4+s5], $0x40, s0, s5, $0xb8;
	[tilespmem:$0x1D200] =	vst v63  }
0x335: {  	_ = 	snop  }
0x336: {  	[tilespmem:s16], [sflag:$0x2] =	stream.indirect.gather [hbm4b:s4+s5], $0x40, s19, s5, $0xb8;
	[tilespmem:$0x1D200] =	vst v63  }
0x337: {  	s19 =	simm.s32 $0x1930  }
0x338: {  	[tilespmem:s17], [sflag:$0x2] =	stream.indirect.gather [hbm4b:s4+s5], $0x40, s19, s5, $0xb8;
	[tilespmem:$0x1D200] =	vst v63  }
0x339: {  	_ = 	snop  }
0x33a: {  	[tilespmem:s18], [sflag:$0x2] =	stream.indirect.gather [hbm4b:s4+s5], $0x40, s20, s5, $0xb8;
	[tilespmem:$0x1D200] =	vst v63  }
0x33b: {  	_ =	swait.ge [sflag:s9], $0x1900  }
0x33c: {  	[sflag:s9] =	ssyncset.done $0x0  }
0x33d: {  	[sflag:s9] =	ssyncadd.s32 $0xFFFFE700  }
0x33e: {  	_ =	swait.ge [sflag:s9], $0x1900  }
0x33f: {  	[sflag:s9] =	ssyncset.done $0x0  }
0x340: {  	[sflag:s9] =	ssyncadd.s32 $0xFFFFE700  }
0x341: {  	_ =	swait.ge [sflag:s9], $0x1900  }
0x342: {  	[sflag:s9] =	ssyncset.done $0x0  }
0x343: {  	[sflag:s9] =	ssyncadd.s32 $0xFFFFE700  }
0x344: {  	_ =	swait.ge [sflag:s9], $0x1900  }
0x345: {  	[sflag:s9] =	ssyncset.done $0x0  }
0x346: {  	[sflag:s9] =	ssyncadd.s32 $0xFFFFE700  }
0x347: {  	_ =	swait.ge [sflag:s9], $0x1900  }
0x348: {  	[sflag:s9] =	ssyncset.done $0x0  }
0x349: {  	[sflag:s9] =	ssyncadd.s32 $0xFFFFE700  }
0x34a: {  	_ =	swait.ge [sflag:s9], $0x1900  }
0x34b: {  	[sflag:s9] =	ssyncset.done $0x0  }
0x34c: {  	[sflag:s9] =	ssyncadd.s32 $0xFFFFE700  }
0x34d: {  	_ =	swait.ge [sflag:s9], $0x1900  }
0x34e: {  	[sflag:s9] =	ssyncset.done $0x0  }
0x34f: {  	[sflag:s9] =	ssyncadd.s32 $0xFFFFE700  }
0x350: {  	_ =	swait.ge [sflag:s9], $0x1900  }
0x351: {  	[sflag:s9] =	ssyncset.done $0x0  }
0x352: {  	p1 =	sne.s32 s1, $0x1;
	s19 =	rddreg [dreg:$0xb];
	[sflag:s9] =	ssyncadd.s32 $0xFFFFE700  }
0x353: {  	[hbm4b:s19+s2] =	stream.linear.scatter [tilespmem:s3], [sflag:$0x4], $0xDC00, $0x38;
	[tilespmem:$0x1D200] =	vst v63  }
.Ltmp2:
0x354: {  	_ =	swait.ge [sflag:s8], $0xDC00;
	(pc) =	sbr.rel @p1 .LBB2_4-.Ltmp2, $4  }
0x355: {  	[sflag:s8] =	ssyncset.done $0x0  }
0x356: {  	[sflag:s8] =	ssyncadd.s32 $0xFFFF2400  }
0x357: {  	_ =	swait.ge [sflag:s7], $0xDC00  }
0x358: {  	s1 =	sadd.s32 $0xFFFFFFFF, s1;
	s0 =	rddreg [dreg:$0x3];
	[sflag:s7] =	ssyncset.done $0x0  }
0x359: {  	s20 =	simm.s32 $0x1930;
	s19 =	stileid.u32  }
.LBB2_6:
0x35a: {  	[sflag:s7] =	ssyncadd.s32 @p0 $0xFFFF2400  }
0x35b: {  	[tilespmem:s2], [sflag:$0x5] =	stream.linear.gather [hbm4b:s0+s2], $0x1A00, $0x38;
	[tilespmem:$0x1D200] =	vst v63  }
0x35c: {  	_ =	swait.ge [sflag:s31], $0x1A00  }
0x35d: {  	[sflag:s31] =	ssyncset.done $0x0  }
0x35e: {  	[sflag:s31] =	ssyncadd.s32 $0xFFFFE600  }
0x35f: {  	[tilespmem:s6], [sflag:$0x5] =	stream.linear.gather [hbm4b:s30+s2], $0x500, $0x38;
	[tilespmem:$0x1D200] =	vst v63  }
0x360: {  	_ =	swait.ge [sflag:s31], $0x500  }
0x361: {  	[sflag:s31] =	ssyncset.done $0x0  }
0x362: {  	s1 =	rddreg [dreg:$0xc];
	[sflag:s31] =	ssyncadd.s32 $0xFFFFFB00  }
0x363: {  	[tilespmem:s1], [sflag:$0x5] =	stream.linear.gather [hbm4b:s30+s2], $0x500, $0x38;
	[tilespmem:$0x1D200] =	vst v63  }
0x364: {  	_ =	swait.ge [sflag:s31], $0x500  }
0x365: {  	[sflag:s31] =	ssyncset.done $0x0  }
0x366: {  	s1 =	rddreg [dreg:$0xd];
	[sflag:s31] =	ssyncadd.s32 $0xFFFFFB00  }
0x367: {  	[tilespmem:s1], [sflag:$0x5] =	stream.linear.gather [hbm4b:s30+s2], $0x500, $0x38;
	[tilespmem:$0x1D200] =	vst v63  }
0x368: {  	_ =	swait.ge [sflag:s31], $0x500  }
0x369: {  	[sflag:s31] =	ssyncset.done $0x0  }
0x36a: {  	s1 =	rddreg [dreg:$0xe];
	[sflag:s31] =	ssyncadd.s32 $0xFFFFFB00  }
0x36b: {  	[tilespmem:s1], [sflag:$0x5] =	stream.linear.gather [hbm4b:s30+s2], $0x500, $0x38;
	[tilespmem:$0x1D200] =	vst v63  }
0x36c: {  	_ =	swait.ge [sflag:s31], $0x500  }
0x36d: {  	[sflag:s31] =	ssyncset.done $0x0  }
0x36e: {  	[sflag:s31] =	ssyncadd.s32 $0xFFFFFB00  }
0x36f: {  	[tilespmem:s3], [sflag:$0x5] =	stream.linear.gather [hbm4b:s30+s2], $0x500, $0x38;
	[tilespmem:$0x1D200] =	vst v63  }
0x370: {  	_ =	swait.ge [sflag:s31], $0x500  }
0x371: {  	[sflag:s31] =	ssyncset.done $0x0  }
0x372: {  	s1 =	rddreg [dreg:$0xf];
	[sflag:s31] =	ssyncadd.s32 $0xFFFFFB00  }
0x373: {  	[tilespmem:s1], [sflag:$0x5] =	stream.linear.gather [hbm4b:s30+s2], $0x500, $0x38;
	[tilespmem:$0x1D200] =	vst v63  }
0x374: {  	_ =	swait.ge [sflag:s31], $0x500  }
0x375: {  	[sflag:s31] =	ssyncset.done $0x0  }
0x376: {  	s1 =	rddreg [dreg:$0x10];
	[sflag:s31] =	ssyncadd.s32 $0xFFFFFB00  }
0x377: {  	[tilespmem:s1], [sflag:$0x5] =	stream.linear.gather [hbm4b:s30+s2], $0x500, $0x38;
	[tilespmem:$0x1D200] =	vst v63  }
0x378: {  	_ =	swait.ge [sflag:s31], $0x500  }
0x379: {  	[sflag:s31] =	ssyncset.done $0x0  }
0x37a: {  	s1 =	rddreg [dreg:$0x11];
	[sflag:s31] =	ssyncadd.s32 $0xFFFFFB00  }
0x37b: {  	[tilespmem:s1], [sflag:$0x5] =	stream.linear.gather [hbm4b:s30+s2], $0x500, $0x38;
	[tilespmem:$0x1D200] =	vst v63  }
0x37c: {  	_ =	swait.ge [sflag:s31], $0x500  }
0x37d: {  	[sflag:s31] =	ssyncset.done $0x0  }
0x37e: {  	[sflag:s31] =	ssyncadd.s32 $0xFFFFFB00  }
0x37f: {  	[tilespmem:s21], [sflag:$0x1] =	stream.indirect.gather [hbm4b:s4+s5], $0x40, s2, s5, $0xb8;
	[tilespmem:$0x1D200] =	vst v63  }
0x380: {  	s30 =	rddreg [dreg:$0x12]  }
0x381: {  	[tilespmem:s22], [sflag:$0x1] =	stream.indirect.gather [hbm4b:s4+s5], $0x40, s30, s5, $0xb8;
	[tilespmem:$0x1D200] =	vst v63  }
0x382: {  	s1 =	rddreg [dreg:$0x13]  }
0x383: {  	[tilespmem:s23], [sflag:$0x1] =	stream.indirect.gather [hbm4b:s4+s5], $0x40, s1, s5, $0xb8;
	[tilespmem:$0x1D200] =	vst v63  }
0x384: {  	s31 =	rddreg [dreg:$0x14]  }
0x385: {  	[tilespmem:s24], [sflag:$0x1] =	stream.indirect.gather [hbm4b:s4+s5], $0x40, s31, s5, $0xb8;
	[tilespmem:$0x1D200] =	vst v63  }
0x386: {  	s30 =	rddreg [dreg:$0x15]  }
0x387: {  	[tilespmem:s25], [sflag:$0x1] =	stream.indirect.gather [hbm4b:s4+s5], $0x40, s30, s5, $0xb8;
	[tilespmem:$0x1D200] =	vst v63  }
0x388: {  	s31 =	rddreg [dreg:$0x16]  }
0x389: {  	[tilespmem:s26], [sflag:$0x1] =	stream.indirect.gather [hbm4b:s4+s5], $0x40, s31, s5, $0xb8;
	[tilespmem:$0x1D200] =	vst v63  }
0x38a: {  	s30 =	rddreg [dreg:$0x17]  }
0x38b: {  	[tilespmem:s28], [sflag:$0x1] =	stream.indirect.gather [hbm4b:s4+s5], $0x40, s30, s5, $0xb8;
	[tilespmem:$0x1D200] =	vst v63  }
0x38c: {  	s31 =	rddreg [dreg:$0x18]  }
0x38d: {  	[tilespmem:s29], [sflag:$0x1] =	stream.indirect.gather [hbm4b:s4+s5], $0x40, s31, s5, $0xb8;
	[tilespmem:$0x1D200] =	vst v63  }
0x38e: {  	_ =	swait.ge [sflag:s14], $0x1900  }
0x38f: {  	[sflag:s14] =	ssyncset.done $0x0  }
0x390: {  	[sflag:s14] =	ssyncadd.s32 $0xFFFFE700  }
0x391: {  	_ =	swait.ge [sflag:s14], $0x1900  }
0x392: {  	[sflag:s14] =	ssyncset.done $0x0  }
0x393: {  	[sflag:s14] =	ssyncadd.s32 $0xFFFFE700  }
0x394: {  	_ =	swait.ge [sflag:s14], $0x1900  }
0x395: {  	[sflag:s14] =	ssyncset.done $0x0  }
0x396: {  	[sflag:s14] =	ssyncadd.s32 $0xFFFFE700  }
0x397: {  	_ =	swait.ge [sflag:s14], $0x1900  }
0x398: {  	[sflag:s14] =	ssyncset.done $0x0  }
0x399: {  	[sflag:s14] =	ssyncadd.s32 $0xFFFFE700  }
0x39a: {  	_ =	swait.ge [sflag:s14], $0x1900  }
0x39b: {  	[sflag:s14] =	ssyncset.done $0x0  }
0x39c: {  	[sflag:s14] =	ssyncadd.s32 $0xFFFFE700  }
0x39d: {  	_ =	swait.ge [sflag:s14], $0x1900  }
0x39e: {  	[sflag:s14] =	ssyncset.done $0x0  }
0x39f: {  	[sflag:s14] =	ssyncadd.s32 $0xFFFFE700  }
0x3a0: {  	_ =	swait.ge [sflag:s14], $0x1900  }
0x3a1: {  	[sflag:s14] =	ssyncset.done $0x0  }
0x3a2: {  	[sflag:s14] =	ssyncadd.s32 $0xFFFFE700  }
0x3a3: {  	_ =	swait.ge [sflag:s14], $0x1900  }
0x3a4: {  	s1 =	rddreg [dreg:$0x4];
	[sflag:s14] =	ssyncset.done $0x0  }
0x3a5: {  	s30 =	rddreg [dreg:$0x19];
	[sflag:s14] =	ssyncadd.s32 $0xFFFFE700  }
0x3a6: {  	[hbm4b:s1+s2] =	stream.linear.scatter [tilespmem:s6], [sflag:$0x3], $0xDC00, $0x38;
	[tilespmem:$0x1D200] =	vst v63  }
0x3a7: {  	s31 =	rddreg [dreg:$0x1a]  }
0x3a8: {  	[tilespmem:s10], [sflag:$0x2] =	stream.indirect.gather [hbm4b:s4+s5], $0x40, s30, s5, $0xb8;
	[tilespmem:$0x1D200] =	vst v63  }
0x3a9: {  	s30 =	rddreg [dreg:$0x1b]  }
0x3aa: {  	[tilespmem:s11], [sflag:$0x2] =	stream.indirect.gather [hbm4b:s4+s5], $0x40, s31, s5, $0xb8;
	[tilespmem:$0x1D200] =	vst v63  }
0x3ab: {  	s31 =	rddreg [dreg:$0x1c]  }
0x3ac: {  	[tilespmem:s12], [sflag:$0x2] =	stream.indirect.gather [hbm4b:s4+s5], $0x40, s30, s5, $0xb8;
	[tilespmem:$0x1D200] =	vst v63  }
0x3ad: {  	s30 =	rddreg [dreg:$0x1d]  }
0x3ae: {  	[tilespmem:s13], [sflag:$0x2] =	stream.indirect.gather [hbm4b:s4+s5], $0x40, s31, s5, $0xb8;
	[tilespmem:$0x1D200] =	vst v63  }
0x3af: {  	s31 =	rddreg [dreg:$0x1e]  }
0x3b0: {  	[tilespmem:s15], [sflag:$0x2] =	stream.indirect.gather [hbm4b:s4+s5], $0x40, s30, s5, $0xb8;
	[tilespmem:$0x1D200] =	vst v63  }
0x3b1: {  	s30 =	rddreg [dreg:$0x1f]  }
0x3b2: {  	[tilespmem:s16], [sflag:$0x2] =	stream.indirect.gather [hbm4b:s4+s5], $0x40, s31, s5, $0xb8;
	[tilespmem:$0x1D200] =	vst v63  }
0x3b3: {  	s31 =	sld [smem:$0x7CF]  }
0x3b4: {  	[tilespmem:s17], [sflag:$0x2] =	stream.indirect.gather [hbm4b:s4+s5], $0x40, s30, s5, $0xb8;
	[tilespmem:$0x1D200] =	vst v63  }
0x3b5: {  	_ = 	snop  }
0x3b6: {  	[tilespmem:s18], [sflag:$0x2] =	stream.indirect.gather [hbm4b:s4+s5], $0x40, s31, s5, $0xb8;
	[tilespmem:$0x1D200] =	vst v63  }
0x3b7: {  	_ =	swait.ge [sflag:s9], $0x1900  }
0x3b8: {  	[sflag:s9] =	ssyncset.done $0x0  }
0x3b9: {  	[sflag:s9] =	ssyncadd.s32 $0xFFFFE700  }
0x3ba: {  	_ =	swait.ge [sflag:s9], $0x1900  }
0x3bb: {  	[sflag:s9] =	ssyncset.done $0x0  }
0x3bc: {  	[sflag:s9] =	ssyncadd.s32 $0xFFFFE700  }
0x3bd: {  	_ =	swait.ge [sflag:s9], $0x1900  }
0x3be: {  	[sflag:s9] =	ssyncset.done $0x0  }
0x3bf: {  	[sflag:s9] =	ssyncadd.s32 $0xFFFFE700  }
0x3c0: {  	_ =	swait.ge [sflag:s9], $0x1900  }
0x3c1: {  	[sflag:s9] =	ssyncset.done $0x0  }
0x3c2: {  	[sflag:s9] =	ssyncadd.s32 $0xFFFFE700  }
0x3c3: {  	_ =	swait.ge [sflag:s9], $0x1900  }
0x3c4: {  	[sflag:s9] =	ssyncset.done $0x0  }
0x3c5: {  	[sflag:s9] =	ssyncadd.s32 $0xFFFFE700  }
0x3c6: {  	_ =	swait.ge [sflag:s9], $0x1900  }
0x3c7: {  	[sflag:s9] =	ssyncset.done $0x0  }
0x3c8: {  	[sflag:s9] =	ssyncadd.s32 $0xFFFFE700  }
0x3c9: {  	_ =	swait.ge [sflag:s9], $0x1900  }
0x3ca: {  	[sflag:s9] =	ssyncset.done $0x0  }
0x3cb: {  	[sflag:s9] =	ssyncadd.s32 $0xFFFFE700  }
0x3cc: {  	_ =	swait.ge [sflag:s9], $0x1900  }
0x3cd: {  	[sflag:s9] =	ssyncset.done $0x0  }
0x3ce: {  	s1 =	rddreg [dreg:$0x5];
	[sflag:s9] =	ssyncadd.s32 $0xFFFFE700  }
0x3cf: {  	[hbm4b:s1+s2] =	stream.linear.scatter [tilespmem:s3], [sflag:$0x4], $0xDC00, $0x38;
	[tilespmem:$0x1D200] =	vst v63  }
0x3d0: {  	_ =	swait.ge [sflag:s8], $0xDC00  }
0x3d1: {  	s30 =	sld [smem:$0x7D0]  }
0x3d2: {  	[sflag:s8] =	ssyncset.done $0x0  }
0x3d3: {  	s31 =	sld [smem:$0x7D1];
	[sflag:s8] =	ssyncadd.s32 $0xFFFF2400  }
0x3d4: {  	[tilespmem:s21], [sflag:$0x1] =	stream.indirect.gather [hbm4b:s4+s5], $0x40, s30, s5, $0xb8;
	[tilespmem:$0x1D200] =	vst v63  }
0x3d5: {  	s30 =	sld [smem:$0x7D2]  }
0x3d6: {  	[tilespmem:s22], [sflag:$0x1] =	stream.indirect.gather [hbm4b:s4+s5], $0x40, s31, s5, $0xb8;
	[tilespmem:$0x1D200] =	vst v63  }
0x3d7: {  	s31 =	sld [smem:$0x7D3]  }
0x3d8: {  	[tilespmem:s23], [sflag:$0x1] =	stream.indirect.gather [hbm4b:s4+s5], $0x40, s30, s5, $0xb8;
	[tilespmem:$0x1D200] =	vst v63  }
0x3d9: {  	s30 =	sld [smem:$0x7D4]  }
0x3da: {  	[tilespmem:s24], [sflag:$0x1] =	stream.indirect.gather [hbm4b:s4+s5], $0x40, s31, s5, $0xb8;
	[tilespmem:$0x1D200] =	vst v63  }
0x3db: {  	s31 =	sld [smem:$0x7D5]  }
0x3dc: {  	[tilespmem:s25], [sflag:$0x1] =	stream.indirect.gather [hbm4b:s4+s5], $0x40, s30, s5, $0xb8;
	[tilespmem:$0x1D200] =	vst v63  }
0x3dd: {  	s30 =	sld [smem:$0x7D6]  }
0x3de: {  	[tilespmem:s26], [sflag:$0x1] =	stream.indirect.gather [hbm4b:s4+s5], $0x40, s31, s5, $0xb8;
	[tilespmem:$0x1D200] =	vst v63  }
0x3df: {  	s31 =	sld [smem:$0x7D7]  }
0x3e0: {  	[tilespmem:s28], [sflag:$0x1] =	stream.indirect.gather [hbm4b:s4+s5], $0x40, s30, s5, $0xb8;
	[tilespmem:$0x1D200] =	vst v63  }
0x3e1: {  	_ = 	snop  }
0x3e2: {  	[tilespmem:s29], [sflag:$0x1] =	stream.indirect.gather [hbm4b:s4+s5], $0x40, s31, s5, $0xb8;
	[tilespmem:$0x1D200] =	vst v63  }
0x3e3: {  	_ =	swait.ge [sflag:s14], $0x1900  }
0x3e4: {  	[sflag:s14] =	ssyncset.done $0x0  }
0x3e5: {  	[sflag:s14] =	ssyncadd.s32 $0xFFFFE700  }
0x3e6: {  	_ =	swait.ge [sflag:s14], $0x1900  }
0x3e7: {  	[sflag:s14] =	ssyncset.done $0x0  }
0x3e8: {  	[sflag:s14] =	ssyncadd.s32 $0xFFFFE700  }
0x3e9: {  	_ =	swait.ge [sflag:s14], $0x1900  }
0x3ea: {  	[sflag:s14] =	ssyncset.done $0x0  }
0x3eb: {  	[sflag:s14] =	ssyncadd.s32 $0xFFFFE700  }
0x3ec: {  	_ =	swait.ge [sflag:s14], $0x1900  }
0x3ed: {  	[sflag:s14] =	ssyncset.done $0x0  }
0x3ee: {  	[sflag:s14] =	ssyncadd.s32 $0xFFFFE700  }
0x3ef: {  	_ =	swait.ge [sflag:s14], $0x1900  }
0x3f0: {  	[sflag:s14] =	ssyncset.done $0x0  }
0x3f1: {  	[sflag:s14] =	ssyncadd.s32 $0xFFFFE700  }
0x3f2: {  	_ =	swait.ge [sflag:s14], $0x1900  }
0x3f3: {  	[sflag:s14] =	ssyncset.done $0x0  }
0x3f4: {  	[sflag:s14] =	ssyncadd.s32 $0xFFFFE700  }
0x3f5: {  	_ =	swait.ge [sflag:s14], $0x1900  }
0x3f6: {  	[sflag:s14] =	ssyncset.done $0x0  }
0x3f7: {  	[sflag:s14] =	ssyncadd.s32 $0xFFFFE700  }
0x3f8: {  	_ =	swait.ge [sflag:s14], $0x1900  }
0x3f9: {  	[sflag:s14] =	ssyncset.done $0x0  }
0x3fa: {  	s1 =	rddreg [dreg:$0x6];
	[sflag:s14] =	ssyncadd.s32 $0xFFFFE700  }
0x3fb: {  	[hbm4b:s1+s2] =	stream.linear.scatter [tilespmem:s6], [sflag:$0x3], $0xDC00, $0x38;
	[tilespmem:$0x1D200] =	vst v63  }
0x3fc: {  	_ =	swait.ge [sflag:s7], $0xDC00  }
0x3fd: {  	s30 =	sld [smem:$0x7D8]  }
0x3fe: {  	[sflag:s7] =	ssyncset.done $0x0  }
0x3ff: {  	s31 =	sld [smem:$0x7D9];
	[sflag:s7] =	ssyncadd.s32 $0xFFFF2400  }
0x400: {  	[tilespmem:s10], [sflag:$0x2] =	stream.indirect.gather [hbm4b:s4+s5], $0x40, s30, s5, $0xb8;
	[tilespmem:$0x1D200] =	vst v63  }
0x401: {  	s30 =	sld [smem:$0x7DA]  }
0x402: {  	[tilespmem:s11], [sflag:$0x2] =	stream.indirect.gather [hbm4b:s4+s5], $0x40, s31, s5, $0xb8;
	[tilespmem:$0x1D200] =	vst v63  }
0x403: {  	s31 =	sld [smem:$0x7DB]  }
0x404: {  	[tilespmem:s12], [sflag:$0x2] =	stream.indirect.gather [hbm4b:s4+s5], $0x40, s30, s5, $0xb8;
	[tilespmem:$0x1D200] =	vst v63  }
0x405: {  	s30 =	sld [smem:$0x7DC]  }
0x406: {  	[tilespmem:s13], [sflag:$0x2] =	stream.indirect.gather [hbm4b:s4+s5], $0x40, s31, s5, $0xb8;
	[tilespmem:$0x1D200] =	vst v63  }
0x407: {  	s31 =	sld [smem:$0x7DD]  }
0x408: {  	[tilespmem:s15], [sflag:$0x2] =	stream.indirect.gather [hbm4b:s4+s5], $0x40, s30, s5, $0xb8;
	[tilespmem:$0x1D200] =	vst v63  }
0x409: {  	s30 =	sld [smem:$0x7DE]  }
0x40a: {  	[tilespmem:s16], [sflag:$0x2] =	stream.indirect.gather [hbm4b:s4+s5], $0x40, s31, s5, $0xb8;
	[tilespmem:$0x1D200] =	vst v63  }
0x40b: {  	s31 =	sld [smem:$0x7DF]  }
0x40c: {  	[tilespmem:s17], [sflag:$0x2] =	stream.indirect.gather [hbm4b:s4+s5], $0x40, s30, s5, $0xb8;
	[tilespmem:$0x1D200] =	vst v63  }
0x40d: {  	_ = 	snop  }
0x40e: {  	[tilespmem:s18], [sflag:$0x2] =	stream.indirect.gather [hbm4b:s4+s5], $0x40, s31, s5, $0xb8;
	[tilespmem:$0x1D200] =	vst v63  }
0x40f: {  	_ =	swait.ge [sflag:s9], $0x1900  }
0x410: {  	[sflag:s9] =	ssyncset.done $0x0  }
0x411: {  	[sflag:s9] =	ssyncadd.s32 $0xFFFFE700  }
0x412: {  	_ =	swait.ge [sflag:s9], $0x1900  }
0x413: {  	[sflag:s9] =	ssyncset.done $0x0  }
0x414: {  	[sflag:s9] =	ssyncadd.s32 $0xFFFFE700  }
0x415: {  	_ =	swait.ge [sflag:s9], $0x1900  }
0x416: {  	[sflag:s9] =	ssyncset.done $0x0  }
0x417: {  	[sflag:s9] =	ssyncadd.s32 $0xFFFFE700  }
0x418: {  	_ =	swait.ge [sflag:s9], $0x1900  }
0x419: {  	[sflag:s9] =	ssyncset.done $0x0  }
0x41a: {  	[sflag:s9] =	ssyncadd.s32 $0xFFFFE700  }
0x41b: {  	_ =	swait.ge [sflag:s9], $0x1900  }
0x41c: {  	[sflag:s9] =	ssyncset.done $0x0  }
0x41d: {  	[sflag:s9] =	ssyncadd.s32 $0xFFFFE700  }
0x41e: {  	_ =	swait.ge [sflag:s9], $0x1900  }
0x41f: {  	[sflag:s9] =	ssyncset.done $0x0  }
0x420: {  	[sflag:s9] =	ssyncadd.s32 $0xFFFFE700  }
0x421: {  	_ =	swait.ge [sflag:s9], $0x1900  }
0x422: {  	[sflag:s9] =	ssyncset.done $0x0  }
0x423: {  	[sflag:s9] =	ssyncadd.s32 $0xFFFFE700  }
0x424: {  	_ =	swait.ge [sflag:s9], $0x1900  }
0x425: {  	[sflag:s9] =	ssyncset.done $0x0  }
0x426: {  	s1 =	rddreg [dreg:$0x7];
	[sflag:s9] =	ssyncadd.s32 $0xFFFFE700  }
0x427: {  	[hbm4b:s1+s2] =	stream.linear.scatter [tilespmem:s3], [sflag:$0x4], $0xDC00, $0x38;
	[tilespmem:$0x1D200] =	vst v63  }
0x428: {  	_ =	swait.ge [sflag:s8], $0xDC00  }
0x429: {  	s30 =	sld [smem:$0x7E0]  }
0x42a: {  	[sflag:s8] =	ssyncset.done $0x0  }
0x42b: {  	s31 =	sld [smem:$0x7E1];
	[sflag:s8] =	ssyncadd.s32 $0xFFFF2400  }
0x42c: {  	[tilespmem:s21], [sflag:$0x1] =	stream.indirect.gather [hbm4b:s4+s5], $0x40, s30, s5, $0xb8;
	[tilespmem:$0x1D200] =	vst v63  }
0x42d: {  	s30 =	sld [smem:$0x7E2]  }
0x42e: {  	[tilespmem:s22], [sflag:$0x1] =	stream.indirect.gather [hbm4b:s4+s5], $0x40, s31, s5, $0xb8;
	[tilespmem:$0x1D200] =	vst v63  }
0x42f: {  	s31 =	sld [smem:$0x7E3]  }
0x430: {  	[tilespmem:s23], [sflag:$0x1] =	stream.indirect.gather [hbm4b:s4+s5], $0x40, s30, s5, $0xb8;
	[tilespmem:$0x1D200] =	vst v63  }
0x431: {  	s30 =	sld [smem:$0x7E4]  }
0x432: {  	[tilespmem:s24], [sflag:$0x1] =	stream.indirect.gather [hbm4b:s4+s5], $0x40, s31, s5, $0xb8;
	[tilespmem:$0x1D200] =	vst v63  }
0x433: {  	s31 =	sld [smem:$0x7E5]  }
0x434: {  	[tilespmem:s25], [sflag:$0x1] =	stream.indirect.gather [hbm4b:s4+s5], $0x40, s30, s5, $0xb8;
	[tilespmem:$0x1D200] =	vst v63  }
0x435: {  	s30 =	sld [smem:$0x7E6]  }
0x436: {  	[tilespmem:s26], [sflag:$0x1] =	stream.indirect.gather [hbm4b:s4+s5], $0x40, s31, s5, $0xb8;
	[tilespmem:$0x1D200] =	vst v63  }
0x437: {  	s31 =	sld [smem:$0x7E7]  }
0x438: {  	[tilespmem:s28], [sflag:$0x1] =	stream.indirect.gather [hbm4b:s4+s5], $0x40, s30, s5, $0xb8;
	[tilespmem:$0x1D200] =	vst v63  }
0x439: {  	_ = 	snop  }
0x43a: {  	[tilespmem:s29], [sflag:$0x1] =	stream.indirect.gather [hbm4b:s4+s5], $0x40, s31, s5, $0xb8;
	[tilespmem:$0x1D200] =	vst v63  }
0x43b: {  	_ =	swait.ge [sflag:s14], $0x1900  }
0x43c: {  	[sflag:s14] =	ssyncset.done $0x0  }
0x43d: {  	[sflag:s14] =	ssyncadd.s32 $0xFFFFE700  }
0x43e: {  	_ =	swait.ge [sflag:s14], $0x1900  }
0x43f: {  	[sflag:s14] =	ssyncset.done $0x0  }
0x440: {  	[sflag:s14] =	ssyncadd.s32 $0xFFFFE700  }
0x441: {  	_ =	swait.ge [sflag:s14], $0x1900  }
0x442: {  	[sflag:s14] =	ssyncset.done $0x0  }
0x443: {  	[sflag:s14] =	ssyncadd.s32 $0xFFFFE700  }
0x444: {  	_ =	swait.ge [sflag:s14], $0x1900  }
0x445: {  	[sflag:s14] =	ssyncset.done $0x0  }
0x446: {  	[sflag:s14] =	ssyncadd.s32 $0xFFFFE700  }
0x447: {  	_ =	swait.ge [sflag:s14], $0x1900  }
0x448: {  	[sflag:s14] =	ssyncset.done $0x0  }
0x449: {  	[sflag:s14] =	ssyncadd.s32 $0xFFFFE700  }
0x44a: {  	_ =	swait.ge [sflag:s14], $0x1900  }
0x44b: {  	[sflag:s14] =	ssyncset.done $0x0  }
0x44c: {  	[sflag:s14] =	ssyncadd.s32 $0xFFFFE700  }
0x44d: {  	_ =	swait.ge [sflag:s14], $0x1900  }
0x44e: {  	[sflag:s14] =	ssyncset.done $0x0  }
0x44f: {  	[sflag:s14] =	ssyncadd.s32 $0xFFFFE700  }
0x450: {  	_ =	swait.ge [sflag:s14], $0x1900  }
0x451: {  	[sflag:s14] =	ssyncset.done $0x0  }
0x452: {  	s1 =	rddreg [dreg:$0x8];
	[sflag:s14] =	ssyncadd.s32 $0xFFFFE700  }
0x453: {  	[hbm4b:s1+s2] =	stream.linear.scatter [tilespmem:s6], [sflag:$0x3], $0xDC00, $0x38;
	[tilespmem:$0x1D200] =	vst v63  }
0x454: {  	_ =	swait.ge [sflag:s7], $0xDC00  }
0x455: {  	s30 =	sld [smem:$0x7E8]  }
0x456: {  	[sflag:s7] =	ssyncset.done $0x0  }
0x457: {  	s31 =	sld [smem:$0x7E9];
	[sflag:s7] =	ssyncadd.s32 $0xFFFF2400  }
0x458: {  	[tilespmem:s10], [sflag:$0x2] =	stream.indirect.gather [hbm4b:s4+s5], $0x40, s30, s5, $0xb8;
	[tilespmem:$0x1D200] =	vst v63  }
0x459: {  	s30 =	sld [smem:$0x7EA]  }
0x45a: {  	[tilespmem:s11], [sflag:$0x2] =	stream.indirect.gather [hbm4b:s4+s5], $0x40, s31, s5, $0xb8;
	[tilespmem:$0x1D200] =	vst v63  }
0x45b: {  	s31 =	sld [smem:$0x7EB]  }
0x45c: {  	[tilespmem:s12], [sflag:$0x2] =	stream.indirect.gather [hbm4b:s4+s5], $0x40, s30, s5, $0xb8;
	[tilespmem:$0x1D200] =	vst v63  }
0x45d: {  	s30 =	sld [smem:$0x7EC]  }
0x45e: {  	[tilespmem:s13], [sflag:$0x2] =	stream.indirect.gather [hbm4b:s4+s5], $0x40, s31, s5, $0xb8;
	[tilespmem:$0x1D200] =	vst v63  }
0x45f: {  	s31 =	sld [smem:$0x7ED]  }
0x460: {  	[tilespmem:s15], [sflag:$0x2] =	stream.indirect.gather [hbm4b:s4+s5], $0x40, s30, s5, $0xb8;
	[tilespmem:$0x1D200] =	vst v63  }
0x461: {  	s30 =	sld [smem:$0x7EE]  }
0x462: {  	[tilespmem:s16], [sflag:$0x2] =	stream.indirect.gather [hbm4b:s4+s5], $0x40, s31, s5, $0xb8;
	[tilespmem:$0x1D200] =	vst v63  }
0x463: {  	s31 =	sld [smem:$0x7EF]  }
0x464: {  	[tilespmem:s17], [sflag:$0x2] =	stream.indirect.gather [hbm4b:s4+s5], $0x40, s30, s5, $0xb8;
	[tilespmem:$0x1D200] =	vst v63  }
0x465: {  	_ = 	snop  }
0x466: {  	[tilespmem:s18], [sflag:$0x2] =	stream.indirect.gather [hbm4b:s4+s5], $0x40, s31, s5, $0xb8;
	[tilespmem:$0x1D200] =	vst v63  }
0x467: {  	_ =	swait.ge [sflag:s9], $0x1900  }
0x468: {  	[sflag:s9] =	ssyncset.done $0x0  }
0x469: {  	[sflag:s9] =	ssyncadd.s32 $0xFFFFE700  }
0x46a: {  	_ =	swait.ge [sflag:s9], $0x1900  }
0x46b: {  	[sflag:s9] =	ssyncset.done $0x0  }
0x46c: {  	[sflag:s9] =	ssyncadd.s32 $0xFFFFE700  }
0x46d: {  	_ =	swait.ge [sflag:s9], $0x1900  }
0x46e: {  	[sflag:s9] =	ssyncset.done $0x0  }
0x46f: {  	[sflag:s9] =	ssyncadd.s32 $0xFFFFE700  }
0x470: {  	_ =	swait.ge [sflag:s9], $0x1900  }
0x471: {  	[sflag:s9] =	ssyncset.done $0x0  }
0x472: {  	[sflag:s9] =	ssyncadd.s32 $0xFFFFE700  }
0x473: {  	_ =	swait.ge [sflag:s9], $0x1900  }
0x474: {  	[sflag:s9] =	ssyncset.done $0x0  }
0x475: {  	[sflag:s9] =	ssyncadd.s32 $0xFFFFE700  }
0x476: {  	_ =	swait.ge [sflag:s9], $0x1900  }
0x477: {  	[sflag:s9] =	ssyncset.done $0x0  }
0x478: {  	[sflag:s9] =	ssyncadd.s32 $0xFFFFE700  }
0x479: {  	_ =	swait.ge [sflag:s9], $0x1900  }
0x47a: {  	[sflag:s9] =	ssyncset.done $0x0  }
0x47b: {  	[sflag:s9] =	ssyncadd.s32 $0xFFFFE700  }
0x47c: {  	_ =	swait.ge [sflag:s9], $0x1900  }
0x47d: {  	[sflag:s9] =	ssyncset.done $0x0  }
0x47e: {  	s1 =	rddreg [dreg:$0x9];
	[sflag:s9] =	ssyncadd.s32 $0xFFFFE700  }
0x47f: {  	[hbm4b:s1+s2] =	stream.linear.scatter [tilespmem:s3], [sflag:$0x4], $0xDC00, $0x38;
	[tilespmem:$0x1D200] =	vst v63  }
0x480: {  	_ =	swait.ge [sflag:s8], $0xDC00  }
0x481: {  	s30 =	sld [smem:$0x7F0]  }
0x482: {  	[sflag:s8] =	ssyncset.done $0x0  }
0x483: {  	s31 =	sld [smem:$0x7F1];
	[sflag:s8] =	ssyncadd.s32 $0xFFFF2400  }
0x484: {  	[tilespmem:s21], [sflag:$0x1] =	stream.indirect.gather [hbm4b:s4+s5], $0x40, s30, s5, $0xb8;
	[tilespmem:$0x1D200] =	vst v63  }
0x485: {  	s21 =	sld [smem:$0x7F2]  }
0x486: {  	[tilespmem:s22], [sflag:$0x1] =	stream.indirect.gather [hbm4b:s4+s5], $0x40, s31, s5, $0xb8;
	[tilespmem:$0x1D200] =	vst v63  }
0x487: {  	s22 =	sld [smem:$0x7F3]  }
0x488: {  	[tilespmem:s23], [sflag:$0x1] =	stream.indirect.gather [hbm4b:s4+s5], $0x40, s21, s5, $0xb8;
	[tilespmem:$0x1D200] =	vst v63  }
0x489: {  	s23 =	sld [smem:$0x7F4]  }
0x48a: {  	[tilespmem:s24], [sflag:$0x1] =	stream.indirect.gather [hbm4b:s4+s5], $0x40, s22, s5, $0xb8;
	[tilespmem:$0x1D200] =	vst v63  }
0x48b: {  	s30 =	sld [smem:$0x7F5]  }
0x48c: {  	[tilespmem:s25], [sflag:$0x1] =	stream.indirect.gather [hbm4b:s4+s5], $0x40, s23, s5, $0xb8;
	[tilespmem:$0x1D200] =	vst v63  }
0x48d: {  	s31 =	sld [smem:$0x7F6]  }
0x48e: {  	[tilespmem:s26], [sflag:$0x1] =	stream.indirect.gather [hbm4b:s4+s5], $0x40, s30, s5, $0xb8;
	[tilespmem:$0x1D200] =	vst v63  }
0x48f: {  	s21 =	sld [smem:$0x7F7]  }
0x490: {  	[tilespmem:s28], [sflag:$0x1] =	stream.indirect.gather [hbm4b:s4+s5], $0x40, s31, s5, $0xb8;
	[tilespmem:$0x1D200] =	vst v63  }
0x491: {  	_ = 	snop  }
0x492: {  	[tilespmem:s29], [sflag:$0x1] =	stream.indirect.gather [hbm4b:s4+s5], $0x40, s21, s5, $0xb8;
	[tilespmem:$0x1D200] =	vst v63  }
0x493: {  	_ =	swait.ge [sflag:s14], $0x1900  }
0x494: {  	[sflag:s14] =	ssyncset.done $0x0  }
0x495: {  	[sflag:s14] =	ssyncadd.s32 $0xFFFFE700  }
0x496: {  	_ =	swait.ge [sflag:s14], $0x1900  }
0x497: {  	[sflag:s14] =	ssyncset.done $0x0  }
0x498: {  	[sflag:s14] =	ssyncadd.s32 $0xFFFFE700  }
0x499: {  	_ =	swait.ge [sflag:s14], $0x1900  }
0x49a: {  	[sflag:s14] =	ssyncset.done $0x0  }
0x49b: {  	[sflag:s14] =	ssyncadd.s32 $0xFFFFE700  }
0x49c: {  	_ =	swait.ge [sflag:s14], $0x1900  }
0x49d: {  	[sflag:s14] =	ssyncset.done $0x0  }
0x49e: {  	[sflag:s14] =	ssyncadd.s32 $0xFFFFE700  }
0x49f: {  	_ =	swait.ge [sflag:s14], $0x1900  }
0x4a0: {  	[sflag:s14] =	ssyncset.done $0x0  }
0x4a1: {  	[sflag:s14] =	ssyncadd.s32 $0xFFFFE700  }
0x4a2: {  	_ =	swait.ge [sflag:s14], $0x1900  }
0x4a3: {  	[sflag:s14] =	ssyncset.done $0x0  }
0x4a4: {  	[sflag:s14] =	ssyncadd.s32 $0xFFFFE700  }
0x4a5: {  	_ =	swait.ge [sflag:s14], $0x1900  }
0x4a6: {  	[sflag:s14] =	ssyncset.done $0x0  }
0x4a7: {  	[sflag:s14] =	ssyncadd.s32 $0xFFFFE700  }
0x4a8: {  	_ =	swait.ge [sflag:s14], $0x1900  }
0x4a9: {  	[sflag:s14] =	ssyncset.done $0x0  }
0x4aa: {  	s22 =	rddreg [dreg:$0xa];
	[sflag:s14] =	ssyncadd.s32 $0xFFFFE700  }
0x4ab: {  	[hbm4b:s22+s2] =	stream.linear.scatter [tilespmem:s6], [sflag:$0x3], $0xDC00, $0x38;
	[tilespmem:$0x1D200] =	vst v63  }
0x4ac: {  	_ =	swait.ge [sflag:s7], $0xDC00  }
0x4ad: {  	s23 =	sld [smem:$0x7F8]  }
0x4ae: {  	[sflag:s7] =	ssyncset.done $0x0  }
0x4af: {  	s24 =	sld [smem:$0x7F9];
	[sflag:s7] =	ssyncadd.s32 $0xFFFF2400  }
0x4b0: {  	[tilespmem:s10], [sflag:$0x2] =	stream.indirect.gather [hbm4b:s4+s5], $0x40, s23, s5, $0xb8;
	[tilespmem:$0x1D200] =	vst v63  }
0x4b1: {  	s25 =	sld [smem:$0x7FA]  }
0x4b2: {  	[tilespmem:s11], [sflag:$0x2] =	stream.indirect.gather [hbm4b:s4+s5], $0x40, s24, s5, $0xb8;
	[tilespmem:$0x1D200] =	vst v63  }
0x4b3: {  	s26 =	sld [smem:$0x7FB]  }
0x4b4: {  	[tilespmem:s12], [sflag:$0x2] =	stream.indirect.gather [hbm4b:s4+s5], $0x40, s25, s5, $0xb8;
	[tilespmem:$0x1D200] =	vst v63  }
0x4b5: {  	s28 =	sld [smem:$0x7FC]  }
0x4b6: {  	[tilespmem:s13], [sflag:$0x2] =	stream.indirect.gather [hbm4b:s4+s5], $0x40, s26, s5, $0xb8;
	[tilespmem:$0x1D200] =	vst v63  }
0x4b7: {  	s29 =	sld [smem:$0x7FD]  }
0x4b8: {  	[tilespmem:s15], [sflag:$0x2] =	stream.indirect.gather [hbm4b:s4+s5], $0x40, s28, s5, $0xb8;
	[tilespmem:$0x1D200] =	vst v63  }
0x4b9: {  	_ = 	snop  }
0x4ba: {  	[tilespmem:s16], [sflag:$0x2] =	stream.indirect.gather [hbm4b:s4+s5], $0x40, s29, s5, $0xb8;
	[tilespmem:$0x1D200] =	vst v63  }
0x4bb: {  	_ = 	snop  }
0x4bc: {  	[tilespmem:s17], [sflag:$0x2] =	stream.indirect.gather [hbm4b:s4+s5], $0x40, s20, s5, $0xb8;
	[tilespmem:$0x1D200] =	vst v63  }
0x4bd: {  	s30 =	simm.s32 $0x1998  }
0x4be: {  	[tilespmem:s18], [sflag:$0x2] =	stream.indirect.gather [hbm4b:s4+s5], $0x40, s30, s5, $0xb8;
	[tilespmem:$0x1D200] =	vst v63  }
0x4bf: {  	_ =	swait.ge [sflag:s9], $0x1900  }
0x4c0: {  	[sflag:s9] =	ssyncset.done $0x0  }
0x4c1: {  	[sflag:s9] =	ssyncadd.s32 $0xFFFFE700  }
0x4c2: {  	_ =	swait.ge [sflag:s9], $0x1900  }
0x4c3: {  	[sflag:s9] =	ssyncset.done $0x0  }
0x4c4: {  	[sflag:s9] =	ssyncadd.s32 $0xFFFFE700  }
0x4c5: {  	_ =	swait.ge [sflag:s9], $0x1900  }
0x4c6: {  	[sflag:s9] =	ssyncset.done $0x0  }
0x4c7: {  	[sflag:s9] =	ssyncadd.s32 $0xFFFFE700  }
0x4c8: {  	_ =	swait.ge [sflag:s9], $0x1900  }
0x4c9: {  	[sflag:s9] =	ssyncset.done $0x0  }
0x4ca: {  	[sflag:s9] =	ssyncadd.s32 $0xFFFFE700  }
0x4cb: {  	_ =	swait.ge [sflag:s9], $0x1900  }
0x4cc: {  	[sflag:s9] =	ssyncset.done $0x0  }
0x4cd: {  	[sflag:s9] =	ssyncadd.s32 $0xFFFFE700  }
0x4ce: {  	_ =	swait.ge [sflag:s9], $0x1900  }
0x4cf: {  	[sflag:s9] =	ssyncset.done $0x0  }
0x4d0: {  	[sflag:s9] =	ssyncadd.s32 $0xFFFFE700  }
0x4d1: {  	_ =	swait.ge [sflag:s9], $0x1900  }
0x4d2: {  	[sflag:s9] =	ssyncset.done $0x0  }
0x4d3: {  	[sflag:s9] =	ssyncadd.s32 $0xFFFFE700  }
0x4d4: {  	_ =	swait.ge [sflag:s9], $0x1900  }
0x4d5: {  	[sflag:s9] =	ssyncset.done $0x0  }
0x4d6: {  	s31 =	rddreg [dreg:$0xb];
	[sflag:s9] =	ssyncadd.s32 $0xFFFFE700  }
0x4d7: {  	[hbm4b:s31+s2] =	stream.linear.scatter [tilespmem:s3], [sflag:$0x4], $0xDC00, $0x38;
	[tilespmem:$0x1D200] =	vst v63  }
0x4d8: {  	_ =	swait.ge [sflag:s8], $0xDC00  }
0x4d9: {  	[sflag:s8] =	ssyncset.done $0x0  }
0x4da: {  	[sflag:s8] =	ssyncadd.s32 $0xFFFF2400  }
0x4db: {  	_ =	swait.ge [sflag:s7], $0xDC00  }
0x4dc: {  	[sflag:s7] =	ssyncset.done $0x0  }
0x4dd: {  	[sflag:s7] =	ssyncadd.s32 $0xFFFF2400  }
0x4de: {  	_ =	sfence.sel $0x180000  }
0x4df: {  	[bflag:$0x0] =	sbarrier.arrive $0xFFFF  }
0x4e0: {  	_ =	strace $0x90000047  }
0x4e1: {  	[bflag:$0x2] =	sbarrier.arrive $0xFFFF  }
0x4e2: {  	p0 =	sne.s32 s19, $0x0;
	s0 =	rddreg [dreg:$0x2]  }
0x4e3: {  	s0 =	sadd.s32 @!p0 $0x100000, s0  }
0x4e4: {  	[sflag:s0] =	ssyncadd.tile.s32 @!p0 $0x1;
	_ =	shalt  }
.LBB2_1:
.Ltmp3:
0x4e5: {  	(pc) =	sbr.rel .LBB2_6-.Ltmp3, $2  }
0x4e6: {  	_ =	sdelay $0x2  }
0x4e7: {  	s20 =	simm.s32 $0x1930  }
.LBB2_3:
.Ltmp4:
0x4e8: {  	(pc) =	sbr.rel .LBB2_6-.Ltmp4, $2  }
0x4e9: {  	_ =	sdelay $0x2  }
0x4ea: {  	s20 =	simm.s32 $0x1930;
	s19 =	stileid.u32  }
.Lfunc_end2:
_tile_overlayer_lowered:
.L_overlay_start_2:
0x4eb: {  	(tag) =	ssettag $0x2  }
0x4ec: {  	s0 =	rddreg [dreg:$0x0];
	s2 =	stileid.u32  }
0x4ed: {  	s1 =	rddreg [dreg:$0x1];
	p0 =	sne.s32 s2, $0x0  }
0x4ee: {  	s3 =	rddreg [dreg:$0x2];
	[bflag:$0x3] =	sbarrier.arrive $0xFFFF;
	s2 =	simm.s32 @!p0 $0x1C05  }
0x4ef: {  	[timem:s3], [sflag:s2] =	dma.local @!p0 [hbm:s0], s1  }
0x4f0: {  	s0 =	simm.s32 @!p0 $0x5  }
0x4f1: {  	_ =	swait.ge @!p0 [sflag:s0], s1  }
0x4f2: {  	s1 =	ssub.s32 @!p0 $0x0, s1;
	[sflag:s0] =	ssyncset.done @!p0 $0x0  }
0x4f3: {  	[sflag:s0] =	ssyncadd.s32 @!p0 s1  }
0x4f4: {  	[bflag:$0x3] =	sbarrier.arrive $0xFFFF  }
0x4f5: {  	_ =	shalt  }

// kernel: sparse-core-data-format-call.cloned.1.call-start
scs
called_computation_lowered:
.L_overlay_start_0:
0x0: {  	s2 =	sld [smem:$0x3FD9]  }
0x1: {  	s3 =	sld [smem:$0x3FFE];
	_ =	sdelay $0x1  }
0x2: {  	s1 =	srdreg.scid  }
0x3: {  	s0 =	sand.u32 $0x1, s1  }
0x4: {  	s18 =	sshll.u32 s0, $0xA;
	s2 =	sadd.s32 s3, s2  }
0x5: {  	s2 =	sadd.s32 s2, s18  }
0x6: {  	[smem:$0x3FC5] =	sst s2  }
0x7: {  	_ = 	snop  }
0x8: {  	s2 =	sld [smem:$0x3FD0];
	(tm) =	ssettm $0x1  }
0x9: {  	s19 =	sld [smem:$0x3FFB];
	_ =	sdelay $0x3  }
0xa: {  	_ =	strace s19  }
0xb: {  	s3 =	sld [smem:$0x3FFC];
	_ =	sdelay $0x3  }
0xc: {  	_ =	strace s3  }
0xd: {  	s3 =	sld [smem:$0x3FFD];
	_ =	sdelay $0x3  }
0xe: {  	_ =	strace s3  }
0xf: {  	_ =	strace $0x8FFFFFFF  }
0x10: {  	s20 =	sld [smem:$0x3FDB];
	_ =	sdelay $0x1  }
0x11: {  	s4 =	simm.s32 $_scs_section_size  }
0x12: {  	s5 =	simm.s32 $_size__tile_overlayer_lowered;
	s6 =	simm.s32 $_tile_overlayer_lowered  }
0x13: {  	s23 =	simm.s32 $0x1BFF;
	s22 =	sshll.u32 s6, $0x1;
	s3 =	sadd.s32 s4, s20  }
0x14: {  	s7 =	simm.s32 $0x0;
	s21 =	sshll.u32 s5, $0x1;
	s5 =	sadd.s32 s22, s3  }
0x15: {  	[timem:s7], [sflag:s23] =	dma.local [hbm:s5], s21  }
0x16: {  	_ =	swait.ge [sflag:s23], s21  }
0x17: {  	s4 =	ssub.s32 $0x0, s21;
	[sflag:s23] =	ssyncset.done $0x0  }
0x18: {  	[sflag:s23] =	ssyncadd.s32 s4;
	_ =	sdelay $0x1  }
0x19: {  	s24 =	simm.s32 $0x1B8B  }
0x1a: {  	_ =	swait.ge [sflag:s24], $0x1  }
0x1b: {  	[sflag:s24] =	ssyncset.done $0x0  }
0x1c: {  	s26 =	simm.s32 $0x1B8E;
	s25 =	sld [smem:$0x3FFE];
	[sflag:s24] =	ssyncadd.s32 $0xFFFFFFFF  }
0x1d: {  	s27 =	simm.s32 $execute0_lowered;
	[smem:$0x3FD2] =	sst s26  }
0x1e: {  	s5 =	sshll.u32 s27, $0x1;
	_ =	strace $0x80000049;
	[dreg:$0x1] =	wrdreg $0xFFFFFFFF  }
0x1f: {  	s28 =	simm.s32 $_size_execute0_lowered;
	s3 =	sadd.s32 s3, s5;
	[dreg:$0x0] =	wrdreg $0x0  }
0x20: {  	s5 =	sshll.u32 s28, $0x1;
	[dreg:$0x2] =	wrdreg s3  }
0x21: {  	[dreg:$0x3] =	wrdreg s5  }
0x22: {  	[dreg:$0x4] =	wrdreg $0xC0  }
0x23: {  	_ =	task [dreg:s7], $0x5FFFF  }
0x24: {  	[dreg:$0x1] =	wrdreg $0xFFFFFFFF  }
0x25: {  	[dreg:$0x0] =	wrdreg $0x60  }
0x26: {  	[dreg:$0x2] =	wrdreg s25  }
0x27: {  	[dreg:$0x3] =	wrdreg s2  }
0x28: {  	[dreg:$0x4] =	wrdreg $0x9  }
0x29: {  	_ =	task.clear_ibuf [dreg:s7], $0x5FFFF;
	_ =	strace $0x90000049  }
0x2a: {  	s29 =	simm.s32 $0x9;
	_ =	strace $0x8000004B  }
0x2b: {  	_ =	swait.ge [sflag:s29], $0x1  }
0x2c: {  	[sflag:s29] =	ssyncadd.s32 $0xFFFFFFFF  }
0x2d: {  	_ =	strace $0x9000004B  }
0x2e: {  	_ =	sfence  }
0x2f: {  	s30 =	sld [smem:$0x0];
	_ =	sdelay $0x2  }
0x30: {  	s31 =	sshll.u32 s1, $0xD;
	s1 =	sshrl.u32 s1, $0x2  }
0x31: {  	s3 =	sand.u32 $0x4000, s31;
	s1 =	sadd.s32 s1, s30  }
0x32: {  	s0 =	sor.u32 s3, s0;
	s1 =	sshll.u32 s1, $0x11  }
0x33: {  	s0 =	sor.u32 s1, s0  }
0x34: {  	s0 =	sadd.s32 $0x8F2B, s0  }
0x35: {  	[sflag:s0] =	ssyncadd.remote.s32 $0x1  }
0x36: {  	_ =	sfence.sel $0xFFFF  }
0x37: {  	[dreg:$0x0] =	wrdreg $0xFFFFFFFF;
	(pc) =	sbr.abs _section_cstart, $3  }
0x38: {  	[dreg:$0x1] =	wrdreg $0xFFFFFFFF  }
0x39: {  	_ =	task.clear_ibuf [dreg:s7], $0x2FFFF;
	_ =	strace $0x9FFFFFFF  }
0x3a: {  	(tm) =	ssettm $0x7FFFFFFF  }
0x3b: {  	_ =	shalt  }
tec
execute0_lowered:
.L_overlay_start_1:
0x0: {  	(tag) =	ssettag $0x1  }
0x1: {  	s0 =	stileid.u32;
	s6 =	rddreg [dreg:$0x0]  }
0x2: {  	s2 =	rddreg [dreg:$0x1];
	s5 =	srdreg.scid  }
0x3: {  	s31 =	simm.s32 $0x2;
	s13 =	simm.s32 $0x0;
	s1 =	sshll.u32 s0, $0x7  }
0x4: {  	s14 =	simm.s32 $0x0;
	s12 =	simm.s32 $0x0;
	s3 =	sand.u32 $0x380, s1  }
0x5: {  	s5 =	sshll.u32 s5, $0x4;
	s6 =	sadd.s32 $0xC00, s6;
	s4 =	ssub.s32 $0x400, s3  }
0x6: {  	s1 =	rddreg [dreg:$0x2];
	_ =	strace $0x8000004A;
	s7 =	sand.u32 $0x380, s4  }
0x7: {  	s5 =	sand.u32 $0x10, s5;
	p0 =	sne.s32 s7, $0x0;
	s7 =	simm.s32 $0x1  }
.Ltmp0:
0x8: {  	s8 =	sshrl.u32 s4, $0xA;
	s7 =	simm.s32 @!p0 $0x0;
	(pc) =	sbr.rel .LBB1_1-.Ltmp0, $4  }
0x9: {  	s9 =	sor.u32 s0, s5;
	s4 =	simm.s32 $0x1;
	s30 =	sadd.s32 s7, s8  }
0xa: {  	s11 =	smov.u32 s3;
	[sflag:s4] =	ssyncpa.u1 $0x0;
	s5 =	smul.u32 $0x37, s30  }
0xb: {  	[sflag:s31] =	ssyncpa.u1 $0x0;
	p0 =	por $0x0, $0x0;
	s7 =	sshrl.u32 s9, $0x3  }
0xc: {  	s9 =	simm.s32 $0x2000;
	s10 =	smov.u32 s7;
	s8 =	sadd.s32 $0x1, s5  }
.LBB1_4:
0xd: {  	s17 =	sand.u32 $0x1F80, s14;
	s13 =	sshll.u32 s13, $0xD  }
0xe: {  	[tilespmem:s16+$0x810 ss:$0x81] =	vst.msk $0xffff, v2;
	s18 =	sshrl.u32 s14, $0x3;
	s31 =	sand.u32 $0x7, s14;
	s17 =	sadd.s32 s2, s17  }
0xf: {  	[tilespmem:s16+$0x1020 ss:$0x81] =	vst.msk $0xffff, v0;
	s18 =	sand.u32 $0xF, s18;
	s14 =	sshll.u32 s31, $0x12;
	s13 =	sadd.s32 s13, s17  }
0x10: {  	[tilespmem:s16+$0x0 ss:$0x81] =	vst.msk $0xffff, v1;
	s14 =	sor.u32 $0x400, s14;
	s13 =	sadd.s32 s18, s13  }
0x11: {  	[hbm4b:s13+s14] =	stream.strided.scatter [tilespmem:s15], [sflag:$0x2], $0x2000, s9, s14, $0x20;
	[tilespmem:$0x8080] =	vst v63  }
.LBB1_5:
0x12: {  	s15 =	sadd.s32 $0x4, s10  }
0x13: {  	s13 =	sadd.s32 $0x400, s11;
	s17 =	smov.u32 s11;
	p2 =	sgt.s32 s15, $0xDB  }
0x14: {  	s17 =	smov.u32 @p2 s13  }
0x15: {  	s15 =	smov.u32 @p2 s7;
	p2 =	sgt.s32 s17, $0x3FF  }
0x16: {  	s17 =	smov.u32 @p2 s3;
	p2 =	sne.s32 s12, s8  }
.Ltmp1:
0x17: {  	p1 =	slt.u32 s12, $0x2;
	(pc) =	sbr.rel @!p2 .LBB1_6-.Ltmp1, $4  }
0x18: {  	s16 =	simm.s32 @!p1 $0x2  }
0x19: {  	s14 =	smov.u32 s11;
	p0 =	por !p0, !p0;
	_ =	swait.ge @!p1 [sflag:s16], $0x2000  }
0x1a: {  	s13 =	smov.u32 s10;
	[sflag:s16] =	ssyncset.done @!p1 $0x0;
	s10 =	smov.u32 s15  }
0x1b: {  	s12 =	sadd.s32 $0x1, s12;
	[sflag:s16] =	ssyncadd.s32 @!p1 $0xFFFFE000;
	s11 =	smov.u32 s17  }
.LBB1_1:
0x1c: {  	p1 =	sge.u32 s12, s5  }
0x1d: {  	s15 =	sand.u32 @!p1 $0x1FFFFFF, s10  }
0x1e: {  	s16 =	smulhi.u32 @!p1 $0x2492493, s15;
	_ =	sdelay $0x1  }
0x1f: {  	s16 =	sshrl.u32 @!p1 s16, $0x1  }
0x20: {  	s16 =	smul.u32 @!p1 $0xE0, s16  }
0x21: {  	s17 =	sxor.u32 @!p1 $0xFFFFFFFF, s12;
	s18 =	smul.u32 @!p1 $0xE00, s11  }
0x22: {  	s31 =	sadd.s32 $0xFFFFFFFF, s12;
	s17 =	sshll.u32 @!p1 s17, $0xD;
	s15 =	ssub.s32 @!p1 s15, s16  }
0x23: {  	s16 =	sand.u32 @!p1 $0x2000, s17;
	s17 =	sadd.s32 @!p1 s6, s18;
	s15 =	sshll.u32 @!p1 s15, $0x4  }
0x24: {  	s18 =	simm.s32 @!p1 $0x7000;
	s15 =	sadd.s32 @!p1 s15, s17;
	s17 =	simm.s32 @!p1 $0x40  }
0x25: {  	[tilespmem:s16], [sflag:$0x1] =	stream.strided.gather @!p1 [hbm4b:s15+s17], $0x2000, s18, s17, $0x38;
	[tilespmem:$0x8080] =	vst v63  }
0x26: {  	p1 =	sge.u32 s31, s5  }
.Ltmp2:
0x27: {  	_ = 	snop;
	(pc) =	sbr.rel @p1 .LBB1_5-.Ltmp2, $1  }
0x28: {  	_ =	sdelay $0x3  }
0x29: {  	s15 =	simm.s32 $0x1  }
0x2a: {  	_ =	swait.ge [sflag:s4], $0x2000;
	s15 =	simm.s32 @!p0 $0x0  }
0x2b: {  	[sflag:s4] =	ssyncset.done $0x0;
	s16 =	sshll.u32 s15, $0xD  }
0x2c: {  	[sflag:s4] =	ssyncadd.s32 $0xFFFFE000;
	s19 =	sor.u32 $0x20, s16  }
0x2d: {  	s15 =	smul.u32 $0x8100, s15;
	v3 =	vld [tilespmem:s19+$0x10]  }
0x2e: {  	s30 =	sand.u32 $0x1, s12;
	v2 =	vld [tilespmem:s19+$0xFFFFFFF0]  }
0x2f: {  	s16 =	smul.u32 $0x8100, s30;
	s15 =	sshrl.u32 s15, $0x2;
	v0 =	vld [tilespmem:s19+$0x0]  }
0x30: {  	v1 =	vld [tilespmem:s19+$0xFFFFFFE0];
	s17 =	sor.u32 $0x4000, s15  }
0x31: {  	s31 =	sshrl.u32 s16, $0x2;
	s16 =	sadd.s32 $0x0, s17  }
0x32: {  	s18 =	simm.s32 $0x4;
	s19 =	sadd.s32 $0x40, s19;
	s15 =	sor.u32 $0x4000, s31;
	[tilespmem:s16+$0x1830 ss:$0x81] =	vst.msk $0xffff, v3  }
.LBB1_3:
0x33: {  	v3 =	vld [tilespmem:s19+$0x10];
	p1 =	sne.s32 s18, $0x1FC;
	[tilespmem:s16+$0x810 ss:$0x81] =	vst.msk $0xffff, v2;
	s20 =	smov.u32 s18;
	s18 =	sadd.s32 $0x4, s18  }
.Ltmp3:
0x34: {  	v2 =	vld [tilespmem:s19+$0xFFFFFFF0];
	[tilespmem:s16+$0x1020 ss:$0x81] =	vst.msk $0xffff, v0;
	(pc) =	sbr.rel @p1 .LBB1_3-.Ltmp3, $4  }
0x35: {  	v0 =	vld [tilespmem:s19+$0x0];
	[tilespmem:s16+$0x0 ss:$0x81] =	vst.msk $0xffff, v1  }
0x36: {  	s16 =	sshra.s32 s20, $0x2;
	v1 =	vld [tilespmem:s19+$0xFFFFFFE0]  }
0x37: {  	s16 =	sadd.s32 s16, s17  }
0x38: {  	s19 =	sadd.s32 $0x40, s19;
	[tilespmem:s16+$0x1830 ss:$0x81] =	vst.msk $0xffff, v3  }
.Ltmp4:
0x39: {  	_ = 	snop;
	(pc) =	sbr.rel .LBB1_4-.Ltmp4, $1  }
0x3a: {  	_ =	sdelay $0x3  }
.LBB1_6:
0x3b: {  	_ =	sfence.sel $0x180000  }
0x3c: {  	s2 =	simm.s32 $0x1;
	[bflag:$0x0] =	sbarrier.arrive $0xFFFF  }
0x3d: {  	s31 =	simm.s32 $0x2;
	[sflag:s2] =	ssyncpa.u1 $0x1  }
0x3e: {  	[sflag:s31] =	ssyncpa.u1 $0x1  }
0x3f: {  	p0 =	sne.s32 s0, $0x0;
	_ =	strace $0x9000004A  }
0x40: {  	s0 =	sadd.s32 @!p0 $0x100000, s1;
	[bflag:$0x2] =	sbarrier.arrive $0xFFFF  }
0x41: {  	[sflag:s0] =	ssyncadd.tile.s32 @!p0 $0x1;
	_ =	shalt  }
.Lfunc_end1:
_tile_overlayer_lowered:
.L_overlay_start_2:
0x42: {  	(tag) =	ssettag $0x2  }
0x43: {  	s0 =	rddreg [dreg:$0x0];
	s2 =	stileid.u32  }
0x44: {  	s1 =	rddreg [dreg:$0x1];
	p0 =	sne.s32 s2, $0x0  }
0x45: {  	s3 =	rddreg [dreg:$0x2];
	[bflag:$0x3] =	sbarrier.arrive $0xFFFF;
	s2 =	simm.s32 @!p0 $0x1C01  }
0x46: {  	[timem:s3], [sflag:s2] =	dma.local @!p0 [hbm:s0], s1  }
0x47: {  	s0 =	simm.s32 @!p0 $0x1  }
0x48: {  	_ =	swait.ge @!p0 [sflag:s0], s1  }
0x49: {  	s1 =	ssub.s32 @!p0 $0x0, s1;
	[sflag:s0] =	ssyncset.done @!p0 $0x0  }
0x4a: {  	[sflag:s0] =	ssyncadd.s32 @!p0 s1  }
0x4b: {  	[bflag:$0x3] =	sbarrier.arrive $0xFFFF  }
0x4c: {  	_ =	shalt  }

</sc_bundles>
